<compile_context>
chip_gen: v7x
topology: tpu7x:2x2x1
jax: 0.10.2.dev20260603
libtpu: 0.0.44.dev20260713+nightly
codegen_flags: <defaults>
</compile_context>

<pallas_src>
import functools

import jax
import jax.numpy as jnp
from jax import lax
from jax.experimental import pallas as pl
from jax.experimental.pallas import tpu as pltpu
from jax.experimental.pallas import tpu_sc as plsc

N = 50000
E = 800000
IN_DIM = 92
NF = 32
DIST_DIM = 16
SH_DIM = 16
SH_L2 = 9
NUM_LAYERS = 3
NUM_GRAPHS = 64
RBF_BINS = 64

BN = 1024
N_PAD = 50176
N_BLOCKS = N_PAD // BN
BE = 2048
NW = 32
BLK = 128
NBLK = 196
EPW = BLK * NBLK
E_PAD = NW * EPW
E_BLOCKS = E_PAD // BE
STRIPE = N_PAD // 16
ZR = 196
NZ = STRIPE // ZR


def _silu(v):
    return v * jax.nn.sigmoid(v)


def _embed_body(x_ref, wa_ref, ba_ref, wm0_ref, bm0_ref, h_ref, hm_ref):
    h = jnp.dot(x_ref[...], wa_ref[...],
                preferred_element_type=jnp.float32) + ba_ref[...]
    h_ref[...] = h
    hm_ref[...] = jnp.dot(h, wm0_ref[...],
                          preferred_element_type=jnp.float32) + bm0_ref[...]


def _embed(x_p, wa, ba, wm0, bm0):
    return pl.pallas_call(
        _embed_body,
        grid=(N_BLOCKS,),
        in_specs=[
            pl.BlockSpec((BN, IN_DIM), lambda i: (i, 0)),
            pl.BlockSpec((IN_DIM, NF), lambda i: (0, 0)),
            pl.BlockSpec((1, NF), lambda i: (0, 0)),
            pl.BlockSpec((NF, NF), lambda i: (0, 0)),
            pl.BlockSpec((1, NF), lambda i: (0, 0)),
        ],
        out_specs=[
            pl.BlockSpec((BN, NF), lambda i: (i, 0)),
            pl.BlockSpec((BN, NF), lambda i: (i, 0)),
        ],
        out_shape=[
            jax.ShapeDtypeStruct((N_PAD, NF), jnp.float32),
            jax.ShapeDtypeStruct((N_PAD, NF), jnp.float32),
        ],
    )(x_p, wa, ba, wm0, bm0)


def _gates_body(sh_ref, ea_ref, cen_ref, gam_ref, wr1_ref, br1_ref, wr2_ref,
                br2_ref, ws1_ref, bs1_ref, ws2_ref, bs2_ref, we_ref, be_ref,
                g0_ref, g1_ref, g2_ref):
    dist = 1.0 / ea_ref[...]
    dd = dist - cen_ref[...]
    rbf = jnp.exp(-gam_ref[0, 0] * dd * dd)
    t = _silu(jnp.dot(rbf, wr1_ref[...],
                      preferred_element_type=jnp.float32) + br1_ref[...])
    de = jnp.dot(t, wr2_ref[...],
                 preferred_element_type=jnp.float32) + br2_ref[...]
    t2 = _silu(jnp.dot(sh_ref[...], ws1_ref[...],
                       preferred_element_type=jnp.float32) + bs1_ref[...])
    she = jnp.dot(t2, ws2_ref[...],
                  preferred_element_type=jnp.float32) + bs2_ref[...]
    eaf = jnp.concatenate([de, she], axis=1)
    g = _silu(jnp.dot(eaf, we_ref[...],
                      preferred_element_type=jnp.float32) + be_ref[...])
    q = BE // 4
    for ref, lo in ((g0_ref, 0), (g1_ref, NF), (g2_ref, 2 * NF)):
        ref[...] = jnp.concatenate(
            [g[j * q:(j + 1) * q, lo:lo + NF] for j in range(4)], axis=1)


def _gates(sh_p, ea_p, cen, gam, wr1, br1, wr2, br2, ws1, bs1, ws2, bs2,
           we_cat, be_cat):
    full = lambda r, c: pl.BlockSpec((r, c), lambda i: (0, 0))
    return pl.pallas_call(
        _gates_body,
        grid=(E_BLOCKS,),
        in_specs=[
            pl.BlockSpec((BE, SH_L2), lambda i: (i, 0)),
            pl.BlockSpec((BE, 1), lambda i: (i, 0)),
            full(1, RBF_BINS), full(1, 1),
            full(RBF_BINS, 64), full(1, 64),
            full(64, DIST_DIM), full(1, DIST_DIM),
            full(SH_L2, 32), full(1, 32),
            full(32, SH_DIM), full(1, SH_DIM),
            full(NF, 3 * NF), full(1, 3 * NF),
        ],
        out_specs=[pl.BlockSpec((BE // 4, 128), lambda i: (i, 0))] * 3,
        out_shape=[jax.ShapeDtypeStruct((E_PAD // 4, 128), jnp.float32)] * 3,
    )(sh_p, ea_p, cen, gam, wr1, br1, wr2, br2, ws1, bs1, ws2, bs2,
      we_cat, be_cat)


def _sc_body(hm, src_i, dst_i, gate, out0, out1, agg,
             srcv0, srcv1, dstv0, dstv1, gatev0, gatev1, rowsv0, rowsv1,
             msgv, zv, sem_i0, sem_i1, sem_g0, sem_g1):
    c = lax.axis_index("c")
    s = lax.axis_index("s")
    srcv = (srcv0, srcv1)
    dstv = (dstv0, dstv1)
    gatev = (gatev0, gatev1)
    rowsv = (rowsv0, rowsv1)
    sem_i = (sem_i0, sem_i1)
    sem_g = (sem_g0, sem_g1)

    wid = c * 16 + s
    row_base = wid * NBLK

    def start_in(b, p):
        pltpu.async_copy(src_i.at[row_base + b], srcv[p], sem_i[p])
        pltpu.async_copy(dst_i.at[row_base + b], dstv[p], sem_i[p])
        pltpu.async_copy(gate.at[row_base + b], gatev[p], sem_i[p])

    def wait_in(p):
        pltpu.make_async_copy(src_i.at[row_base], srcv[p], sem_i[p]).wait()
        pltpu.make_async_copy(dst_i.at[row_base], dstv[p], sem_i[p]).wait()
        pltpu.make_async_copy(gate.at[row_base], gatev[p], sem_i[p]).wait()

    def start_gather(p):
        pltpu.async_copy(hm.at[srcv[p]], rowsv[p], sem_g[p])

    def wait_gather(p):
        pltpu.make_async_copy(hm.at[srcv[p]], rowsv[p], sem_g[p]).wait()

    start_in(0, 0)

    def _zrow(r, _):
        zv[r, pl.ds(0, 16)] = jnp.zeros((16,), jnp.float32)
        zv[r, pl.ds(16, 16)] = jnp.zeros((16,), jnp.float32)
        return 0

    lax.fori_loop(0, ZR, _zrow, 0)

    def _zcp(k, _):
        pltpu.sync_copy(zv, agg.at[pl.ds(s * STRIPE + k * ZR, ZR)])
        return 0

    lax.fori_loop(0, NZ, _zcp, 0)

    wait_in(0)
    start_gather(0)
    start_in(1, 1)
    plsc.subcore_barrier()

    def _mul(p):
        rv = rowsv[p]
        gv = gatev[p]

        def body(r2, _):
            for u in range(2):
                r = r2 * 2 + u
                for q in range(4):
                    e = r * 4 + q
                    lo = pl.ds(0, 16)
                    hi = pl.ds(16, 16)
                    msgv[e, lo] = rv[e, lo] * gv[r, pl.ds(q * 32, 16)]
                    msgv[e, hi] = rv[e, hi] * gv[r, pl.ds(q * 32 + 16, 16)]
            return 0

        lax.fori_loop(0, BLK // 8, body, 0)

    def _pair(i, _):
        for p in (0, 1):
            g = 2 * i + p
            q = 1 - p
            wait_gather(p)

            @pl.when(g + 1 < NBLK)
            def _():
                wait_in(q)
                start_gather(q)

            _mul(p)
            pltpu.sync_copy(msgv, agg.at[dstv[p]], add=True)

            @pl.when(g + 2 < NBLK)
            def _():
                start_in(g + 2, p)

        return 0

    lax.fori_loop(0, NBLK // 2, _pair, 0)
    plsc.subcore_barrier()

    stripe = pl.ds(s * STRIPE, STRIPE)

    @pl.when(c == 0)
    def _():
        pltpu.sync_copy(agg.at[stripe], out0.at[stripe])

    @pl.when(c == 1)
    def _():
        pltpu.sync_copy(agg.at[stripe], out1.at[stripe])


def _sc_layer(hm, src2d, dst2d, gate3d):
    mesh = plsc.VectorSubcoreMesh(core_axis_name="c", subcore_axis_name="s")
    k = functools.partial(
        pl.kernel,
        mesh=mesh,
        compiler_params=pltpu.CompilerParams(use_tc_tiling_on_sc=False),
        out_type=[
            jax.ShapeDtypeStruct((N_PAD, NF), jnp.float32),
            jax.ShapeDtypeStruct((N_PAD, NF), jnp.float32),
        ],
        scratch_types=[
            pltpu.VMEM_SHARED((N_PAD, NF), jnp.float32),
            pltpu.VMEM((BLK,), jnp.int32),
            pltpu.VMEM((BLK,), jnp.int32),
            pltpu.VMEM((BLK,), jnp.int32),
            pltpu.VMEM((BLK,), jnp.int32),
            pltpu.VMEM((BLK // 4, 128), jnp.float32),
            pltpu.VMEM((BLK // 4, 128), jnp.float32),
            pltpu.VMEM((BLK, NF), jnp.float32),
            pltpu.VMEM((BLK, NF), jnp.float32),
            pltpu.VMEM((BLK, NF), jnp.float32),
            pltpu.VMEM((ZR, NF), jnp.float32),
            pltpu.SemaphoreType.DMA,
            pltpu.SemaphoreType.DMA,
            pltpu.SemaphoreType.DMA,
            pltpu.SemaphoreType.DMA,
        ],
    )(_sc_body)
    return k(hm, src2d, dst2d, gate3d)


def _update_body(h_ref, p0_ref, p1_ref, wu_ref, bu_ref, wmn_ref, bmn_ref,
                 hn_ref, hmn_ref):
    agg = p0_ref[...] + p1_ref[...]
    hn = h_ref[...] + _silu(
        jnp.dot(agg, wu_ref[...], preferred_element_type=jnp.float32)
        + bu_ref[...])
    hn_ref[...] = hn
    if hmn_ref is not None:
        hmn_ref[...] = jnp.dot(hn, wmn_ref[...],
                               preferred_element_type=jnp.float32) + bmn_ref[...]


def _update(h, p0, p1, wu, bu, wmn, bmn, last):
    full = lambda r, c: pl.BlockSpec((r, c), lambda i: (0, 0))
    nf_blk = pl.BlockSpec((BN, NF), lambda i: (i, 0))
    nf_out = jax.ShapeDtypeStruct((N_PAD, NF), jnp.float32)
    if last:
        body = lambda h_ref, p0_ref, p1_ref, wu_ref, bu_ref, hn_ref: \
            _update_body(h_ref, p0_ref, p1_ref, wu_ref, bu_ref, None, None,
                         hn_ref, None)
        return pl.pallas_call(
            body,
            grid=(N_BLOCKS,),
            in_specs=[nf_blk, nf_blk, nf_blk, full(NF, NF), full(1, NF)],
            out_specs=nf_blk,
            out_shape=nf_out,
        )(h, p0, p1, wu, bu)
    return pl.pallas_call(
        _update_body,
        grid=(N_BLOCKS,),
        in_specs=[nf_blk, nf_blk, nf_blk, full(NF, NF), full(1, NF),
                  full(NF, NF), full(1, NF)],
        out_specs=[nf_blk, nf_blk],
        out_shape=[nf_out, nf_out],
    )(h, p0, p1, wu, bu, wmn, bmn)


def _pool_body(h_ref, b_ref, wf1_ref, bf1_ref, wf2_ref, bf2_ref, out_ref,
               gsum_ref, cnt_ref):
    i = pl.program_id(0)

    @pl.when(i == 0)
    def _():
        gsum_ref[...] = jnp.zeros_like(gsum_ref)
        cnt_ref[...] = jnp.zeros_like(cnt_ref)

    gids = lax.broadcasted_iota(jnp.int32, (NUM_GRAPHS, BN), 0)
    onehot = (gids == b_ref[...]).astype(jnp.float32)
    gsum_ref[...] += jnp.dot(onehot, h_ref[...],
                             preferred_element_type=jnp.float32)
    cnt_ref[...] += jnp.sum(onehot, axis=1, keepdims=True)

    @pl.when(i == N_BLOCKS - 1)
    def _():
        feats = gsum_ref[...] / jnp.maximum(cnt_ref[...], 1.0)
        z = _silu(jnp.dot(feats, wf1_ref[...],
                          preferred_element_type=jnp.float32) + bf1_ref[...])
        out_ref[...] = jnp.dot(z, wf2_ref[...],
                               preferred_element_type=jnp.float32) + bf2_ref[...]


def _pool_head(h, batch_row, wf1, bf1, wf2, bf2):
    full = lambda r, c: pl.BlockSpec((r, c), lambda i: (0, 0))
    return pl.pallas_call(
        _pool_body,
        grid=(N_BLOCKS,),
        in_specs=[
            pl.BlockSpec((BN, NF), lambda i: (i, 0)),
            pl.BlockSpec((1, BN), lambda i: (0, i)),
            full(NF, 128), full(1, 128), full(128, 1), full(1, 1),
        ],
        out_specs=full(NUM_GRAPHS, 1),
        out_shape=jax.ShapeDtypeStruct((NUM_GRAPHS, 1), jnp.float32),
        scratch_shapes=[
            pltpu.VMEM((NUM_GRAPHS, NF), jnp.float32),
            pltpu.VMEM((NUM_GRAPHS, 1), jnp.float32),
        ],
    )(h, batch_row, wf1, bf1, wf2, bf2)


def kernel(x, edge_index, sh, edge_attr, batch, W_atom, b_atom, W_sh1, b_sh1,
           W_sh2, b_sh2, W_r1, b_r1, W_r2, b_r2, Wm, bm, We, be, Wu, bu,
           W_f1, b_f1, W_f2, b_f2):
    f32 = jnp.float32
    row = lambda v: v.reshape(1, -1)

    npad = E_PAD - E
    pad_ar = jnp.arange(npad, dtype=jnp.int32)
    pad_src = (pad_ar * 17) % N
    pad_dst = N + pad_ar % (N_PAD - N)
    x_p = jnp.pad(x, ((0, N_PAD - N), (0, 0)))
    repack = lambda v: v.reshape(E_BLOCKS, 4, BE // 4).transpose(
        0, 2, 1).reshape(E_PAD // BLK, BLK)
    src_p = repack(jnp.concatenate([edge_index[0], pad_src]))
    dst_p = repack(jnp.concatenate([edge_index[1], pad_dst]))
    sh_p = jnp.pad(sh, ((0, npad), (0, 0)))
    ea_p = jnp.pad(edge_attr, (0, npad), constant_values=1.0).reshape(E_PAD, 1)
    batch_p = jnp.pad(batch, (0, N_PAD - N),
                      constant_values=NUM_GRAPHS).reshape(1, N_PAD)
    centers = jnp.linspace(0.125, 1.4, RBF_BINS).astype(f32)
    gam = (1.0 / (centers[1] - centers[0])).reshape(1, 1)
    cen = centers.reshape(1, RBF_BINS)
    we_cat = jnp.concatenate([We[0], We[1], We[2]], axis=1)
    be_cat = jnp.concatenate([be[0], be[1], be[2]]).reshape(1, 3 * NF)

    h, hm = _embed(x_p, W_atom, row(b_atom), Wm[0], row(bm[0]))
    g0, g1, g2 = _gates(sh_p, ea_p, cen, gam, W_r1, row(b_r1), W_r2,
                        row(b_r2), W_sh1, row(b_sh1), W_sh2, row(b_sh2),
                        we_cat, be_cat)
    gates = [g.reshape(E_PAD // BLK, BLK // 4, 128) for g in (g0, g1, g2)]

    for i in range(NUM_LAYERS):
        p0, p1 = _sc_layer(hm, src_p, dst_p, gates[i])
        last = i == NUM_LAYERS - 1
        if last:
            h = _update(h, p0, p1, Wu[i], row(bu[i]), None, None, True)
        else:
            h, hm = _update(h, p0, p1, Wu[i], row(bu[i]), Wm[i + 1],
                            row(bm[i + 1]), False)

    out = _pool_head(h, batch_p, W_f1, row(b_f1), W_f2, row(b_f2))
    return out[:, 0]

# --- scband reference (transcript-rebuilt; emitter-appended) ---
"""Pipeline reference for scband-sftgnn-21552145891816 (READ-ONLY COPY).

The authoritative reference and input builder live on the scoring server;
editing this copy changes nothing except your own understanding.
"""

import jax, jax.numpy as jnp
import numpy as np

N = 50000
E = 800000
IN_DIM = 92
NF = 32
DIST_DIM = 16
SH_DIM = 16
SH_L2 = 9
NUM_LAYERS = 3
NUM_GRAPHS = 64
RBF_BINS = 64


def silu(x):
    return x * jax.nn.sigmoid(x)


def setup_inputs(seed: int = 0):
    key = jax.random.key(seed)
    ks = jax.random.split(key, 40)
    s = 0.05
    inp = {}
    inp['x'] = jax.random.normal(ks[0], (N, IN_DIM), jnp.float32)
    inp['edge_index'] = jax.random.randint(ks[1], (2, E), 0, N, jnp.int32)
    inp['sh'] = jax.random.normal(ks[2], (E, SH_L2), jnp.float32)
    inp['edge_attr'] = jax.random.uniform(ks[3], (E,), jnp.float32, 0.5, 2.0)
    inp['batch'] = jnp.sort(jax.random.randint(ks[4], (N,), 0, NUM_GRAPHS, jnp.int32))
    inp['W_atom'] = jax.random.normal(ks[5], (IN_DIM, NF), jnp.float32) * s
    inp['b_atom'] = jnp.zeros((NF,), jnp.float32)
    inp['W_sh1'] = jax.random.normal(ks[6], (SH_L2, 32), jnp.float32) * s
    inp['b_sh1'] = jnp.zeros((32,), jnp.float32)
    inp['W_sh2'] = jax.random.normal(ks[7], (32, SH_DIM), jnp.float32) * s
    inp['b_sh2'] = jnp.zeros((SH_DIM,), jnp.float32)
    inp['W_r1'] = jax.random.normal(ks[8], (RBF_BINS, 64), jnp.float32) * s
    inp['b_r1'] = jnp.zeros((64,), jnp.float32)
    inp['W_r2'] = jax.random.normal(ks[9], (64, DIST_DIM), jnp.float32) * s
    inp['b_r2'] = jnp.zeros((DIST_DIM,), jnp.float32)
    EDIM = DIST_DIM + SH_DIM
    inp['Wm'] = jax.random.normal(ks[10], (NUM_LAYERS, NF, NF), jnp.float32) * s
    inp['bm'] = jnp.zeros((NUM_LAYERS, NF), jnp.float32)
    inp['We'] = jax.random.normal(ks[11], (NUM_LAYERS, EDIM, NF), jnp.float32) * s
    inp['be'] = jnp.zeros((NUM_LAYERS, NF), jnp.float32)
    inp['Wu'] = jax.random.normal(ks[12], (NUM_LAYERS, NF, NF), jnp.float32) * s
    inp['bu'] = jnp.zeros((NUM_LAYERS, NF), jnp.float32)
    inp['W_f1'] = jax.random.normal(ks[13], (NF, 128), jnp.float32) * s
    inp['b_f1'] = jnp.zeros((128,), jnp.float32)
    inp['W_f2'] = jax.random.normal(ks[14], (128, 1), jnp.float32) * s
    inp['b_f2'] = jnp.zeros((1,), jnp.float32)
    return inp


def reference(x, edge_index, sh, edge_attr, batch, W_atom, b_atom, W_sh1, b_sh1, W_sh2, b_sh2, W_r1, b_r1, W_r2, b_r2, Wm, bm, We, be, Wu, bu, W_f1, b_f1, W_f2, b_f2):
    # atom_embedding: Linear(in_dim, node_feature)
    h = x @ W_atom + b_atom
    # sh_mlp: Linear(l^2, 32) -> SiLU -> Linear(32, sh_dim)
    sh_e = silu(sh @ W_sh1 + b_sh1) @ W_sh2 + b_sh2
    # dist = 1 / edge_attr (no_grad in torch)
    dist = 1.0 / edge_attr[:, None]
    # RBFExpansion(vmin=0.125, vmax=1.4, bins=64), ALIGNN-style gamma
    centers = jnp.linspace(0.125, 1.4, RBF_BINS)
    gamma = 1.0 / (centers[1] - centers[0])
    rbf = jnp.exp(-gamma * (dist - centers[None, :]) ** 2)
    de = silu(rbf @ W_r1 + b_r1) @ W_r2 + b_r2
    ea = jnp.concatenate([de, sh_e], axis=-1)
    src = edge_index[0]
    dst = edge_index[1]
    # SFTConv layers: gated message passing with residual update
    for i in range(NUM_LAYERS):
        gate = silu(ea @ We[i] + be[i])
        msg = (h[src] @ Wm[i] + bm[i]) * gate
        agg = jax.ops.segment_sum(msg, dst, num_segments=N)
        h = h + silu(agg @ Wu[i] + bu[i])
    # scatter mean over batch
    gsum = jax.ops.segment_sum(h, batch, num_segments=NUM_GRAPHS)
    cnt = jax.ops.segment_sum(jnp.ones((N, 1), h.dtype), batch, num_segments=NUM_GRAPHS)
    feats = gsum / jnp.maximum(cnt, 1.0)
    # fc head
    out = silu(feats @ W_f1 + b_f1) @ W_f2 + b_f2
    return out.squeeze(-1)

if __name__ == "__main__":
    import jax
    _d = setup_inputs()
    print(jax.jit(kernel)(*tuple(_d.values())))

</pallas_src>

<mosaic_0001>
#map = affine_map<(d0, d1) -> (0, 0)>
#map1 = affine_map<(d0, d1) -> (0, 0, 0)>
module attributes {stable_mosaic.version = 14 : i64} {
  func.func @_sc_body(%arg0: i32, %arg1: i32, %arg2: memref<50176x32xf32, #tpu.memory_space<hbm>>, %arg3: memref<6272x128xi32, #tpu.memory_space<hbm>>, %arg4: memref<6272x128xi32, #tpu.memory_space<hbm>>, %arg5: memref<6272x32x128xf32, #tpu.memory_space<hbm>>, %arg6: memref<50176x32xf32, #tpu.memory_space<hbm>>, %arg7: memref<50176x32xf32, #tpu.memory_space<hbm>>, %arg8: memref<50176x32xf32, #tpu.memory_space<vmem_shared>>, %arg9: memref<128xi32, #tpu.memory_space<vmem>>, %arg10: memref<128xi32, #tpu.memory_space<vmem>>, %arg11: memref<128xi32, #tpu.memory_space<vmem>>, %arg12: memref<128xi32, #tpu.memory_space<vmem>>, %arg13: memref<32x128xf32, #tpu.memory_space<vmem>>, %arg14: memref<32x128xf32, #tpu.memory_space<vmem>>, %arg15: memref<128x32xf32, #tpu.memory_space<vmem>>, %arg16: memref<128x32xf32, #tpu.memory_space<vmem>>, %arg17: memref<128x32xf32, #tpu.memory_space<vmem>>, %arg18: memref<196x32xf32, #tpu.memory_space<vmem>>, %arg19: memref<!tpu.dma_semaphore, #tpu.memory_space<semaphore_mem>>, %arg20: memref<!tpu.dma_semaphore, #tpu.memory_space<semaphore_mem>>, %arg21: memref<!tpu.dma_semaphore, #tpu.memory_space<semaphore_mem>>, %arg22: memref<!tpu.dma_semaphore, #tpu.memory_space<semaphore_mem>>) attributes {dimension_semantics = [#tpu.dimension_semantics<core_parallel>, #tpu.dimension_semantics<subcore_parallel>], iteration_bounds = array<i64: 2, 16>, scalar_prefetch = 0 : i64, scratch_operands = 15 : i64, tpu.core_type = #tpu.core_type<sc_vector_subcore>, window_params = [{transform_indices = #map}, {transform_indices = #map}, {transform_indices = #map}, {transform_indices = #map1}, {transform_indices = #map}, {transform_indices = #map}]} {
    %mul3A = arith.constant 16 : i32
    %mul3A_0 = arith.muli %arg0, %mul3A : i32
    %add3A = arith.addi %mul3A_0, %arg1 : i32
    %mul3A_1 = arith.constant 196 : i32
    %mul3A_2 = arith.muli %add3A, %mul3A_1 : i32
    %add3A_3 = arith.constant 0 : i32
    %add3A_4 = arith.addi %mul3A_2, %add3A_3 : i32
    %dma_start3A = arith.constant 0 : i32
    %dma_start3A_5 = tpu.memref_slice %arg3[%add3A_4, %dma_start3A] : memref<6272x128xi32, #tpu.memory_space<hbm>> -> memref<1x128xi32, #tpu.memory_space<hbm>>
    %dma_start3A_6 = tpu.memref_squeeze %dma_start3A_5 : memref<1x128xi32, #tpu.memory_space<hbm>> -> memref<128xi32, #tpu.memory_space<hbm>>
    %dma_start3A_7 = arith.constant 0 : i32
    %dma_start3A_8 = tpu.memref_slice %arg3[%add3A_4, %dma_start3A_7] : memref<6272x128xi32, #tpu.memory_space<hbm>> -> memref<1x128xi32, #tpu.memory_space<hbm>>
    %dma_start3A_9 = tpu.memref_squeeze %dma_start3A_8 : memref<1x128xi32, #tpu.memory_space<hbm>> -> memref<128xi32, #tpu.memory_space<hbm>>
    tpu.enqueue_dma source(%dma_start3A_9 : memref<128xi32, #tpu.memory_space<hbm>>) target(%arg9 : memref<128xi32, #tpu.memory_space<vmem>>) target_semaphore(%arg19 : memref<!tpu.dma_semaphore, #tpu.memory_space<semaphore_mem>>)
    %add3A_10 = arith.constant 0 : i32
    %add3A_11 = arith.addi %mul3A_2, %add3A_10 : i32
    %dma_start3A_12 = arith.constant 0 : i32
    %dma_start3A_13 = tpu.memref_slice %arg4[%add3A_11, %dma_start3A_12] : memref<6272x128xi32, #tpu.memory_space<hbm>> -> memref<1x128xi32, #tpu.memory_space<hbm>>
    %dma_start3A_14 = tpu.memref_squeeze %dma_start3A_13 : memref<1x128xi32, #tpu.memory_space<hbm>> -> memref<128xi32, #tpu.memory_space<hbm>>
    %dma_start3A_15 = arith.constant 0 : i32
    %dma_start3A_16 = tpu.memref_slice %arg4[%add3A_11, %dma_start3A_15] : memref<6272x128xi32, #tpu.memory_space<hbm>> -> memref<1x128xi32, #tpu.memory_space<hbm>>
    %dma_start3A_17 = tpu.memref_squeeze %dma_start3A_16 : memref<1x128xi32, #tpu.memory_space<hbm>> -> memref<128xi32, #tpu.memory_space<hbm>>
    tpu.enqueue_dma source(%dma_start3A_17 : memref<128xi32, #tpu.memory_space<hbm>>) target(%arg11 : memref<128xi32, #tpu.memory_space<vmem>>) target_semaphore(%arg19 : memref<!tpu.dma_semaphore, #tpu.memory_space<semaphore_mem>>)
    %add3A_18 = arith.constant 0 : i32
    %add3A_19 = arith.addi %mul3A_2, %add3A_18 : i32
    %dma_start3A_20 = arith.constant 0 : i32
    %dma_start3A_21 = arith.constant 0 : i32
    %dma_start3A_22 = tpu.memref_slice %arg5[%add3A_19, %dma_start3A_20, %dma_start3A_21] : memref<6272x32x128xf32, #tpu.memory_space<hbm>> -> memref<1x32x128xf32, #tpu.memory_space<hbm>>
    %dma_start3A_23 = tpu.memref_squeeze %dma_start3A_22 : memref<1x32x128xf32, #tpu.memory_space<hbm>> -> memref<32x128xf32, #tpu.memory_space<hbm>>
    %dma_start3A_24 = arith.constant 0 : i32
    %dma_start3A_25 = arith.constant 0 : i32
    %dma_start3A_26 = tpu.memref_slice %arg5[%add3A_19, %dma_start3A_24, %dma_start3A_25] : memref<6272x32x128xf32, #tpu.memory_space<hbm>> -> memref<1x32x128xf32, #tpu.memory_space<hbm>>
    %dma_start3A_27 = tpu.memref_squeeze %dma_start3A_26 : memref<1x32x128xf32, #tpu.memory_space<hbm>> -> memref<32x128xf32, #tpu.memory_space<hbm>>
    tpu.enqueue_dma source(%dma_start3A_27 : memref<32x128xf32, #tpu.memory_space<hbm>>) target(%arg13 : memref<32x128xf32, #tpu.memory_space<vmem>>) target_semaphore(%arg19 : memref<!tpu.dma_semaphore, #tpu.memory_space<semaphore_mem>>)
    %scan3A = arith.constant 0 : i32
    %scan3A_28 = arith.constant 0 : i32
    %scan3A_29 = arith.constant 196 : i32
    %scan3A_30 = arith.addi %scan3A_28, %scan3A_29 : i32
    %scan3A_31 = arith.constant 1 : i32
    %scan3A_32 = scf.for %scan3A_106 = %scan3A_28 to %scan3A_30 step %scan3A_31 iter_args(%scan3A_107 = %scan3A) -> (i32)  : i32 {
      %broadcast_in_dim3A = arith.constant 0.000000e+00 : f32
      %broadcast_in_dim3A_108 = vector.broadcast %broadcast_in_dim3A : f32 to vector<16xf32>
      %swap3A = arith.index_cast %scan3A_106 : i32 to index
      %swap3A_109 = arith.constant 0 : index
      %swap3A_110 = tpu.vector_load %arg18[%swap3A, %swap3A_109] {strides = array<i32>} : memref<196x32xf32, #tpu.memory_space<vmem>>, vector<1x16xf32>,
      %swap3A_111 = vector.shape_cast %swap3A_110 : vector<1x16xf32> to vector<16xf32>
      %swap3A_112 = vector.shape_cast %broadcast_in_dim3A_108 : vector<16xf32> to vector<1x16xf32>
      tpu.vector_store %arg18[%swap3A, %swap3A_109], %swap3A_112 {strides = array<i32>} : memref<196x32xf32, #tpu.memory_space<vmem>>, vector<1x16xf32>,
      %broadcast_in_dim3A_113 = arith.constant 0.000000e+00 : f32
      %broadcast_in_dim3A_114 = vector.broadcast %broadcast_in_dim3A_113 : f32 to vector<16xf32>
      %swap3A_115 = arith.index_cast %scan3A_106 : i32 to index
      %swap3A_116 = arith.constant 16 : index
      %swap3A_117 = tpu.vector_load %arg18[%swap3A_115, %swap3A_116] {strides = array<i32>} : memref<196x32xf32, #tpu.memory_space<vmem>>, vector<1x16xf32>,
      %swap3A_118 = vector.shape_cast %swap3A_117 : vector<1x16xf32> to vector<16xf32>
      %swap3A_119 = vector.shape_cast %broadcast_in_dim3A_114 : vector<16xf32> to vector<1x16xf32>
      tpu.vector_store %arg18[%swap3A_115, %swap3A_116], %swap3A_119 {strides = array<i32>} : memref<196x32xf32, #tpu.memory_space<vmem>>, vector<1x16xf32>,
      %scan3A_120 = arith.constant 0 : i32
      scf.yield %scan3A_120 : i32
    }
    %scan3A_33 = arith.constant 196 : i32
    %scan3A_34 = arith.constant 0 : i32
    %scan3A_35 = arith.constant 0 : i32
    %scan3A_36 = arith.constant 16 : i32
    %scan3A_37 = arith.addi %scan3A_35, %scan3A_36 : i32
    %scan3A_38 = arith.constant 1 : i32
    %scan3A_39 = scf.for %scan3A_106 = %scan3A_35 to %scan3A_37 step %scan3A_38 iter_args(%scan3A_107 = %scan3A_34) -> (i32)  : i32 {
      %mul3A_108 = arith.constant 3136 : i32
      %mul3A_109 = arith.muli %arg1, %mul3A_108 : i32
      %mul3A_110 = arith.constant 196 : i32
      %mul3A_111 = arith.muli %scan3A_106, %mul3A_110 : i32
      %add3A_112 = arith.addi %mul3A_109, %mul3A_111 : i32
      "tpu.region"() ({
        %run_scoped3A = tpu.sem_alloc : memref<!tpu.dma_semaphore, #tpu.memory_space<semaphore_mem>>
        %dma_start3A_114 = arith.constant 0 : i32
        %dma_start3A_115 = tpu.memref_slice %arg8[%add3A_112, %dma_start3A_114] : memref<50176x32xf32, #tpu.memory_space<vmem_shared>> -> memref<196x32xf32, #tpu.memory_space<vmem_shared>>
        %dma_start3A_116 = arith.constant 0 : i32
        %dma_start3A_117 = tpu.memref_slice %arg8[%add3A_112, %dma_start3A_116] : memref<50176x32xf32, #tpu.memory_space<vmem_shared>> -> memref<196x32xf32, #tpu.memory_space<vmem_shared>>
        tpu.enqueue_dma source(%arg18 : memref<196x32xf32, #tpu.memory_space<vmem>>) target(%dma_start3A_117 : memref<196x32xf32, #tpu.memory_space<vmem_shared>>) target_semaphore(%run_scoped3A : memref<!tpu.dma_semaphore, #tpu.memory_space<semaphore_mem>>)
        %dma_wait3A_118 = arith.constant 0 : i32
        %dma_wait3A_119 = tpu.memref_slice %arg8[%add3A_112, %dma_wait3A_118] : memref<50176x32xf32, #tpu.memory_space<vmem_shared>> -> memref<196x32xf32, #tpu.memory_space<vmem_shared>>
        %dma_wait3A_120 = arith.constant 0 : i32
        %dma_wait3A_121 = tpu.memref_slice %arg8[%add3A_112, %dma_wait3A_120] : memref<50176x32xf32, #tpu.memory_space<vmem_shared>> -> memref<196x32xf32, #tpu.memory_space<vmem_shared>>
        tpu.wait_dma2 semaphore(%run_scoped3A : memref<!tpu.dma_semaphore, #tpu.memory_space<semaphore_mem>>) src(%arg18 : memref<196x32xf32, #tpu.memory_space<vmem>>) dst(%dma_wait3A_121 : memref<196x32xf32, #tpu.memory_space<vmem_shared>>)
        tpu.yield
      }) : () -> ()
      %scan3A_113 = arith.constant 0 : i32
      scf.yield %scan3A_113 : i32
    }
    %scan3A_40 = arith.constant 16 : i32
    %dma_wait3A = arith.constant 0 : i32
    %dma_wait3A_41 = tpu.memref_slice %arg3[%mul3A_2, %dma_wait3A] : memref<6272x128xi32, #tpu.memory_space<hbm>> -> memref<1x128xi32, #tpu.memory_space<hbm>>
    %dma_wait3A_42 = tpu.memref_squeeze %dma_wait3A_41 : memref<1x128xi32, #tpu.memory_space<hbm>> -> memref<128xi32, #tpu.memory_space<hbm>>
    %dma_wait3A_43 = arith.constant 0 : i32
    %dma_wait3A_44 = tpu.memref_slice %arg3[%mul3A_2, %dma_wait3A_43] : memref<6272x128xi32, #tpu.memory_space<hbm>> -> memref<1x128xi32, #tpu.memory_space<hbm>>
    %dma_wait3A_45 = tpu.memref_squeeze %dma_wait3A_44 : memref<1x128xi32, #tpu.memory_space<hbm>> -> memref<128xi32, #tpu.memory_space<hbm>>
    tpu.wait_dma2 semaphore(%arg19 : memref<!tpu.dma_semaphore, #tpu.memory_space<semaphore_mem>>) src(%dma_wait3A_45 : memref<128xi32, #tpu.memory_space<hbm>>) dst(%arg9 : memref<128xi32, #tpu.memory_space<vmem>>)
    %dma_wait3A_46 = arith.constant 0 : i32
    %dma_wait3A_47 = tpu.memref_slice %arg4[%mul3A_2, %dma_wait3A_46] : memref<6272x128xi32, #tpu.memory_space<hbm>> -> memref<1x128xi32, #tpu.memory_space<hbm>>
    %dma_wait3A_48 = tpu.memref_squeeze %dma_wait3A_47 : memref<1x128xi32, #tpu.memory_space<hbm>> -> memref<128xi32, #tpu.memory_space<hbm>>
    %dma_wait3A_49 = arith.constant 0 : i32
    %dma_wait3A_50 = tpu.memref_slice %arg4[%mul3A_2, %dma_wait3A_49] : memref<6272x128xi32, #tpu.memory_space<hbm>> -> memref<1x128xi32, #tpu.memory_space<hbm>>
    %dma_wait3A_51 = tpu.memref_squeeze %dma_wait3A_50 : memref<1x128xi32, #tpu.memory_space<hbm>> -> memref<128xi32, #tpu.memory_space<hbm>>
    tpu.wait_dma2 semaphore(%arg19 : memref<!tpu.dma_semaphore, #tpu.memory_space<semaphore_mem>>) src(%dma_wait3A_51 : memref<128xi32, #tpu.memory_space<hbm>>) dst(%arg11 : memref<128xi32, #tpu.memory_space<vmem>>)
    %dma_wait3A_52 = arith.constant 0 : i32
    %dma_wait3A_53 = arith.constant 0 : i32
    %dma_wait3A_54 = tpu.memref_slice %arg5[%mul3A_2, %dma_wait3A_52, %dma_wait3A_53] : memref<6272x32x128xf32, #tpu.memory_space<hbm>> -> memref<1x32x128xf32, #tpu.memory_space<hbm>>
    %dma_wait3A_55 = tpu.memref_squeeze %dma_wait3A_54 : memref<1x32x128xf32, #tpu.memory_space<hbm>> -> memref<32x128xf32, #tpu.memory_space<hbm>>
    %dma_wait3A_56 = arith.constant 0 : i32
    %dma_wait3A_57 = arith.constant 0 : i32
    %dma_wait3A_58 = tpu.memref_slice %arg5[%mul3A_2, %dma_wait3A_56, %dma_wait3A_57] : memref<6272x32x128xf32, #tpu.memory_space<hbm>> -> memref<1x32x128xf32, #tpu.memory_space<hbm>>
    %dma_wait3A_59 = tpu.memref_squeeze %dma_wait3A_58 : memref<1x32x128xf32, #tpu.memory_space<hbm>> -> memref<32x128xf32, #tpu.memory_space<hbm>>
    tpu.wait_dma2 semaphore(%arg19 : memref<!tpu.dma_semaphore, #tpu.memory_space<semaphore_mem>>) src(%dma_wait3A_59 : memref<32x128xf32, #tpu.memory_space<hbm>>) dst(%arg13 : memref<32x128xf32, #tpu.memory_space<vmem>>)
    %dma_start3A_60 = arith.constant 0 : i32
    %dma_start3A_61 = arith.constant 0 : i32
    %dma_start3A_62 = tpu.memref_slice %arg2[%dma_start3A_60, %dma_start3A_61] : memref<50176x32xf32, #tpu.memory_space<hbm>> -> memref<50176x32xf32, #tpu.memory_space<hbm>>
    tpu.enqueue_indirect_dma source(%dma_start3A_62 : memref<50176x32xf32, #tpu.memory_space<hbm>>) target(%arg15 : memref<128x32xf32, #tpu.memory_space<vmem>>) offsets(%arg9 : memref<128xi32, #tpu.memory_space<vmem>>) semaphore(%arg21 : memref<!tpu.dma_semaphore, #tpu.memory_space<semaphore_mem>>)
    %add3A_63 = arith.constant 1 : i32
    %add3A_64 = arith.addi %mul3A_2, %add3A_63 : i32
    %dma_start3A_65 = arith.constant 0 : i32
    %dma_start3A_66 = tpu.memref_slice %arg3[%add3A_64, %dma_start3A_65] : memref<6272x128xi32, #tpu.memory_space<hbm>> -> memref<1x128xi32, #tpu.memory_space<hbm>>
    %dma_start3A_67 = tpu.memref_squeeze %dma_start3A_66 : memref<1x128xi32, #tpu.memory_space<hbm>> -> memref<128xi32, #tpu.memory_space<hbm>>
    %dma_start3A_68 = arith.constant 0 : i32
    %dma_start3A_69 = tpu.memref_slice %arg3[%add3A_64, %dma_start3A_68] : memref<6272x128xi32, #tpu.memory_space<hbm>> -> memref<1x128xi32, #tpu.memory_space<hbm>>
    %dma_start3A_70 = tpu.memref_squeeze %dma_start3A_69 : memref<1x128xi32, #tpu.memory_space<hbm>> -> memref<128xi32, #tpu.memory_space<hbm>>
    tpu.enqueue_dma source(%dma_start3A_70 : memref<128xi32, #tpu.memory_space<hbm>>) target(%arg10 : memref<128xi32, #tpu.memory_space<vmem>>) target_semaphore(%arg20 : memref<!tpu.dma_semaphore, #tpu.memory_space<semaphore_mem>>)
    %add3A_71 = arith.constant 1 : i32
    %add3A_72 = arith.addi %mul3A_2, %add3A_71 : i32
    %dma_start3A_73 = arith.constant 0 : i32
    %dma_start3A_74 = tpu.memref_slice %arg4[%add3A_72, %dma_start3A_73] : memref<6272x128xi32, #tpu.memory_space<hbm>> -> memref<1x128xi32, #tpu.memory_space<hbm>>
    %dma_start3A_75 = tpu.memref_squeeze %dma_start3A_74 : memref<1x128xi32, #tpu.memory_space<hbm>> -> memref<128xi32, #tpu.memory_space<hbm>>
    %dma_start3A_76 = arith.constant 0 : i32
    %dma_start3A_77 = tpu.memref_slice %arg4[%add3A_72, %dma_start3A_76] : memref<6272x128xi32, #tpu.memory_space<hbm>> -> memref<1x128xi32, #tpu.memory_space<hbm>>
    %dma_start3A_78 = tpu.memref_squeeze %dma_start3A_77 : memref<1x128xi32, #tpu.memory_space<hbm>> -> memref<128xi32, #tpu.memory_space<hbm>>
    tpu.enqueue_dma source(%dma_start3A_78 : memref<128xi32, #tpu.memory_space<hbm>>) target(%arg12 : memref<128xi32, #tpu.memory_space<vmem>>) target_semaphore(%arg20 : memref<!tpu.dma_semaphore, #tpu.memory_space<semaphore_mem>>)
    %add3A_79 = arith.constant 1 : i32
    %add3A_80 = arith.addi %mul3A_2, %add3A_79 : i32
    %dma_start3A_81 = arith.constant 0 : i32
    %dma_start3A_82 = arith.constant 0 : i32
    %dma_start3A_83 = tpu.memref_slice %arg5[%add3A_80, %dma_start3A_81, %dma_start3A_82] : memref<6272x32x128xf32, #tpu.memory_space<hbm>> -> memref<1x32x128xf32, #tpu.memory_space<hbm>>
    %dma_start3A_84 = tpu.memref_squeeze %dma_start3A_83 : memref<1x32x128xf32, #tpu.memory_space<hbm>> -> memref<32x128xf32, #tpu.memory_space<hbm>>
    %dma_start3A_85 = arith.constant 0 : i32
    %dma_start3A_86 = arith.constant 0 : i32
    %dma_start3A_87 = tpu.memref_slice %arg5[%add3A_80, %dma_start3A_85, %dma_start3A_86] : memref<6272x32x128xf32, #tpu.memory_space<hbm>> -> memref<1x32x128xf32, #tpu.memory_space<hbm>>
    %dma_start3A_88 = tpu.memref_squeeze %dma_start3A_87 : memref<1x32x128xf32, #tpu.memory_space<hbm>> -> memref<32x128xf32, #tpu.memory_space<hbm>>
    tpu.enqueue_dma source(%dma_start3A_88 : memref<32x128xf32, #tpu.memory_space<hbm>>) target(%arg14 : memref<32x128xf32, #tpu.memory_space<vmem>>) target_semaphore(%arg20 : memref<!tpu.dma_semaphore, #tpu.memory_space<semaphore_mem>>)
    %barrier3A = arith.constant 0 : index
    tpu.barrier barrier_id(%barrier3A)
    %scan3A_89 = arith.constant 0 : i32
    %scan3A_90 = arith.constant 0 : i32
    %scan3A_91 = arith.constant 98 : i32
    %scan3A_92 = arith.addi %scan3A_90, %scan3A_91 : i32
    %scan3A_93 = arith.constant 1 : i32
    %scan3A_94 = scf.for %scan3A_106 = %scan3A_90 to %scan3A_92 step %scan3A_93 iter_args(%scan3A_107 = %scan3A_89) -> (i32)  : i32 {
      %mul3A_108 = arith.constant 2 : i32
      %mul3A_109 = arith.muli %mul3A_108, %scan3A_106 : i32
      %add3A_110 = arith.constant 0 : i32
      %add3A_111 = arith.addi %mul3A_109, %add3A_110 : i32
      %dma_wait3A_112 = arith.constant 0 : i32
      %dma_wait3A_113 = arith.constant 0 : i32
      %dma_wait3A_114 = tpu.memref_slice %arg2[%dma_wait3A_112, %dma_wait3A_113] : memref<50176x32xf32, #tpu.memory_space<hbm>> -> memref<50176x32xf32, #tpu.memory_space<hbm>>
      tpu.wait_indirect_dma semaphore(%arg21 : memref<!tpu.dma_semaphore, #tpu.memory_space<semaphore_mem>>) src(%dma_wait3A_114 : memref<50176x32xf32, #tpu.memory_space<hbm>>) dst(%arg15 : memref<128x32xf32, #tpu.memory_space<vmem>>)
      %add3A_115 = arith.constant 1 : i32
      %add3A_116 = arith.addi %add3A_111, %add3A_115 : i32
      %lt3A = arith.constant 196 : i32
      %lt3A_117 = arith.cmpi slt, %add3A_116, %lt3A : i32
      %convert_element_type3A_118 = arith.extui %lt3A_117 : i1 to i32
      %cond3A_119 = arith.constant 0 : i32
      %cond3A_120 = arith.cmpi ne, %convert_element_type3A_118, %cond3A_119 : i32
      scf.if %cond3A_120 {
        %dma_wait3A_164 = arith.constant 0 : i32
        %dma_wait3A_165 = tpu.memref_slice %arg3[%mul3A_2, %dma_wait3A_164] : memref<6272x128xi32, #tpu.memory_space<hbm>> -> memref<1x128xi32, #tpu.memory_space<hbm>>
        %dma_wait3A_166 = tpu.memref_squeeze %dma_wait3A_165 : memref<1x128xi32, #tpu.memory_space<hbm>> -> memref<128xi32, #tpu.memory_space<hbm>>
        %dma_wait3A_167 = arith.constant 0 : i32
        %dma_wait3A_168 = tpu.memref_slice %arg3[%mul3A_2, %dma_wait3A_167] : memref<6272x128xi32, #tpu.memory_space<hbm>> -> memref<1x128xi32, #tpu.memory_space<hbm>>
        %dma_wait3A_169 = tpu.memref_squeeze %dma_wait3A_168 : memref<1x128xi32, #tpu.memory_space<hbm>> -> memref<128xi32, #tpu.memory_space<hbm>>
        tpu.wait_dma2 semaphore(%arg20 : memref<!tpu.dma_semaphore, #tpu.memory_space<semaphore_mem>>) src(%dma_wait3A_169 : memref<128xi32, #tpu.memory_space<hbm>>) dst(%arg10 : memref<128xi32, #tpu.memory_space<vmem>>)
        %dma_wait3A_170 = arith.constant 0 : i32
        %dma_wait3A_171 = tpu.memref_slice %arg4[%mul3A_2, %dma_wait3A_170] : memref<6272x128xi32, #tpu.memory_space<hbm>> -> memref<1x128xi32, #tpu.memory_space<hbm>>
        %dma_wait3A_172 = tpu.memref_squeeze %dma_wait3A_171 : memref<1x128xi32, #tpu.memory_space<hbm>> -> memref<128xi32, #tpu.memory_space<hbm>>
        %dma_wait3A_173 = arith.constant 0 : i32
        %dma_wait3A_174 = tpu.memref_slice %arg4[%mul3A_2, %dma_wait3A_173] : memref<6272x128xi32, #tpu.memory_space<hbm>> -> memref<1x128xi32, #tpu.memory_space<hbm>>
        %dma_wait3A_175 = tpu.memref_squeeze %dma_wait3A_174 : memref<1x128xi32, #tpu.memory_space<hbm>> -> memref<128xi32, #tpu.memory_space<hbm>>
        tpu.wait_dma2 semaphore(%arg20 : memref<!tpu.dma_semaphore, #tpu.memory_space<semaphore_mem>>) src(%dma_wait3A_175 : memref<128xi32, #tpu.memory_space<hbm>>) dst(%arg12 : memref<128xi32, #tpu.memory_space<vmem>>)
        %dma_wait3A_176 = arith.constant 0 : i32
        %dma_wait3A_177 = arith.constant 0 : i32
        %dma_wait3A_178 = tpu.memref_slice %arg5[%mul3A_2, %dma_wait3A_176, %dma_wait3A_177] : memref<6272x32x128xf32, #tpu.memory_space<hbm>> -> memref<1x32x128xf32, #tpu.memory_space<hbm>>
        %dma_wait3A_179 = tpu.memref_squeeze %dma_wait3A_178 : memref<1x32x128xf32, #tpu.memory_space<hbm>> -> memref<32x128xf32, #tpu.memory_space<hbm>>
        %dma_wait3A_180 = arith.constant 0 : i32
        %dma_wait3A_181 = arith.constant 0 : i32
        %dma_wait3A_182 = tpu.memref_slice %arg5[%mul3A_2, %dma_wait3A_180, %dma_wait3A_181] : memref<6272x32x128xf32, #tpu.memory_space<hbm>> -> memref<1x32x128xf32, #tpu.memory_space<hbm>>
        %dma_wait3A_183 = tpu.memref_squeeze %dma_wait3A_182 : memref<1x32x128xf32, #tpu.memory_space<hbm>> -> memref<32x128xf32, #tpu.memory_space<hbm>>
        tpu.wait_dma2 semaphore(%arg20 : memref<!tpu.dma_semaphore, #tpu.memory_space<semaphore_mem>>) src(%dma_wait3A_183 : memref<32x128xf32, #tpu.memory_space<hbm>>) dst(%arg14 : memref<32x128xf32, #tpu.memory_space<vmem>>)
        %dma_start3A_184 = arith.constant 0 : i32
        %dma_start3A_185 = arith.constant 0 : i32
        %dma_start3A_186 = tpu.memref_slice %arg2[%dma_start3A_184, %dma_start3A_185] : memref<50176x32xf32, #tpu.memory_space<hbm>> -> memref<50176x32xf32, #tpu.memory_space<hbm>>
        tpu.enqueue_indirect_dma source(%dma_start3A_186 : memref<50176x32xf32, #tpu.memory_space<hbm>>) target(%arg16 : memref<128x32xf32, #tpu.memory_space<vmem>>) offsets(%arg10 : memref<128xi32, #tpu.memory_space<vmem>>) semaphore(%arg22 : memref<!tpu.dma_semaphore, #tpu.memory_space<semaphore_mem>>)
      } else {
      }
      %scan3A_121 = arith.constant 0 : i32
      %scan3A_122 = arith.constant 0 : i32
      %scan3A_123 = arith.constant 16 : i32
      %scan3A_124 = arith.addi %scan3A_122, %scan3A_123 : i32
      %scan3A_125 = arith.constant 1 : i32
      %scan3A_126 = scf.for %scan3A_164 = %scan3A_122 to %scan3A_124 step %scan3A_125 iter_args(%scan3A_165 = %scan3A_121) -> (i32)  : i32 {
        %mul3A_166 = arith.constant 2 : i32
        %mul3A_167 = arith.muli %scan3A_164, %mul3A_166 : i32
        %add3A_168 = arith.constant 0 : i32
        %add3A_169 = arith.addi %mul3A_167, %add3A_168 : i32
        %mul3A_170 = arith.constant 4 : i32
        %mul3A_171 = arith.muli %add3A_169, %mul3A_170 : i32
        %add3A_172 = arith.constant 0 : i32
        %add3A_173 = arith.addi %mul3A_171, %add3A_172 : i32
        %get3A = arith.index_cast %add3A_173 : i32 to index
        %get3A_174 = arith.constant 0 : index
        %get3A_175 = tpu.vector_load %arg15[%get3A, %get3A_174] {strides = array<i32>} : memref<128x32xf32, #tpu.memory_space<vmem>>, vector<1x16xf32>,
        %get3A_176 = vector.shape_cast %get3A_175 : vector<1x16xf32> to vector<16xf32>
        %get3A_177 = arith.index_cast %add3A_169 : i32 to index
        %get3A_178 = arith.constant 0 : index
        %get3A_179 = tpu.vector_load %arg13[%get3A_177, %get3A_178] {strides = array<i32>} : memref<32x128xf32, #tpu.memory_space<vmem>>, vector<1x16xf32>,
        %get3A_180 = vector.shape_cast %get3A_179 : vector<1x16xf32> to vector<16xf32>
        %mul3A_181 = arith.mulf %get3A_176, %get3A_180 : vector<16xf32>
        %swap3A = arith.index_cast %add3A_173 : i32 to index
        %swap3A_182 = arith.constant 0 : index
        %swap3A_183 = tpu.vector_load %arg17[%swap3A, %swap3A_182] {strides = array<i32>} : memref<128x32xf32, #tpu.memory_space<vmem>>, vector<1x16xf32>,
        %swap3A_184 = vector.shape_cast %swap3A_183 : vector<1x16xf32> to vector<16xf32>
        %swap3A_185 = vector.shape_cast %mul3A_181 : vector<16xf32> to vector<1x16xf32>
        tpu.vector_store %arg17[%swap3A, %swap3A_182], %swap3A_185 {strides = array<i32>} : memref<128x32xf32, #tpu.memory_space<vmem>>, vector<1x16xf32>,
        %get3A_186 = arith.index_cast %add3A_173 : i32 to index
        %get3A_187 = arith.constant 16 : index
        %get3A_188 = tpu.vector_load %arg15[%get3A_186, %get3A_187] {strides = array<i32>} : memref<128x32xf32, #tpu.memory_space<vmem>>, vector<1x16xf32>,
        %get3A_189 = vector.shape_cast %get3A_188 : vector<1x16xf32> to vector<16xf32>
        %get3A_190 = arith.index_cast %add3A_169 : i32 to index
        %get3A_191 = arith.constant 16 : index
        %get3A_192 = tpu.vector_load %arg13[%get3A_190, %get3A_191] {strides = array<i32>} : memref<32x128xf32, #tpu.memory_space<vmem>>, vector<1x16xf32>,
        %get3A_193 = vector.shape_cast %get3A_192 : vector<1x16xf32> to vector<16xf32>
        %mul3A_194 = arith.mulf %get3A_189, %get3A_193 : vector<16xf32>
        %swap3A_195 = arith.index_cast %add3A_173 : i32 to index
        %swap3A_196 = arith.constant 16 : index
        %swap3A_197 = tpu.vector_load %arg17[%swap3A_195, %swap3A_196] {strides = array<i32>} : memref<128x32xf32, #tpu.memory_space<vmem>>, vector<1x16xf32>,
        %swap3A_198 = vector.shape_cast %swap3A_197 : vector<1x16xf32> to vector<16xf32>
        %swap3A_199 = vector.shape_cast %mul3A_194 : vector<16xf32> to vector<1x16xf32>
        tpu.vector_store %arg17[%swap3A_195, %swap3A_196], %swap3A_199 {strides = array<i32>} : memref<128x32xf32, #tpu.memory_space<vmem>>, vector<1x16xf32>,
        %mul3A_200 = arith.constant 4 : i32
        %mul3A_201 = arith.muli %add3A_169, %mul3A_200 : i32
        %add3A_202 = arith.constant 1 : i32
        %add3A_203 = arith.addi %mul3A_201, %add3A_202 : i32
        %get3A_204 = arith.index_cast %add3A_203 : i32 to index
        %get3A_205 = arith.constant 0 : index
        %get3A_206 = tpu.vector_load %arg15[%get3A_204, %get3A_205] {strides = array<i32>} : memref<128x32xf32, #tpu.memory_space<vmem>>, vector<1x16xf32>,
        %get3A_207 = vector.shape_cast %get3A_206 : vector<1x16xf32> to vector<16xf32>
        %get3A_208 = arith.index_cast %add3A_169 : i32 to index
        %get3A_209 = arith.constant 32 : index
        %get3A_210 = tpu.vector_load %arg13[%get3A_208, %get3A_209] {strides = array<i32>} : memref<32x128xf32, #tpu.memory_space<vmem>>, vector<1x16xf32>,
        %get3A_211 = vector.shape_cast %get3A_210 : vector<1x16xf32> to vector<16xf32>
        %mul3A_212 = arith.mulf %get3A_207, %get3A_211 : vector<16xf32>
        %swap3A_213 = arith.index_cast %add3A_203 : i32 to index
        %swap3A_214 = arith.constant 0 : index
        %swap3A_215 = tpu.vector_load %arg17[%swap3A_213, %swap3A_214] {strides = array<i32>} : memref<128x32xf32, #tpu.memory_space<vmem>>, vector<1x16xf32>,
        %swap3A_216 = vector.shape_cast %swap3A_215 : vector<1x16xf32> to vector<16xf32>
        %swap3A_217 = vector.shape_cast %mul3A_212 : vector<16xf32> to vector<1x16xf32>
        tpu.vector_store %arg17[%swap3A_213, %swap3A_214], %swap3A_217 {strides = array<i32>} : memref<128x32xf32, #tpu.memory_space<vmem>>, vector<1x16xf32>,
        %get3A_218 = arith.index_cast %add3A_203 : i32 to index
        %get3A_219 = arith.constant 16 : index
        %get3A_220 = tpu.vector_load %arg15[%get3A_218, %get3A_219] {strides = array<i32>} : memref<128x32xf32, #tpu.memory_space<vmem>>, vector<1x16xf32>,
        %get3A_221 = vector.shape_cast %get3A_220 : vector<1x16xf32> to vector<16xf32>
        %get3A_222 = arith.index_cast %add3A_169 : i32 to index
        %get3A_223 = arith.constant 48 : index
        %get3A_224 = tpu.vector_load %arg13[%get3A_222, %get3A_223] {strides = array<i32>} : memref<32x128xf32, #tpu.memory_space<vmem>>, vector<1x16xf32>,
        %get3A_225 = vector.shape_cast %get3A_224 : vector<1x16xf32> to vector<16xf32>
        %mul3A_226 = arith.mulf %get3A_221, %get3A_225 : vector<16xf32>
        %swap3A_227 = arith.index_cast %add3A_203 : i32 to index
        %swap3A_228 = arith.constant 16 : index
        %swap3A_229 = tpu.vector_load %arg17[%swap3A_227, %swap3A_228] {strides = array<i32>} : memref<128x32xf32, #tpu.memory_space<vmem>>, vector<1x16xf32>,
        %swap3A_230 = vector.shape_cast %swap3A_229 : vector<1x16xf32> to vector<16xf32>
        %swap3A_231 = vector.shape_cast %mul3A_226 : vector<16xf32> to vector<1x16xf32>
        tpu.vector_store %arg17[%swap3A_227, %swap3A_228], %swap3A_231 {strides = array<i32>} : memref<128x32xf32, #tpu.memory_space<vmem>>, vector<1x16xf32>,
        %mul3A_232 = arith.constant 4 : i32
        %mul3A_233 = arith.muli %add3A_169, %mul3A_232 : i32
        %add3A_234 = arith.constant 2 : i32
        %add3A_235 = arith.addi %mul3A_233, %add3A_234 : i32
        %get3A_236 = arith.index_cast %add3A_235 : i32 to index
        %get3A_237 = arith.constant 0 : index
        %get3A_238 = tpu.vector_load %arg15[%get3A_236, %get3A_237] {strides = array<i32>} : memref<128x32xf32, #tpu.memory_space<vmem>>, vector<1x16xf32>,
        %get3A_239 = vector.shape_cast %get3A_238 : vector<1x16xf32> to vector<16xf32>
        %get3A_240 = arith.index_cast %add3A_169 : i32 to index
        %get3A_241 = arith.constant 64 : index
        %get3A_242 = tpu.vector_load %arg13[%get3A_240, %get3A_241] {strides = array<i32>} : memref<32x128xf32, #tpu.memory_space<vmem>>, vector<1x16xf32>,
        %get3A_243 = vector.shape_cast %get3A_242 : vector<1x16xf32> to vector<16xf32>
        %mul3A_244 = arith.mulf %get3A_239, %get3A_243 : vector<16xf32>
        %swap3A_245 = arith.index_cast %add3A_235 : i32 to index
        %swap3A_246 = arith.constant 0 : index
        %swap3A_247 = tpu.vector_load %arg17[%swap3A_245, %swap3A_246] {strides = array<i32>} : memref<128x32xf32, #tpu.memory_space<vmem>>, vector<1x16xf32>,
        %swap3A_248 = vector.shape_cast %swap3A_247 : vector<1x16xf32> to vector<16xf32>
        %swap3A_249 = vector.shape_cast %mul3A_244 : vector<16xf32> to vector<1x16xf32>
        tpu.vector_store %arg17[%swap3A_245, %swap3A_246], %swap3A_249 {strides = array<i32>} : memref<128x32xf32, #tpu.memory_space<vmem>>, vector<1x16xf32>,
        %get3A_250 = arith.index_cast %add3A_235 : i32 to index
        %get3A_251 = arith.constant 16 : index
        %get3A_252 = tpu.vector_load %arg15[%get3A_250, %get3A_251] {strides = array<i32>} : memref<128x32xf32, #tpu.memory_space<vmem>>, vector<1x16xf32>,
        %get3A_253 = vector.shape_cast %get3A_252 : vector<1x16xf32> to vector<16xf32>
        %get3A_254 = arith.index_cast %add3A_169 : i32 to index
        %get3A_255 = arith.constant 80 : index
        %get3A_256 = tpu.vector_load %arg13[%get3A_254, %get3A_255] {strides = array<i32>} : memref<32x128xf32, #tpu.memory_space<vmem>>, vector<1x16xf32>,
        %get3A_257 = vector.shape_cast %get3A_256 : vector<1x16xf32> to vector<16xf32>
        %mul3A_258 = arith.mulf %get3A_253, %get3A_257 : vector<16xf32>
        %swap3A_259 = arith.index_cast %add3A_235 : i32 to index
        %swap3A_260 = arith.constant 16 : index
        %swap3A_261 = tpu.vector_load %arg17[%swap3A_259, %swap3A_260] {strides = array<i32>} : memref<128x32xf32, #tpu.memory_space<vmem>>, vector<1x16xf32>,
        %swap3A_262 = vector.shape_cast %swap3A_261 : vector<1x16xf32> to vector<16xf32>
        %swap3A_263 = vector.shape_cast %mul3A_258 : vector<16xf32> to vector<1x16xf32>
        tpu.vector_store %arg17[%swap3A_259, %swap3A_260], %swap3A_263 {strides = array<i32>} : memref<128x32xf32, #tpu.memory_space<vmem>>, vector<1x16xf32>,
        %mul3A_264 = arith.constant 4 : i32
        %mul3A_265 = arith.muli %add3A_169, %mul3A_264 : i32
        %add3A_266 = arith.constant 3 : i32
        %add3A_267 = arith.addi %mul3A_265, %add3A_266 : i32
        %get3A_268 = arith.index_cast %add3A_267 : i32 to index
        %get3A_269 = arith.constant 0 : index
        %get3A_270 = tpu.vector_load %arg15[%get3A_268, %get3A_269] {strides = array<i32>} : memref<128x32xf32, #tpu.memory_space<vmem>>, vector<1x16xf32>,
        %get3A_271 = vector.shape_cast %get3A_270 : vector<1x16xf32> to vector<16xf32>
        %get3A_272 = arith.index_cast %add3A_169 : i32 to index
        %get3A_273 = arith.constant 96 : index
        %get3A_274 = tpu.vector_load %arg13[%get3A_272, %get3A_273] {strides = array<i32>} : memref<32x128xf32, #tpu.memory_space<vmem>>, vector<1x16xf32>,
        %get3A_275 = vector.shape_cast %get3A_274 : vector<1x16xf32> to vector<16xf32>
        %mul3A_276 = arith.mulf %get3A_271, %get3A_275 : vector<16xf32>
        %swap3A_277 = arith.index_cast %add3A_267 : i32 to index
        %swap3A_278 = arith.constant 0 : index
        %swap3A_279 = tpu.vector_load %arg17[%swap3A_277, %swap3A_278] {strides = array<i32>} : memref<128x32xf32, #tpu.memory_space<vmem>>, vector<1x16xf32>,
        %swap3A_280 = vector.shape_cast %swap3A_279 : vector<1x16xf32> to vector<16xf32>
        %swap3A_281 = vector.shape_cast %mul3A_276 : vector<16xf32> to vector<1x16xf32>
        tpu.vector_store %arg17[%swap3A_277, %swap3A_278], %swap3A_281 {strides = array<i32>} : memref<128x32xf32, #tpu.memory_space<vmem>>, vector<1x16xf32>,
        %get3A_282 = arith.index_cast %add3A_267 : i32 to index
        %get3A_283 = arith.constant 16 : index
        %get3A_284 = tpu.vector_load %arg15[%get3A_282, %get3A_283] {strides = array<i32>} : memref<128x32xf32, #tpu.memory_space<vmem>>, vector<1x16xf32>,
        %get3A_285 = vector.shape_cast %get3A_284 : vector<1x16xf32> to vector<16xf32>
        %get3A_286 = arith.index_cast %add3A_169 : i32 to index
        %get3A_287 = arith.constant 112 : index
        %get3A_288 = tpu.vector_load %arg13[%get3A_286, %get3A_287] {strides = array<i32>} : memref<32x128xf32, #tpu.memory_space<vmem>>, vector<1x16xf32>,
        %get3A_289 = vector.shape_cast %get3A_288 : vector<1x16xf32> to vector<16xf32>
        %mul3A_290 = arith.mulf %get3A_285, %get3A_289 : vector<16xf32>
        %swap3A_291 = arith.index_cast %add3A_267 : i32 to index
        %swap3A_292 = arith.constant 16 : index
        %swap3A_293 = tpu.vector_load %arg17[%swap3A_291, %swap3A_292] {strides = array<i32>} : memref<128x32xf32, #tpu.memory_space<vmem>>, vector<1x16xf32>,
        %swap3A_294 = vector.shape_cast %swap3A_293 : vector<1x16xf32> to vector<16xf32>
        %swap3A_295 = vector.shape_cast %mul3A_290 : vector<16xf32> to vector<1x16xf32>
        tpu.vector_store %arg17[%swap3A_291, %swap3A_292], %swap3A_295 {strides = array<i32>} : memref<128x32xf32, #tpu.memory_space<vmem>>, vector<1x16xf32>,
        %mul3A_296 = arith.constant 2 : i32
        %mul3A_297 = arith.muli %scan3A_164, %mul3A_296 : i32
        %add3A_298 = arith.constant 1 : i32
        %add3A_299 = arith.addi %mul3A_297, %add3A_298 : i32
        %mul3A_300 = arith.constant 4 : i32
        %mul3A_301 = arith.muli %add3A_299, %mul3A_300 : i32
        %add3A_302 = arith.constant 0 : i32
        %add3A_303 = arith.addi %mul3A_301, %add3A_302 : i32
        %get3A_304 = arith.index_cast %add3A_303 : i32 to index
        %get3A_305 = arith.constant 0 : index
        %get3A_306 = tpu.vector_load %arg15[%get3A_304, %get3A_305] {strides = array<i32>} : memref<128x32xf32, #tpu.memory_space<vmem>>, vector<1x16xf32>,
        %get3A_307 = vector.shape_cast %get3A_306 : vector<1x16xf32> to vector<16xf32>
        %get3A_308 = arith.index_cast %add3A_299 : i32 to index
        %get3A_309 = arith.constant 0 : index
        %get3A_310 = tpu.vector_load %arg13[%get3A_308, %get3A_309] {strides = array<i32>} : memref<32x128xf32, #tpu.memory_space<vmem>>, vector<1x16xf32>,
        %get3A_311 = vector.shape_cast %get3A_310 : vector<1x16xf32> to vector<16xf32>
        %mul3A_312 = arith.mulf %get3A_307, %get3A_311 : vector<16xf32>
        %swap3A_313 = arith.index_cast %add3A_303 : i32 to index
        %swap3A_314 = arith.constant 0 : index
        %swap3A_315 = tpu.vector_load %arg17[%swap3A_313, %swap3A_314] {strides = array<i32>} : memref<128x32xf32, #tpu.memory_space<vmem>>, vector<1x16xf32>,
        %swap3A_316 = vector.shape_cast %swap3A_315 : vector<1x16xf32> to vector<16xf32>
        %swap3A_317 = vector.shape_cast %mul3A_312 : vector<16xf32> to vector<1x16xf32>
        tpu.vector_store %arg17[%swap3A_313, %swap3A_314], %swap3A_317 {strides = array<i32>} : memref<128x32xf32, #tpu.memory_space<vmem>>, vector<1x16xf32>,
        %get3A_318 = arith.index_cast %add3A_303 : i32 to index
        %get3A_319 = arith.constant 16 : index
        %get3A_320 = tpu.vector_load %arg15[%get3A_318, %get3A_319] {strides = array<i32>} : memref<128x32xf32, #tpu.memory_space<vmem>>, vector<1x16xf32>,
        %get3A_321 = vector.shape_cast %get3A_320 : vector<1x16xf32> to vector<16xf32>
        %get3A_322 = arith.index_cast %add3A_299 : i32 to index
        %get3A_323 = arith.constant 16 : index
        %get3A_324 = tpu.vector_load %arg13[%get3A_322, %get3A_323] {strides = array<i32>} : memref<32x128xf32, #tpu.memory_space<vmem>>, vector<1x16xf32>,
        %get3A_325 = vector.shape_cast %get3A_324 : vector<1x16xf32> to vector<16xf32>
        %mul3A_326 = arith.mulf %get3A_321, %get3A_325 : vector<16xf32>
        %swap3A_327 = arith.index_cast %add3A_303 : i32 to index
        %swap3A_328 = arith.constant 16 : index
        %swap3A_329 = tpu.vector_load %arg17[%swap3A_327, %swap3A_328] {strides = array<i32>} : memref<128x32xf32, #tpu.memory_space<vmem>>, vector<1x16xf32>,
        %swap3A_330 = vector.shape_cast %swap3A_329 : vector<1x16xf32> to vector<16xf32>
        %swap3A_331 = vector.shape_cast %mul3A_326 : vector<16xf32> to vector<1x16xf32>
        tpu.vector_store %arg17[%swap3A_327, %swap3A_328], %swap3A_331 {strides = array<i32>} : memref<128x32xf32, #tpu.memory_space<vmem>>, vector<1x16xf32>,
        %mul3A_332 = arith.constant 4 : i32
        %mul3A_333 = arith.muli %add3A_299, %mul3A_332 : i32
        %add3A_334 = arith.constant 1 : i32
        %add3A_335 = arith.addi %mul3A_333, %add3A_334 : i32
        %get3A_336 = arith.index_cast %add3A_335 : i32 to index
        %get3A_337 = arith.constant 0 : index
        %get3A_338 = tpu.vector_load %arg15[%get3A_336, %get3A_337] {strides = array<i32>} : memref<128x32xf32, #tpu.memory_space<vmem>>, vector<1x16xf32>,
        %get3A_339 = vector.shape_cast %get3A_338 : vector<1x16xf32> to vector<16xf32>
        %get3A_340 = arith.index_cast %add3A_299 : i32 to index
        %get3A_341 = arith.constant 32 : index
        %get3A_342 = tpu.vector_load %arg13[%get3A_340, %get3A_341] {strides = array<i32>} : memref<32x128xf32, #tpu.memory_space<vmem>>, vector<1x16xf32>,
        %get3A_343 = vector.shape_cast %get3A_342 : vector<1x16xf32> to vector<16xf32>
        %mul3A_344 = arith.mulf %get3A_339, %get3A_343 : vector<16xf32>
        %swap3A_345 = arith.index_cast %add3A_335 : i32 to index
        %swap3A_346 = arith.constant 0 : index
        %swap3A_347 = tpu.vector_load %arg17[%swap3A_345, %swap3A_346] {strides = array<i32>} : memref<128x32xf32, #tpu.memory_space<vmem>>, vector<1x16xf32>,
        %swap3A_348 = vector.shape_cast %swap3A_347 : vector<1x16xf32> to vector<16xf32>
        %swap3A_349 = vector.shape_cast %mul3A_344 : vector<16xf32> to vector<1x16xf32>
        tpu.vector_store %arg17[%swap3A_345, %swap3A_346], %swap3A_349 {strides = array<i32>} : memref<128x32xf32, #tpu.memory_space<vmem>>, vector<1x16xf32>,
        %get3A_350 = arith.index_cast %add3A_335 : i32 to index
        %get3A_351 = arith.constant 16 : index
        %get3A_352 = tpu.vector_load %arg15[%get3A_350, %get3A_351] {strides = array<i32>} : memref<128x32xf32, #tpu.memory_space<vmem>>, vector<1x16xf32>,
        %get3A_353 = vector.shape_cast %get3A_352 : vector<1x16xf32> to vector<16xf32>
        %get3A_354 = arith.index_cast %add3A_299 : i32 to index
        %get3A_355 = arith.constant 48 : index
        %get3A_356 = tpu.vector_load %arg13[%get3A_354, %get3A_355] {strides = array<i32>} : memref<32x128xf32, #tpu.memory_space<vmem>>, vector<1x16xf32>,
        %get3A_357 = vector.shape_cast %get3A_356 : vector<1x16xf32> to vector<16xf32>
        %mul3A_358 = arith.mulf %get3A_353, %get3A_357 : vector<16xf32>
        %swap3A_359 = arith.index_cast %add3A_335 : i32 to index
        %swap3A_360 = arith.constant 16 : index
        %swap3A_361 = tpu.vector_load %arg17[%swap3A_359, %swap3A_360] {strides = array<i32>} : memref<128x32xf32, #tpu.memory_space<vmem>>, vector<1x16xf32>,
        %swap3A_362 = vector.shape_cast %swap3A_361 : vector<1x16xf32> to vector<16xf32>
        %swap3A_363 = vector.shape_cast %mul3A_358 : vector<16xf32> to vector<1x16xf32>
        tpu.vector_store %arg17[%swap3A_359, %swap3A_360], %swap3A_363 {strides = array<i32>} : memref<128x32xf32, #tpu.memory_space<vmem>>, vector<1x16xf32>,
        %mul3A_364 = arith.constant 4 : i32
        %mul3A_365 = arith.muli %add3A_299, %mul3A_364 : i32
        %add3A_366 = arith.constant 2 : i32
        %add3A_367 = arith.addi %mul3A_365, %add3A_366 : i32
        %get3A_368 = arith.index_cast %add3A_367 : i32 to index
        %get3A_369 = arith.constant 0 : index
        %get3A_370 = tpu.vector_load %arg15[%get3A_368, %get3A_369] {strides = array<i32>} : memref<128x32xf32, #tpu.memory_space<vmem>>, vector<1x16xf32>,
        %get3A_371 = vector.shape_cast %get3A_370 : vector<1x16xf32> to vector<16xf32>
        %get3A_372 = arith.index_cast %add3A_299 : i32 to index
        %get3A_373 = arith.constant 64 : index
        %get3A_374 = tpu.vector_load %arg13[%get3A_372, %get3A_373] {strides = array<i32>} : memref<32x128xf32, #tpu.memory_space<vmem>>, vector<1x16xf32>,
        %get3A_375 = vector.shape_cast %get3A_374 : vector<1x16xf32> to vector<16xf32>
        %mul3A_376 = arith.mulf %get3A_371, %get3A_375 : vector<16xf32>
        %swap3A_377 = arith.index_cast %add3A_367 : i32 to index
        %swap3A_378 = arith.constant 0 : index
        %swap3A_379 = tpu.vector_load %arg17[%swap3A_377, %swap3A_378] {strides = array<i32>} : memref<128x32xf32, #tpu.memory_space<vmem>>, vector<1x16xf32>,
        %swap3A_380 = vector.shape_cast %swap3A_379 : vector<1x16xf32> to vector<16xf32>
        %swap3A_381 = vector.shape_cast %mul3A_376 : vector<16xf32> to vector<1x16xf32>
        tpu.vector_store %arg17[%swap3A_377, %swap3A_378], %swap3A_381 {strides = array<i32>} : memref<128x32xf32, #tpu.memory_space<vmem>>, vector<1x16xf32>,
        %get3A_382 = arith.index_cast %add3A_367 : i32 to index
        %get3A_383 = arith.constant 16 : index
        %get3A_384 = tpu.vector_load %arg15[%get3A_382, %get3A_383] {strides = array<i32>} : memref<128x32xf32, #tpu.memory_space<vmem>>, vector<1x16xf32>,
        %get3A_385 = vector.shape_cast %get3A_384 : vector<1x16xf32> to vector<16xf32>
        %get3A_386 = arith.index_cast %add3A_299 : i32 to index
        %get3A_387 = arith.constant 80 : index
        %get3A_388 = tpu.vector_load %arg13[%get3A_386, %get3A_387] {strides = array<i32>} : memref<32x128xf32, #tpu.memory_space<vmem>>, vector<1x16xf32>,
        %get3A_389 = vector.shape_cast %get3A_388 : vector<1x16xf32> to vector<16xf32>
        %mul3A_390 = arith.mulf %get3A_385, %get3A_389 : vector<16xf32>
        %swap3A_391 = arith.index_cast %add3A_367 : i32 to index
        %swap3A_392 = arith.constant 16 : index
        %swap3A_393 = tpu.vector_load %arg17[%swap3A_391, %swap3A_392] {strides = array<i32>} : memref<128x32xf32, #tpu.memory_space<vmem>>, vector<1x16xf32>,
        %swap3A_394 = vector.shape_cast %swap3A_393 : vector<1x16xf32> to vector<16xf32>
        %swap3A_395 = vector.shape_cast %mul3A_390 : vector<16xf32> to vector<1x16xf32>
        tpu.vector_store %arg17[%swap3A_391, %swap3A_392], %swap3A_395 {strides = array<i32>} : memref<128x32xf32, #tpu.memory_space<vmem>>, vector<1x16xf32>,
        %mul3A_396 = arith.constant 4 : i32
        %mul3A_397 = arith.muli %add3A_299, %mul3A_396 : i32
        %add3A_398 = arith.constant 3 : i32
        %add3A_399 = arith.addi %mul3A_397, %add3A_398 : i32
        %get3A_400 = arith.index_cast %add3A_399 : i32 to index
        %get3A_401 = arith.constant 0 : index
        %get3A_402 = tpu.vector_load %arg15[%get3A_400, %get3A_401] {strides = array<i32>} : memref<128x32xf32, #tpu.memory_space<vmem>>, vector<1x16xf32>,
        %get3A_403 = vector.shape_cast %get3A_402 : vector<1x16xf32> to vector<16xf32>
        %get3A_404 = arith.index_cast %add3A_299 : i32 to index
        %get3A_405 = arith.constant 96 : index
        %get3A_406 = tpu.vector_load %arg13[%get3A_404, %get3A_405] {strides = array<i32>} : memref<32x128xf32, #tpu.memory_space<vmem>>, vector<1x16xf32>,
        %get3A_407 = vector.shape_cast %get3A_406 : vector<1x16xf32> to vector<16xf32>
        %mul3A_408 = arith.mulf %get3A_403, %get3A_407 : vector<16xf32>
        %swap3A_409 = arith.index_cast %add3A_399 : i32 to index
        %swap3A_410 = arith.constant 0 : index
        %swap3A_411 = tpu.vector_load %arg17[%swap3A_409, %swap3A_410] {strides = array<i32>} : memref<128x32xf32, #tpu.memory_space<vmem>>, vector<1x16xf32>,
        %swap3A_412 = vector.shape_cast %swap3A_411 : vector<1x16xf32> to vector<16xf32>
        %swap3A_413 = vector.shape_cast %mul3A_408 : vector<16xf32> to vector<1x16xf32>
        tpu.vector_store %arg17[%swap3A_409, %swap3A_410], %swap3A_413 {strides = array<i32>} : memref<128x32xf32, #tpu.memory_space<vmem>>, vector<1x16xf32>,
        %get3A_414 = arith.index_cast %add3A_399 : i32 to index
        %get3A_415 = arith.constant 16 : index
        %get3A_416 = tpu.vector_load %arg15[%get3A_414, %get3A_415] {strides = array<i32>} : memref<128x32xf32, #tpu.memory_space<vmem>>, vector<1x16xf32>,
        %get3A_417 = vector.shape_cast %get3A_416 : vector<1x16xf32> to vector<16xf32>
        %get3A_418 = arith.index_cast %add3A_299 : i32 to index
        %get3A_419 = arith.constant 112 : index
        %get3A_420 = tpu.vector_load %arg13[%get3A_418, %get3A_419] {strides = array<i32>} : memref<32x128xf32, #tpu.memory_space<vmem>>, vector<1x16xf32>,
        %get3A_421 = vector.shape_cast %get3A_420 : vector<1x16xf32> to vector<16xf32>
        %mul3A_422 = arith.mulf %get3A_417, %get3A_421 : vector<16xf32>
        %swap3A_423 = arith.index_cast %add3A_399 : i32 to index
        %swap3A_424 = arith.constant 16 : index
        %swap3A_425 = tpu.vector_load %arg17[%swap3A_423, %swap3A_424] {strides = array<i32>} : memref<128x32xf32, #tpu.memory_space<vmem>>, vector<1x16xf32>,
        %swap3A_426 = vector.shape_cast %swap3A_425 : vector<1x16xf32> to vector<16xf32>
        %swap3A_427 = vector.shape_cast %mul3A_422 : vector<16xf32> to vector<1x16xf32>
        tpu.vector_store %arg17[%swap3A_423, %swap3A_424], %swap3A_427 {strides = array<i32>} : memref<128x32xf32, #tpu.memory_space<vmem>>, vector<1x16xf32>,
        %scan3A_428 = arith.constant 0 : i32
        scf.yield %scan3A_428 : i32
      }
      %scan3A_127 = arith.constant 16 : i32
      "tpu.region"() ({
        %run_scoped3A = tpu.sem_alloc : memref<!tpu.dma_semaphore, #tpu.memory_space<semaphore_mem>>
        %dma_start3A_164 = arith.constant 0 : i32
        %dma_start3A_165 = arith.constant 0 : i32
        %dma_start3A_166 = tpu.memref_slice %arg8[%dma_start3A_164, %dma_start3A_165] : memref<50176x32xf32, #tpu.memory_space<vmem_shared>> -> memref<50176x32xf32, #tpu.memory_space<vmem_shared>>
        tpu.enqueue_indirect_dma source(%arg17 : memref<128x32xf32, #tpu.memory_space<vmem>>) target(%dma_start3A_166 : memref<50176x32xf32, #tpu.memory_space<vmem_shared>>) offsets(%arg11 : memref<128xi32, #tpu.memory_space<vmem>>) semaphore(%run_scoped3A : memref<!tpu.dma_semaphore, #tpu.memory_space<semaphore_mem>>) {add = true}
        %dma_wait3A_167 = arith.constant 0 : i32
        %dma_wait3A_168 = arith.constant 0 : i32
        %dma_wait3A_169 = tpu.memref_slice %arg8[%dma_wait3A_167, %dma_wait3A_168] : memref<50176x32xf32, #tpu.memory_space<vmem_shared>> -> memref<50176x32xf32, #tpu.memory_space<vmem_shared>>
        tpu.wait_indirect_dma semaphore(%run_scoped3A : memref<!tpu.dma_semaphore, #tpu.memory_space<semaphore_mem>>) src(%arg17 : memref<128x32xf32, #tpu.memory_space<vmem>>) dst(%dma_wait3A_169 : memref<50176x32xf32, #tpu.memory_space<vmem_shared>>)
        tpu.yield
      }) : () -> ()
      %add3A_128 = arith.constant 2 : i32
      %add3A_129 = arith.addi %add3A_111, %add3A_128 : i32
      %lt3A_130 = arith.constant 196 : i32
      %lt3A_131 = arith.cmpi slt, %add3A_129, %lt3A_130 : i32
      %convert_element_type3A_132 = arith.extui %lt3A_131 : i1 to i32
      %cond3A_133 = arith.constant 0 : i32
      %cond3A_134 = arith.cmpi ne, %convert_element_type3A_132, %cond3A_133 : i32
      scf.if %cond3A_134 {
        %add3A_164 = arith.constant 2 : i32
        %add3A_165 = arith.addi %add3A_111, %add3A_164 : i32
        %add3A_166 = arith.addi %mul3A_2, %add3A_165 : i32
        %dma_start3A_167 = arith.constant 0 : i32
        %dma_start3A_168 = tpu.memref_slice %arg3[%add3A_166, %dma_start3A_167] : memref<6272x128xi32, #tpu.memory_space<hbm>> -> memref<1x128xi32, #tpu.memory_space<hbm>>
        %dma_start3A_169 = tpu.memref_squeeze %dma_start3A_168 : memref<1x128xi32, #tpu.memory_space<hbm>> -> memref<128xi32, #tpu.memory_space<hbm>>
        %dma_start3A_170 = arith.constant 0 : i32
        %dma_start3A_171 = tpu.memref_slice %arg3[%add3A_166, %dma_start3A_170] : memref<6272x128xi32, #tpu.memory_space<hbm>> -> memref<1x128xi32, #tpu.memory_space<hbm>>
        %dma_start3A_172 = tpu.memref_squeeze %dma_start3A_171 : memref<1x128xi32, #tpu.memory_space<hbm>> -> memref<128xi32, #tpu.memory_space<hbm>>
        tpu.enqueue_dma source(%dma_start3A_172 : memref<128xi32, #tpu.memory_space<hbm>>) target(%arg9 : memref<128xi32, #tpu.memory_space<vmem>>) target_semaphore(%arg19 : memref<!tpu.dma_semaphore, #tpu.memory_space<semaphore_mem>>)
        %add3A_173 = arith.addi %mul3A_2, %add3A_165 : i32
        %dma_start3A_174 = arith.constant 0 : i32
        %dma_start3A_175 = tpu.memref_slice %arg4[%add3A_173, %dma_start3A_174] : memref<6272x128xi32, #tpu.memory_space<hbm>> -> memref<1x128xi32, #tpu.memory_space<hbm>>
        %dma_start3A_176 = tpu.memref_squeeze %dma_start3A_175 : memref<1x128xi32, #tpu.memory_space<hbm>> -> memref<128xi32, #tpu.memory_space<hbm>>
        %dma_start3A_177 = arith.constant 0 : i32
        %dma_start3A_178 = tpu.memref_slice %arg4[%add3A_173, %dma_start3A_177] : memref<6272x128xi32, #tpu.memory_space<hbm>> -> memref<1x128xi32, #tpu.memory_space<hbm>>
        %dma_start3A_179 = tpu.memref_squeeze %dma_start3A_178 : memref<1x128xi32, #tpu.memory_space<hbm>> -> memref<128xi32, #tpu.memory_space<hbm>>
        tpu.enqueue_dma source(%dma_start3A_179 : memref<128xi32, #tpu.memory_space<hbm>>) target(%arg11 : memref<128xi32, #tpu.memory_space<vmem>>) target_semaphore(%arg19 : memref<!tpu.dma_semaphore, #tpu.memory_space<semaphore_mem>>)
        %add3A_180 = arith.addi %mul3A_2, %add3A_165 : i32
        %dma_start3A_181 = arith.constant 0 : i32
        %dma_start3A_182 = arith.constant 0 : i32
        %dma_start3A_183 = tpu.memref_slice %arg5[%add3A_180, %dma_start3A_181, %dma_start3A_182] : memref<6272x32x128xf32, #tpu.memory_space<hbm>> -> memref<1x32x128xf32, #tpu.memory_space<hbm>>
        %dma_start3A_184 = tpu.memref_squeeze %dma_start3A_183 : memref<1x32x128xf32, #tpu.memory_space<hbm>> -> memref<32x128xf32, #tpu.memory_space<hbm>>
        %dma_start3A_185 = arith.constant 0 : i32
        %dma_start3A_186 = arith.constant 0 : i32
        %dma_start3A_187 = tpu.memref_slice %arg5[%add3A_180, %dma_start3A_185, %dma_start3A_186] : memref<6272x32x128xf32, #tpu.memory_space<hbm>> -> memref<1x32x128xf32, #tpu.memory_space<hbm>>
        %dma_start3A_188 = tpu.memref_squeeze %dma_start3A_187 : memref<1x32x128xf32, #tpu.memory_space<hbm>> -> memref<32x128xf32, #tpu.memory_space<hbm>>
        tpu.enqueue_dma source(%dma_start3A_188 : memref<32x128xf32, #tpu.memory_space<hbm>>) target(%arg13 : memref<32x128xf32, #tpu.memory_space<vmem>>) target_semaphore(%arg19 : memref<!tpu.dma_semaphore, #tpu.memory_space<semaphore_mem>>)
      } else {
      }
      %mul3A_135 = arith.constant 2 : i32
      %mul3A_136 = arith.muli %mul3A_135, %scan3A_106 : i32
      %add3A_137 = arith.constant 1 : i32
      %add3A_138 = arith.addi %mul3A_136, %add3A_137 : i32
      %dma_wait3A_139 = arith.constant 0 : i32
      %dma_wait3A_140 = arith.constant 0 : i32
      %dma_wait3A_141 = tpu.memref_slice %arg2[%dma_wait3A_139, %dma_wait3A_140] : memref<50176x32xf32, #tpu.memory_space<hbm>> -> memref<50176x32xf32, #tpu.memory_space<hbm>>
      tpu.wait_indirect_dma semaphore(%arg22 : memref<!tpu.dma_semaphore, #tpu.memory_space<semaphore_mem>>) src(%dma_wait3A_141 : memref<50176x32xf32, #tpu.memory_space<hbm>>) dst(%arg16 : memref<128x32xf32, #tpu.memory_space<vmem>>)
      %add3A_142 = arith.constant 1 : i32
      %add3A_143 = arith.addi %add3A_138, %add3A_142 : i32
      %lt3A_144 = arith.constant 196 : i32
      %lt3A_145 = arith.cmpi slt, %add3A_143, %lt3A_144 : i32
      %convert_element_type3A_146 = arith.extui %lt3A_145 : i1 to i32
      %cond3A_147 = arith.constant 0 : i32
      %cond3A_148 = arith.cmpi ne, %convert_element_type3A_146, %cond3A_147 : i32
      scf.if %cond3A_148 {
        %dma_wait3A_164 = arith.constant 0 : i32
        %dma_wait3A_165 = tpu.memref_slice %arg3[%mul3A_2, %dma_wait3A_164] : memref<6272x128xi32, #tpu.memory_space<hbm>> -> memref<1x128xi32, #tpu.memory_space<hbm>>
        %dma_wait3A_166 = tpu.memref_squeeze %dma_wait3A_165 : memref<1x128xi32, #tpu.memory_space<hbm>> -> memref<128xi32, #tpu.memory_space<hbm>>
        %dma_wait3A_167 = arith.constant 0 : i32
        %dma_wait3A_168 = tpu.memref_slice %arg3[%mul3A_2, %dma_wait3A_167] : memref<6272x128xi32, #tpu.memory_space<hbm>> -> memref<1x128xi32, #tpu.memory_space<hbm>>
        %dma_wait3A_169 = tpu.memref_squeeze %dma_wait3A_168 : memref<1x128xi32, #tpu.memory_space<hbm>> -> memref<128xi32, #tpu.memory_space<hbm>>
        tpu.wait_dma2 semaphore(%arg19 : memref<!tpu.dma_semaphore, #tpu.memory_space<semaphore_mem>>) src(%dma_wait3A_169 : memref<128xi32, #tpu.memory_space<hbm>>) dst(%arg9 : memref<128xi32, #tpu.memory_space<vmem>>)
        %dma_wait3A_170 = arith.constant 0 : i32
        %dma_wait3A_171 = tpu.memref_slice %arg4[%mul3A_2, %dma_wait3A_170] : memref<6272x128xi32, #tpu.memory_space<hbm>> -> memref<1x128xi32, #tpu.memory_space<hbm>>
        %dma_wait3A_172 = tpu.memref_squeeze %dma_wait3A_171 : memref<1x128xi32, #tpu.memory_space<hbm>> -> memref<128xi32, #tpu.memory_space<hbm>>
        %dma_wait3A_173 = arith.constant 0 : i32
        %dma_wait3A_174 = tpu.memref_slice %arg4[%mul3A_2, %dma_wait3A_173] : memref<6272x128xi32, #tpu.memory_space<hbm>> -> memref<1x128xi32, #tpu.memory_space<hbm>>
        %dma_wait3A_175 = tpu.memref_squeeze %dma_wait3A_174 : memref<1x128xi32, #tpu.memory_space<hbm>> -> memref<128xi32, #tpu.memory_space<hbm>>
        tpu.wait_dma2 semaphore(%arg19 : memref<!tpu.dma_semaphore, #tpu.memory_space<semaphore_mem>>) src(%dma_wait3A_175 : memref<128xi32, #tpu.memory_space<hbm>>) dst(%arg11 : memref<128xi32, #tpu.memory_space<vmem>>)
        %dma_wait3A_176 = arith.constant 0 : i32
        %dma_wait3A_177 = arith.constant 0 : i32
        %dma_wait3A_178 = tpu.memref_slice %arg5[%mul3A_2, %dma_wait3A_176, %dma_wait3A_177] : memref<6272x32x128xf32, #tpu.memory_space<hbm>> -> memref<1x32x128xf32, #tpu.memory_space<hbm>>
        %dma_wait3A_179 = tpu.memref_squeeze %dma_wait3A_178 : memref<1x32x128xf32, #tpu.memory_space<hbm>> -> memref<32x128xf32, #tpu.memory_space<hbm>>
        %dma_wait3A_180 = arith.constant 0 : i32
        %dma_wait3A_181 = arith.constant 0 : i32
        %dma_wait3A_182 = tpu.memref_slice %arg5[%mul3A_2, %dma_wait3A_180, %dma_wait3A_181] : memref<6272x32x128xf32, #tpu.memory_space<hbm>> -> memref<1x32x128xf32, #tpu.memory_space<hbm>>
        %dma_wait3A_183 = tpu.memref_squeeze %dma_wait3A_182 : memref<1x32x128xf32, #tpu.memory_space<hbm>> -> memref<32x128xf32, #tpu.memory_space<hbm>>
        tpu.wait_dma2 semaphore(%arg19 : memref<!tpu.dma_semaphore, #tpu.memory_space<semaphore_mem>>) src(%dma_wait3A_183 : memref<32x128xf32, #tpu.memory_space<hbm>>) dst(%arg13 : memref<32x128xf32, #tpu.memory_space<vmem>>)
        %dma_start3A_184 = arith.constant 0 : i32
        %dma_start3A_185 = arith.constant 0 : i32
        %dma_start3A_186 = tpu.memref_slice %arg2[%dma_start3A_184, %dma_start3A_185] : memref<50176x32xf32, #tpu.memory_space<hbm>> -> memref<50176x32xf32, #tpu.memory_space<hbm>>
        tpu.enqueue_indirect_dma source(%dma_start3A_186 : memref<50176x32xf32, #tpu.memory_space<hbm>>) target(%arg15 : memref<128x32xf32, #tpu.memory_space<vmem>>) offsets(%arg9 : memref<128xi32, #tpu.memory_space<vmem>>) semaphore(%arg21 : memref<!tpu.dma_semaphore, #tpu.memory_space<semaphore_mem>>)
      } else {
      }
      %scan3A_149 = arith.constant 0 : i32
      %scan3A_150 = arith.constant 0 : i32
      %scan3A_151 = arith.constant 16 : i32
      %scan3A_152 = arith.addi %scan3A_150, %scan3A_151 : i32
      %scan3A_153 = arith.constant 1 : i32
      %scan3A_154 = scf.for %scan3A_164 = %scan3A_150 to %scan3A_152 step %scan3A_153 iter_args(%scan3A_165 = %scan3A_149) -> (i32)  : i32 {
        %mul3A_166 = arith.constant 2 : i32
        %mul3A_167 = arith.muli %scan3A_164, %mul3A_166 : i32
        %add3A_168 = arith.constant 0 : i32
        %add3A_169 = arith.addi %mul3A_167, %add3A_168 : i32
        %mul3A_170 = arith.constant 4 : i32
        %mul3A_171 = arith.muli %add3A_169, %mul3A_170 : i32
        %add3A_172 = arith.constant 0 : i32
        %add3A_173 = arith.addi %mul3A_171, %add3A_172 : i32
        %get3A = arith.index_cast %add3A_173 : i32 to index
        %get3A_174 = arith.constant 0 : index
        %get3A_175 = tpu.vector_load %arg16[%get3A, %get3A_174] {strides = array<i32>} : memref<128x32xf32, #tpu.memory_space<vmem>>, vector<1x16xf32>,
        %get3A_176 = vector.shape_cast %get3A_175 : vector<1x16xf32> to vector<16xf32>
        %get3A_177 = arith.index_cast %add3A_169 : i32 to index
        %get3A_178 = arith.constant 0 : index
        %get3A_179 = tpu.vector_load %arg14[%get3A_177, %get3A_178] {strides = array<i32>} : memref<32x128xf32, #tpu.memory_space<vmem>>, vector<1x16xf32>,
        %get3A_180 = vector.shape_cast %get3A_179 : vector<1x16xf32> to vector<16xf32>
        %mul3A_181 = arith.mulf %get3A_176, %get3A_180 : vector<16xf32>
        %swap3A = arith.index_cast %add3A_173 : i32 to index
        %swap3A_182 = arith.constant 0 : index
        %swap3A_183 = tpu.vector_load %arg17[%swap3A, %swap3A_182] {strides = array<i32>} : memref<128x32xf32, #tpu.memory_space<vmem>>, vector<1x16xf32>,
        %swap3A_184 = vector.shape_cast %swap3A_183 : vector<1x16xf32> to vector<16xf32>
        %swap3A_185 = vector.shape_cast %mul3A_181 : vector<16xf32> to vector<1x16xf32>
        tpu.vector_store %arg17[%swap3A, %swap3A_182], %swap3A_185 {strides = array<i32>} : memref<128x32xf32, #tpu.memory_space<vmem>>, vector<1x16xf32>,
        %get3A_186 = arith.index_cast %add3A_173 : i32 to index
        %get3A_187 = arith.constant 16 : index
        %get3A_188 = tpu.vector_load %arg16[%get3A_186, %get3A_187] {strides = array<i32>} : memref<128x32xf32, #tpu.memory_space<vmem>>, vector<1x16xf32>,
        %get3A_189 = vector.shape_cast %get3A_188 : vector<1x16xf32> to vector<16xf32>
        %get3A_190 = arith.index_cast %add3A_169 : i32 to index
        %get3A_191 = arith.constant 16 : index
        %get3A_192 = tpu.vector_load %arg14[%get3A_190, %get3A_191] {strides = array<i32>} : memref<32x128xf32, #tpu.memory_space<vmem>>, vector<1x16xf32>,
        %get3A_193 = vector.shape_cast %get3A_192 : vector<1x16xf32> to vector<16xf32>
        %mul3A_194 = arith.mulf %get3A_189, %get3A_193 : vector<16xf32>
        %swap3A_195 = arith.index_cast %add3A_173 : i32 to index
        %swap3A_196 = arith.constant 16 : index
        %swap3A_197 = tpu.vector_load %arg17[%swap3A_195, %swap3A_196] {strides = array<i32>} : memref<128x32xf32, #tpu.memory_space<vmem>>, vector<1x16xf32>,
        %swap3A_198 = vector.shape_cast %swap3A_197 : vector<1x16xf32> to vector<16xf32>
        %swap3A_199 = vector.shape_cast %mul3A_194 : vector<16xf32> to vector<1x16xf32>
        tpu.vector_store %arg17[%swap3A_195, %swap3A_196], %swap3A_199 {strides = array<i32>} : memref<128x32xf32, #tpu.memory_space<vmem>>, vector<1x16xf32>,
        %mul3A_200 = arith.constant 4 : i32
        %mul3A_201 = arith.muli %add3A_169, %mul3A_200 : i32
        %add3A_202 = arith.constant 1 : i32
        %add3A_203 = arith.addi %mul3A_201, %add3A_202 : i32
        %get3A_204 = arith.index_cast %add3A_203 : i32 to index
        %get3A_205 = arith.constant 0 : index
        %get3A_206 = tpu.vector_load %arg16[%get3A_204, %get3A_205] {strides = array<i32>} : memref<128x32xf32, #tpu.memory_space<vmem>>, vector<1x16xf32>,
        %get3A_207 = vector.shape_cast %get3A_206 : vector<1x16xf32> to vector<16xf32>
        %get3A_208 = arith.index_cast %add3A_169 : i32 to index
        %get3A_209 = arith.constant 32 : index
        %get3A_210 = tpu.vector_load %arg14[%get3A_208, %get3A_209] {strides = array<i32>} : memref<32x128xf32, #tpu.memory_space<vmem>>, vector<1x16xf32>,
        %get3A_211 = vector.shape_cast %get3A_210 : vector<1x16xf32> to vector<16xf32>
        %mul3A_212 = arith.mulf %get3A_207, %get3A_211 : vector<16xf32>
        %swap3A_213 = arith.index_cast %add3A_203 : i32 to index
        %swap3A_214 = arith.constant 0 : index
        %swap3A_215 = tpu.vector_load %arg17[%swap3A_213, %swap3A_214] {strides = array<i32>} : memref<128x32xf32, #tpu.memory_space<vmem>>, vector<1x16xf32>,
        %swap3A_216 = vector.shape_cast %swap3A_215 : vector<1x16xf32> to vector<16xf32>
        %swap3A_217 = vector.shape_cast %mul3A_212 : vector<16xf32> to vector<1x16xf32>
        tpu.vector_store %arg17[%swap3A_213, %swap3A_214], %swap3A_217 {strides = array<i32>} : memref<128x32xf32, #tpu.memory_space<vmem>>, vector<1x16xf32>,
        %get3A_218 = arith.index_cast %add3A_203 : i32 to index
        %get3A_219 = arith.constant 16 : index
        %get3A_220 = tpu.vector_load %arg16[%get3A_218, %get3A_219] {strides = array<i32>} : memref<128x32xf32, #tpu.memory_space<vmem>>, vector<1x16xf32>,
        %get3A_221 = vector.shape_cast %get3A_220 : vector<1x16xf32> to vector<16xf32>
        %get3A_222 = arith.index_cast %add3A_169 : i32 to index
        %get3A_223 = arith.constant 48 : index
        %get3A_224 = tpu.vector_load %arg14[%get3A_222, %get3A_223] {strides = array<i32>} : memref<32x128xf32, #tpu.memory_space<vmem>>, vector<1x16xf32>,
        %get3A_225 = vector.shape_cast %get3A_224 : vector<1x16xf32> to vector<16xf32>
        %mul3A_226 = arith.mulf %get3A_221, %get3A_225 : vector<16xf32>
        %swap3A_227 = arith.index_cast %add3A_203 : i32 to index
        %swap3A_228 = arith.constant 16 : index
        %swap3A_229 = tpu.vector_load %arg17[%swap3A_227, %swap3A_228] {strides = array<i32>} : memref<128x32xf32, #tpu.memory_space<vmem>>, vector<1x16xf32>,
        %swap3A_230 = vector.shape_cast %swap3A_229 : vector<1x16xf32> to vector<16xf32>
        %swap3A_231 = vector.shape_cast %mul3A_226 : vector<16xf32> to vector<1x16xf32>
        tpu.vector_store %arg17[%swap3A_227, %swap3A_228], %swap3A_231 {strides = array<i32>} : memref<128x32xf32, #tpu.memory_space<vmem>>, vector<1x16xf32>,
        %mul3A_232 = arith.constant 4 : i32
        %mul3A_233 = arith.muli %add3A_169, %mul3A_232 : i32
        %add3A_234 = arith.constant 2 : i32
        %add3A_235 = arith.addi %mul3A_233, %add3A_234 : i32
        %get3A_236 = arith.index_cast %add3A_235 : i32 to index
        %get3A_237 = arith.constant 0 : index
        %get3A_238 = tpu.vector_load %arg16[%get3A_236, %get3A_237] {strides = array<i32>} : memref<128x32xf32, #tpu.memory_space<vmem>>, vector<1x16xf32>,
        %get3A_239 = vector.shape_cast %get3A_238 : vector<1x16xf32> to vector<16xf32>
        %get3A_240 = arith.index_cast %add3A_169 : i32 to index
        %get3A_241 = arith.constant 64 : index
        %get3A_242 = tpu.vector_load %arg14[%get3A_240, %get3A_241] {strides = array<i32>} : memref<32x128xf32, #tpu.memory_space<vmem>>, vector<1x16xf32>,
        %get3A_243 = vector.shape_cast %get3A_242 : vector<1x16xf32> to vector<16xf32>
        %mul3A_244 = arith.mulf %get3A_239, %get3A_243 : vector<16xf32>
        %swap3A_245 = arith.index_cast %add3A_235 : i32 to index
        %swap3A_246 = arith.constant 0 : index
        %swap3A_247 = tpu.vector_load %arg17[%swap3A_245, %swap3A_246] {strides = array<i32>} : memref<128x32xf32, #tpu.memory_space<vmem>>, vector<1x16xf32>,
        %swap3A_248 = vector.shape_cast %swap3A_247 : vector<1x16xf32> to vector<16xf32>
        %swap3A_249 = vector.shape_cast %mul3A_244 : vector<16xf32> to vector<1x16xf32>
        tpu.vector_store %arg17[%swap3A_245, %swap3A_246], %swap3A_249 {strides = array<i32>} : memref<128x32xf32, #tpu.memory_space<vmem>>, vector<1x16xf32>,
        %get3A_250 = arith.index_cast %add3A_235 : i32 to index
        %get3A_251 = arith.constant 16 : index
        %get3A_252 = tpu.vector_load %arg16[%get3A_250, %get3A_251] {strides = array<i32>} : memref<128x32xf32, #tpu.memory_space<vmem>>, vector<1x16xf32>,
        %get3A_253 = vector.shape_cast %get3A_252 : vector<1x16xf32> to vector<16xf32>
        %get3A_254 = arith.index_cast %add3A_169 : i32 to index
        %get3A_255 = arith.constant 80 : index
        %get3A_256 = tpu.vector_load %arg14[%get3A_254, %get3A_255] {strides = array<i32>} : memref<32x128xf32, #tpu.memory_space<vmem>>, vector<1x16xf32>,
        %get3A_257 = vector.shape_cast %get3A_256 : vector<1x16xf32> to vector<16xf32>
        %mul3A_258 = arith.mulf %get3A_253, %get3A_257 : vector<16xf32>
        %swap3A_259 = arith.index_cast %add3A_235 : i32 to index
        %swap3A_260 = arith.constant 16 : index
        %swap3A_261 = tpu.vector_load %arg17[%swap3A_259, %swap3A_260] {strides = array<i32>} : memref<128x32xf32, #tpu.memory_space<vmem>>, vector<1x16xf32>,
        %swap3A_262 = vector.shape_cast %swap3A_261 : vector<1x16xf32> to vector<16xf32>
        %swap3A_263 = vector.shape_cast %mul3A_258 : vector<16xf32> to vector<1x16xf32>
        tpu.vector_store %arg17[%swap3A_259, %swap3A_260], %swap3A_263 {strides = array<i32>} : memref<128x32xf32, #tpu.memory_space<vmem>>, vector<1x16xf32>,
        %mul3A_264 = arith.constant 4 : i32
        %mul3A_265 = arith.muli %add3A_169, %mul3A_264 : i32
        %add3A_266 = arith.constant 3 : i32
        %add3A_267 = arith.addi %mul3A_265, %add3A_266 : i32
        %get3A_268 = arith.index_cast %add3A_267 : i32 to index
        %get3A_269 = arith.constant 0 : index
        %get3A_270 = tpu.vector_load %arg16[%get3A_268, %get3A_269] {strides = array<i32>} : memref<128x32xf32, #tpu.memory_space<vmem>>, vector<1x16xf32>,
        %get3A_271 = vector.shape_cast %get3A_270 : vector<1x16xf32> to vector<16xf32>
        %get3A_272 = arith.index_cast %add3A_169 : i32 to index
        %get3A_273 = arith.constant 96 : index
        %get3A_274 = tpu.vector_load %arg14[%get3A_272, %get3A_273] {strides = array<i32>} : memref<32x128xf32, #tpu.memory_space<vmem>>, vector<1x16xf32>,
        %get3A_275 = vector.shape_cast %get3A_274 : vector<1x16xf32> to vector<16xf32>
        %mul3A_276 = arith.mulf %get3A_271, %get3A_275 : vector<16xf32>
        %swap3A_277 = arith.index_cast %add3A_267 : i32 to index
        %swap3A_278 = arith.constant 0 : index
        %swap3A_279 = tpu.vector_load %arg17[%swap3A_277, %swap3A_278] {strides = array<i32>} : memref<128x32xf32, #tpu.memory_space<vmem>>, vector<1x16xf32>,
        %swap3A_280 = vector.shape_cast %swap3A_279 : vector<1x16xf32> to vector<16xf32>
        %swap3A_281 = vector.shape_cast %mul3A_276 : vector<16xf32> to vector<1x16xf32>
        tpu.vector_store %arg17[%swap3A_277, %swap3A_278], %swap3A_281 {strides = array<i32>} : memref<128x32xf32, #tpu.memory_space<vmem>>, vector<1x16xf32>,
        %get3A_282 = arith.index_cast %add3A_267 : i32 to index
        %get3A_283 = arith.constant 16 : index
        %get3A_284 = tpu.vector_load %arg16[%get3A_282, %get3A_283] {strides = array<i32>} : memref<128x32xf32, #tpu.memory_space<vmem>>, vector<1x16xf32>,
        %get3A_285 = vector.shape_cast %get3A_284 : vector<1x16xf32> to vector<16xf32>
        %get3A_286 = arith.index_cast %add3A_169 : i32 to index
        %get3A_287 = arith.constant 112 : index
        %get3A_288 = tpu.vector_load %arg14[%get3A_286, %get3A_287] {strides = array<i32>} : memref<32x128xf32, #tpu.memory_space<vmem>>, vector<1x16xf32>,
        %get3A_289 = vector.shape_cast %get3A_288 : vector<1x16xf32> to vector<16xf32>
        %mul3A_290 = arith.mulf %get3A_285, %get3A_289 : vector<16xf32>
        %swap3A_291 = arith.index_cast %add3A_267 : i32 to index
        %swap3A_292 = arith.constant 16 : index
        %swap3A_293 = tpu.vector_load %arg17[%swap3A_291, %swap3A_292] {strides = array<i32>} : memref<128x32xf32, #tpu.memory_space<vmem>>, vector<1x16xf32>,
        %swap3A_294 = vector.shape_cast %swap3A_293 : vector<1x16xf32> to vector<16xf32>
        %swap3A_295 = vector.shape_cast %mul3A_290 : vector<16xf32> to vector<1x16xf32>
        tpu.vector_store %arg17[%swap3A_291, %swap3A_292], %swap3A_295 {strides = array<i32>} : memref<128x32xf32, #tpu.memory_space<vmem>>, vector<1x16xf32>,
        %mul3A_296 = arith.constant 2 : i32
        %mul3A_297 = arith.muli %scan3A_164, %mul3A_296 : i32
        %add3A_298 = arith.constant 1 : i32
        %add3A_299 = arith.addi %mul3A_297, %add3A_298 : i32
        %mul3A_300 = arith.constant 4 : i32
        %mul3A_301 = arith.muli %add3A_299, %mul3A_300 : i32
        %add3A_302 = arith.constant 0 : i32
        %add3A_303 = arith.addi %mul3A_301, %add3A_302 : i32
        %get3A_304 = arith.index_cast %add3A_303 : i32 to index
        %get3A_305 = arith.constant 0 : index
        %get3A_306 = tpu.vector_load %arg16[%get3A_304, %get3A_305] {strides = array<i32>} : memref<128x32xf32, #tpu.memory_space<vmem>>, vector<1x16xf32>,
        %get3A_307 = vector.shape_cast %get3A_306 : vector<1x16xf32> to vector<16xf32>
        %get3A_308 = arith.index_cast %add3A_299 : i32 to index
        %get3A_309 = arith.constant 0 : index
        %get3A_310 = tpu.vector_load %arg14[%get3A_308, %get3A_309] {strides = array<i32>} : memref<32x128xf32, #tpu.memory_space<vmem>>, vector<1x16xf32>,
        %get3A_311 = vector.shape_cast %get3A_310 : vector<1x16xf32> to vector<16xf32>
        %mul3A_312 = arith.mulf %get3A_307, %get3A_311 : vector<16xf32>
        %swap3A_313 = arith.index_cast %add3A_303 : i32 to index
        %swap3A_314 = arith.constant 0 : index
        %swap3A_315 = tpu.vector_load %arg17[%swap3A_313, %swap3A_314] {strides = array<i32>} : memref<128x32xf32, #tpu.memory_space<vmem>>, vector<1x16xf32>,
        %swap3A_316 = vector.shape_cast %swap3A_315 : vector<1x16xf32> to vector<16xf32>
        %swap3A_317 = vector.shape_cast %mul3A_312 : vector<16xf32> to vector<1x16xf32>
        tpu.vector_store %arg17[%swap3A_313, %swap3A_314], %swap3A_317 {strides = array<i32>} : memref<128x32xf32, #tpu.memory_space<vmem>>, vector<1x16xf32>,
        %get3A_318 = arith.index_cast %add3A_303 : i32 to index
        %get3A_319 = arith.constant 16 : index
        %get3A_320 = tpu.vector_load %arg16[%get3A_318, %get3A_319] {strides = array<i32>} : memref<128x32xf32, #tpu.memory_space<vmem>>, vector<1x16xf32>,
        %get3A_321 = vector.shape_cast %get3A_320 : vector<1x16xf32> to vector<16xf32>
        %get3A_322 = arith.index_cast %add3A_299 : i32 to index
        %get3A_323 = arith.constant 16 : index
        %get3A_324 = tpu.vector_load %arg14[%get3A_322, %get3A_323] {strides = array<i32>} : memref<32x128xf32, #tpu.memory_space<vmem>>, vector<1x16xf32>,
        %get3A_325 = vector.shape_cast %get3A_324 : vector<1x16xf32> to vector<16xf32>
        %mul3A_326 = arith.mulf %get3A_321, %get3A_325 : vector<16xf32>
        %swap3A_327 = arith.index_cast %add3A_303 : i32 to index
        %swap3A_328 = arith.constant 16 : index
        %swap3A_329 = tpu.vector_load %arg17[%swap3A_327, %swap3A_328] {strides = array<i32>} : memref<128x32xf32, #tpu.memory_space<vmem>>, vector<1x16xf32>,
        %swap3A_330 = vector.shape_cast %swap3A_329 : vector<1x16xf32> to vector<16xf32>
        %swap3A_331 = vector.shape_cast %mul3A_326 : vector<16xf32> to vector<1x16xf32>
        tpu.vector_store %arg17[%swap3A_327, %swap3A_328], %swap3A_331 {strides = array<i32>} : memref<128x32xf32, #tpu.memory_space<vmem>>, vector<1x16xf32>,
        %mul3A_332 = arith.constant 4 : i32
        %mul3A_333 = arith.muli %add3A_299, %mul3A_332 : i32
        %add3A_334 = arith.constant 1 : i32
        %add3A_335 = arith.addi %mul3A_333, %add3A_334 : i32
        %get3A_336 = arith.index_cast %add3A_335 : i32 to index
        %get3A_337 = arith.constant 0 : index
        %get3A_338 = tpu.vector_load %arg16[%get3A_336, %get3A_337] {strides = array<i32>} : memref<128x32xf32, #tpu.memory_space<vmem>>, vector<1x16xf32>,
        %get3A_339 = vector.shape_cast %get3A_338 : vector<1x16xf32> to vector<16xf32>
        %get3A_340 = arith.index_cast %add3A_299 : i32 to index
        %get3A_341 = arith.constant 32 : index
        %get3A_342 = tpu.vector_load %arg14[%get3A_340, %get3A_341] {strides = array<i32>} : memref<32x128xf32, #tpu.memory_space<vmem>>, vector<1x16xf32>,
        %get3A_343 = vector.shape_cast %get3A_342 : vector<1x16xf32> to vector<16xf32>
        %mul3A_344 = arith.mulf %get3A_339, %get3A_343 : vector<16xf32>
        %swap3A_345 = arith.index_cast %add3A_335 : i32 to index
        %swap3A_346 = arith.constant 0 : index
        %swap3A_347 = tpu.vector_load %arg17[%swap3A_345, %swap3A_346] {strides = array<i32>} : memref<128x32xf32, #tpu.memory_space<vmem>>, vector<1x16xf32>,
        %swap3A_348 = vector.shape_cast %swap3A_347 : vector<1x16xf32> to vector<16xf32>
        %swap3A_349 = vector.shape_cast %mul3A_344 : vector<16xf32> to vector<1x16xf32>
        tpu.vector_store %arg17[%swap3A_345, %swap3A_346], %swap3A_349 {strides = array<i32>} : memref<128x32xf32, #tpu.memory_space<vmem>>, vector<1x16xf32>,
        %get3A_350 = arith.index_cast %add3A_335 : i32 to index
        %get3A_351 = arith.constant 16 : index
        %get3A_352 = tpu.vector_load %arg16[%get3A_350, %get3A_351] {strides = array<i32>} : memref<128x32xf32, #tpu.memory_space<vmem>>, vector<1x16xf32>,
        %get3A_353 = vector.shape_cast %get3A_352 : vector<1x16xf32> to vector<16xf32>
        %get3A_354 = arith.index_cast %add3A_299 : i32 to index
        %get3A_355 = arith.constant 48 : index
        %get3A_356 = tpu.vector_load %arg14[%get3A_354, %get3A_355] {strides = array<i32>} : memref<32x128xf32, #tpu.memory_space<vmem>>, vector<1x16xf32>,
        %get3A_357 = vector.shape_cast %get3A_356 : vector<1x16xf32> to vector<16xf32>
        %mul3A_358 = arith.mulf %get3A_353, %get3A_357 : vector<16xf32>
        %swap3A_359 = arith.index_cast %add3A_335 : i32 to index
        %swap3A_360 = arith.constant 16 : index
        %swap3A_361 = tpu.vector_load %arg17[%swap3A_359, %swap3A_360] {strides = array<i32>} : memref<128x32xf32, #tpu.memory_space<vmem>>, vector<1x16xf32>,
        %swap3A_362 = vector.shape_cast %swap3A_361 : vector<1x16xf32> to vector<16xf32>
        %swap3A_363 = vector.shape_cast %mul3A_358 : vector<16xf32> to vector<1x16xf32>
        tpu.vector_store %arg17[%swap3A_359, %swap3A_360], %swap3A_363 {strides = array<i32>} : memref<128x32xf32, #tpu.memory_space<vmem>>, vector<1x16xf32>,
        %mul3A_364 = arith.constant 4 : i32
        %mul3A_365 = arith.muli %add3A_299, %mul3A_364 : i32
        %add3A_366 = arith.constant 2 : i32
        %add3A_367 = arith.addi %mul3A_365, %add3A_366 : i32
        %get3A_368 = arith.index_cast %add3A_367 : i32 to index
        %get3A_369 = arith.constant 0 : index
        %get3A_370 = tpu.vector_load %arg16[%get3A_368, %get3A_369] {strides = array<i32>} : memref<128x32xf32, #tpu.memory_space<vmem>>, vector<1x16xf32>,
        %get3A_371 = vector.shape_cast %get3A_370 : vector<1x16xf32> to vector<16xf32>
        %get3A_372 = arith.index_cast %add3A_299 : i32 to index
        %get3A_373 = arith.constant 64 : index
        %get3A_374 = tpu.vector_load %arg14[%get3A_372, %get3A_373] {strides = array<i32>} : memref<32x128xf32, #tpu.memory_space<vmem>>, vector<1x16xf32>,
        %get3A_375 = vector.shape_cast %get3A_374 : vector<1x16xf32> to vector<16xf32>
        %mul3A_376 = arith.mulf %get3A_371, %get3A_375 : vector<16xf32>
        %swap3A_377 = arith.index_cast %add3A_367 : i32 to index
        %swap3A_378 = arith.constant 0 : index
        %swap3A_379 = tpu.vector_load %arg17[%swap3A_377, %swap3A_378] {strides = array<i32>} : memref<128x32xf32, #tpu.memory_space<vmem>>, vector<1x16xf32>,
        %swap3A_380 = vector.shape_cast %swap3A_379 : vector<1x16xf32> to vector<16xf32>
        %swap3A_381 = vector.shape_cast %mul3A_376 : vector<16xf32> to vector<1x16xf32>
        tpu.vector_store %arg17[%swap3A_377, %swap3A_378], %swap3A_381 {strides = array<i32>} : memref<128x32xf32, #tpu.memory_space<vmem>>, vector<1x16xf32>,
        %get3A_382 = arith.index_cast %add3A_367 : i32 to index
        %get3A_383 = arith.constant 16 : index
        %get3A_384 = tpu.vector_load %arg16[%get3A_382, %get3A_383] {strides = array<i32>} : memref<128x32xf32, #tpu.memory_space<vmem>>, vector<1x16xf32>,
        %get3A_385 = vector.shape_cast %get3A_384 : vector<1x16xf32> to vector<16xf32>
        %get3A_386 = arith.index_cast %add3A_299 : i32 to index
        %get3A_387 = arith.constant 80 : index
        %get3A_388 = tpu.vector_load %arg14[%get3A_386, %get3A_387] {strides = array<i32>} : memref<32x128xf32, #tpu.memory_space<vmem>>, vector<1x16xf32>,
        %get3A_389 = vector.shape_cast %get3A_388 : vector<1x16xf32> to vector<16xf32>
        %mul3A_390 = arith.mulf %get3A_385, %get3A_389 : vector<16xf32>
        %swap3A_391 = arith.index_cast %add3A_367 : i32 to index
        %swap3A_392 = arith.constant 16 : index
        %swap3A_393 = tpu.vector_load %arg17[%swap3A_391, %swap3A_392] {strides = array<i32>} : memref<128x32xf32, #tpu.memory_space<vmem>>, vector<1x16xf32>,
        %swap3A_394 = vector.shape_cast %swap3A_393 : vector<1x16xf32> to vector<16xf32>
        %swap3A_395 = vector.shape_cast %mul3A_390 : vector<16xf32> to vector<1x16xf32>
        tpu.vector_store %arg17[%swap3A_391, %swap3A_392], %swap3A_395 {strides = array<i32>} : memref<128x32xf32, #tpu.memory_space<vmem>>, vector<1x16xf32>,
        %mul3A_396 = arith.constant 4 : i32
        %mul3A_397 = arith.muli %add3A_299, %mul3A_396 : i32
        %add3A_398 = arith.constant 3 : i32
        %add3A_399 = arith.addi %mul3A_397, %add3A_398 : i32
        %get3A_400 = arith.index_cast %add3A_399 : i32 to index
        %get3A_401 = arith.constant 0 : index
        %get3A_402 = tpu.vector_load %arg16[%get3A_400, %get3A_401] {strides = array<i32>} : memref<128x32xf32, #tpu.memory_space<vmem>>, vector<1x16xf32>,
        %get3A_403 = vector.shape_cast %get3A_402 : vector<1x16xf32> to vector<16xf32>
        %get3A_404 = arith.index_cast %add3A_299 : i32 to index
        %get3A_405 = arith.constant 96 : index
        %get3A_406 = tpu.vector_load %arg14[%get3A_404, %get3A_405] {strides = array<i32>} : memref<32x128xf32, #tpu.memory_space<vmem>>, vector<1x16xf32>,
        %get3A_407 = vector.shape_cast %get3A_406 : vector<1x16xf32> to vector<16xf32>
        %mul3A_408 = arith.mulf %get3A_403, %get3A_407 : vector<16xf32>
        %swap3A_409 = arith.index_cast %add3A_399 : i32 to index
        %swap3A_410 = arith.constant 0 : index
        %swap3A_411 = tpu.vector_load %arg17[%swap3A_409, %swap3A_410] {strides = array<i32>} : memref<128x32xf32, #tpu.memory_space<vmem>>, vector<1x16xf32>,
        %swap3A_412 = vector.shape_cast %swap3A_411 : vector<1x16xf32> to vector<16xf32>
        %swap3A_413 = vector.shape_cast %mul3A_408 : vector<16xf32> to vector<1x16xf32>
        tpu.vector_store %arg17[%swap3A_409, %swap3A_410], %swap3A_413 {strides = array<i32>} : memref<128x32xf32, #tpu.memory_space<vmem>>, vector<1x16xf32>,
        %get3A_414 = arith.index_cast %add3A_399 : i32 to index
        %get3A_415 = arith.constant 16 : index
        %get3A_416 = tpu.vector_load %arg16[%get3A_414, %get3A_415] {strides = array<i32>} : memref<128x32xf32, #tpu.memory_space<vmem>>, vector<1x16xf32>,
        %get3A_417 = vector.shape_cast %get3A_416 : vector<1x16xf32> to vector<16xf32>
        %get3A_418 = arith.index_cast %add3A_299 : i32 to index
        %get3A_419 = arith.constant 112 : index
        %get3A_420 = tpu.vector_load %arg14[%get3A_418, %get3A_419] {strides = array<i32>} : memref<32x128xf32, #tpu.memory_space<vmem>>, vector<1x16xf32>,
        %get3A_421 = vector.shape_cast %get3A_420 : vector<1x16xf32> to vector<16xf32>
        %mul3A_422 = arith.mulf %get3A_417, %get3A_421 : vector<16xf32>
        %swap3A_423 = arith.index_cast %add3A_399 : i32 to index
        %swap3A_424 = arith.constant 16 : index
        %swap3A_425 = tpu.vector_load %arg17[%swap3A_423, %swap3A_424] {strides = array<i32>} : memref<128x32xf32, #tpu.memory_space<vmem>>, vector<1x16xf32>,
        %swap3A_426 = vector.shape_cast %swap3A_425 : vector<1x16xf32> to vector<16xf32>
        %swap3A_427 = vector.shape_cast %mul3A_422 : vector<16xf32> to vector<1x16xf32>
        tpu.vector_store %arg17[%swap3A_423, %swap3A_424], %swap3A_427 {strides = array<i32>} : memref<128x32xf32, #tpu.memory_space<vmem>>, vector<1x16xf32>,
        %scan3A_428 = arith.constant 0 : i32
        scf.yield %scan3A_428 : i32
      }
      %scan3A_155 = arith.constant 16 : i32
      "tpu.region"() ({
        %run_scoped3A = tpu.sem_alloc : memref<!tpu.dma_semaphore, #tpu.memory_space<semaphore_mem>>
        %dma_start3A_164 = arith.constant 0 : i32
        %dma_start3A_165 = arith.constant 0 : i32
        %dma_start3A_166 = tpu.memref_slice %arg8[%dma_start3A_164, %dma_start3A_165] : memref<50176x32xf32, #tpu.memory_space<vmem_shared>> -> memref<50176x32xf32, #tpu.memory_space<vmem_shared>>
        tpu.enqueue_indirect_dma source(%arg17 : memref<128x32xf32, #tpu.memory_space<vmem>>) target(%dma_start3A_166 : memref<50176x32xf32, #tpu.memory_space<vmem_shared>>) offsets(%arg12 : memref<128xi32, #tpu.memory_space<vmem>>) semaphore(%run_scoped3A : memref<!tpu.dma_semaphore, #tpu.memory_space<semaphore_mem>>) {add = true}
        %dma_wait3A_167 = arith.constant 0 : i32
        %dma_wait3A_168 = arith.constant 0 : i32
        %dma_wait3A_169 = tpu.memref_slice %arg8[%dma_wait3A_167, %dma_wait3A_168] : memref<50176x32xf32, #tpu.memory_space<vmem_shared>> -> memref<50176x32xf32, #tpu.memory_space<vmem_shared>>
        tpu.wait_indirect_dma semaphore(%run_scoped3A : memref<!tpu.dma_semaphore, #tpu.memory_space<semaphore_mem>>) src(%arg17 : memref<128x32xf32, #tpu.memory_space<vmem>>) dst(%dma_wait3A_169 : memref<50176x32xf32, #tpu.memory_space<vmem_shared>>)
        tpu.yield
      }) : () -> ()
      %add3A_156 = arith.constant 2 : i32
      %add3A_157 = arith.addi %add3A_138, %add3A_156 : i32
      %lt3A_158 = arith.constant 196 : i32
      %lt3A_159 = arith.cmpi slt, %add3A_157, %lt3A_158 : i32
      %convert_element_type3A_160 = arith.extui %lt3A_159 : i1 to i32
      %cond3A_161 = arith.constant 0 : i32
      %cond3A_162 = arith.cmpi ne, %convert_element_type3A_160, %cond3A_161 : i32
      scf.if %cond3A_162 {
        %add3A_164 = arith.constant 2 : i32
        %add3A_165 = arith.addi %add3A_138, %add3A_164 : i32
        %add3A_166 = arith.addi %mul3A_2, %add3A_165 : i32
        %dma_start3A_167 = arith.constant 0 : i32
        %dma_start3A_168 = tpu.memref_slice %arg3[%add3A_166, %dma_start3A_167] : memref<6272x128xi32, #tpu.memory_space<hbm>> -> memref<1x128xi32, #tpu.memory_space<hbm>>
        %dma_start3A_169 = tpu.memref_squeeze %dma_start3A_168 : memref<1x128xi32, #tpu.memory_space<hbm>> -> memref<128xi32, #tpu.memory_space<hbm>>
        %dma_start3A_170 = arith.constant 0 : i32
        %dma_start3A_171 = tpu.memref_slice %arg3[%add3A_166, %dma_start3A_170] : memref<6272x128xi32, #tpu.memory_space<hbm>> -> memref<1x128xi32, #tpu.memory_space<hbm>>
        %dma_start3A_172 = tpu.memref_squeeze %dma_start3A_171 : memref<1x128xi32, #tpu.memory_space<hbm>> -> memref<128xi32, #tpu.memory_space<hbm>>
        tpu.enqueue_dma source(%dma_start3A_172 : memref<128xi32, #tpu.memory_space<hbm>>) target(%arg10 : memref<128xi32, #tpu.memory_space<vmem>>) target_semaphore(%arg20 : memref<!tpu.dma_semaphore, #tpu.memory_space<semaphore_mem>>)
        %add3A_173 = arith.addi %mul3A_2, %add3A_165 : i32
        %dma_start3A_174 = arith.constant 0 : i32
        %dma_start3A_175 = tpu.memref_slice %arg4[%add3A_173, %dma_start3A_174] : memref<6272x128xi32, #tpu.memory_space<hbm>> -> memref<1x128xi32, #tpu.memory_space<hbm>>
        %dma_start3A_176 = tpu.memref_squeeze %dma_start3A_175 : memref<1x128xi32, #tpu.memory_space<hbm>> -> memref<128xi32, #tpu.memory_space<hbm>>
        %dma_start3A_177 = arith.constant 0 : i32
        %dma_start3A_178 = tpu.memref_slice %arg4[%add3A_173, %dma_start3A_177] : memref<6272x128xi32, #tpu.memory_space<hbm>> -> memref<1x128xi32, #tpu.memory_space<hbm>>
        %dma_start3A_179 = tpu.memref_squeeze %dma_start3A_178 : memref<1x128xi32, #tpu.memory_space<hbm>> -> memref<128xi32, #tpu.memory_space<hbm>>
        tpu.enqueue_dma source(%dma_start3A_179 : memref<128xi32, #tpu.memory_space<hbm>>) target(%arg12 : memref<128xi32, #tpu.memory_space<vmem>>) target_semaphore(%arg20 : memref<!tpu.dma_semaphore, #tpu.memory_space<semaphore_mem>>)
        %add3A_180 = arith.addi %mul3A_2, %add3A_165 : i32
        %dma_start3A_181 = arith.constant 0 : i32
        %dma_start3A_182 = arith.constant 0 : i32
        %dma_start3A_183 = tpu.memref_slice %arg5[%add3A_180, %dma_start3A_181, %dma_start3A_182] : memref<6272x32x128xf32, #tpu.memory_space<hbm>> -> memref<1x32x128xf32, #tpu.memory_space<hbm>>
        %dma_start3A_184 = tpu.memref_squeeze %dma_start3A_183 : memref<1x32x128xf32, #tpu.memory_space<hbm>> -> memref<32x128xf32, #tpu.memory_space<hbm>>
        %dma_start3A_185 = arith.constant 0 : i32
        %dma_start3A_186 = arith.constant 0 : i32
        %dma_start3A_187 = tpu.memref_slice %arg5[%add3A_180, %dma_start3A_185, %dma_start3A_186] : memref<6272x32x128xf32, #tpu.memory_space<hbm>> -> memref<1x32x128xf32, #tpu.memory_space<hbm>>
        %dma_start3A_188 = tpu.memref_squeeze %dma_start3A_187 : memref<1x32x128xf32, #tpu.memory_space<hbm>> -> memref<32x128xf32, #tpu.memory_space<hbm>>
        tpu.enqueue_dma source(%dma_start3A_188 : memref<32x128xf32, #tpu.memory_space<hbm>>) target(%arg14 : memref<32x128xf32, #tpu.memory_space<vmem>>) target_semaphore(%arg20 : memref<!tpu.dma_semaphore, #tpu.memory_space<semaphore_mem>>)
      } else {
      }
      %scan3A_163 = arith.constant 0 : i32
      scf.yield %scan3A_163 : i32
    }
    %scan3A_95 = arith.constant 98 : i32
    %barrier3A_96 = arith.constant 0 : index
    tpu.barrier barrier_id(%barrier3A_96)
    %mul3A_97 = arith.constant 3136 : i32
    %mul3A_98 = arith.muli %arg1, %mul3A_97 : i32
    %eq3A = arith.constant 0 : i32
    %eq3A_99 = arith.cmpi eq, %arg0, %eq3A : i32
    %convert_element_type3A = arith.extui %eq3A_99 : i1 to i32
    %cond3A = arith.constant 0 : i32
    %cond3A_100 = arith.cmpi ne, %convert_element_type3A, %cond3A : i32
    scf.if %cond3A_100 {
      "tpu.region"() ({
        %run_scoped3A = tpu.sem_alloc : memref<!tpu.dma_semaphore, #tpu.memory_space<semaphore_mem>>
        %dma_start3A_106 = arith.constant 0 : i32
        %dma_start3A_107 = tpu.memref_slice %arg6[%mul3A_98, %dma_start3A_106] : memref<50176x32xf32, #tpu.memory_space<hbm>> -> memref<3136x32xf32, #tpu.memory_space<hbm>>
        %dma_start3A_108 = arith.constant 0 : i32
        %dma_start3A_109 = tpu.memref_slice %arg8[%mul3A_98, %dma_start3A_108] : memref<50176x32xf32, #tpu.memory_space<vmem_shared>> -> memref<3136x32xf32, #tpu.memory_space<vmem_shared>>
        tpu.enqueue_dma source(%dma_start3A_109 : memref<3136x32xf32, #tpu.memory_space<vmem_shared>>) target(%dma_start3A_107 : memref<3136x32xf32, #tpu.memory_space<hbm>>) target_semaphore(%run_scoped3A : memref<!tpu.dma_semaphore, #tpu.memory_space<semaphore_mem>>)
        %dma_wait3A_110 = arith.constant 0 : i32
        %dma_wait3A_111 = tpu.memref_slice %arg6[%mul3A_98, %dma_wait3A_110] : memref<50176x32xf32, #tpu.memory_space<hbm>> -> memref<3136x32xf32, #tpu.memory_space<hbm>>
        %dma_wait3A_112 = arith.constant 0 : i32
        %dma_wait3A_113 = tpu.memref_slice %arg8[%mul3A_98, %dma_wait3A_112] : memref<50176x32xf32, #tpu.memory_space<vmem_shared>> -> memref<3136x32xf32, #tpu.memory_space<vmem_shared>>
        tpu.wait_dma2 semaphore(%run_scoped3A : memref<!tpu.dma_semaphore, #tpu.memory_space<semaphore_mem>>) src(%dma_wait3A_113 : memref<3136x32xf32, #tpu.memory_space<vmem_shared>>) dst(%dma_wait3A_111 : memref<3136x32xf32, #tpu.memory_space<hbm>>)
        tpu.yield
      }) : () -> ()
    } else {
    }
    %eq3A_101 = arith.constant 1 : i32
    %eq3A_102 = arith.cmpi eq, %arg0, %eq3A_101 : i32
    %convert_element_type3A_103 = arith.extui %eq3A_102 : i1 to i32
    %cond3A_104 = arith.constant 0 : i32
    %cond3A_105 = arith.cmpi ne, %convert_element_type3A_103, %cond3A_104 : i32
    scf.if %cond3A_105 {
      "tpu.region"() ({
        %run_scoped3A = tpu.sem_alloc : memref<!tpu.dma_semaphore, #tpu.memory_space<semaphore_mem>>
        %dma_start3A_106 = arith.constant 0 : i32
        %dma_start3A_107 = tpu.memref_slice %arg7[%mul3A_98, %dma_start3A_106] : memref<50176x32xf32, #tpu.memory_space<hbm>> -> memref<3136x32xf32, #tpu.memory_space<hbm>>
        %dma_start3A_108 = arith.constant 0 : i32
        %dma_start3A_109 = tpu.memref_slice %arg8[%mul3A_98, %dma_start3A_108] : memref<50176x32xf32, #tpu.memory_space<vmem_shared>> -> memref<3136x32xf32, #tpu.memory_space<vmem_shared>>
        tpu.enqueue_dma source(%dma_start3A_109 : memref<3136x32xf32, #tpu.memory_space<vmem_shared>>) target(%dma_start3A_107 : memref<3136x32xf32, #tpu.memory_space<hbm>>) target_semaphore(%run_scoped3A : memref<!tpu.dma_semaphore, #tpu.memory_space<semaphore_mem>>)
        %dma_wait3A_110 = arith.constant 0 : i32
        %dma_wait3A_111 = tpu.memref_slice %arg7[%mul3A_98, %dma_wait3A_110] : memref<50176x32xf32, #tpu.memory_space<hbm>> -> memref<3136x32xf32, #tpu.memory_space<hbm>>
        %dma_wait3A_112 = arith.constant 0 : i32
        %dma_wait3A_113 = tpu.memref_slice %arg8[%mul3A_98, %dma_wait3A_112] : memref<50176x32xf32, #tpu.memory_space<vmem_shared>> -> memref<3136x32xf32, #tpu.memory_space<vmem_shared>>
        tpu.wait_dma2 semaphore(%run_scoped3A : memref<!tpu.dma_semaphore, #tpu.memory_space<semaphore_mem>>) src(%dma_wait3A_113 : memref<3136x32xf32, #tpu.memory_space<vmem_shared>>) dst(%dma_wait3A_111 : memref<3136x32xf32, #tpu.memory_space<hbm>>)
        tpu.yield
      }) : () -> ()
    } else {
    }
    return
  }
}

#map = affine_map<(d0, d1) -> (0, 0)>
#map1 = affine_map<(d0, d1) -> (0, 0, 0)>
module attributes {stable_mosaic.version = 14 : i64} {
  func.func @_sc_body(%arg0: i32, %arg1: i32, %arg2: memref<50176x32xf32, #tpu.memory_space<hbm>>, %arg3: memref<6272x128xi32, #tpu.memory_space<hbm>>, %arg4: memref<6272x128xi32, #tpu.memory_space<hbm>>, %arg5: memref<6272x32x128xf32, #tpu.memory_space<hbm>>, %arg6: memref<50176x32xf32, #tpu.memory_space<hbm>>, %arg7: memref<50176x32xf32, #tpu.memory_space<hbm>>, %arg8: memref<50176x32xf32, #tpu.memory_space<vmem_shared>>, %arg9: memref<128xi32, #tpu.memory_space<vmem>>, %arg10: memref<128xi32, #tpu.memory_space<vmem>>, %arg11: memref<128xi32, #tpu.memory_space<vmem>>, %arg12: memref<128xi32, #tpu.memory_space<vmem>>, %arg13: memref<32x128xf32, #tpu.memory_space<vmem>>, %arg14: memref<32x128xf32, #tpu.memory_space<vmem>>, %arg15: memref<128x32xf32, #tpu.memory_space<vmem>>, %arg16: memref<128x32xf32, #tpu.memory_space<vmem>>, %arg17: memref<128x32xf32, #tpu.memory_space<vmem>>, %arg18: memref<196x32xf32, #tpu.memory_space<vmem>>, %arg19: memref<!tpu.dma_semaphore, #tpu.memory_space<semaphore_mem>>, %arg20: memref<!tpu.dma_semaphore, #tpu.memory_space<semaphore_mem>>, %arg21: memref<!tpu.dma_semaphore, #tpu.memory_space<semaphore_mem>>, %arg22: memref<!tpu.dma_semaphore, #tpu.memory_space<semaphore_mem>>) attributes {dimension_semantics = [#tpu.dimension_semantics<core_parallel>, #tpu.dimension_semantics<subcore_parallel>], iteration_bounds = array<i64: 2, 16>, scalar_prefetch = 0 : i64, scratch_operands = 15 : i64, tpu.core_type = #tpu.core_type<sc_vector_subcore>, window_params = [{transform_indices = #map}, {transform_indices = #map}, {transform_indices = #map}, {transform_indices = #map1}, {transform_indices = #map}, {transform_indices = #map}]} {
    %mul3A = arith.constant 16 : i32
    %mul3A_0 = arith.muli %arg0, %mul3A : i32
    %add3A = arith.addi %mul3A_0, %arg1 : i32
    %mul3A_1 = arith.constant 196 : i32
    %mul3A_2 = arith.muli %add3A, %mul3A_1 : i32
    %add3A_3 = arith.constant 0 : i32
    %add3A_4 = arith.addi %mul3A_2, %add3A_3 : i32
    %dma_start3A = arith.constant 0 : i32
    %dma_start3A_5 = tpu.memref_slice %arg3[%add3A_4, %dma_start3A] : memref<6272x128xi32, #tpu.memory_space<hbm>> -> memref<1x128xi32, #tpu.memory_space<hbm>>
    %dma_start3A_6 = tpu.memref_squeeze %dma_start3A_5 : memref<1x128xi32, #tpu.memory_space<hbm>> -> memref<128xi32, #tpu.memory_space<hbm>>
    %dma_start3A_7 = arith.constant 0 : i32
    %dma_start3A_8 = tpu.memref_slice %arg3[%add3A_4, %dma_start3A_7] : memref<6272x128xi32, #tpu.memory_space<hbm>> -> memref<1x128xi32, #tpu.memory_space<hbm>>
    %dma_start3A_9 = tpu.memref_squeeze %dma_start3A_8 : memref<1x128xi32, #tpu.memory_space<hbm>> -> memref<128xi32, #tpu.memory_space<hbm>>
    tpu.enqueue_dma source(%dma_start3A_9 : memref<128xi32, #tpu.memory_space<hbm>>) target(%arg9 : memref<128xi32, #tpu.memory_space<vmem>>) target_semaphore(%arg19 : memref<!tpu.dma_semaphore, #tpu.memory_space<semaphore_mem>>)
    %add3A_10 = arith.constant 0 : i32
    %add3A_11 = arith.addi %mul3A_2, %add3A_10 : i32
    %dma_start3A_12 = arith.constant 0 : i32
    %dma_start3A_13 = tpu.memref_slice %arg4[%add3A_11, %dma_start3A_12] : memref<6272x128xi32, #tpu.memory_space<hbm>> -> memref<1x128xi32, #tpu.memory_space<hbm>>
    %dma_start3A_14 = tpu.memref_squeeze %dma_start3A_13 : memref<1x128xi32, #tpu.memory_space<hbm>> -> memref<128xi32, #tpu.memory_space<hbm>>
    %dma_start3A_15 = arith.constant 0 : i32
    %dma_start3A_16 = tpu.memref_slice %arg4[%add3A_11, %dma_start3A_15] : memref<6272x128xi32, #tpu.memory_space<hbm>> -> memref<1x128xi32, #tpu.memory_space<hbm>>
    %dma_start3A_17 = tpu.memref_squeeze %dma_start3A_16 : memref<1x128xi32, #tpu.memory_space<hbm>> -> memref<128xi32, #tpu.memory_space<hbm>>
    tpu.enqueue_dma source(%dma_start3A_17 : memref<128xi32, #tpu.memory_space<hbm>>) target(%arg11 : memref<128xi32, #tpu.memory_space<vmem>>) target_semaphore(%arg19 : memref<!tpu.dma_semaphore, #tpu.memory_space<semaphore_mem>>)
    %add3A_18 = arith.constant 0 : i32
    %add3A_19 = arith.addi %mul3A_2, %add3A_18 : i32
    %dma_start3A_20 = arith.constant 0 : i32
    %dma_start3A_21 = arith.constant 0 : i32
    %dma_start3A_22 = tpu.memref_slice %arg5[%add3A_19, %dma_start3A_20, %dma_start3A_21] : memref<6272x32x128xf32, #tpu.memory_space<hbm>> -> memref<1x32x128xf32, #tpu.memory_space<hbm>>
    %dma_start3A_23 = tpu.memref_squeeze %dma_start3A_22 : memref<1x32x128xf32, #tpu.memory_space<hbm>> -> memref<32x128xf32, #tpu.memory_space<hbm>>
    %dma_start3A_24 = arith.constant 0 : i32
    %dma_start3A_25 = arith.constant 0 : i32
    %dma_start3A_26 = tpu.memref_slice %arg5[%add3A_19, %dma_start3A_24, %dma_start3A_25] : memref<6272x32x128xf32, #tpu.memory_space<hbm>> -> memref<1x32x128xf32, #tpu.memory_space<hbm>>
    %dma_start3A_27 = tpu.memref_squeeze %dma_start3A_26 : memref<1x32x128xf32, #tpu.memory_space<hbm>> -> memref<32x128xf32, #tpu.memory_space<hbm>>
    tpu.enqueue_dma source(%dma_start3A_27 : memref<32x128xf32, #tpu.memory_space<hbm>>) target(%arg13 : memref<32x128xf32, #tpu.memory_space<vmem>>) target_semaphore(%arg19 : memref<!tpu.dma_semaphore, #tpu.memory_space<semaphore_mem>>)
    %scan3A = arith.constant 0 : i32
    %scan3A_28 = arith.constant 0 : i32
    %scan3A_29 = arith.constant 196 : i32
    %scan3A_30 = arith.addi %scan3A_28, %scan3A_29 : i32
    %scan3A_31 = arith.constant 1 : i32
    %scan3A_32 = scf.for %scan3A_106 = %scan3A_28 to %scan3A_30 step %scan3A_31 iter_args(%scan3A_107 = %scan3A) -> (i32)  : i32 {
      %broadcast_in_dim3A = arith.constant 0.000000e+00 : f32
      %broadcast_in_dim3A_108 = vector.broadcast %broadcast_in_dim3A : f32 to vector<16xf32>
      %swap3A = arith.index_cast %scan3A_106 : i32 to index
      %swap3A_109 = arith.constant 0 : index
      %swap3A_110 = tpu.vector_load %arg18[%swap3A, %swap3A_109] {strides = array<i32>} : memref<196x32xf32, #tpu.memory_space<vmem>>, vector<1x16xf32>,
      %swap3A_111 = vector.shape_cast %swap3A_110 : vector<1x16xf32> to vector<16xf32>
      %swap3A_112 = vector.shape_cast %broadcast_in_dim3A_108 : vector<16xf32> to vector<1x16xf32>
      tpu.vector_store %arg18[%swap3A, %swap3A_109], %swap3A_112 {strides = array<i32>} : memref<196x32xf32, #tpu.memory_space<vmem>>, vector<1x16xf32>,
      %broadcast_in_dim3A_113 = arith.constant 0.000000e+00 : f32
      %broadcast_in_dim3A_114 = vector.broadcast %broadcast_in_dim3A_113 : f32 to vector<16xf32>
      %swap3A_115 = arith.index_cast %scan3A_106 : i32 to index
      %swap3A_116 = arith.constant 16 : index
      %swap3A_117 = tpu.vector_load %arg18[%swap3A_115, %swap3A_116] {strides = array<i32>} : memref<196x32xf32, #tpu.memory_space<vmem>>, vector<1x16xf32>,
      %swap3A_118 = vector.shape_cast %swap3A_117 : vector<1x16xf32> to vector<16xf32>
      %swap3A_119 = vector.shape_cast %broadcast_in_dim3A_114 : vector<16xf32> to vector<1x16xf32>
      tpu.vector_store %arg18[%swap3A_115, %swap3A_116], %swap3A_119 {strides = array<i32>} : memref<196x32xf32, #tpu.memory_space<vmem>>, vector<1x16xf32>,
      %scan3A_120 = arith.constant 0 : i32
      scf.yield %scan3A_120 : i32
    }
    %scan3A_33 = arith.constant 196 : i32
    %scan3A_34 = arith.constant 0 : i32
    %scan3A_35 = arith.constant 0 : i32
    %scan3A_36 = arith.constant 16 : i32
    %scan3A_37 = arith.addi %scan3A_35, %scan3A_36 : i32
    %scan3A_38 = arith.constant 1 : i32
    %scan3A_39 = scf.for %scan3A_106 = %scan3A_35 to %scan3A_37 step %scan3A_38 iter_args(%scan3A_107 = %scan3A_34) -> (i32)  : i32 {
      %mul3A_108 = arith.constant 3136 : i32
      %mul3A_109 = arith.muli %arg1, %mul3A_108 : i32
      %mul3A_110 = arith.constant 196 : i32
      %mul3A_111 = arith.muli %scan3A_106, %mul3A_110 : i32
      %add3A_112 = arith.addi %mul3A_109, %mul3A_111 : i32
      "tpu.region"() ({
        %run_scoped3A = tpu.sem_alloc : memref<!tpu.dma_semaphore, #tpu.memory_space<semaphore_mem>>
        %dma_start3A_114 = arith.constant 0 : i32
        %dma_start3A_115 = tpu.memref_slice %arg8[%add3A_112, %dma_start3A_114] : memref<50176x32xf32, #tpu.memory_space<vmem_shared>> -> memref<196x32xf32, #tpu.memory_space<vmem_shared>>
        %dma_start3A_116 = arith.constant 0 : i32
        %dma_start3A_117 = tpu.memref_slice %arg8[%add3A_112, %dma_start3A_116] : memref<50176x32xf32, #tpu.memory_space<vmem_shared>> -> memref<196x32xf32, #tpu.memory_space<vmem_shared>>
        tpu.enqueue_dma source(%arg18 : memref<196x32xf32, #tpu.memory_space<vmem>>) target(%dma_start3A_117 : memref<196x32xf32, #tpu.memory_space<vmem_shared>>) target_semaphore(%run_scoped3A : memref<!tpu.dma_semaphore, #tpu.memory_space<semaphore_mem>>)
        %dma_wait3A_118 = arith.constant 0 : i32
        %dma_wait3A_119 = tpu.memref_slice %arg8[%add3A_112, %dma_wait3A_118] : memref<50176x32xf32, #tpu.memory_space<vmem_shared>> -> memref<196x32xf32, #tpu.memory_space<vmem_shared>>
        %dma_wait3A_120 = arith.constant 0 : i32
        %dma_wait3A_121 = tpu.memref_slice %arg8[%add3A_112, %dma_wait3A_120] : memref<50176x32xf32, #tpu.memory_space<vmem_shared>> -> memref<196x32xf32, #tpu.memory_space<vmem_shared>>
        tpu.wait_dma2 semaphore(%run_scoped3A : memref<!tpu.dma_semaphore, #tpu.memory_space<semaphore_mem>>) src(%arg18 : memref<196x32xf32, #tpu.memory_space<vmem>>) dst(%dma_wait3A_121 : memref<196x32xf32, #tpu.memory_space<vmem_shared>>)
        tpu.yield
      }) : () -> ()
      %scan3A_113 = arith.constant 0 : i32
      scf.yield %scan3A_113 : i32
    }
    %scan3A_40 = arith.constant 16 : i32
    %dma_wait3A = arith.constant 0 : i32
    %dma_wait3A_41 = tpu.memref_slice %arg3[%mul3A_2, %dma_wait3A] : memref<6272x128xi32, #tpu.memory_space<hbm>> -> memref<1x128xi32, #tpu.memory_space<hbm>>
    %dma_wait3A_42 = tpu.memref_squeeze %dma_wait3A_41 : memref<1x128xi32, #tpu.memory_space<hbm>> -> memref<128xi32, #tpu.memory_space<hbm>>
    %dma_wait3A_43 = arith.constant 0 : i32
    %dma_wait3A_44 = tpu.memref_slice %arg3[%mul3A_2, %dma_wait3A_43] : memref<6272x128xi32, #tpu.memory_space<hbm>> -> memref<1x128xi32, #tpu.memory_space<hbm>>
    %dma_wait3A_45 = tpu.memref_squeeze %dma_wait3A_44 : memref<1x128xi32, #tpu.memory_space<hbm>> -> memref<128xi32, #tpu.memory_space<hbm>>
    tpu.wait_dma2 semaphore(%arg19 : memref<!tpu.dma_semaphore, #tpu.memory_space<semaphore_mem>>) src(%dma_wait3A_45 : memref<128xi32, #tpu.memory_space<hbm>>) dst(%arg9 : memref<128xi32, #tpu.memory_space<vmem>>)
    %dma_wait3A_46 = arith.constant 0 : i32
    %dma_wait3A_47 = tpu.memref_slice %arg4[%mul3A_2, %dma_wait3A_46] : memref<6272x128xi32, #tpu.memory_space<hbm>> -> memref<1x128xi32, #tpu.memory_space<hbm>>
    %dma_wait3A_48 = tpu.memref_squeeze %dma_wait3A_47 : memref<1x128xi32, #tpu.memory_space<hbm>> -> memref<128xi32, #tpu.memory_space<hbm>>
    %dma_wait3A_49 = arith.constant 0 : i32
    %dma_wait3A_50 = tpu.memref_slice %arg4[%mul3A_2, %dma_wait3A_49] : memref<6272x128xi32, #tpu.memory_space<hbm>> -> memref<1x128xi32, #tpu.memory_space<hbm>>
    %dma_wait3A_51 = tpu.memref_squeeze %dma_wait3A_50 : memref<1x128xi32, #tpu.memory_space<hbm>> -> memref<128xi32, #tpu.memory_space<hbm>>
    tpu.wait_dma2 semaphore(%arg19 : memref<!tpu.dma_semaphore, #tpu.memory_space<semaphore_mem>>) src(%dma_wait3A_51 : memref<128xi32, #tpu.memory_space<hbm>>) dst(%arg11 : memref<128xi32, #tpu.memory_space<vmem>>)
    %dma_wait3A_52 = arith.constant 0 : i32
    %dma_wait3A_53 = arith.constant 0 : i32
    %dma_wait3A_54 = tpu.memref_slice %arg5[%mul3A_2, %dma_wait3A_52, %dma_wait3A_53] : memref<6272x32x128xf32, #tpu.memory_space<hbm>> -> memref<1x32x128xf32, #tpu.memory_space<hbm>>
    %dma_wait3A_55 = tpu.memref_squeeze %dma_wait3A_54 : memref<1x32x128xf32, #tpu.memory_space<hbm>> -> memref<32x128xf32, #tpu.memory_space<hbm>>
    %dma_wait3A_56 = arith.constant 0 : i32
    %dma_wait3A_57 = arith.constant 0 : i32
    %dma_wait3A_58 = tpu.memref_slice %arg5[%mul3A_2, %dma_wait3A_56, %dma_wait3A_57] : memref<6272x32x128xf32, #tpu.memory_space<hbm>> -> memref<1x32x128xf32, #tpu.memory_space<hbm>>
    %dma_wait3A_59 = tpu.memref_squeeze %dma_wait3A_58 : memref<1x32x128xf32, #tpu.memory_space<hbm>> -> memref<32x128xf32, #tpu.memory_space<hbm>>
    tpu.wait_dma2 semaphore(%arg19 : memref<!tpu.dma_semaphore, #tpu.memory_space<semaphore_mem>>) src(%dma_wait3A_59 : memref<32x128xf32, #tpu.memory_space<hbm>>) dst(%arg13 : memref<32x128xf32, #tpu.memory_space<vmem>>)
    %dma_start3A_60 = arith.constant 0 : i32
    %dma_start3A_61 = arith.constant 0 : i32
    %dma_start3A_62 = tpu.memref_slice %arg2[%dma_start3A_60, %dma_start3A_61] : memref<50176x32xf32, #tpu.memory_space<hbm>> -> memref<50176x32xf32, #tpu.memory_space<hbm>>
    tpu.enqueue_indirect_dma source(%dma_start3A_62 : memref<50176x32xf32, #tpu.memory_space<hbm>>) target(%arg15 : memref<128x32xf32, #tpu.memory_space<vmem>>) offsets(%arg9 : memref<128xi32, #tpu.memory_space<vmem>>) semaphore(%arg21 : memref<!tpu.dma_semaphore, #tpu.memory_space<semaphore_mem>>)
    %add3A_63 = arith.constant 1 : i32
    %add3A_64 = arith.addi %mul3A_2, %add3A_63 : i32
    %dma_start3A_65 = arith.constant 0 : i32
    %dma_start3A_66 = tpu.memref_slice %arg3[%add3A_64, %dma_start3A_65] : memref<6272x128xi32, #tpu.memory_space<hbm>> -> memref<1x128xi32, #tpu.memory_space<hbm>>
    %dma_start3A_67 = tpu.memref_squeeze %dma_start3A_66 : memref<1x128xi32, #tpu.memory_space<hbm>> -> memref<128xi32, #tpu.memory_space<hbm>>
    %dma_start3A_68 = arith.constant 0 : i32
    %dma_start3A_69 = tpu.memref_slice %arg3[%add3A_64, %dma_start3A_68] : memref<6272x128xi32, #tpu.memory_space<hbm>> -> memref<1x128xi32, #tpu.memory_space<hbm>>
    %dma_start3A_70 = tpu.memref_squeeze %dma_start3A_69 : memref<1x128xi32, #tpu.memory_space<hbm>> -> memref<128xi32, #tpu.memory_space<hbm>>
    tpu.enqueue_dma source(%dma_start3A_70 : memref<128xi32, #tpu.memory_space<hbm>>) target(%arg10 : memref<128xi32, #tpu.memory_space<vmem>>) target_semaphore(%arg20 : memref<!tpu.dma_semaphore, #tpu.memory_space<semaphore_mem>>)
    %add3A_71 = arith.constant 1 : i32
    %add3A_72 = arith.addi %mul3A_2, %add3A_71 : i32
    %dma_start3A_73 = arith.constant 0 : i32
    %dma_start3A_74 = tpu.memref_slice %arg4[%add3A_72, %dma_start3A_73] : memref<6272x128xi32, #tpu.memory_space<hbm>> -> memref<1x128xi32, #tpu.memory_space<hbm>>
    %dma_start3A_75 = tpu.memref_squeeze %dma_start3A_74 : memref<1x128xi32, #tpu.memory_space<hbm>> -> memref<128xi32, #tpu.memory_space<hbm>>
    %dma_start3A_76 = arith.constant 0 : i32
    %dma_start3A_77 = tpu.memref_slice %arg4[%add3A_72, %dma_start3A_76] : memref<6272x128xi32, #tpu.memory_space<hbm>> -> memref<1x128xi32, #tpu.memory_space<hbm>>
    %dma_start3A_78 = tpu.memref_squeeze %dma_start3A_77 : memref<1x128xi32, #tpu.memory_space<hbm>> -> memref<128xi32, #tpu.memory_space<hbm>>
    tpu.enqueue_dma source(%dma_start3A_78 : memref<128xi32, #tpu.memory_space<hbm>>) target(%arg12 : memref<128xi32, #tpu.memory_space<vmem>>) target_semaphore(%arg20 : memref<!tpu.dma_semaphore, #tpu.memory_space<semaphore_mem>>)
    %add3A_79 = arith.constant 1 : i32
    %add3A_80 = arith.addi %mul3A_2, %add3A_79 : i32
    %dma_start3A_81 = arith.constant 0 : i32
    %dma_start3A_82 = arith.constant 0 : i32
    %dma_start3A_83 = tpu.memref_slice %arg5[%add3A_80, %dma_start3A_81, %dma_start3A_82] : memref<6272x32x128xf32, #tpu.memory_space<hbm>> -> memref<1x32x128xf32, #tpu.memory_space<hbm>>
    %dma_start3A_84 = tpu.memref_squeeze %dma_start3A_83 : memref<1x32x128xf32, #tpu.memory_space<hbm>> -> memref<32x128xf32, #tpu.memory_space<hbm>>
    %dma_start3A_85 = arith.constant 0 : i32
    %dma_start3A_86 = arith.constant 0 : i32
    %dma_start3A_87 = tpu.memref_slice %arg5[%add3A_80, %dma_start3A_85, %dma_start3A_86] : memref<6272x32x128xf32, #tpu.memory_space<hbm>> -> memref<1x32x128xf32, #tpu.memory_space<hbm>>
    %dma_start3A_88 = tpu.memref_squeeze %dma_start3A_87 : memref<1x32x128xf32, #tpu.memory_space<hbm>> -> memref<32x128xf32, #tpu.memory_space<hbm>>
    tpu.enqueue_dma source(%dma_start3A_88 : memref<32x128xf32, #tpu.memory_space<hbm>>) target(%arg14 : memref<32x128xf32, #tpu.memory_space<vmem>>) target_semaphore(%arg20 : memref<!tpu.dma_semaphore, #tpu.memory_space<semaphore_mem>>)
    %barrier3A = arith.constant 0 : index
    tpu.barrier barrier_id(%barrier3A)
    %scan3A_89 = arith.constant 0 : i32
    %scan3A_90 = arith.constant 0 : i32
    %scan3A_91 = arith.constant 98 : i32
    %scan3A_92 = arith.addi %scan3A_90, %scan3A_91 : i32
    %scan3A_93 = arith.constant 1 : i32
    %scan3A_94 = scf.for %scan3A_106 = %scan3A_90 to %scan3A_92 step %scan3A_93 iter_args(%scan3A_107 = %scan3A_89) -> (i32)  : i32 {
      %mul3A_108 = arith.constant 2 : i32
      %mul3A_109 = arith.muli %mul3A_108, %scan3A_106 : i32
      %add3A_110 = arith.constant 0 : i32
      %add3A_111 = arith.addi %mul3A_109, %add3A_110 : i32
      %dma_wait3A_112 = arith.constant 0 : i32
      %dma_wait3A_113 = arith.constant 0 : i32
      %dma_wait3A_114 = tpu.memref_slice %arg2[%dma_wait3A_112, %dma_wait3A_113] : memref<50176x32xf32, #tpu.memory_space<hbm>> -> memref<50176x32xf32, #tpu.memory_space<hbm>>
      tpu.wait_indirect_dma semaphore(%arg21 : memref<!tpu.dma_semaphore, #tpu.memory_space<semaphore_mem>>) src(%dma_wait3A_114 : memref<50176x32xf32, #tpu.memory_space<hbm>>) dst(%arg15 : memref<128x32xf32, #tpu.memory_space<vmem>>)
      %add3A_115 = arith.constant 1 : i32
      %add3A_116 = arith.addi %add3A_111, %add3A_115 : i32
      %lt3A = arith.constant 196 : i32
      %lt3A_117 = arith.cmpi slt, %add3A_116, %lt3A : i32
      %convert_element_type3A_118 = arith.extui %lt3A_117 : i1 to i32
      %cond3A_119 = arith.constant 0 : i32
      %cond3A_120 = arith.cmpi ne, %convert_element_type3A_118, %cond3A_119 : i32
      scf.if %cond3A_120 {
        %dma_wait3A_164 = arith.constant 0 : i32
        %dma_wait3A_165 = tpu.memref_slice %arg3[%mul3A_2, %dma_wait3A_164] : memref<6272x128xi32, #tpu.memory_space<hbm>> -> memref<1x128xi32, #tpu.memory_space<hbm>>
        %dma_wait3A_166 = tpu.memref_squeeze %dma_wait3A_165 : memref<1x128xi32, #tpu.memory_space<hbm>> -> memref<128xi32, #tpu.memory_space<hbm>>
        %dma_wait3A_167 = arith.constant 0 : i32
        %dma_wait3A_168 = tpu.memref_slice %arg3[%mul3A_2, %dma_wait3A_167] : memref<6272x128xi32, #tpu.memory_space<hbm>> -> memref<1x128xi32, #tpu.memory_space<hbm>>
        %dma_wait3A_169 = tpu.memref_squeeze %dma_wait3A_168 : memref<1x128xi32, #tpu.memory_space<hbm>> -> memref<128xi32, #tpu.memory_space<hbm>>
        tpu.wait_dma2 semaphore(%arg20 : memref<!tpu.dma_semaphore, #tpu.memory_space<semaphore_mem>>) src(%dma_wait3A_169 : memref<128xi32, #tpu.memory_space<hbm>>) dst(%arg10 : memref<128xi32, #tpu.memory_space<vmem>>)
        %dma_wait3A_170 = arith.constant 0 : i32
        %dma_wait3A_171 = tpu.memref_slice %arg4[%mul3A_2, %dma_wait3A_170] : memref<6272x128xi32, #tpu.memory_space<hbm>> -> memref<1x128xi32, #tpu.memory_space<hbm>>
        %dma_wait3A_172 = tpu.memref_squeeze %dma_wait3A_171 : memref<1x128xi32, #tpu.memory_space<hbm>> -> memref<128xi32, #tpu.memory_space<hbm>>
        %dma_wait3A_173 = arith.constant 0 : i32
        %dma_wait3A_174 = tpu.memref_slice %arg4[%mul3A_2, %dma_wait3A_173] : memref<6272x128xi32, #tpu.memory_space<hbm>> -> memref<1x128xi32, #tpu.memory_space<hbm>>
        %dma_wait3A_175 = tpu.memref_squeeze %dma_wait3A_174 : memref<1x128xi32, #tpu.memory_space<hbm>> -> memref<128xi32, #tpu.memory_space<hbm>>
        tpu.wait_dma2 semaphore(%arg20 : memref<!tpu.dma_semaphore, #tpu.memory_space<semaphore_mem>>) src(%dma_wait3A_175 : memref<128xi32, #tpu.memory_space<hbm>>) dst(%arg12 : memref<128xi32, #tpu.memory_space<vmem>>)
        %dma_wait3A_176 = arith.constant 0 : i32
        %dma_wait3A_177 = arith.constant 0 : i32
        %dma_wait3A_178 = tpu.memref_slice %arg5[%mul3A_2, %dma_wait3A_176, %dma_wait3A_177] : memref<6272x32x128xf32, #tpu.memory_space<hbm>> -> memref<1x32x128xf32, #tpu.memory_space<hbm>>
        %dma_wait3A_179 = tpu.memref_squeeze %dma_wait3A_178 : memref<1x32x128xf32, #tpu.memory_space<hbm>> -> memref<32x128xf32, #tpu.memory_space<hbm>>
        %dma_wait3A_180 = arith.constant 0 : i32
        %dma_wait3A_181 = arith.constant 0 : i32
        %dma_wait3A_182 = tpu.memref_slice %arg5[%mul3A_2, %dma_wait3A_180, %dma_wait3A_181] : memref<6272x32x128xf32, #tpu.memory_space<hbm>> -> memref<1x32x128xf32, #tpu.memory_space<hbm>>
        %dma_wait3A_183 = tpu.memref_squeeze %dma_wait3A_182 : memref<1x32x128xf32, #tpu.memory_space<hbm>> -> memref<32x128xf32, #tpu.memory_space<hbm>>
        tpu.wait_dma2 semaphore(%arg20 : memref<!tpu.dma_semaphore, #tpu.memory_space<semaphore_mem>>) src(%dma_wait3A_183 : memref<32x128xf32, #tpu.memory_space<hbm>>) dst(%arg14 : memref<32x128xf32, #tpu.memory_space<vmem>>)
        %dma_start3A_184 = arith.constant 0 : i32
        %dma_start3A_185 = arith.constant 0 : i32
        %dma_start3A_186 = tpu.memref_slice %arg2[%dma_start3A_184, %dma_start3A_185] : memref<50176x32xf32, #tpu.memory_space<hbm>> -> memref<50176x32xf32, #tpu.memory_space<hbm>>
        tpu.enqueue_indirect_dma source(%dma_start3A_186 : memref<50176x32xf32, #tpu.memory_space<hbm>>) target(%arg16 : memref<128x32xf32, #tpu.memory_space<vmem>>) offsets(%arg10 : memref<128xi32, #tpu.memory_space<vmem>>) semaphore(%arg22 : memref<!tpu.dma_semaphore, #tpu.memory_space<semaphore_mem>>)
      } else {
      }
      %scan3A_121 = arith.constant 0 : i32
      %scan3A_122 = arith.constant 0 : i32
      %scan3A_123 = arith.constant 16 : i32
      %scan3A_124 = arith.addi %scan3A_122, %scan3A_123 : i32
      %scan3A_125 = arith.constant 1 : i32
      %scan3A_126 = scf.for %scan3A_164 = %scan3A_122 to %scan3A_124 step %scan3A_125 iter_args(%scan3A_165 = %scan3A_121) -> (i32)  : i32 {
        %mul3A_166 = arith.constant 2 : i32
        %mul3A_167 = arith.muli %scan3A_164, %mul3A_166 : i32
        %add3A_168 = arith.constant 0 : i32
        %add3A_169 = arith.addi %mul3A_167, %add3A_168 : i32
        %mul3A_170 = arith.constant 4 : i32
        %mul3A_171 = arith.muli %add3A_169, %mul3A_170 : i32
        %add3A_172 = arith.constant 0 : i32
        %add3A_173 = arith.addi %mul3A_171, %add3A_172 : i32
        %get3A = arith.index_cast %add3A_173 : i32 to index
        %get3A_174 = arith.constant 0 : index
        %get3A_175 = tpu.vector_load %arg15[%get3A, %get3A_174] {strides = array<i32>} : memref<128x32xf32, #tpu.memory_space<vmem>>, vector<1x16xf32>,
        %get3A_176 = vector.shape_cast %get3A_175 : vector<1x16xf32> to vector<16xf32>
        %get3A_177 = arith.index_cast %add3A_169 : i32 to index
        %get3A_178 = arith.constant 0 : index
        %get3A_179 = tpu.vector_load %arg13[%get3A_177, %get3A_178] {strides = array<i32>} : memref<32x128xf32, #tpu.memory_space<vmem>>, vector<1x16xf32>,
        %get3A_180 = vector.shape_cast %get3A_179 : vector<1x16xf32> to vector<16xf32>
        %mul3A_181 = arith.mulf %get3A_176, %get3A_180 : vector<16xf32>
        %swap3A = arith.index_cast %add3A_173 : i32 to index
        %swap3A_182 = arith.constant 0 : index
        %swap3A_183 = tpu.vector_load %arg17[%swap3A, %swap3A_182] {strides = array<i32>} : memref<128x32xf32, #tpu.memory_space<vmem>>, vector<1x16xf32>,
        %swap3A_184 = vector.shape_cast %swap3A_183 : vector<1x16xf32> to vector<16xf32>
        %swap3A_185 = vector.shape_cast %mul3A_181 : vector<16xf32> to vector<1x16xf32>
        tpu.vector_store %arg17[%swap3A, %swap3A_182], %swap3A_185 {strides = array<i32>} : memref<128x32xf32, #tpu.memory_space<vmem>>, vector<1x16xf32>,
        %get3A_186 = arith.index_cast %add3A_173 : i32 to index
        %get3A_187 = arith.constant 16 : index
        %get3A_188 = tpu.vector_load %arg15[%get3A_186, %get3A_187] {strides = array<i32>} : memref<128x32xf32, #tpu.memory_space<vmem>>, vector<1x16xf32>,
        %get3A_189 = vector.shape_cast %get3A_188 : vector<1x16xf32> to vector<16xf32>
        %get3A_190 = arith.index_cast %add3A_169 : i32 to index
        %get3A_191 = arith.constant 16 : index
        %get3A_192 = tpu.vector_load %arg13[%get3A_190, %get3A_191] {strides = array<i32>} : memref<32x128xf32, #tpu.memory_space<vmem>>, vector<1x16xf32>,
        %get3A_193 = vector.shape_cast %get3A_192 : vector<1x16xf32> to vector<16xf32>
        %mul3A_194 = arith.mulf %get3A_189, %get3A_193 : vector<16xf32>
        %swap3A_195 = arith.index_cast %add3A_173 : i32 to index
        %swap3A_196 = arith.constant 16 : index
        %swap3A_197 = tpu.vector_load %arg17[%swap3A_195, %swap3A_196] {strides = array<i32>} : memref<128x32xf32, #tpu.memory_space<vmem>>, vector<1x16xf32>,
        %swap3A_198 = vector.shape_cast %swap3A_197 : vector<1x16xf32> to vector<16xf32>
        %swap3A_199 = vector.shape_cast %mul3A_194 : vector<16xf32> to vector<1x16xf32>
        tpu.vector_store %arg17[%swap3A_195, %swap3A_196], %swap3A_199 {strides = array<i32>} : memref<128x32xf32, #tpu.memory_space<vmem>>, vector<1x16xf32>,
        %mul3A_200 = arith.constant 4 : i32
        %mul3A_201 = arith.muli %add3A_169, %mul3A_200 : i32
        %add3A_202 = arith.constant 1 : i32
        %add3A_203 = arith.addi %mul3A_201, %add3A_202 : i32
        %get3A_204 = arith.index_cast %add3A_203 : i32 to index
        %get3A_205 = arith.constant 0 : index
        %get3A_206 = tpu.vector_load %arg15[%get3A_204, %get3A_205] {strides = array<i32>} : memref<128x32xf32, #tpu.memory_space<vmem>>, vector<1x16xf32>,
        %get3A_207 = vector.shape_cast %get3A_206 : vector<1x16xf32> to vector<16xf32>
        %get3A_208 = arith.index_cast %add3A_169 : i32 to index
        %get3A_209 = arith.constant 32 : index
        %get3A_210 = tpu.vector_load %arg13[%get3A_208, %get3A_209] {strides = array<i32>} : memref<32x128xf32, #tpu.memory_space<vmem>>, vector<1x16xf32>,
        %get3A_211 = vector.shape_cast %get3A_210 : vector<1x16xf32> to vector<16xf32>
        %mul3A_212 = arith.mulf %get3A_207, %get3A_211 : vector<16xf32>
        %swap3A_213 = arith.index_cast %add3A_203 : i32 to index
        %swap3A_214 = arith.constant 0 : index
        %swap3A_215 = tpu.vector_load %arg17[%swap3A_213, %swap3A_214] {strides = array<i32>} : memref<128x32xf32, #tpu.memory_space<vmem>>, vector<1x16xf32>,
        %swap3A_216 = vector.shape_cast %swap3A_215 : vector<1x16xf32> to vector<16xf32>
        %swap3A_217 = vector.shape_cast %mul3A_212 : vector<16xf32> to vector<1x16xf32>
        tpu.vector_store %arg17[%swap3A_213, %swap3A_214], %swap3A_217 {strides = array<i32>} : memref<128x32xf32, #tpu.memory_space<vmem>>, vector<1x16xf32>,
        %get3A_218 = arith.index_cast %add3A_203 : i32 to index
        %get3A_219 = arith.constant 16 : index
        %get3A_220 = tpu.vector_load %arg15[%get3A_218, %get3A_219] {strides = array<i32>} : memref<128x32xf32, #tpu.memory_space<vmem>>, vector<1x16xf32>,
        %get3A_221 = vector.shape_cast %get3A_220 : vector<1x16xf32> to vector<16xf32>
        %get3A_222 = arith.index_cast %add3A_169 : i32 to index
        %get3A_223 = arith.constant 48 : index
        %get3A_224 = tpu.vector_load %arg13[%get3A_222, %get3A_223] {strides = array<i32>} : memref<32x128xf32, #tpu.memory_space<vmem>>, vector<1x16xf32>,
        %get3A_225 = vector.shape_cast %get3A_224 : vector<1x16xf32> to vector<16xf32>
        %mul3A_226 = arith.mulf %get3A_221, %get3A_225 : vector<16xf32>
        %swap3A_227 = arith.index_cast %add3A_203 : i32 to index
        %swap3A_228 = arith.constant 16 : index
        %swap3A_229 = tpu.vector_load %arg17[%swap3A_227, %swap3A_228] {strides = array<i32>} : memref<128x32xf32, #tpu.memory_space<vmem>>, vector<1x16xf32>,
        %swap3A_230 = vector.shape_cast %swap3A_229 : vector<1x16xf32> to vector<16xf32>
        %swap3A_231 = vector.shape_cast %mul3A_226 : vector<16xf32> to vector<1x16xf32>
        tpu.vector_store %arg17[%swap3A_227, %swap3A_228], %swap3A_231 {strides = array<i32>} : memref<128x32xf32, #tpu.memory_space<vmem>>, vector<1x16xf32>,
        %mul3A_232 = arith.constant 4 : i32
        %mul3A_233 = arith.muli %add3A_169, %mul3A_232 : i32
        %add3A_234 = arith.constant 2 : i32
        %add3A_235 = arith.addi %mul3A_233, %add3A_234 : i32
        %get3A_236 = arith.index_cast %add3A_235 : i32 to index
        %get3A_237 = arith.constant 0 : index
        %get3A_238 = tpu.vector_load %arg15[%get3A_236, %get3A_237] {strides = array<i32>} : memref<128x32xf32, #tpu.memory_space<vmem>>, vector<1x16xf32>,
        %get3A_239 = vector.shape_cast %get3A_238 : vector<1x16xf32> to vector<16xf32>
        %get3A_240 = arith.index_cast %add3A_169 : i32 to index
        %get3A_241 = arith.constant 64 : index
        %get3A_242 = tpu.vector_load %arg13[%get3A_240, %get3A_241] {strides = array<i32>} : memref<32x128xf32, #tpu.memory_space<vmem>>, vector<1x16xf32>,
        %get3A_243 = vector.shape_cast %get3A_242 : vector<1x16xf32> to vector<16xf32>
        %mul3A_244 = arith.mulf %get3A_239, %get3A_243 : vector<16xf32>
        %swap3A_245 = arith.index_cast %add3A_235 : i32 to index
        %swap3A_246 = arith.constant 0 : index
        %swap3A_247 = tpu.vector_load %arg17[%swap3A_245, %swap3A_246] {strides = array<i32>} : memref<128x32xf32, #tpu.memory_space<vmem>>, vector<1x16xf32>,
        %swap3A_248 = vector.shape_cast %swap3A_247 : vector<1x16xf32> to vector<16xf32>
        %swap3A_249 = vector.shape_cast %mul3A_244 : vector<16xf32> to vector<1x16xf32>
        tpu.vector_store %arg17[%swap3A_245, %swap3A_246], %swap3A_249 {strides = array<i32>} : memref<128x32xf32, #tpu.memory_space<vmem>>, vector<1x16xf32>,
        %get3A_250 = arith.index_cast %add3A_235 : i32 to index
        %get3A_251 = arith.constant 16 : index
        %get3A_252 = tpu.vector_load %arg15[%get3A_250, %get3A_251] {strides = array<i32>} : memref<128x32xf32, #tpu.memory_space<vmem>>, vector<1x16xf32>,
        %get3A_253 = vector.shape_cast %get3A_252 : vector<1x16xf32> to vector<16xf32>
        %get3A_254 = arith.index_cast %add3A_169 : i32 to index
        %get3A_255 = arith.constant 80 : index
        %get3A_256 = tpu.vector_load %arg13[%get3A_254, %get3A_255] {strides = array<i32>} : memref<32x128xf32, #tpu.memory_space<vmem>>, vector<1x16xf32>,
        %get3A_257 = vector.shape_cast %get3A_256 : vector<1x16xf32> to vector<16xf32>
        %mul3A_258 = arith.mulf %get3A_253, %get3A_257 : vector<16xf32>
        %swap3A_259 = arith.index_cast %add3A_235 : i32 to index
        %swap3A_260 = arith.constant 16 : index
        %swap3A_261 = tpu.vector_load %arg17[%swap3A_259, %swap3A_260] {strides = array<i32>} : memref<128x32xf32, #tpu.memory_space<vmem>>, vector<1x16xf32>,
        %swap3A_262 = vector.shape_cast %swap3A_261 : vector<1x16xf32> to vector<16xf32>
        %swap3A_263 = vector.shape_cast %mul3A_258 : vector<16xf32> to vector<1x16xf32>
        tpu.vector_store %arg17[%swap3A_259, %swap3A_260], %swap3A_263 {strides = array<i32>} : memref<128x32xf32, #tpu.memory_space<vmem>>, vector<1x16xf32>,
        %mul3A_264 = arith.constant 4 : i32
        %mul3A_265 = arith.muli %add3A_169, %mul3A_264 : i32
        %add3A_266 = arith.constant 3 : i32
        %add3A_267 = arith.addi %mul3A_265, %add3A_266 : i32
        %get3A_268 = arith.index_cast %add3A_267 : i32 to index
        %get3A_269 = arith.constant 0 : index
        %get3A_270 = tpu.vector_load %arg15[%get3A_268, %get3A_269] {strides = array<i32>} : memref<128x32xf32, #tpu.memory_space<vmem>>, vector<1x16xf32>,
        %get3A_271 = vector.shape_cast %get3A_270 : vector<1x16xf32> to vector<16xf32>
        %get3A_272 = arith.index_cast %add3A_169 : i32 to index
        %get3A_273 = arith.constant 96 : index
        %get3A_274 = tpu.vector_load %arg13[%get3A_272, %get3A_273] {strides = array<i32>} : memref<32x128xf32, #tpu.memory_space<vmem>>, vector<1x16xf32>,
        %get3A_275 = vector.shape_cast %get3A_274 : vector<1x16xf32> to vector<16xf32>
        %mul3A_276 = arith.mulf %get3A_271, %get3A_275 : vector<16xf32>
        %swap3A_277 = arith.index_cast %add3A_267 : i32 to index
        %swap3A_278 = arith.constant 0 : index
        %swap3A_279 = tpu.vector_load %arg17[%swap3A_277, %swap3A_278] {strides = array<i32>} : memref<128x32xf32, #tpu.memory_space<vmem>>, vector<1x16xf32>,
        %swap3A_280 = vector.shape_cast %swap3A_279 : vector<1x16xf32> to vector<16xf32>
        %swap3A_281 = vector.shape_cast %mul3A_276 : vector<16xf32> to vector<1x16xf32>
        tpu.vector_store %arg17[%swap3A_277, %swap3A_278], %swap3A_281 {strides = array<i32>} : memref<128x32xf32, #tpu.memory_space<vmem>>, vector<1x16xf32>,
        %get3A_282 = arith.index_cast %add3A_267 : i32 to index
        %get3A_283 = arith.constant 16 : index
        %get3A_284 = tpu.vector_load %arg15[%get3A_282, %get3A_283] {strides = array<i32>} : memref<128x32xf32, #tpu.memory_space<vmem>>, vector<1x16xf32>,
        %get3A_285 = vector.shape_cast %get3A_284 : vector<1x16xf32> to vector<16xf32>
        %get3A_286 = arith.index_cast %add3A_169 : i32 to index
        %get3A_287 = arith.constant 112 : index
        %get3A_288 = tpu.vector_load %arg13[%get3A_286, %get3A_287] {strides = array<i32>} : memref<32x128xf32, #tpu.memory_space<vmem>>, vector<1x16xf32>,
        %get3A_289 = vector.shape_cast %get3A_288 : vector<1x16xf32> to vector<16xf32>
        %mul3A_290 = arith.mulf %get3A_285, %get3A_289 : vector<16xf32>
        %swap3A_291 = arith.index_cast %add3A_267 : i32 to index
        %swap3A_292 = arith.constant 16 : index
        %swap3A_293 = tpu.vector_load %arg17[%swap3A_291, %swap3A_292] {strides = array<i32>} : memref<128x32xf32, #tpu.memory_space<vmem>>, vector<1x16xf32>,
        %swap3A_294 = vector.shape_cast %swap3A_293 : vector<1x16xf32> to vector<16xf32>
        %swap3A_295 = vector.shape_cast %mul3A_290 : vector<16xf32> to vector<1x16xf32>
        tpu.vector_store %arg17[%swap3A_291, %swap3A_292], %swap3A_295 {strides = array<i32>} : memref<128x32xf32, #tpu.memory_space<vmem>>, vector<1x16xf32>,
        %mul3A_296 = arith.constant 2 : i32
        %mul3A_297 = arith.muli %scan3A_164, %mul3A_296 : i32
        %add3A_298 = arith.constant 1 : i32
        %add3A_299 = arith.addi %mul3A_297, %add3A_298 : i32
        %mul3A_300 = arith.constant 4 : i32
        %mul3A_301 = arith.muli %add3A_299, %mul3A_300 : i32
        %add3A_302 = arith.constant 0 : i32
        %add3A_303 = arith.addi %mul3A_301, %add3A_302 : i32
        %get3A_304 = arith.index_cast %add3A_303 : i32 to index
        %get3A_305 = arith.constant 0 : index
        %get3A_306 = tpu.vector_load %arg15[%get3A_304, %get3A_305] {strides = array<i32>} : memref<128x32xf32, #tpu.memory_space<vmem>>, vector<1x16xf32>,
        %get3A_307 = vector.shape_cast %get3A_306 : vector<1x16xf32> to vector<16xf32>
        %get3A_308 = arith.index_cast %add3A_299 : i32 to index
        %get3A_309 = arith.constant 0 : index
        %get3A_310 = tpu.vector_load %arg13[%get3A_308, %get3A_309] {strides = array<i32>} : memref<32x128xf32, #tpu.memory_space<vmem>>, vector<1x16xf32>,
        %get3A_311 = vector.shape_cast %get3A_310 : vector<1x16xf32> to vector<16xf32>
        %mul3A_312 = arith.mulf %get3A_307, %get3A_311 : vector<16xf32>
        %swap3A_313 = arith.index_cast %add3A_303 : i32 to index
        %swap3A_314 = arith.constant 0 : index
        %swap3A_315 = tpu.vector_load %arg17[%swap3A_313, %swap3A_314] {strides = array<i32>} : memref<128x32xf32, #tpu.memory_space<vmem>>, vector<1x16xf32>,
        %swap3A_316 = vector.shape_cast %swap3A_315 : vector<1x16xf32> to vector<16xf32>
        %swap3A_317 = vector.shape_cast %mul3A_312 : vector<16xf32> to vector<1x16xf32>
        tpu.vector_store %arg17[%swap3A_313, %swap3A_314], %swap3A_317 {strides = array<i32>} : memref<128x32xf32, #tpu.memory_space<vmem>>, vector<1x16xf32>,
        %get3A_318 = arith.index_cast %add3A_303 : i32 to index
        %get3A_319 = arith.constant 16 : index
        %get3A_320 = tpu.vector_load %arg15[%get3A_318, %get3A_319] {strides = array<i32>} : memref<128x32xf32, #tpu.memory_space<vmem>>, vector<1x16xf32>,
        %get3A_321 = vector.shape_cast %get3A_320 : vector<1x16xf32> to vector<16xf32>
        %get3A_322 = arith.index_cast %add3A_299 : i32 to index
        %get3A_323 = arith.constant 16 : index
        %get3A_324 = tpu.vector_load %arg13[%get3A_322, %get3A_323] {strides = array<i32>} : memref<32x128xf32, #tpu.memory_space<vmem>>, vector<1x16xf32>,
        %get3A_325 = vector.shape_cast %get3A_324 : vector<1x16xf32> to vector<16xf32>
        %mul3A_326 = arith.mulf %get3A_321, %get3A_325 : vector<16xf32>
        %swap3A_327 = arith.index_cast %add3A_303 : i32 to index
        %swap3A_328 = arith.constant 16 : index
        %swap3A_329 = tpu.vector_load %arg17[%swap3A_327, %swap3A_328] {strides = array<i32>} : memref<128x32xf32, #tpu.memory_space<vmem>>, vector<1x16xf32>,
        %swap3A_330 = vector.shape_cast %swap3A_329 : vector<1x16xf32> to vector<16xf32>
        %swap3A_331 = vector.shape_cast %mul3A_326 : vector<16xf32> to vector<1x16xf32>
        tpu.vector_store %arg17[%swap3A_327, %swap3A_328], %swap3A_331 {strides = array<i32>} : memref<128x32xf32, #tpu.memory_space<vmem>>, vector<1x16xf32>,
        %mul3A_332 = arith.constant 4 : i32
        %mul3A_333 = arith.muli %add3A_299, %mul3A_332 : i32
        %add3A_334 = arith.constant 1 : i32
        %add3A_335 = arith.addi %mul3A_333, %add3A_334 : i32
        %get3A_336 = arith.index_cast %add3A_335 : i32 to index
        %get3A_337 = arith.constant 0 : index
        %get3A_338 = tpu.vector_load %arg15[%get3A_336, %get3A_337] {strides = array<i32>} : memref<128x32xf32, #tpu.memory_space<vmem>>, vector<1x16xf32>,
        %get3A_339 = vector.shape_cast %get3A_338 : vector<1x16xf32> to vector<16xf32>
        %get3A_340 = arith.index_cast %add3A_299 : i32 to index
        %get3A_341 = arith.constant 32 : index
        %get3A_342 = tpu.vector_load %arg13[%get3A_340, %get3A_341] {strides = array<i32>} : memref<32x128xf32, #tpu.memory_space<vmem>>, vector<1x16xf32>,
        %get3A_343 = vector.shape_cast %get3A_342 : vector<1x16xf32> to vector<16xf32>
        %mul3A_344 = arith.mulf %get3A_339, %get3A_343 : vector<16xf32>
        %swap3A_345 = arith.index_cast %add3A_335 : i32 to index
        %swap3A_346 = arith.constant 0 : index
        %swap3A_347 = tpu.vector_load %arg17[%swap3A_345, %swap3A_346] {strides = array<i32>} : memref<128x32xf32, #tpu.memory_space<vmem>>, vector<1x16xf32>,
        %swap3A_348 = vector.shape_cast %swap3A_347 : vector<1x16xf32> to vector<16xf32>
        %swap3A_349 = vector.shape_cast %mul3A_344 : vector<16xf32> to vector<1x16xf32>
        tpu.vector_store %arg17[%swap3A_345, %swap3A_346], %swap3A_349 {strides = array<i32>} : memref<128x32xf32, #tpu.memory_space<vmem>>, vector<1x16xf32>,
        %get3A_350 = arith.index_cast %add3A_335 : i32 to index
        %get3A_351 = arith.constant 16 : index
        %get3A_352 = tpu.vector_load %arg15[%get3A_350, %get3A_351] {strides = array<i32>} : memref<128x32xf32, #tpu.memory_space<vmem>>, vector<1x16xf32>,
        %get3A_353 = vector.shape_cast %get3A_352 : vector<1x16xf32> to vector<16xf32>
        %get3A_354 = arith.index_cast %add3A_299 : i32 to index
        %get3A_355 = arith.constant 48 : index
        %get3A_356 = tpu.vector_load %arg13[%get3A_354, %get3A_355] {strides = array<i32>} : memref<32x128xf32, #tpu.memory_space<vmem>>, vector<1x16xf32>,
        %get3A_357 = vector.shape_cast %get3A_356 : vector<1x16xf32> to vector<16xf32>
        %mul3A_358 = arith.mulf %get3A_353, %get3A_357 : vector<16xf32>
        %swap3A_359 = arith.index_cast %add3A_335 : i32 to index
        %swap3A_360 = arith.constant 16 : index
        %swap3A_361 = tpu.vector_load %arg17[%swap3A_359, %swap3A_360] {strides = array<i32>} : memref<128x32xf32, #tpu.memory_space<vmem>>, vector<1x16xf32>,
        %swap3A_362 = vector.shape_cast %swap3A_361 : vector<1x16xf32> to vector<16xf32>
        %swap3A_363 = vector.shape_cast %mul3A_358 : vector<16xf32> to vector<1x16xf32>
        tpu.vector_store %arg17[%swap3A_359, %swap3A_360], %swap3A_363 {strides = array<i32>} : memref<128x32xf32, #tpu.memory_space<vmem>>, vector<1x16xf32>,
        %mul3A_364 = arith.constant 4 : i32
        %mul3A_365 = arith.muli %add3A_299, %mul3A_364 : i32
        %add3A_366 = arith.constant 2 : i32
        %add3A_367 = arith.addi %mul3A_365, %add3A_366 : i32
        %get3A_368 = arith.index_cast %add3A_367 : i32 to index
        %get3A_369 = arith.constant 0 : index
        %get3A_370 = tpu.vector_load %arg15[%get3A_368, %get3A_369] {strides = array<i32>} : memref<128x32xf32, #tpu.memory_space<vmem>>, vector<1x16xf32>,
        %get3A_371 = vector.shape_cast %get3A_370 : vector<1x16xf32> to vector<16xf32>
        %get3A_372 = arith.index_cast %add3A_299 : i32 to index
        %get3A_373 = arith.constant 64 : index
        %get3A_374 = tpu.vector_load %arg13[%get3A_372, %get3A_373] {strides = array<i32>} : memref<32x128xf32, #tpu.memory_space<vmem>>, vector<1x16xf32>,
        %get3A_375 = vector.shape_cast %get3A_374 : vector<1x16xf32> to vector<16xf32>
        %mul3A_376 = arith.mulf %get3A_371, %get3A_375 : vector<16xf32>
        %swap3A_377 = arith.index_cast %add3A_367 : i32 to index
        %swap3A_378 = arith.constant 0 : index
        %swap3A_379 = tpu.vector_load %arg17[%swap3A_377, %swap3A_378] {strides = array<i32>} : memref<128x32xf32, #tpu.memory_space<vmem>>, vector<1x16xf32>,
        %swap3A_380 = vector.shape_cast %swap3A_379 : vector<1x16xf32> to vector<16xf32>
        %swap3A_381 = vector.shape_cast %mul3A_376 : vector<16xf32> to vector<1x16xf32>
        tpu.vector_store %arg17[%swap3A_377, %swap3A_378], %swap3A_381 {strides = array<i32>} : memref<128x32xf32, #tpu.memory_space<vmem>>, vector<1x16xf32>,
        %get3A_382 = arith.index_cast %add3A_367 : i32 to index
        %get3A_383 = arith.constant 16 : index
        %get3A_384 = tpu.vector_load %arg15[%get3A_382, %get3A_383] {strides = array<i32>} : memref<128x32xf32, #tpu.memory_space<vmem>>, vector<1x16xf32>,
        %get3A_385 = vector.shape_cast %get3A_384 : vector<1x16xf32> to vector<16xf32>
        %get3A_386 = arith.index_cast %add3A_299 : i32 to index
        %get3A_387 = arith.constant 80 : index
        %get3A_388 = tpu.vector_load %arg13[%get3A_386, %get3A_387] {strides = array<i32>} : memref<32x128xf32, #tpu.memory_space<vmem>>, vector<1x16xf32>,
        %get3A_389 = vector.shape_cast %get3A_388 : vector<1x16xf32> to vector<16xf32>
        %mul3A_390 = arith.mulf %get3A_385, %get3A_389 : vector<16xf32>
        %swap3A_391 = arith.index_cast %add3A_367 : i32 to index
        %swap3A_392 = arith.constant 16 : index
        %swap3A_393 = tpu.vector_load %arg17[%swap3A_391, %swap3A_392] {strides = array<i32>} : memref<128x32xf32, #tpu.memory_space<vmem>>, vector<1x16xf32>,
        %swap3A_394 = vector.shape_cast %swap3A_393 : vector<1x16xf32> to vector<16xf32>
        %swap3A_395 = vector.shape_cast %mul3A_390 : vector<16xf32> to vector<1x16xf32>
        tpu.vector_store %arg17[%swap3A_391, %swap3A_392], %swap3A_395 {strides = array<i32>} : memref<128x32xf32, #tpu.memory_space<vmem>>, vector<1x16xf32>,
        %mul3A_396 = arith.constant 4 : i32
        %mul3A_397 = arith.muli %add3A_299, %mul3A_396 : i32
        %add3A_398 = arith.constant 3 : i32
        %add3A_399 = arith.addi %mul3A_397, %add3A_398 : i32
        %get3A_400 = arith.index_cast %add3A_399 : i32 to index
        %get3A_401 = arith.constant 0 : index
        %get3A_402 = tpu.vector_load %arg15[%get3A_400, %get3A_401] {strides = array<i32>} : memref<128x32xf32, #tpu.memory_space<vmem>>, vector<1x16xf32>,
        %get3A_403 = vector.shape_cast %get3A_402 : vector<1x16xf32> to vector<16xf32>
        %get3A_404 = arith.index_cast %add3A_299 : i32 to index
        %get3A_405 = arith.constant 96 : index
        %get3A_406 = tpu.vector_load %arg13[%get3A_404, %get3A_405] {strides = array<i32>} : memref<32x128xf32, #tpu.memory_space<vmem>>, vector<1x16xf32>,
        %get3A_407 = vector.shape_cast %get3A_406 : vector<1x16xf32> to vector<16xf32>
        %mul3A_408 = arith.mulf %get3A_403, %get3A_407 : vector<16xf32>
        %swap3A_409 = arith.index_cast %add3A_399 : i32 to index
        %swap3A_410 = arith.constant 0 : index
        %swap3A_411 = tpu.vector_load %arg17[%swap3A_409, %swap3A_410] {strides = array<i32>} : memref<128x32xf32, #tpu.memory_space<vmem>>, vector<1x16xf32>,
        %swap3A_412 = vector.shape_cast %swap3A_411 : vector<1x16xf32> to vector<16xf32>
        %swap3A_413 = vector.shape_cast %mul3A_408 : vector<16xf32> to vector<1x16xf32>
        tpu.vector_store %arg17[%swap3A_409, %swap3A_410], %swap3A_413 {strides = array<i32>} : memref<128x32xf32, #tpu.memory_space<vmem>>, vector<1x16xf32>,
        %get3A_414 = arith.index_cast %add3A_399 : i32 to index
        %get3A_415 = arith.constant 16 : index
        %get3A_416 = tpu.vector_load %arg15[%get3A_414, %get3A_415] {strides = array<i32>} : memref<128x32xf32, #tpu.memory_space<vmem>>, vector<1x16xf32>,
        %get3A_417 = vector.shape_cast %get3A_416 : vector<1x16xf32> to vector<16xf32>
        %get3A_418 = arith.index_cast %add3A_299 : i32 to index
        %get3A_419 = arith.constant 112 : index
        %get3A_420 = tpu.vector_load %arg13[%get3A_418, %get3A_419] {strides = array<i32>} : memref<32x128xf32, #tpu.memory_space<vmem>>, vector<1x16xf32>,
        %get3A_421 = vector.shape_cast %get3A_420 : vector<1x16xf32> to vector<16xf32>
        %mul3A_422 = arith.mulf %get3A_417, %get3A_421 : vector<16xf32>
        %swap3A_423 = arith.index_cast %add3A_399 : i32 to index
        %swap3A_424 = arith.constant 16 : index
        %swap3A_425 = tpu.vector_load %arg17[%swap3A_423, %swap3A_424] {strides = array<i32>} : memref<128x32xf32, #tpu.memory_space<vmem>>, vector<1x16xf32>,
        %swap3A_426 = vector.shape_cast %swap3A_425 : vector<1x16xf32> to vector<16xf32>
        %swap3A_427 = vector.shape_cast %mul3A_422 : vector<16xf32> to vector<1x16xf32>
        tpu.vector_store %arg17[%swap3A_423, %swap3A_424], %swap3A_427 {strides = array<i32>} : memref<128x32xf32, #tpu.memory_space<vmem>>, vector<1x16xf32>,
        %scan3A_428 = arith.constant 0 : i32
        scf.yield %scan3A_428 : i32
      }
      %scan3A_127 = arith.constant 16 : i32
      "tpu.region"() ({
        %run_scoped3A = tpu.sem_alloc : memref<!tpu.dma_semaphore, #tpu.memory_space<semaphore_mem>>
        %dma_start3A_164 = arith.constant 0 : i32
        %dma_start3A_165 = arith.constant 0 : i32
        %dma_start3A_166 = tpu.memref_slice %arg8[%dma_start3A_164, %dma_start3A_165] : memref<50176x32xf32, #tpu.memory_space<vmem_shared>> -> memref<50176x32xf32, #tpu.memory_space<vmem_shared>>
        tpu.enqueue_indirect_dma source(%arg17 : memref<128x32xf32, #tpu.memory_space<vmem>>) target(%dma_start3A_166 : memref<50176x32xf32, #tpu.memory_space<vmem_shared>>) offsets(%arg11 : memref<128xi32, #tpu.memory_space<vmem>>) semaphore(%run_scoped3A : memref<!tpu.dma_semaphore, #tpu.memory_space<semaphore_mem>>) {add = true}
        %dma_wait3A_167 = arith.constant 0 : i32
        %dma_wait3A_168 = arith.constant 0 : i32
        %dma_wait3A_169 = tpu.memref_slice %arg8[%dma_wait3A_167, %dma_wait3A_168] : memref<50176x32xf32, #tpu.memory_space<vmem_shared>> -> memref<50176x32xf32, #tpu.memory_space<vmem_shared>>
        tpu.wait_indirect_dma semaphore(%run_scoped3A : memref<!tpu.dma_semaphore, #tpu.memory_space<semaphore_mem>>) src(%arg17 : memref<128x32xf32, #tpu.memory_space<vmem>>) dst(%dma_wait3A_169 : memref<50176x32xf32, #tpu.memory_space<vmem_shared>>)
        tpu.yield
      }) : () -> ()
      %add3A_128 = arith.constant 2 : i32
      %add3A_129 = arith.addi %add3A_111, %add3A_128 : i32
      %lt3A_130 = arith.constant 196 : i32
      %lt3A_131 = arith.cmpi slt, %add3A_129, %lt3A_130 : i32
      %convert_element_type3A_132 = arith.extui %lt3A_131 : i1 to i32
      %cond3A_133 = arith.constant 0 : i32
      %cond3A_134 = arith.cmpi ne, %convert_element_type3A_132, %cond3A_133 : i32
      scf.if %cond3A_134 {
        %add3A_164 = arith.constant 2 : i32
        %add3A_165 = arith.addi %add3A_111, %add3A_164 : i32
        %add3A_166 = arith.addi %mul3A_2, %add3A_165 : i32
        %dma_start3A_167 = arith.constant 0 : i32
        %dma_start3A_168 = tpu.memref_slice %arg3[%add3A_166, %dma_start3A_167] : memref<6272x128xi32, #tpu.memory_space<hbm>> -> memref<1x128xi32, #tpu.memory_space<hbm>>
        %dma_start3A_169 = tpu.memref_squeeze %dma_start3A_168 : memref<1x128xi32, #tpu.memory_space<hbm>> -> memref<128xi32, #tpu.memory_space<hbm>>
        %dma_start3A_170 = arith.constant 0 : i32
        %dma_start3A_171 = tpu.memref_slice %arg3[%add3A_166, %dma_start3A_170] : memref<6272x128xi32, #tpu.memory_space<hbm>> -> memref<1x128xi32, #tpu.memory_space<hbm>>
        %dma_start3A_172 = tpu.memref_squeeze %dma_start3A_171 : memref<1x128xi32, #tpu.memory_space<hbm>> -> memref<128xi32, #tpu.memory_space<hbm>>
        tpu.enqueue_dma source(%dma_start3A_172 : memref<128xi32, #tpu.memory_space<hbm>>) target(%arg9 : memref<128xi32, #tpu.memory_space<vmem>>) target_semaphore(%arg19 : memref<!tpu.dma_semaphore, #tpu.memory_space<semaphore_mem>>)
        %add3A_173 = arith.addi %mul3A_2, %add3A_165 : i32
        %dma_start3A_174 = arith.constant 0 : i32
        %dma_start3A_175 = tpu.memref_slice %arg4[%add3A_173, %dma_start3A_174] : memref<6272x128xi32, #tpu.memory_space<hbm>> -> memref<1x128xi32, #tpu.memory_space<hbm>>
        %dma_start3A_176 = tpu.memref_squeeze %dma_start3A_175 : memref<1x128xi32, #tpu.memory_space<hbm>> -> memref<128xi32, #tpu.memory_space<hbm>>
        %dma_start3A_177 = arith.constant 0 : i32
        %dma_start3A_178 = tpu.memref_slice %arg4[%add3A_173, %dma_start3A_177] : memref<6272x128xi32, #tpu.memory_space<hbm>> -> memref<1x128xi32, #tpu.memory_space<hbm>>
        %dma_start3A_179 = tpu.memref_squeeze %dma_start3A_178 : memref<1x128xi32, #tpu.memory_space<hbm>> -> memref<128xi32, #tpu.memory_space<hbm>>
        tpu.enqueue_dma source(%dma_start3A_179 : memref<128xi32, #tpu.memory_space<hbm>>) target(%arg11 : memref<128xi32, #tpu.memory_space<vmem>>) target_semaphore(%arg19 : memref<!tpu.dma_semaphore, #tpu.memory_space<semaphore_mem>>)
        %add3A_180 = arith.addi %mul3A_2, %add3A_165 : i32
        %dma_start3A_181 = arith.constant 0 : i32
        %dma_start3A_182 = arith.constant 0 : i32
        %dma_start3A_183 = tpu.memref_slice %arg5[%add3A_180, %dma_start3A_181, %dma_start3A_182] : memref<6272x32x128xf32, #tpu.memory_space<hbm>> -> memref<1x32x128xf32, #tpu.memory_space<hbm>>
        %dma_start3A_184 = tpu.memref_squeeze %dma_start3A_183 : memref<1x32x128xf32, #tpu.memory_space<hbm>> -> memref<32x128xf32, #tpu.memory_space<hbm>>
        %dma_start3A_185 = arith.constant 0 : i32
        %dma_start3A_186 = arith.constant 0 : i32
        %dma_start3A_187 = tpu.memref_slice %arg5[%add3A_180, %dma_start3A_185, %dma_start3A_186] : memref<6272x32x128xf32, #tpu.memory_space<hbm>> -> memref<1x32x128xf32, #tpu.memory_space<hbm>>
        %dma_start3A_188 = tpu.memref_squeeze %dma_start3A_187 : memref<1x32x128xf32, #tpu.memory_space<hbm>> -> memref<32x128xf32, #tpu.memory_space<hbm>>
        tpu.enqueue_dma source(%dma_start3A_188 : memref<32x128xf32, #tpu.memory_space<hbm>>) target(%arg13 : memref<32x128xf32, #tpu.memory_space<vmem>>) target_semaphore(%arg19 : memref<!tpu.dma_semaphore, #tpu.memory_space<semaphore_mem>>)
      } else {
      }
      %mul3A_135 = arith.constant 2 : i32
      %mul3A_136 = arith.muli %mul3A_135, %scan3A_106 : i32
      %add3A_137 = arith.constant 1 : i32
      %add3A_138 = arith.addi %mul3A_136, %add3A_137 : i32
      %dma_wait3A_139 = arith.constant 0 : i32
      %dma_wait3A_140 = arith.constant 0 : i32
      %dma_wait3A_141 = tpu.memref_slice %arg2[%dma_wait3A_139, %dma_wait3A_140] : memref<50176x32xf32, #tpu.memory_space<hbm>> -> memref<50176x32xf32, #tpu.memory_space<hbm>>
      tpu.wait_indirect_dma semaphore(%arg22 : memref<!tpu.dma_semaphore, #tpu.memory_space<semaphore_mem>>) src(%dma_wait3A_141 : memref<50176x32xf32, #tpu.memory_space<hbm>>) dst(%arg16 : memref<128x32xf32, #tpu.memory_space<vmem>>)
      %add3A_142 = arith.constant 1 : i32
      %add3A_143 = arith.addi %add3A_138, %add3A_142 : i32
      %lt3A_144 = arith.constant 196 : i32
      %lt3A_145 = arith.cmpi slt, %add3A_143, %lt3A_144 : i32
      %convert_element_type3A_146 = arith.extui %lt3A_145 : i1 to i32
      %cond3A_147 = arith.constant 0 : i32
      %cond3A_148 = arith.cmpi ne, %convert_element_type3A_146, %cond3A_147 : i32
      scf.if %cond3A_148 {
        %dma_wait3A_164 = arith.constant 0 : i32
        %dma_wait3A_165 = tpu.memref_slice %arg3[%mul3A_2, %dma_wait3A_164] : memref<6272x128xi32, #tpu.memory_space<hbm>> -> memref<1x128xi32, #tpu.memory_space<hbm>>
        %dma_wait3A_166 = tpu.memref_squeeze %dma_wait3A_165 : memref<1x128xi32, #tpu.memory_space<hbm>> -> memref<128xi32, #tpu.memory_space<hbm>>
        %dma_wait3A_167 = arith.constant 0 : i32
        %dma_wait3A_168 = tpu.memref_slice %arg3[%mul3A_2, %dma_wait3A_167] : memref<6272x128xi32, #tpu.memory_space<hbm>> -> memref<1x128xi32, #tpu.memory_space<hbm>>
        %dma_wait3A_169 = tpu.memref_squeeze %dma_wait3A_168 : memref<1x128xi32, #tpu.memory_space<hbm>> -> memref<128xi32, #tpu.memory_space<hbm>>
        tpu.wait_dma2 semaphore(%arg19 : memref<!tpu.dma_semaphore, #tpu.memory_space<semaphore_mem>>) src(%dma_wait3A_169 : memref<128xi32, #tpu.memory_space<hbm>>) dst(%arg9 : memref<128xi32, #tpu.memory_space<vmem>>)
        %dma_wait3A_170 = arith.constant 0 : i32
        %dma_wait3A_171 = tpu.memref_slice %arg4[%mul3A_2, %dma_wait3A_170] : memref<6272x128xi32, #tpu.memory_space<hbm>> -> memref<1x128xi32, #tpu.memory_space<hbm>>
        %dma_wait3A_172 = tpu.memref_squeeze %dma_wait3A_171 : memref<1x128xi32, #tpu.memory_space<hbm>> -> memref<128xi32, #tpu.memory_space<hbm>>
        %dma_wait3A_173 = arith.constant 0 : i32
        %dma_wait3A_174 = tpu.memref_slice %arg4[%mul3A_2, %dma_wait3A_173] : memref<6272x128xi32, #tpu.memory_space<hbm>> -> memref<1x128xi32, #tpu.memory_space<hbm>>
        %dma_wait3A_175 = tpu.memref_squeeze %dma_wait3A_174 : memref<1x128xi32, #tpu.memory_space<hbm>> -> memref<128xi32, #tpu.memory_space<hbm>>
        tpu.wait_dma2 semaphore(%arg19 : memref<!tpu.dma_semaphore, #tpu.memory_space<semaphore_mem>>) src(%dma_wait3A_175 : memref<128xi32, #tpu.memory_space<hbm>>) dst(%arg11 : memref<128xi32, #tpu.memory_space<vmem>>)
        %dma_wait3A_176 = arith.constant 0 : i32
        %dma_wait3A_177 = arith.constant 0 : i32
        %dma_wait3A_178 = tpu.memref_slice %arg5[%mul3A_2, %dma_wait3A_176, %dma_wait3A_177] : memref<6272x32x128xf32, #tpu.memory_space<hbm>> -> memref<1x32x128xf32, #tpu.memory_space<hbm>>
        %dma_wait3A_179 = tpu.memref_squeeze %dma_wait3A_178 : memref<1x32x128xf32, #tpu.memory_space<hbm>> -> memref<32x128xf32, #tpu.memory_space<hbm>>
        %dma_wait3A_180 = arith.constant 0 : i32
        %dma_wait3A_181 = arith.constant 0 : i32
        %dma_wait3A_182 = tpu.memref_slice %arg5[%mul3A_2, %dma_wait3A_180, %dma_wait3A_181] : memref<6272x32x128xf32, #tpu.memory_space<hbm>> -> memref<1x32x128xf32, #tpu.memory_space<hbm>>
        %dma_wait3A_183 = tpu.memref_squeeze %dma_wait3A_182 : memref<1x32x128xf32, #tpu.memory_space<hbm>> -> memref<32x128xf32, #tpu.memory_space<hbm>>
        tpu.wait_dma2 semaphore(%arg19 : memref<!tpu.dma_semaphore, #tpu.memory_space<semaphore_mem>>) src(%dma_wait3A_183 : memref<32x128xf32, #tpu.memory_space<hbm>>) dst(%arg13 : memref<32x128xf32, #tpu.memory_space<vmem>>)
        %dma_start3A_184 = arith.constant 0 : i32
        %dma_start3A_185 = arith.constant 0 : i32
        %dma_start3A_186 = tpu.memref_slice %arg2[%dma_start3A_184, %dma_start3A_185] : memref<50176x32xf32, #tpu.memory_space<hbm>> -> memref<50176x32xf32, #tpu.memory_space<hbm>>
        tpu.enqueue_indirect_dma source(%dma_start3A_186 : memref<50176x32xf32, #tpu.memory_space<hbm>>) target(%arg15 : memref<128x32xf32, #tpu.memory_space<vmem>>) offsets(%arg9 : memref<128xi32, #tpu.memory_space<vmem>>) semaphore(%arg21 : memref<!tpu.dma_semaphore, #tpu.memory_space<semaphore_mem>>)
      } else {
      }
      %scan3A_149 = arith.constant 0 : i32
      %scan3A_150 = arith.constant 0 : i32
      %scan3A_151 = arith.constant 16 : i32
      %scan3A_152 = arith.addi %scan3A_150, %scan3A_151 : i32
      %scan3A_153 = arith.constant 1 : i32
      %scan3A_154 = scf.for %scan3A_164 = %scan3A_150 to %scan3A_152 step %scan3A_153 iter_args(%scan3A_165 = %scan3A_149) -> (i32)  : i32 {
        %mul3A_166 = arith.constant 2 : i32
        %mul3A_167 = arith.muli %scan3A_164, %mul3A_166 : i32
        %add3A_168 = arith.constant 0 : i32
        %add3A_169 = arith.addi %mul3A_167, %add3A_168 : i32
        %mul3A_170 = arith.constant 4 : i32
        %mul3A_171 = arith.muli %add3A_169, %mul3A_170 : i32
        %add3A_172 = arith.constant 0 : i32
        %add3A_173 = arith.addi %mul3A_171, %add3A_172 : i32
        %get3A = arith.index_cast %add3A_173 : i32 to index
        %get3A_174 = arith.constant 0 : index
        %get3A_175 = tpu.vector_load %arg16[%get3A, %get3A_174] {strides = array<i32>} : memref<128x32xf32, #tpu.memory_space<vmem>>, vector<1x16xf32>,
        %get3A_176 = vector.shape_cast %get3A_175 : vector<1x16xf32> to vector<16xf32>
        %get3A_177 = arith.index_cast %add3A_169 : i32 to index
        %get3A_178 = arith.constant 0 : index
        %get3A_179 = tpu.vector_load %arg14[%get3A_177, %get3A_178] {strides = array<i32>} : memref<32x128xf32, #tpu.memory_space<vmem>>, vector<1x16xf32>,
        %get3A_180 = vector.shape_cast %get3A_179 : vector<1x16xf32> to vector<16xf32>
        %mul3A_181 = arith.mulf %get3A_176, %get3A_180 : vector<16xf32>
        %swap3A = arith.index_cast %add3A_173 : i32 to index
        %swap3A_182 = arith.constant 0 : index
        %swap3A_183 = tpu.vector_load %arg17[%swap3A, %swap3A_182] {strides = array<i32>} : memref<128x32xf32, #tpu.memory_space<vmem>>, vector<1x16xf32>,
        %swap3A_184 = vector.shape_cast %swap3A_183 : vector<1x16xf32> to vector<16xf32>
        %swap3A_185 = vector.shape_cast %mul3A_181 : vector<16xf32> to vector<1x16xf32>
        tpu.vector_store %arg17[%swap3A, %swap3A_182], %swap3A_185 {strides = array<i32>} : memref<128x32xf32, #tpu.memory_space<vmem>>, vector<1x16xf32>,
        %get3A_186 = arith.index_cast %add3A_173 : i32 to index
        %get3A_187 = arith.constant 16 : index
        %get3A_188 = tpu.vector_load %arg16[%get3A_186, %get3A_187] {strides = array<i32>} : memref<128x32xf32, #tpu.memory_space<vmem>>, vector<1x16xf32>,
        %get3A_189 = vector.shape_cast %get3A_188 : vector<1x16xf32> to vector<16xf32>
        %get3A_190 = arith.index_cast %add3A_169 : i32 to index
        %get3A_191 = arith.constant 16 : index
        %get3A_192 = tpu.vector_load %arg14[%get3A_190, %get3A_191] {strides = array<i32>} : memref<32x128xf32, #tpu.memory_space<vmem>>, vector<1x16xf32>,
        %get3A_193 = vector.shape_cast %get3A_192 : vector<1x16xf32> to vector<16xf32>
        %mul3A_194 = arith.mulf %get3A_189, %get3A_193 : vector<16xf32>
        %swap3A_195 = arith.index_cast %add3A_173 : i32 to index
        %swap3A_196 = arith.constant 16 : index
        %swap3A_197 = tpu.vector_load %arg17[%swap3A_195, %swap3A_196] {strides = array<i32>} : memref<128x32xf32, #tpu.memory_space<vmem>>, vector<1x16xf32>,
        %swap3A_198 = vector.shape_cast %swap3A_197 : vector<1x16xf32> to vector<16xf32>
        %swap3A_199 = vector.shape_cast %mul3A_194 : vector<16xf32> to vector<1x16xf32>
        tpu.vector_store %arg17[%swap3A_195, %swap3A_196], %swap3A_199 {strides = array<i32>} : memref<128x32xf32, #tpu.memory_space<vmem>>, vector<1x16xf32>,
        %mul3A_200 = arith.constant 4 : i32
        %mul3A_201 = arith.muli %add3A_169, %mul3A_200 : i32
        %add3A_202 = arith.constant 1 : i32
        %add3A_203 = arith.addi %mul3A_201, %add3A_202 : i32
        %get3A_204 = arith.index_cast %add3A_203 : i32 to index
        %get3A_205 = arith.constant 0 : index
        %get3A_206 = tpu.vector_load %arg16[%get3A_204, %get3A_205] {strides = array<i32>} : memref<128x32xf32, #tpu.memory_space<vmem>>, vector<1x16xf32>,
        %get3A_207 = vector.shape_cast %get3A_206 : vector<1x16xf32> to vector<16xf32>
        %get3A_208 = arith.index_cast %add3A_169 : i32 to index
        %get3A_209 = arith.constant 32 : index
        %get3A_210 = tpu.vector_load %arg14[%get3A_208, %get3A_209] {strides = array<i32>} : memref<32x128xf32, #tpu.memory_space<vmem>>, vector<1x16xf32>,
        %get3A_211 = vector.shape_cast %get3A_210 : vector<1x16xf32> to vector<16xf32>
        %mul3A_212 = arith.mulf %get3A_207, %get3A_211 : vector<16xf32>
        %swap3A_213 = arith.index_cast %add3A_203 : i32 to index
        %swap3A_214 = arith.constant 0 : index
        %swap3A_215 = tpu.vector_load %arg17[%swap3A_213, %swap3A_214] {strides = array<i32>} : memref<128x32xf32, #tpu.memory_space<vmem>>, vector<1x16xf32>,
        %swap3A_216 = vector.shape_cast %swap3A_215 : vector<1x16xf32> to vector<16xf32>
        %swap3A_217 = vector.shape_cast %mul3A_212 : vector<16xf32> to vector<1x16xf32>
        tpu.vector_store %arg17[%swap3A_213, %swap3A_214], %swap3A_217 {strides = array<i32>} : memref<128x32xf32, #tpu.memory_space<vmem>>, vector<1x16xf32>,
        %get3A_218 = arith.index_cast %add3A_203 : i32 to index
        %get3A_219 = arith.constant 16 : index
        %get3A_220 = tpu.vector_load %arg16[%get3A_218, %get3A_219] {strides = array<i32>} : memref<128x32xf32, #tpu.memory_space<vmem>>, vector<1x16xf32>,
        %get3A_221 = vector.shape_cast %get3A_220 : vector<1x16xf32> to vector<16xf32>
        %get3A_222 = arith.index_cast %add3A_169 : i32 to index
        %get3A_223 = arith.constant 48 : index
        %get3A_224 = tpu.vector_load %arg14[%get3A_222, %get3A_223] {strides = array<i32>} : memref<32x128xf32, #tpu.memory_space<vmem>>, vector<1x16xf32>,
        %get3A_225 = vector.shape_cast %get3A_224 : vector<1x16xf32> to vector<16xf32>
        %mul3A_226 = arith.mulf %get3A_221, %get3A_225 : vector<16xf32>
        %swap3A_227 = arith.index_cast %add3A_203 : i32 to index
        %swap3A_228 = arith.constant 16 : index
        %swap3A_229 = tpu.vector_load %arg17[%swap3A_227, %swap3A_228] {strides = array<i32>} : memref<128x32xf32, #tpu.memory_space<vmem>>, vector<1x16xf32>,
        %swap3A_230 = vector.shape_cast %swap3A_229 : vector<1x16xf32> to vector<16xf32>
        %swap3A_231 = vector.shape_cast %mul3A_226 : vector<16xf32> to vector<1x16xf32>
        tpu.vector_store %arg17[%swap3A_227, %swap3A_228], %swap3A_231 {strides = array<i32>} : memref<128x32xf32, #tpu.memory_space<vmem>>, vector<1x16xf32>,
        %mul3A_232 = arith.constant 4 : i32
        %mul3A_233 = arith.muli %add3A_169, %mul3A_232 : i32
        %add3A_234 = arith.constant 2 : i32
        %add3A_235 = arith.addi %mul3A_233, %add3A_234 : i32
        %get3A_236 = arith.index_cast %add3A_235 : i32 to index
        %get3A_237 = arith.constant 0 : index
        %get3A_238 = tpu.vector_load %arg16[%get3A_236, %get3A_237] {strides = array<i32>} : memref<128x32xf32, #tpu.memory_space<vmem>>, vector<1x16xf32>,
        %get3A_239 = vector.shape_cast %get3A_238 : vector<1x16xf32> to vector<16xf32>
        %get3A_240 = arith.index_cast %add3A_169 : i32 to index
        %get3A_241 = arith.constant 64 : index
        %get3A_242 = tpu.vector_load %arg14[%get3A_240, %get3A_241] {strides = array<i32>} : memref<32x128xf32, #tpu.memory_space<vmem>>, vector<1x16xf32>,
        %get3A_243 = vector.shape_cast %get3A_242 : vector<1x16xf32> to vector<16xf32>
        %mul3A_244 = arith.mulf %get3A_239, %get3A_243 : vector<16xf32>
        %swap3A_245 = arith.index_cast %add3A_235 : i32 to index
        %swap3A_246 = arith.constant 0 : index
        %swap3A_247 = tpu.vector_load %arg17[%swap3A_245, %swap3A_246] {strides = array<i32>} : memref<128x32xf32, #tpu.memory_space<vmem>>, vector<1x16xf32>,
        %swap3A_248 = vector.shape_cast %swap3A_247 : vector<1x16xf32> to vector<16xf32>
        %swap3A_249 = vector.shape_cast %mul3A_244 : vector<16xf32> to vector<1x16xf32>
        tpu.vector_store %arg17[%swap3A_245, %swap3A_246], %swap3A_249 {strides = array<i32>} : memref<128x32xf32, #tpu.memory_space<vmem>>, vector<1x16xf32>,
        %get3A_250 = arith.index_cast %add3A_235 : i32 to index
        %get3A_251 = arith.constant 16 : index
        %get3A_252 = tpu.vector_load %arg16[%get3A_250, %get3A_251] {strides = array<i32>} : memref<128x32xf32, #tpu.memory_space<vmem>>, vector<1x16xf32>,
        %get3A_253 = vector.shape_cast %get3A_252 : vector<1x16xf32> to vector<16xf32>
        %get3A_254 = arith.index_cast %add3A_169 : i32 to index
        %get3A_255 = arith.constant 80 : index
        %get3A_256 = tpu.vector_load %arg14[%get3A_254, %get3A_255] {strides = array<i32>} : memref<32x128xf32, #tpu.memory_space<vmem>>, vector<1x16xf32>,
        %get3A_257 = vector.shape_cast %get3A_256 : vector<1x16xf32> to vector<16xf32>
        %mul3A_258 = arith.mulf %get3A_253, %get3A_257 : vector<16xf32>
        %swap3A_259 = arith.index_cast %add3A_235 : i32 to index
        %swap3A_260 = arith.constant 16 : index
        %swap3A_261 = tpu.vector_load %arg17[%swap3A_259, %swap3A_260] {strides = array<i32>} : memref<128x32xf32, #tpu.memory_space<vmem>>, vector<1x16xf32>,
        %swap3A_262 = vector.shape_cast %swap3A_261 : vector<1x16xf32> to vector<16xf32>
        %swap3A_263 = vector.shape_cast %mul3A_258 : vector<16xf32> to vector<1x16xf32>
        tpu.vector_store %arg17[%swap3A_259, %swap3A_260], %swap3A_263 {strides = array<i32>} : memref<128x32xf32, #tpu.memory_space<vmem>>, vector<1x16xf32>,
        %mul3A_264 = arith.constant 4 : i32
        %mul3A_265 = arith.muli %add3A_169, %mul3A_264 : i32
        %add3A_266 = arith.constant 3 : i32
        %add3A_267 = arith.addi %mul3A_265, %add3A_266 : i32
        %get3A_268 = arith.index_cast %add3A_267 : i32 to index
        %get3A_269 = arith.constant 0 : index
        %get3A_270 = tpu.vector_load %arg16[%get3A_268, %get3A_269] {strides = array<i32>} : memref<128x32xf32, #tpu.memory_space<vmem>>, vector<1x16xf32>,
        %get3A_271 = vector.shape_cast %get3A_270 : vector<1x16xf32> to vector<16xf32>
        %get3A_272 = arith.index_cast %add3A_169 : i32 to index
        %get3A_273 = arith.constant 96 : index
        %get3A_274 = tpu.vector_load %arg14[%get3A_272, %get3A_273] {strides = array<i32>} : memref<32x128xf32, #tpu.memory_space<vmem>>, vector<1x16xf32>,
        %get3A_275 = vector.shape_cast %get3A_274 : vector<1x16xf32> to vector<16xf32>
        %mul3A_276 = arith.mulf %get3A_271, %get3A_275 : vector<16xf32>
        %swap3A_277 = arith.index_cast %add3A_267 : i32 to index
        %swap3A_278 = arith.constant 0 : index
        %swap3A_279 = tpu.vector_load %arg17[%swap3A_277, %swap3A_278] {strides = array<i32>} : memref<128x32xf32, #tpu.memory_space<vmem>>, vector<1x16xf32>,
        %swap3A_280 = vector.shape_cast %swap3A_279 : vector<1x16xf32> to vector<16xf32>
        %swap3A_281 = vector.shape_cast %mul3A_276 : vector<16xf32> to vector<1x16xf32>
        tpu.vector_store %arg17[%swap3A_277, %swap3A_278], %swap3A_281 {strides = array<i32>} : memref<128x32xf32, #tpu.memory_space<vmem>>, vector<1x16xf32>,
        %get3A_282 = arith.index_cast %add3A_267 : i32 to index
        %get3A_283 = arith.constant 16 : index
        %get3A_284 = tpu.vector_load %arg16[%get3A_282, %get3A_283] {strides = array<i32>} : memref<128x32xf32, #tpu.memory_space<vmem>>, vector<1x16xf32>,
        %get3A_285 = vector.shape_cast %get3A_284 : vector<1x16xf32> to vector<16xf32>
        %get3A_286 = arith.index_cast %add3A_169 : i32 to index
        %get3A_287 = arith.constant 112 : index
        %get3A_288 = tpu.vector_load %arg14[%get3A_286, %get3A_287] {strides = array<i32>} : memref<32x128xf32, #tpu.memory_space<vmem>>, vector<1x16xf32>,
        %get3A_289 = vector.shape_cast %get3A_288 : vector<1x16xf32> to vector<16xf32>
        %mul3A_290 = arith.mulf %get3A_285, %get3A_289 : vector<16xf32>
        %swap3A_291 = arith.index_cast %add3A_267 : i32 to index
        %swap3A_292 = arith.constant 16 : index
        %swap3A_293 = tpu.vector_load %arg17[%swap3A_291, %swap3A_292] {strides = array<i32>} : memref<128x32xf32, #tpu.memory_space<vmem>>, vector<1x16xf32>,
        %swap3A_294 = vector.shape_cast %swap3A_293 : vector<1x16xf32> to vector<16xf32>
        %swap3A_295 = vector.shape_cast %mul3A_290 : vector<16xf32> to vector<1x16xf32>
        tpu.vector_store %arg17[%swap3A_291, %swap3A_292], %swap3A_295 {strides = array<i32>} : memref<128x32xf32, #tpu.memory_space<vmem>>, vector<1x16xf32>,
        %mul3A_296 = arith.constant 2 : i32
        %mul3A_297 = arith.muli %scan3A_164, %mul3A_296 : i32
        %add3A_298 = arith.constant 1 : i32
        %add3A_299 = arith.addi %mul3A_297, %add3A_298 : i32
        %mul3A_300 = arith.constant 4 : i32
        %mul3A_301 = arith.muli %add3A_299, %mul3A_300 : i32
        %add3A_302 = arith.constant 0 : i32
        %add3A_303 = arith.addi %mul3A_301, %add3A_302 : i32
        %get3A_304 = arith.index_cast %add3A_303 : i32 to index
        %get3A_305 = arith.constant 0 : index
        %get3A_306 = tpu.vector_load %arg16[%get3A_304, %get3A_305] {strides = array<i32>} : memref<128x32xf32, #tpu.memory_space<vmem>>, vector<1x16xf32>,
        %get3A_307 = vector.shape_cast %get3A_306 : vector<1x16xf32> to vector<16xf32>
        %get3A_308 = arith.index_cast %add3A_299 : i32 to index
        %get3A_309 = arith.constant 0 : index
        %get3A_310 = tpu.vector_load %arg14[%get3A_308, %get3A_309] {strides = array<i32>} : memref<32x128xf32, #tpu.memory_space<vmem>>, vector<1x16xf32>,
        %get3A_311 = vector.shape_cast %get3A_310 : vector<1x16xf32> to vector<16xf32>
        %mul3A_312 = arith.mulf %get3A_307, %get3A_311 : vector<16xf32>
        %swap3A_313 = arith.index_cast %add3A_303 : i32 to index
        %swap3A_314 = arith.constant 0 : index
        %swap3A_315 = tpu.vector_load %arg17[%swap3A_313, %swap3A_314] {strides = array<i32>} : memref<128x32xf32, #tpu.memory_space<vmem>>, vector<1x16xf32>,
        %swap3A_316 = vector.shape_cast %swap3A_315 : vector<1x16xf32> to vector<16xf32>
        %swap3A_317 = vector.shape_cast %mul3A_312 : vector<16xf32> to vector<1x16xf32>
        tpu.vector_store %arg17[%swap3A_313, %swap3A_314], %swap3A_317 {strides = array<i32>} : memref<128x32xf32, #tpu.memory_space<vmem>>, vector<1x16xf32>,
        %get3A_318 = arith.index_cast %add3A_303 : i32 to index
        %get3A_319 = arith.constant 16 : index
        %get3A_320 = tpu.vector_load %arg16[%get3A_318, %get3A_319] {strides = array<i32>} : memref<128x32xf32, #tpu.memory_space<vmem>>, vector<1x16xf32>,
        %get3A_321 = vector.shape_cast %get3A_320 : vector<1x16xf32> to vector<16xf32>
        %get3A_322 = arith.index_cast %add3A_299 : i32 to index
        %get3A_323 = arith.constant 16 : index
        %get3A_324 = tpu.vector_load %arg14[%get3A_322, %get3A_323] {strides = array<i32>} : memref<32x128xf32, #tpu.memory_space<vmem>>, vector<1x16xf32>,
        %get3A_325 = vector.shape_cast %get3A_324 : vector<1x16xf32> to vector<16xf32>
        %mul3A_326 = arith.mulf %get3A_321, %get3A_325 : vector<16xf32>
        %swap3A_327 = arith.index_cast %add3A_303 : i32 to index
        %swap3A_328 = arith.constant 16 : index
        %swap3A_329 = tpu.vector_load %arg17[%swap3A_327, %swap3A_328] {strides = array<i32>} : memref<128x32xf32, #tpu.memory_space<vmem>>, vector<1x16xf32>,
        %swap3A_330 = vector.shape_cast %swap3A_329 : vector<1x16xf32> to vector<16xf32>
        %swap3A_331 = vector.shape_cast %mul3A_326 : vector<16xf32> to vector<1x16xf32>
        tpu.vector_store %arg17[%swap3A_327, %swap3A_328], %swap3A_331 {strides = array<i32>} : memref<128x32xf32, #tpu.memory_space<vmem>>, vector<1x16xf32>,
        %mul3A_332 = arith.constant 4 : i32
        %mul3A_333 = arith.muli %add3A_299, %mul3A_332 : i32
        %add3A_334 = arith.constant 1 : i32
        %add3A_335 = arith.addi %mul3A_333, %add3A_334 : i32
        %get3A_336 = arith.index_cast %add3A_335 : i32 to index
        %get3A_337 = arith.constant 0 : index
        %get3A_338 = tpu.vector_load %arg16[%get3A_336, %get3A_337] {strides = array<i32>} : memref<128x32xf32, #tpu.memory_space<vmem>>, vector<1x16xf32>,
        %get3A_339 = vector.shape_cast %get3A_338 : vector<1x16xf32> to vector<16xf32>
        %get3A_340 = arith.index_cast %add3A_299 : i32 to index
        %get3A_341 = arith.constant 32 : index
        %get3A_342 = tpu.vector_load %arg14[%get3A_340, %get3A_341] {strides = array<i32>} : memref<32x128xf32, #tpu.memory_space<vmem>>, vector<1x16xf32>,
        %get3A_343 = vector.shape_cast %get3A_342 : vector<1x16xf32> to vector<16xf32>
        %mul3A_344 = arith.mulf %get3A_339, %get3A_343 : vector<16xf32>
        %swap3A_345 = arith.index_cast %add3A_335 : i32 to index
        %swap3A_346 = arith.constant 0 : index
        %swap3A_347 = tpu.vector_load %arg17[%swap3A_345, %swap3A_346] {strides = array<i32>} : memref<128x32xf32, #tpu.memory_space<vmem>>, vector<1x16xf32>,
        %swap3A_348 = vector.shape_cast %swap3A_347 : vector<1x16xf32> to vector<16xf32>
        %swap3A_349 = vector.shape_cast %mul3A_344 : vector<16xf32> to vector<1x16xf32>
        tpu.vector_store %arg17[%swap3A_345, %swap3A_346], %swap3A_349 {strides = array<i32>} : memref<128x32xf32, #tpu.memory_space<vmem>>, vector<1x16xf32>,
        %get3A_350 = arith.index_cast %add3A_335 : i32 to index
        %get3A_351 = arith.constant 16 : index
        %get3A_352 = tpu.vector_load %arg16[%get3A_350, %get3A_351] {strides = array<i32>} : memref<128x32xf32, #tpu.memory_space<vmem>>, vector<1x16xf32>,
        %get3A_353 = vector.shape_cast %get3A_352 : vector<1x16xf32> to vector<16xf32>
        %get3A_354 = arith.index_cast %add3A_299 : i32 to index
        %get3A_355 = arith.constant 48 : index
        %get3A_356 = tpu.vector_load %arg14[%get3A_354, %get3A_355] {strides = array<i32>} : memref<32x128xf32, #tpu.memory_space<vmem>>, vector<1x16xf32>,
        %get3A_357 = vector.shape_cast %get3A_356 : vector<1x16xf32> to vector<16xf32>
        %mul3A_358 = arith.mulf %get3A_353, %get3A_357 : vector<16xf32>
        %swap3A_359 = arith.index_cast %add3A_335 : i32 to index
        %swap3A_360 = arith.constant 16 : index
        %swap3A_361 = tpu.vector_load %arg17[%swap3A_359, %swap3A_360] {strides = array<i32>} : memref<128x32xf32, #tpu.memory_space<vmem>>, vector<1x16xf32>,
        %swap3A_362 = vector.shape_cast %swap3A_361 : vector<1x16xf32> to vector<16xf32>
        %swap3A_363 = vector.shape_cast %mul3A_358 : vector<16xf32> to vector<1x16xf32>
        tpu.vector_store %arg17[%swap3A_359, %swap3A_360], %swap3A_363 {strides = array<i32>} : memref<128x32xf32, #tpu.memory_space<vmem>>, vector<1x16xf32>,
        %mul3A_364 = arith.constant 4 : i32
        %mul3A_365 = arith.muli %add3A_299, %mul3A_364 : i32
        %add3A_366 = arith.constant 2 : i32
        %add3A_367 = arith.addi %mul3A_365, %add3A_366 : i32
        %get3A_368 = arith.index_cast %add3A_367 : i32 to index
        %get3A_369 = arith.constant 0 : index
        %get3A_370 = tpu.vector_load %arg16[%get3A_368, %get3A_369] {strides = array<i32>} : memref<128x32xf32, #tpu.memory_space<vmem>>, vector<1x16xf32>,
        %get3A_371 = vector.shape_cast %get3A_370 : vector<1x16xf32> to vector<16xf32>
        %get3A_372 = arith.index_cast %add3A_299 : i32 to index
        %get3A_373 = arith.constant 64 : index
        %get3A_374 = tpu.vector_load %arg14[%get3A_372, %get3A_373] {strides = array<i32>} : memref<32x128xf32, #tpu.memory_space<vmem>>, vector<1x16xf32>,
        %get3A_375 = vector.shape_cast %get3A_374 : vector<1x16xf32> to vector<16xf32>
        %mul3A_376 = arith.mulf %get3A_371, %get3A_375 : vector<16xf32>
        %swap3A_377 = arith.index_cast %add3A_367 : i32 to index
        %swap3A_378 = arith.constant 0 : index
        %swap3A_379 = tpu.vector_load %arg17[%swap3A_377, %swap3A_378] {strides = array<i32>} : memref<128x32xf32, #tpu.memory_space<vmem>>, vector<1x16xf32>,
        %swap3A_380 = vector.shape_cast %swap3A_379 : vector<1x16xf32> to vector<16xf32>
        %swap3A_381 = vector.shape_cast %mul3A_376 : vector<16xf32> to vector<1x16xf32>
        tpu.vector_store %arg17[%swap3A_377, %swap3A_378], %swap3A_381 {strides = array<i32>} : memref<128x32xf32, #tpu.memory_space<vmem>>, vector<1x16xf32>,
        %get3A_382 = arith.index_cast %add3A_367 : i32 to index
        %get3A_383 = arith.constant 16 : index
        %get3A_384 = tpu.vector_load %arg16[%get3A_382, %get3A_383] {strides = array<i32>} : memref<128x32xf32, #tpu.memory_space<vmem>>, vector<1x16xf32>,
        %get3A_385 = vector.shape_cast %get3A_384 : vector<1x16xf32> to vector<16xf32>
        %get3A_386 = arith.index_cast %add3A_299 : i32 to index
        %get3A_387 = arith.constant 80 : index
        %get3A_388 = tpu.vector_load %arg14[%get3A_386, %get3A_387] {strides = array<i32>} : memref<32x128xf32, #tpu.memory_space<vmem>>, vector<1x16xf32>,
        %get3A_389 = vector.shape_cast %get3A_388 : vector<1x16xf32> to vector<16xf32>
        %mul3A_390 = arith.mulf %get3A_385, %get3A_389 : vector<16xf32>
        %swap3A_391 = arith.index_cast %add3A_367 : i32 to index
        %swap3A_392 = arith.constant 16 : index
        %swap3A_393 = tpu.vector_load %arg17[%swap3A_391, %swap3A_392] {strides = array<i32>} : memref<128x32xf32, #tpu.memory_space<vmem>>, vector<1x16xf32>,
        %swap3A_394 = vector.shape_cast %swap3A_393 : vector<1x16xf32> to vector<16xf32>
        %swap3A_395 = vector.shape_cast %mul3A_390 : vector<16xf32> to vector<1x16xf32>
        tpu.vector_store %arg17[%swap3A_391, %swap3A_392], %swap3A_395 {strides = array<i32>} : memref<128x32xf32, #tpu.memory_space<vmem>>, vector<1x16xf32>,
        %mul3A_396 = arith.constant 4 : i32
        %mul3A_397 = arith.muli %add3A_299, %mul3A_396 : i32
        %add3A_398 = arith.constant 3 : i32
        %add3A_399 = arith.addi %mul3A_397, %add3A_398 : i32
        %get3A_400 = arith.index_cast %add3A_399 : i32 to index
        %get3A_401 = arith.constant 0 : index
        %get3A_402 = tpu.vector_load %arg16[%get3A_400, %get3A_401] {strides = array<i32>} : memref<128x32xf32, #tpu.memory_space<vmem>>, vector<1x16xf32>,
        %get3A_403 = vector.shape_cast %get3A_402 : vector<1x16xf32> to vector<16xf32>
        %get3A_404 = arith.index_cast %add3A_299 : i32 to index
        %get3A_405 = arith.constant 96 : index
        %get3A_406 = tpu.vector_load %arg14[%get3A_404, %get3A_405] {strides = array<i32>} : memref<32x128xf32, #tpu.memory_space<vmem>>, vector<1x16xf32>,
        %get3A_407 = vector.shape_cast %get3A_406 : vector<1x16xf32> to vector<16xf32>
        %mul3A_408 = arith.mulf %get3A_403, %get3A_407 : vector<16xf32>
        %swap3A_409 = arith.index_cast %add3A_399 : i32 to index
        %swap3A_410 = arith.constant 0 : index
        %swap3A_411 = tpu.vector_load %arg17[%swap3A_409, %swap3A_410] {strides = array<i32>} : memref<128x32xf32, #tpu.memory_space<vmem>>, vector<1x16xf32>,
        %swap3A_412 = vector.shape_cast %swap3A_411 : vector<1x16xf32> to vector<16xf32>
        %swap3A_413 = vector.shape_cast %mul3A_408 : vector<16xf32> to vector<1x16xf32>
        tpu.vector_store %arg17[%swap3A_409, %swap3A_410], %swap3A_413 {strides = array<i32>} : memref<128x32xf32, #tpu.memory_space<vmem>>, vector<1x16xf32>,
        %get3A_414 = arith.index_cast %add3A_399 : i32 to index
        %get3A_415 = arith.constant 16 : index
        %get3A_416 = tpu.vector_load %arg16[%get3A_414, %get3A_415] {strides = array<i32>} : memref<128x32xf32, #tpu.memory_space<vmem>>, vector<1x16xf32>,
        %get3A_417 = vector.shape_cast %get3A_416 : vector<1x16xf32> to vector<16xf32>
        %get3A_418 = arith.index_cast %add3A_299 : i32 to index
        %get3A_419 = arith.constant 112 : index
        %get3A_420 = tpu.vector_load %arg14[%get3A_418, %get3A_419] {strides = array<i32>} : memref<32x128xf32, #tpu.memory_space<vmem>>, vector<1x16xf32>,
        %get3A_421 = vector.shape_cast %get3A_420 : vector<1x16xf32> to vector<16xf32>
        %mul3A_422 = arith.mulf %get3A_417, %get3A_421 : vector<16xf32>
        %swap3A_423 = arith.index_cast %add3A_399 : i32 to index
        %swap3A_424 = arith.constant 16 : index
        %swap3A_425 = tpu.vector_load %arg17[%swap3A_423, %swap3A_424] {strides = array<i32>} : memref<128x32xf32, #tpu.memory_space<vmem>>, vector<1x16xf32>,
        %swap3A_426 = vector.shape_cast %swap3A_425 : vector<1x16xf32> to vector<16xf32>
        %swap3A_427 = vector.shape_cast %mul3A_422 : vector<16xf32> to vector<1x16xf32>
        tpu.vector_store %arg17[%swap3A_423, %swap3A_424], %swap3A_427 {strides = array<i32>} : memref<128x32xf32, #tpu.memory_space<vmem>>, vector<1x16xf32>,
        %scan3A_428 = arith.constant 0 : i32
        scf.yield %scan3A_428 : i32
      }
      %scan3A_155 = arith.constant 16 : i32
      "tpu.region"() ({
        %run_scoped3A = tpu.sem_alloc : memref<!tpu.dma_semaphore, #tpu.memory_space<semaphore_mem>>
        %dma_start3A_164 = arith.constant 0 : i32
        %dma_start3A_165 = arith.constant 0 : i32
        %dma_start3A_166 = tpu.memref_slice %arg8[%dma_start3A_164, %dma_start3A_165] : memref<50176x32xf32, #tpu.memory_space<vmem_shared>> -> memref<50176x32xf32, #tpu.memory_space<vmem_shared>>
        tpu.enqueue_indirect_dma source(%arg17 : memref<128x32xf32, #tpu.memory_space<vmem>>) target(%dma_start3A_166 : memref<50176x32xf32, #tpu.memory_space<vmem_shared>>) offsets(%arg12 : memref<128xi32, #tpu.memory_space<vmem>>) semaphore(%run_scoped3A : memref<!tpu.dma_semaphore, #tpu.memory_space<semaphore_mem>>) {add = true}
        %dma_wait3A_167 = arith.constant 0 : i32
        %dma_wait3A_168 = arith.constant 0 : i32
        %dma_wait3A_169 = tpu.memref_slice %arg8[%dma_wait3A_167, %dma_wait3A_168] : memref<50176x32xf32, #tpu.memory_space<vmem_shared>> -> memref<50176x32xf32, #tpu.memory_space<vmem_shared>>
        tpu.wait_indirect_dma semaphore(%run_scoped3A : memref<!tpu.dma_semaphore, #tpu.memory_space<semaphore_mem>>) src(%arg17 : memref<128x32xf32, #tpu.memory_space<vmem>>) dst(%dma_wait3A_169 : memref<50176x32xf32, #tpu.memory_space<vmem_shared>>)
        tpu.yield
      }) : () -> ()
      %add3A_156 = arith.constant 2 : i32
      %add3A_157 = arith.addi %add3A_138, %add3A_156 : i32
      %lt3A_158 = arith.constant 196 : i32
      %lt3A_159 = arith.cmpi slt, %add3A_157, %lt3A_158 : i32
      %convert_element_type3A_160 = arith.extui %lt3A_159 : i1 to i32
      %cond3A_161 = arith.constant 0 : i32
      %cond3A_162 = arith.cmpi ne, %convert_element_type3A_160, %cond3A_161 : i32
      scf.if %cond3A_162 {
        %add3A_164 = arith.constant 2 : i32
        %add3A_165 = arith.addi %add3A_138, %add3A_164 : i32
        %add3A_166 = arith.addi %mul3A_2, %add3A_165 : i32
        %dma_start3A_167 = arith.constant 0 : i32
        %dma_start3A_168 = tpu.memref_slice %arg3[%add3A_166, %dma_start3A_167] : memref<6272x128xi32, #tpu.memory_space<hbm>> -> memref<1x128xi32, #tpu.memory_space<hbm>>
        %dma_start3A_169 = tpu.memref_squeeze %dma_start3A_168 : memref<1x128xi32, #tpu.memory_space<hbm>> -> memref<128xi32, #tpu.memory_space<hbm>>
        %dma_start3A_170 = arith.constant 0 : i32
        %dma_start3A_171 = tpu.memref_slice %arg3[%add3A_166, %dma_start3A_170] : memref<6272x128xi32, #tpu.memory_space<hbm>> -> memref<1x128xi32, #tpu.memory_space<hbm>>
        %dma_start3A_172 = tpu.memref_squeeze %dma_start3A_171 : memref<1x128xi32, #tpu.memory_space<hbm>> -> memref<128xi32, #tpu.memory_space<hbm>>
        tpu.enqueue_dma source(%dma_start3A_172 : memref<128xi32, #tpu.memory_space<hbm>>) target(%arg10 : memref<128xi32, #tpu.memory_space<vmem>>) target_semaphore(%arg20 : memref<!tpu.dma_semaphore, #tpu.memory_space<semaphore_mem>>)
        %add3A_173 = arith.addi %mul3A_2, %add3A_165 : i32
        %dma_start3A_174 = arith.constant 0 : i32
        %dma_start3A_175 = tpu.memref_slice %arg4[%add3A_173, %dma_start3A_174] : memref<6272x128xi32, #tpu.memory_space<hbm>> -> memref<1x128xi32, #tpu.memory_space<hbm>>
        %dma_start3A_176 = tpu.memref_squeeze %dma_start3A_175 : memref<1x128xi32, #tpu.memory_space<hbm>> -> memref<128xi32, #tpu.memory_space<hbm>>
        %dma_start3A_177 = arith.constant 0 : i32
        %dma_start3A_178 = tpu.memref_slice %arg4[%add3A_173, %dma_start3A_177] : memref<6272x128xi32, #tpu.memory_space<hbm>> -> memref<1x128xi32, #tpu.memory_space<hbm>>
        %dma_start3A_179 = tpu.memref_squeeze %dma_start3A_178 : memref<1x128xi32, #tpu.memory_space<hbm>> -> memref<128xi32, #tpu.memory_space<hbm>>
        tpu.enqueue_dma source(%dma_start3A_179 : memref<128xi32, #tpu.memory_space<hbm>>) target(%arg12 : memref<128xi32, #tpu.memory_space<vmem>>) target_semaphore(%arg20 : memref<!tpu.dma_semaphore, #tpu.memory_space<semaphore_mem>>)
        %add3A_180 = arith.addi %mul3A_2, %add3A_165 : i32
        %dma_start3A_181 = arith.constant 0 : i32
        %dma_start3A_182 = arith.constant 0 : i32
        %dma_start3A_183 = tpu.memref_slice %arg5[%add3A_180, %dma_start3A_181, %dma_start3A_182] : memref<6272x32x128xf32, #tpu.memory_space<hbm>> -> memref<1x32x128xf32, #tpu.memory_space<hbm>>
        %dma_start3A_184 = tpu.memref_squeeze %dma_start3A_183 : memref<1x32x128xf32, #tpu.memory_space<hbm>> -> memref<32x128xf32, #tpu.memory_space<hbm>>
        %dma_start3A_185 = arith.constant 0 : i32
        %dma_start3A_186 = arith.constant 0 : i32
        %dma_start3A_187 = tpu.memref_slice %arg5[%add3A_180, %dma_start3A_185, %dma_start3A_186] : memref<6272x32x128xf32, #tpu.memory_space<hbm>> -> memref<1x32x128xf32, #tpu.memory_space<hbm>>
        %dma_start3A_188 = tpu.memref_squeeze %dma_start3A_187 : memref<1x32x128xf32, #tpu.memory_space<hbm>> -> memref<32x128xf32, #tpu.memory_space<hbm>>
        tpu.enqueue_dma source(%dma_start3A_188 : memref<32x128xf32, #tpu.memory_space<hbm>>) target(%arg14 : memref<32x128xf32, #tpu.memory_space<vmem>>) target_semaphore(%arg20 : memref<!tpu.dma_semaphore, #tpu.memory_space<semaphore_mem>>)
      } else {
      }
      %scan3A_163 = arith.constant 0 : i32
      scf.yield %scan3A_163 : i32
    }
    %scan3A_95 = arith.constant 98 : i32
    %barrier3A_96 = arith.constant 0 : index
    tpu.barrier barrier_id(%barrier3A_96)
    %mul3A_97 = arith.constant 3136 : i32
    %mul3A_98 = arith.muli %arg1, %mul3A_97 : i32
    %eq3A = arith.constant 0 : i32
    %eq3A_99 = arith.cmpi eq, %arg0, %eq3A : i32
    %convert_element_type3A = arith.extui %eq3A_99 : i1 to i32
    %cond3A = arith.constant 0 : i32
    %cond3A_100 = arith.cmpi ne, %convert_element_type3A, %cond3A : i32
    scf.if %cond3A_100 {
      "tpu.region"() ({
        %run_scoped3A = tpu.sem_alloc : memref<!tpu.dma_semaphore, #tpu.memory_space<semaphore_mem>>
        %dma_start3A_106 = arith.constant 0 : i32
        %dma_start3A_107 = tpu.memref_slice %arg6[%mul3A_98, %dma_start3A_106] : memref<50176x32xf32, #tpu.memory_space<hbm>> -> memref<3136x32xf32, #tpu.memory_space<hbm>>
        %dma_start3A_108 = arith.constant 0 : i32
        %dma_start3A_109 = tpu.memref_slice %arg8[%mul3A_98, %dma_start3A_108] : memref<50176x32xf32, #tpu.memory_space<vmem_shared>> -> memref<3136x32xf32, #tpu.memory_space<vmem_shared>>
        tpu.enqueue_dma source(%dma_start3A_109 : memref<3136x32xf32, #tpu.memory_space<vmem_shared>>) target(%dma_start3A_107 : memref<3136x32xf32, #tpu.memory_space<hbm>>) target_semaphore(%run_scoped3A : memref<!tpu.dma_semaphore, #tpu.memory_space<semaphore_mem>>)
        %dma_wait3A_110 = arith.constant 0 : i32
        %dma_wait3A_111 = tpu.memref_slice %arg6[%mul3A_98, %dma_wait3A_110] : memref<50176x32xf32, #tpu.memory_space<hbm>> -> memref<3136x32xf32, #tpu.memory_space<hbm>>
        %dma_wait3A_112 = arith.constant 0 : i32
        %dma_wait3A_113 = tpu.memref_slice %arg8[%mul3A_98, %dma_wait3A_112] : memref<50176x32xf32, #tpu.memory_space<vmem_shared>> -> memref<3136x32xf32, #tpu.memory_space<vmem_shared>>
        tpu.wait_dma2 semaphore(%run_scoped3A : memref<!tpu.dma_semaphore, #tpu.memory_space<semaphore_mem>>) src(%dma_wait3A_113 : memref<3136x32xf32, #tpu.memory_space<vmem_shared>>) dst(%dma_wait3A_111 : memref<3136x32xf32, #tpu.memory_space<hbm>>)
        tpu.yield
      }) : () -> ()
    } else {
    }
    %eq3A_101 = arith.constant 1 : i32
    %eq3A_102 = arith.cmpi eq, %arg0, %eq3A_101 : i32
    %convert_element_type3A_103 = arith.extui %eq3A_102 : i1 to i32
    %cond3A_104 = arith.constant 0 : i32
    %cond3A_105 = arith.cmpi ne, %convert_element_type3A_103, %cond3A_104 : i32
    scf.if %cond3A_105 {
      "tpu.region"() ({
        %run_scoped3A = tpu.sem_alloc : memref<!tpu.dma_semaphore, #tpu.memory_space<semaphore_mem>>
        %dma_start3A_106 = arith.constant 0 : i32
        %dma_start3A_107 = tpu.memref_slice %arg7[%mul3A_98, %dma_start3A_106] : memref<50176x32xf32, #tpu.memory_space<hbm>> -> memref<3136x32xf32, #tpu.memory_space<hbm>>
        %dma_start3A_108 = arith.constant 0 : i32
        %dma_start3A_109 = tpu.memref_slice %arg8[%mul3A_98, %dma_start3A_108] : memref<50176x32xf32, #tpu.memory_space<vmem_shared>> -> memref<3136x32xf32, #tpu.memory_space<vmem_shared>>
        tpu.enqueue_dma source(%dma_start3A_109 : memref<3136x32xf32, #tpu.memory_space<vmem_shared>>) target(%dma_start3A_107 : memref<3136x32xf32, #tpu.memory_space<hbm>>) target_semaphore(%run_scoped3A : memref<!tpu.dma_semaphore, #tpu.memory_space<semaphore_mem>>)
        %dma_wait3A_110 = arith.constant 0 : i32
        %dma_wait3A_111 = tpu.memref_slice %arg7[%mul3A_98, %dma_wait3A_110] : memref<50176x32xf32, #tpu.memory_space<hbm>> -> memref<3136x32xf32, #tpu.memory_space<hbm>>
        %dma_wait3A_112 = arith.constant 0 : i32
        %dma_wait3A_113 = tpu.memref_slice %arg8[%mul3A_98, %dma_wait3A_112] : memref<50176x32xf32, #tpu.memory_space<vmem_shared>> -> memref<3136x32xf32, #tpu.memory_space<vmem_shared>>
        tpu.wait_dma2 semaphore(%run_scoped3A : memref<!tpu.dma_semaphore, #tpu.memory_space<semaphore_mem>>) src(%dma_wait3A_113 : memref<3136x32xf32, #tpu.memory_space<vmem_shared>>) dst(%dma_wait3A_111 : memref<3136x32xf32, #tpu.memory_space<hbm>>)
        tpu.yield
      }) : () -> ()
    } else {
    }
    return
  }
}

#map = affine_map<(d0, d1) -> (0, 0)>
#map1 = affine_map<(d0, d1) -> (0, 0, 0)>
module attributes {stable_mosaic.version = 14 : i64} {
  func.func @_sc_body(%arg0: i32, %arg1: i32, %arg2: memref<50176x32xf32, #tpu.memory_space<hbm>>, %arg3: memref<6272x128xi32, #tpu.memory_space<hbm>>, %arg4: memref<6272x128xi32, #tpu.memory_space<hbm>>, %arg5: memref<6272x32x128xf32, #tpu.memory_space<hbm>>, %arg6: memref<50176x32xf32, #tpu.memory_space<hbm>>, %arg7: memref<50176x32xf32, #tpu.memory_space<hbm>>, %arg8: memref<50176x32xf32, #tpu.memory_space<vmem_shared>>, %arg9: memref<128xi32, #tpu.memory_space<vmem>>, %arg10: memref<128xi32, #tpu.memory_space<vmem>>, %arg11: memref<128xi32, #tpu.memory_space<vmem>>, %arg12: memref<128xi32, #tpu.memory_space<vmem>>, %arg13: memref<32x128xf32, #tpu.memory_space<vmem>>, %arg14: memref<32x128xf32, #tpu.memory_space<vmem>>, %arg15: memref<128x32xf32, #tpu.memory_space<vmem>>, %arg16: memref<128x32xf32, #tpu.memory_space<vmem>>, %arg17: memref<128x32xf32, #tpu.memory_space<vmem>>, %arg18: memref<196x32xf32, #tpu.memory_space<vmem>>, %arg19: memref<!tpu.dma_semaphore, #tpu.memory_space<semaphore_mem>>, %arg20: memref<!tpu.dma_semaphore, #tpu.memory_space<semaphore_mem>>, %arg21: memref<!tpu.dma_semaphore, #tpu.memory_space<semaphore_mem>>, %arg22: memref<!tpu.dma_semaphore, #tpu.memory_space<semaphore_mem>>) attributes {dimension_semantics = [#tpu.dimension_semantics<core_parallel>, #tpu.dimension_semantics<subcore_parallel>], iteration_bounds = array<i64: 2, 16>, scalar_prefetch = 0 : i64, scratch_operands = 15 : i64, tpu.core_type = #tpu.core_type<sc_vector_subcore>, window_params = [{transform_indices = #map}, {transform_indices = #map}, {transform_indices = #map}, {transform_indices = #map1}, {transform_indices = #map}, {transform_indices = #map}]} {
    %mul3A = arith.constant 16 : i32
    %mul3A_0 = arith.muli %arg0, %mul3A : i32
    %add3A = arith.addi %mul3A_0, %arg1 : i32
    %mul3A_1 = arith.constant 196 : i32
    %mul3A_2 = arith.muli %add3A, %mul3A_1 : i32
    %add3A_3 = arith.constant 0 : i32
    %add3A_4 = arith.addi %mul3A_2, %add3A_3 : i32
    %dma_start3A = arith.constant 0 : i32
    %dma_start3A_5 = tpu.memref_slice %arg3[%add3A_4, %dma_start3A] : memref<6272x128xi32, #tpu.memory_space<hbm>> -> memref<1x128xi32, #tpu.memory_space<hbm>>
    %dma_start3A_6 = tpu.memref_squeeze %dma_start3A_5 : memref<1x128xi32, #tpu.memory_space<hbm>> -> memref<128xi32, #tpu.memory_space<hbm>>
    %dma_start3A_7 = arith.constant 0 : i32
    %dma_start3A_8 = tpu.memref_slice %arg3[%add3A_4, %dma_start3A_7] : memref<6272x128xi32, #tpu.memory_space<hbm>> -> memref<1x128xi32, #tpu.memory_space<hbm>>
    %dma_start3A_9 = tpu.memref_squeeze %dma_start3A_8 : memref<1x128xi32, #tpu.memory_space<hbm>> -> memref<128xi32, #tpu.memory_space<hbm>>
    tpu.enqueue_dma source(%dma_start3A_9 : memref<128xi32, #tpu.memory_space<hbm>>) target(%arg9 : memref<128xi32, #tpu.memory_space<vmem>>) target_semaphore(%arg19 : memref<!tpu.dma_semaphore, #tpu.memory_space<semaphore_mem>>)
    %add3A_10 = arith.constant 0 : i32
    %add3A_11 = arith.addi %mul3A_2, %add3A_10 : i32
    %dma_start3A_12 = arith.constant 0 : i32
    %dma_start3A_13 = tpu.memref_slice %arg4[%add3A_11, %dma_start3A_12] : memref<6272x128xi32, #tpu.memory_space<hbm>> -> memref<1x128xi32, #tpu.memory_space<hbm>>
    %dma_start3A_14 = tpu.memref_squeeze %dma_start3A_13 : memref<1x128xi32, #tpu.memory_space<hbm>> -> memref<128xi32, #tpu.memory_space<hbm>>
    %dma_start3A_15 = arith.constant 0 : i32
    %dma_start3A_16 = tpu.memref_slice %arg4[%add3A_11, %dma_start3A_15] : memref<6272x128xi32, #tpu.memory_space<hbm>> -> memref<1x128xi32, #tpu.memory_space<hbm>>
    %dma_start3A_17 = tpu.memref_squeeze %dma_start3A_16 : memref<1x128xi32, #tpu.memory_space<hbm>> -> memref<128xi32, #tpu.memory_space<hbm>>
    tpu.enqueue_dma source(%dma_start3A_17 : memref<128xi32, #tpu.memory_space<hbm>>) target(%arg11 : memref<128xi32, #tpu.memory_space<vmem>>) target_semaphore(%arg19 : memref<!tpu.dma_semaphore, #tpu.memory_space<semaphore_mem>>)
    %add3A_18 = arith.constant 0 : i32
    %add3A_19 = arith.addi %mul3A_2, %add3A_18 : i32
    %dma_start3A_20 = arith.constant 0 : i32
    %dma_start3A_21 = arith.constant 0 : i32
    %dma_start3A_22 = tpu.memref_slice %arg5[%add3A_19, %dma_start3A_20, %dma_start3A_21] : memref<6272x32x128xf32, #tpu.memory_space<hbm>> -> memref<1x32x128xf32, #tpu.memory_space<hbm>>
    %dma_start3A_23 = tpu.memref_squeeze %dma_start3A_22 : memref<1x32x128xf32, #tpu.memory_space<hbm>> -> memref<32x128xf32, #tpu.memory_space<hbm>>
    %dma_start3A_24 = arith.constant 0 : i32
    %dma_start3A_25 = arith.constant 0 : i32
    %dma_start3A_26 = tpu.memref_slice %arg5[%add3A_19, %dma_start3A_24, %dma_start3A_25] : memref<6272x32x128xf32, #tpu.memory_space<hbm>> -> memref<1x32x128xf32, #tpu.memory_space<hbm>>
    %dma_start3A_27 = tpu.memref_squeeze %dma_start3A_26 : memref<1x32x128xf32, #tpu.memory_space<hbm>> -> memref<32x128xf32, #tpu.memory_space<hbm>>
    tpu.enqueue_dma source(%dma_start3A_27 : memref<32x128xf32, #tpu.memory_space<hbm>>) target(%arg13 : memref<32x128xf32, #tpu.memory_space<vmem>>) target_semaphore(%arg19 : memref<!tpu.dma_semaphore, #tpu.memory_space<semaphore_mem>>)
    %scan3A = arith.constant 0 : i32
    %scan3A_28 = arith.constant 0 : i32
    %scan3A_29 = arith.constant 196 : i32
    %scan3A_30 = arith.addi %scan3A_28, %scan3A_29 : i32
    %scan3A_31 = arith.constant 1 : i32
    %scan3A_32 = scf.for %scan3A_106 = %scan3A_28 to %scan3A_30 step %scan3A_31 iter_args(%scan3A_107 = %scan3A) -> (i32)  : i32 {
      %broadcast_in_dim3A = arith.constant 0.000000e+00 : f32
      %broadcast_in_dim3A_108 = vector.broadcast %broadcast_in_dim3A : f32 to vector<16xf32>
      %swap3A = arith.index_cast %scan3A_106 : i32 to index
      %swap3A_109 = arith.constant 0 : index
      %swap3A_110 = tpu.vector_load %arg18[%swap3A, %swap3A_109] {strides = array<i32>} : memref<196x32xf32, #tpu.memory_space<vmem>>, vector<1x16xf32>,
      %swap3A_111 = vector.shape_cast %swap3A_110 : vector<1x16xf32> to vector<16xf32>
      %swap3A_112 = vector.shape_cast %broadcast_in_dim3A_108 : vector<16xf32> to vector<1x16xf32>
      tpu.vector_store %arg18[%swap3A, %swap3A_109], %swap3A_112 {strides = array<i32>} : memref<196x32xf32, #tpu.memory_space<vmem>>, vector<1x16xf32>,
      %broadcast_in_dim3A_113 = arith.constant 0.000000e+00 : f32
      %broadcast_in_dim3A_114 = vector.broadcast %broadcast_in_dim3A_113 : f32 to vector<16xf32>
      %swap3A_115 = arith.index_cast %scan3A_106 : i32 to index
      %swap3A_116 = arith.constant 16 : index
      %swap3A_117 = tpu.vector_load %arg18[%swap3A_115, %swap3A_116] {strides = array<i32>} : memref<196x32xf32, #tpu.memory_space<vmem>>, vector<1x16xf32>,
      %swap3A_118 = vector.shape_cast %swap3A_117 : vector<1x16xf32> to vector<16xf32>
      %swap3A_119 = vector.shape_cast %broadcast_in_dim3A_114 : vector<16xf32> to vector<1x16xf32>
      tpu.vector_store %arg18[%swap3A_115, %swap3A_116], %swap3A_119 {strides = array<i32>} : memref<196x32xf32, #tpu.memory_space<vmem>>, vector<1x16xf32>,
      %scan3A_120 = arith.constant 0 : i32
      scf.yield %scan3A_120 : i32
    }
    %scan3A_33 = arith.constant 196 : i32
    %scan3A_34 = arith.constant 0 : i32
    %scan3A_35 = arith.constant 0 : i32
    %scan3A_36 = arith.constant 16 : i32
    %scan3A_37 = arith.addi %scan3A_35, %scan3A_36 : i32
    %scan3A_38 = arith.constant 1 : i32
    %scan3A_39 = scf.for %scan3A_106 = %scan3A_35 to %scan3A_37 step %scan3A_38 iter_args(%scan3A_107 = %scan3A_34) -> (i32)  : i32 {
      %mul3A_108 = arith.constant 3136 : i32
      %mul3A_109 = arith.muli %arg1, %mul3A_108 : i32
      %mul3A_110 = arith.constant 196 : i32
      %mul3A_111 = arith.muli %scan3A_106, %mul3A_110 : i32
      %add3A_112 = arith.addi %mul3A_109, %mul3A_111 : i32
      "tpu.region"() ({
        %run_scoped3A = tpu.sem_alloc : memref<!tpu.dma_semaphore, #tpu.memory_space<semaphore_mem>>
        %dma_start3A_114 = arith.constant 0 : i32
        %dma_start3A_115 = tpu.memref_slice %arg8[%add3A_112, %dma_start3A_114] : memref<50176x32xf32, #tpu.memory_space<vmem_shared>> -> memref<196x32xf32, #tpu.memory_space<vmem_shared>>
        %dma_start3A_116 = arith.constant 0 : i32
        %dma_start3A_117 = tpu.memref_slice %arg8[%add3A_112, %dma_start3A_116] : memref<50176x32xf32, #tpu.memory_space<vmem_shared>> -> memref<196x32xf32, #tpu.memory_space<vmem_shared>>
        tpu.enqueue_dma source(%arg18 : memref<196x32xf32, #tpu.memory_space<vmem>>) target(%dma_start3A_117 : memref<196x32xf32, #tpu.memory_space<vmem_shared>>) target_semaphore(%run_scoped3A : memref<!tpu.dma_semaphore, #tpu.memory_space<semaphore_mem>>)
        %dma_wait3A_118 = arith.constant 0 : i32
        %dma_wait3A_119 = tpu.memref_slice %arg8[%add3A_112, %dma_wait3A_118] : memref<50176x32xf32, #tpu.memory_space<vmem_shared>> -> memref<196x32xf32, #tpu.memory_space<vmem_shared>>
        %dma_wait3A_120 = arith.constant 0 : i32
        %dma_wait3A_121 = tpu.memref_slice %arg8[%add3A_112, %dma_wait3A_120] : memref<50176x32xf32, #tpu.memory_space<vmem_shared>> -> memref<196x32xf32, #tpu.memory_space<vmem_shared>>
        tpu.wait_dma2 semaphore(%run_scoped3A : memref<!tpu.dma_semaphore, #tpu.memory_space<semaphore_mem>>) src(%arg18 : memref<196x32xf32, #tpu.memory_space<vmem>>) dst(%dma_wait3A_121 : memref<196x32xf32, #tpu.memory_space<vmem_shared>>)
        tpu.yield
      }) : () -> ()
      %scan3A_113 = arith.constant 0 : i32
      scf.yield %scan3A_113 : i32
    }
    %scan3A_40 = arith.constant 16 : i32
    %dma_wait3A = arith.constant 0 : i32
    %dma_wait3A_41 = tpu.memref_slice %arg3[%mul3A_2, %dma_wait3A] : memref<6272x128xi32, #tpu.memory_space<hbm>> -> memref<1x128xi32, #tpu.memory_space<hbm>>
    %dma_wait3A_42 = tpu.memref_squeeze %dma_wait3A_41 : memref<1x128xi32, #tpu.memory_space<hbm>> -> memref<128xi32, #tpu.memory_space<hbm>>
    %dma_wait3A_43 = arith.constant 0 : i32
    %dma_wait3A_44 = tpu.memref_slice %arg3[%mul3A_2, %dma_wait3A_43] : memref<6272x128xi32, #tpu.memory_space<hbm>> -> memref<1x128xi32, #tpu.memory_space<hbm>>
    %dma_wait3A_45 = tpu.memref_squeeze %dma_wait3A_44 : memref<1x128xi32, #tpu.memory_space<hbm>> -> memref<128xi32, #tpu.memory_space<hbm>>
    tpu.wait_dma2 semaphore(%arg19 : memref<!tpu.dma_semaphore, #tpu.memory_space<semaphore_mem>>) src(%dma_wait3A_45 : memref<128xi32, #tpu.memory_space<hbm>>) dst(%arg9 : memref<128xi32, #tpu.memory_space<vmem>>)
    %dma_wait3A_46 = arith.constant 0 : i32
    %dma_wait3A_47 = tpu.memref_slice %arg4[%mul3A_2, %dma_wait3A_46] : memref<6272x128xi32, #tpu.memory_space<hbm>> -> memref<1x128xi32, #tpu.memory_space<hbm>>
    %dma_wait3A_48 = tpu.memref_squeeze %dma_wait3A_47 : memref<1x128xi32, #tpu.memory_space<hbm>> -> memref<128xi32, #tpu.memory_space<hbm>>
    %dma_wait3A_49 = arith.constant 0 : i32
    %dma_wait3A_50 = tpu.memref_slice %arg4[%mul3A_2, %dma_wait3A_49] : memref<6272x128xi32, #tpu.memory_space<hbm>> -> memref<1x128xi32, #tpu.memory_space<hbm>>
    %dma_wait3A_51 = tpu.memref_squeeze %dma_wait3A_50 : memref<1x128xi32, #tpu.memory_space<hbm>> -> memref<128xi32, #tpu.memory_space<hbm>>
    tpu.wait_dma2 semaphore(%arg19 : memref<!tpu.dma_semaphore, #tpu.memory_space<semaphore_mem>>) src(%dma_wait3A_51 : memref<128xi32, #tpu.memory_space<hbm>>) dst(%arg11 : memref<128xi32, #tpu.memory_space<vmem>>)
    %dma_wait3A_52 = arith.constant 0 : i32
    %dma_wait3A_53 = arith.constant 0 : i32
    %dma_wait3A_54 = tpu.memref_slice %arg5[%mul3A_2, %dma_wait3A_52, %dma_wait3A_53] : memref<6272x32x128xf32, #tpu.memory_space<hbm>> -> memref<1x32x128xf32, #tpu.memory_space<hbm>>
    %dma_wait3A_55 = tpu.memref_squeeze %dma_wait3A_54 : memref<1x32x128xf32, #tpu.memory_space<hbm>> -> memref<32x128xf32, #tpu.memory_space<hbm>>
    %dma_wait3A_56 = arith.constant 0 : i32
    %dma_wait3A_57 = arith.constant 0 : i32
    %dma_wait3A_58 = tpu.memref_slice %arg5[%mul3A_2, %dma_wait3A_56, %dma_wait3A_57] : memref<6272x32x128xf32, #tpu.memory_space<hbm>> -> memref<1x32x128xf32, #tpu.memory_space<hbm>>
    %dma_wait3A_59 = tpu.memref_squeeze %dma_wait3A_58 : memref<1x32x128xf32, #tpu.memory_space<hbm>> -> memref<32x128xf32, #tpu.memory_space<hbm>>
    tpu.wait_dma2 semaphore(%arg19 : memref<!tpu.dma_semaphore, #tpu.memory_space<semaphore_mem>>) src(%dma_wait3A_59 : memref<32x128xf32, #tpu.memory_space<hbm>>) dst(%arg13 : memref<32x128xf32, #tpu.memory_space<vmem>>)
    %dma_start3A_60 = arith.constant 0 : i32
    %dma_start3A_61 = arith.constant 0 : i32
    %dma_start3A_62 = tpu.memref_slice %arg2[%dma_start3A_60, %dma_start3A_61] : memref<50176x32xf32, #tpu.memory_space<hbm>> -> memref<50176x32xf32, #tpu.memory_space<hbm>>
    tpu.enqueue_indirect_dma source(%dma_start3A_62 : memref<50176x32xf32, #tpu.memory_space<hbm>>) target(%arg15 : memref<128x32xf32, #tpu.memory_space<vmem>>) offsets(%arg9 : memref<128xi32, #tpu.memory_space<vmem>>) semaphore(%arg21 : memref<!tpu.dma_semaphore, #tpu.memory_space<semaphore_mem>>)
    %add3A_63 = arith.constant 1 : i32
    %add3A_64 = arith.addi %mul3A_2, %add3A_63 : i32
    %dma_start3A_65 = arith.constant 0 : i32
    %dma_start3A_66 = tpu.memref_slice %arg3[%add3A_64, %dma_start3A_65] : memref<6272x128xi32, #tpu.memory_space<hbm>> -> memref<1x128xi32, #tpu.memory_space<hbm>>
    %dma_start3A_67 = tpu.memref_squeeze %dma_start3A_66 : memref<1x128xi32, #tpu.memory_space<hbm>> -> memref<128xi32, #tpu.memory_space<hbm>>
    %dma_start3A_68 = arith.constant 0 : i32
    %dma_start3A_69 = tpu.memref_slice %arg3[%add3A_64, %dma_start3A_68] : memref<6272x128xi32, #tpu.memory_space<hbm>> -> memref<1x128xi32, #tpu.memory_space<hbm>>
    %dma_start3A_70 = tpu.memref_squeeze %dma_start3A_69 : memref<1x128xi32, #tpu.memory_space<hbm>> -> memref<128xi32, #tpu.memory_space<hbm>>
    tpu.enqueue_dma source(%dma_start3A_70 : memref<128xi32, #tpu.memory_space<hbm>>) target(%arg10 : memref<128xi32, #tpu.memory_space<vmem>>) target_semaphore(%arg20 : memref<!tpu.dma_semaphore, #tpu.memory_space<semaphore_mem>>)
    %add3A_71 = arith.constant 1 : i32
    %add3A_72 = arith.addi %mul3A_2, %add3A_71 : i32
    %dma_start3A_73 = arith.constant 0 : i32
    %dma_start3A_74 = tpu.memref_slice %arg4[%add3A_72, %dma_start3A_73] : memref<6272x128xi32, #tpu.memory_space<hbm>> -> memref<1x128xi32, #tpu.memory_space<hbm>>
    %dma_start3A_75 = tpu.memref_squeeze %dma_start3A_74 : memref<1x128xi32, #tpu.memory_space<hbm>> -> memref<128xi32, #tpu.memory_space<hbm>>
    %dma_start3A_76 = arith.constant 0 : i32
    %dma_start3A_77 = tpu.memref_slice %arg4[%add3A_72, %dma_start3A_76] : memref<6272x128xi32, #tpu.memory_space<hbm>> -> memref<1x128xi32, #tpu.memory_space<hbm>>
    %dma_start3A_78 = tpu.memref_squeeze %dma_start3A_77 : memref<1x128xi32, #tpu.memory_space<hbm>> -> memref<128xi32, #tpu.memory_space<hbm>>
    tpu.enqueue_dma source(%dma_start3A_78 : memref<128xi32, #tpu.memory_space<hbm>>) target(%arg12 : memref<128xi32, #tpu.memory_space<vmem>>) target_semaphore(%arg20 : memref<!tpu.dma_semaphore, #tpu.memory_space<semaphore_mem>>)
    %add3A_79 = arith.constant 1 : i32
    %add3A_80 = arith.addi %mul3A_2, %add3A_79 : i32
    %dma_start3A_81 = arith.constant 0 : i32
    %dma_start3A_82 = arith.constant 0 : i32
    %dma_start3A_83 = tpu.memref_slice %arg5[%add3A_80, %dma_start3A_81, %dma_start3A_82] : memref<6272x32x128xf32, #tpu.memory_space<hbm>> -> memref<1x32x128xf32, #tpu.memory_space<hbm>>
    %dma_start3A_84 = tpu.memref_squeeze %dma_start3A_83 : memref<1x32x128xf32, #tpu.memory_space<hbm>> -> memref<32x128xf32, #tpu.memory_space<hbm>>
    %dma_start3A_85 = arith.constant 0 : i32
    %dma_start3A_86 = arith.constant 0 : i32
    %dma_start3A_87 = tpu.memref_slice %arg5[%add3A_80, %dma_start3A_85, %dma_start3A_86] : memref<6272x32x128xf32, #tpu.memory_space<hbm>> -> memref<1x32x128xf32, #tpu.memory_space<hbm>>
    %dma_start3A_88 = tpu.memref_squeeze %dma_start3A_87 : memref<1x32x128xf32, #tpu.memory_space<hbm>> -> memref<32x128xf32, #tpu.memory_space<hbm>>
    tpu.enqueue_dma source(%dma_start3A_88 : memref<32x128xf32, #tpu.memory_space<hbm>>) target(%arg14 : memref<32x128xf32, #tpu.memory_space<vmem>>) target_semaphore(%arg20 : memref<!tpu.dma_semaphore, #tpu.memory_space<semaphore_mem>>)
    %barrier3A = arith.constant 0 : index
    tpu.barrier barrier_id(%barrier3A)
    %scan3A_89 = arith.constant 0 : i32
    %scan3A_90 = arith.constant 0 : i32
    %scan3A_91 = arith.constant 98 : i32
    %scan3A_92 = arith.addi %scan3A_90, %scan3A_91 : i32
    %scan3A_93 = arith.constant 1 : i32
    %scan3A_94 = scf.for %scan3A_106 = %scan3A_90 to %scan3A_92 step %scan3A_93 iter_args(%scan3A_107 = %scan3A_89) -> (i32)  : i32 {
      %mul3A_108 = arith.constant 2 : i32
      %mul3A_109 = arith.muli %mul3A_108, %scan3A_106 : i32
      %add3A_110 = arith.constant 0 : i32
      %add3A_111 = arith.addi %mul3A_109, %add3A_110 : i32
      %dma_wait3A_112 = arith.constant 0 : i32
      %dma_wait3A_113 = arith.constant 0 : i32
      %dma_wait3A_114 = tpu.memref_slice %arg2[%dma_wait3A_112, %dma_wait3A_113] : memref<50176x32xf32, #tpu.memory_space<hbm>> -> memref<50176x32xf32, #tpu.memory_space<hbm>>
      tpu.wait_indirect_dma semaphore(%arg21 : memref<!tpu.dma_semaphore, #tpu.memory_space<semaphore_mem>>) src(%dma_wait3A_114 : memref<50176x32xf32, #tpu.memory_space<hbm>>) dst(%arg15 : memref<128x32xf32, #tpu.memory_space<vmem>>)
      %add3A_115 = arith.constant 1 : i32
      %add3A_116 = arith.addi %add3A_111, %add3A_115 : i32
      %lt3A = arith.constant 196 : i32
      %lt3A_117 = arith.cmpi slt, %add3A_116, %lt3A : i32
      %convert_element_type3A_118 = arith.extui %lt3A_117 : i1 to i32
      %cond3A_119 = arith.constant 0 : i32
      %cond3A_120 = arith.cmpi ne, %convert_element_type3A_118, %cond3A_119 : i32
      scf.if %cond3A_120 {
        %dma_wait3A_164 = arith.constant 0 : i32
        %dma_wait3A_165 = tpu.memref_slice %arg3[%mul3A_2, %dma_wait3A_164] : memref<6272x128xi32, #tpu.memory_space<hbm>> -> memref<1x128xi32, #tpu.memory_space<hbm>>
        %dma_wait3A_166 = tpu.memref_squeeze %dma_wait3A_165 : memref<1x128xi32, #tpu.memory_space<hbm>> -> memref<128xi32, #tpu.memory_space<hbm>>
        %dma_wait3A_167 = arith.constant 0 : i32
        %dma_wait3A_168 = tpu.memref_slice %arg3[%mul3A_2, %dma_wait3A_167] : memref<6272x128xi32, #tpu.memory_space<hbm>> -> memref<1x128xi32, #tpu.memory_space<hbm>>
        %dma_wait3A_169 = tpu.memref_squeeze %dma_wait3A_168 : memref<1x128xi32, #tpu.memory_space<hbm>> -> memref<128xi32, #tpu.memory_space<hbm>>
        tpu.wait_dma2 semaphore(%arg20 : memref<!tpu.dma_semaphore, #tpu.memory_space<semaphore_mem>>) src(%dma_wait3A_169 : memref<128xi32, #tpu.memory_space<hbm>>) dst(%arg10 : memref<128xi32, #tpu.memory_space<vmem>>)
        %dma_wait3A_170 = arith.constant 0 : i32
        %dma_wait3A_171 = tpu.memref_slice %arg4[%mul3A_2, %dma_wait3A_170] : memref<6272x128xi32, #tpu.memory_space<hbm>> -> memref<1x128xi32, #tpu.memory_space<hbm>>
        %dma_wait3A_172 = tpu.memref_squeeze %dma_wait3A_171 : memref<1x128xi32, #tpu.memory_space<hbm>> -> memref<128xi32, #tpu.memory_space<hbm>>
        %dma_wait3A_173 = arith.constant 0 : i32
        %dma_wait3A_174 = tpu.memref_slice %arg4[%mul3A_2, %dma_wait3A_173] : memref<6272x128xi32, #tpu.memory_space<hbm>> -> memref<1x128xi32, #tpu.memory_space<hbm>>
        %dma_wait3A_175 = tpu.memref_squeeze %dma_wait3A_174 : memref<1x128xi32, #tpu.memory_space<hbm>> -> memref<128xi32, #tpu.memory_space<hbm>>
        tpu.wait_dma2 semaphore(%arg20 : memref<!tpu.dma_semaphore, #tpu.memory_space<semaphore_mem>>) src(%dma_wait3A_175 : memref<128xi32, #tpu.memory_space<hbm>>) dst(%arg12 : memref<128xi32, #tpu.memory_space<vmem>>)
        %dma_wait3A_176 = arith.constant 0 : i32
        %dma_wait3A_177 = arith.constant 0 : i32
        %dma_wait3A_178 = tpu.memref_slice %arg5[%mul3A_2, %dma_wait3A_176, %dma_wait3A_177] : memref<6272x32x128xf32, #tpu.memory_space<hbm>> -> memref<1x32x128xf32, #tpu.memory_space<hbm>>
        %dma_wait3A_179 = tpu.memref_squeeze %dma_wait3A_178 : memref<1x32x128xf32, #tpu.memory_space<hbm>> -> memref<32x128xf32, #tpu.memory_space<hbm>>
        %dma_wait3A_180 = arith.constant 0 : i32
        %dma_wait3A_181 = arith.constant 0 : i32
        %dma_wait3A_182 = tpu.memref_slice %arg5[%mul3A_2, %dma_wait3A_180, %dma_wait3A_181] : memref<6272x32x128xf32, #tpu.memory_space<hbm>> -> memref<1x32x128xf32, #tpu.memory_space<hbm>>
        %dma_wait3A_183 = tpu.memref_squeeze %dma_wait3A_182 : memref<1x32x128xf32, #tpu.memory_space<hbm>> -> memref<32x128xf32, #tpu.memory_space<hbm>>
        tpu.wait_dma2 semaphore(%arg20 : memref<!tpu.dma_semaphore, #tpu.memory_space<semaphore_mem>>) src(%dma_wait3A_183 : memref<32x128xf32, #tpu.memory_space<hbm>>) dst(%arg14 : memref<32x128xf32, #tpu.memory_space<vmem>>)
        %dma_start3A_184 = arith.constant 0 : i32
        %dma_start3A_185 = arith.constant 0 : i32
        %dma_start3A_186 = tpu.memref_slice %arg2[%dma_start3A_184, %dma_start3A_185] : memref<50176x32xf32, #tpu.memory_space<hbm>> -> memref<50176x32xf32, #tpu.memory_space<hbm>>
        tpu.enqueue_indirect_dma source(%dma_start3A_186 : memref<50176x32xf32, #tpu.memory_space<hbm>>) target(%arg16 : memref<128x32xf32, #tpu.memory_space<vmem>>) offsets(%arg10 : memref<128xi32, #tpu.memory_space<vmem>>) semaphore(%arg22 : memref<!tpu.dma_semaphore, #tpu.memory_space<semaphore_mem>>)
      } else {
      }
      %scan3A_121 = arith.constant 0 : i32
      %scan3A_122 = arith.constant 0 : i32
      %scan3A_123 = arith.constant 16 : i32
      %scan3A_124 = arith.addi %scan3A_122, %scan3A_123 : i32
      %scan3A_125 = arith.constant 1 : i32
      %scan3A_126 = scf.for %scan3A_164 = %scan3A_122 to %scan3A_124 step %scan3A_125 iter_args(%scan3A_165 = %scan3A_121) -> (i32)  : i32 {
        %mul3A_166 = arith.constant 2 : i32
        %mul3A_167 = arith.muli %scan3A_164, %mul3A_166 : i32
        %add3A_168 = arith.constant 0 : i32
        %add3A_169 = arith.addi %mul3A_167, %add3A_168 : i32
        %mul3A_170 = arith.constant 4 : i32
        %mul3A_171 = arith.muli %add3A_169, %mul3A_170 : i32
        %add3A_172 = arith.constant 0 : i32
        %add3A_173 = arith.addi %mul3A_171, %add3A_172 : i32
        %get3A = arith.index_cast %add3A_173 : i32 to index
        %get3A_174 = arith.constant 0 : index
        %get3A_175 = tpu.vector_load %arg15[%get3A, %get3A_174] {strides = array<i32>} : memref<128x32xf32, #tpu.memory_space<vmem>>, vector<1x16xf32>,
        %get3A_176 = vector.shape_cast %get3A_175 : vector<1x16xf32> to vector<16xf32>
        %get3A_177 = arith.index_cast %add3A_169 : i32 to index
        %get3A_178 = arith.constant 0 : index
        %get3A_179 = tpu.vector_load %arg13[%get3A_177, %get3A_178] {strides = array<i32>} : memref<32x128xf32, #tpu.memory_space<vmem>>, vector<1x16xf32>,
        %get3A_180 = vector.shape_cast %get3A_179 : vector<1x16xf32> to vector<16xf32>
        %mul3A_181 = arith.mulf %get3A_176, %get3A_180 : vector<16xf32>
        %swap3A = arith.index_cast %add3A_173 : i32 to index
        %swap3A_182 = arith.constant 0 : index
        %swap3A_183 = tpu.vector_load %arg17[%swap3A, %swap3A_182] {strides = array<i32>} : memref<128x32xf32, #tpu.memory_space<vmem>>, vector<1x16xf32>,
        %swap3A_184 = vector.shape_cast %swap3A_183 : vector<1x16xf32> to vector<16xf32>
        %swap3A_185 = vector.shape_cast %mul3A_181 : vector<16xf32> to vector<1x16xf32>
        tpu.vector_store %arg17[%swap3A, %swap3A_182], %swap3A_185 {strides = array<i32>} : memref<128x32xf32, #tpu.memory_space<vmem>>, vector<1x16xf32>,
        %get3A_186 = arith.index_cast %add3A_173 : i32 to index
        %get3A_187 = arith.constant 16 : index
        %get3A_188 = tpu.vector_load %arg15[%get3A_186, %get3A_187] {strides = array<i32>} : memref<128x32xf32, #tpu.memory_space<vmem>>, vector<1x16xf32>,
        %get3A_189 = vector.shape_cast %get3A_188 : vector<1x16xf32> to vector<16xf32>
        %get3A_190 = arith.index_cast %add3A_169 : i32 to index
        %get3A_191 = arith.constant 16 : index
        %get3A_192 = tpu.vector_load %arg13[%get3A_190, %get3A_191] {strides = array<i32>} : memref<32x128xf32, #tpu.memory_space<vmem>>, vector<1x16xf32>,
        %get3A_193 = vector.shape_cast %get3A_192 : vector<1x16xf32> to vector<16xf32>
        %mul3A_194 = arith.mulf %get3A_189, %get3A_193 : vector<16xf32>
        %swap3A_195 = arith.index_cast %add3A_173 : i32 to index
        %swap3A_196 = arith.constant 16 : index
        %swap3A_197 = tpu.vector_load %arg17[%swap3A_195, %swap3A_196] {strides = array<i32>} : memref<128x32xf32, #tpu.memory_space<vmem>>, vector<1x16xf32>,
        %swap3A_198 = vector.shape_cast %swap3A_197 : vector<1x16xf32> to vector<16xf32>
        %swap3A_199 = vector.shape_cast %mul3A_194 : vector<16xf32> to vector<1x16xf32>
        tpu.vector_store %arg17[%swap3A_195, %swap3A_196], %swap3A_199 {strides = array<i32>} : memref<128x32xf32, #tpu.memory_space<vmem>>, vector<1x16xf32>,
        %mul3A_200 = arith.constant 4 : i32
        %mul3A_201 = arith.muli %add3A_169, %mul3A_200 : i32
        %add3A_202 = arith.constant 1 : i32
        %add3A_203 = arith.addi %mul3A_201, %add3A_202 : i32
        %get3A_204 = arith.index_cast %add3A_203 : i32 to index
        %get3A_205 = arith.constant 0 : index
        %get3A_206 = tpu.vector_load %arg15[%get3A_204, %get3A_205] {strides = array<i32>} : memref<128x32xf32, #tpu.memory_space<vmem>>, vector<1x16xf32>,
        %get3A_207 = vector.shape_cast %get3A_206 : vector<1x16xf32> to vector<16xf32>
        %get3A_208 = arith.index_cast %add3A_169 : i32 to index
        %get3A_209 = arith.constant 32 : index
        %get3A_210 = tpu.vector_load %arg13[%get3A_208, %get3A_209] {strides = array<i32>} : memref<32x128xf32, #tpu.memory_space<vmem>>, vector<1x16xf32>,
        %get3A_211 = vector.shape_cast %get3A_210 : vector<1x16xf32> to vector<16xf32>
        %mul3A_212 = arith.mulf %get3A_207, %get3A_211 : vector<16xf32>
        %swap3A_213 = arith.index_cast %add3A_203 : i32 to index
        %swap3A_214 = arith.constant 0 : index
        %swap3A_215 = tpu.vector_load %arg17[%swap3A_213, %swap3A_214] {strides = array<i32>} : memref<128x32xf32, #tpu.memory_space<vmem>>, vector<1x16xf32>,
        %swap3A_216 = vector.shape_cast %swap3A_215 : vector<1x16xf32> to vector<16xf32>
        %swap3A_217 = vector.shape_cast %mul3A_212 : vector<16xf32> to vector<1x16xf32>
        tpu.vector_store %arg17[%swap3A_213, %swap3A_214], %swap3A_217 {strides = array<i32>} : memref<128x32xf32, #tpu.memory_space<vmem>>, vector<1x16xf32>,
        %get3A_218 = arith.index_cast %add3A_203 : i32 to index
        %get3A_219 = arith.constant 16 : index
        %get3A_220 = tpu.vector_load %arg15[%get3A_218, %get3A_219] {strides = array<i32>} : memref<128x32xf32, #tpu.memory_space<vmem>>, vector<1x16xf32>,
        %get3A_221 = vector.shape_cast %get3A_220 : vector<1x16xf32> to vector<16xf32>
        %get3A_222 = arith.index_cast %add3A_169 : i32 to index
        %get3A_223 = arith.constant 48 : index
        %get3A_224 = tpu.vector_load %arg13[%get3A_222, %get3A_223] {strides = array<i32>} : memref<32x128xf32, #tpu.memory_space<vmem>>, vector<1x16xf32>,
        %get3A_225 = vector.shape_cast %get3A_224 : vector<1x16xf32> to vector<16xf32>
        %mul3A_226 = arith.mulf %get3A_221, %get3A_225 : vector<16xf32>
        %swap3A_227 = arith.index_cast %add3A_203 : i32 to index
        %swap3A_228 = arith.constant 16 : index
        %swap3A_229 = tpu.vector_load %arg17[%swap3A_227, %swap3A_228] {strides = array<i32>} : memref<128x32xf32, #tpu.memory_space<vmem>>, vector<1x16xf32>,
        %swap3A_230 = vector.shape_cast %swap3A_229 : vector<1x16xf32> to vector<16xf32>
        %swap3A_231 = vector.shape_cast %mul3A_226 : vector<16xf32> to vector<1x16xf32>
        tpu.vector_store %arg17[%swap3A_227, %swap3A_228], %swap3A_231 {strides = array<i32>} : memref<128x32xf32, #tpu.memory_space<vmem>>, vector<1x16xf32>,
        %mul3A_232 = arith.constant 4 : i32
        %mul3A_233 = arith.muli %add3A_169, %mul3A_232 : i32
        %add3A_234 = arith.constant 2 : i32
        %add3A_235 = arith.addi %mul3A_233, %add3A_234 : i32
        %get3A_236 = arith.index_cast %add3A_235 : i32 to index
        %get3A_237 = arith.constant 0 : index
        %get3A_238 = tpu.vector_load %arg15[%get3A_236, %get3A_237] {strides = array<i32>} : memref<128x32xf32, #tpu.memory_space<vmem>>, vector<1x16xf32>,
        %get3A_239 = vector.shape_cast %get3A_238 : vector<1x16xf32> to vector<16xf32>
        %get3A_240 = arith.index_cast %add3A_169 : i32 to index
        %get3A_241 = arith.constant 64 : index
        %get3A_242 = tpu.vector_load %arg13[%get3A_240, %get3A_241] {strides = array<i32>} : memref<32x128xf32, #tpu.memory_space<vmem>>, vector<1x16xf32>,
        %get3A_243 = vector.shape_cast %get3A_242 : vector<1x16xf32> to vector<16xf32>
        %mul3A_244 = arith.mulf %get3A_239, %get3A_243 : vector<16xf32>
        %swap3A_245 = arith.index_cast %add3A_235 : i32 to index
        %swap3A_246 = arith.constant 0 : index
        %swap3A_247 = tpu.vector_load %arg17[%swap3A_245, %swap3A_246] {strides = array<i32>} : memref<128x32xf32, #tpu.memory_space<vmem>>, vector<1x16xf32>,
        %swap3A_248 = vector.shape_cast %swap3A_247 : vector<1x16xf32> to vector<16xf32>
        %swap3A_249 = vector.shape_cast %mul3A_244 : vector<16xf32> to vector<1x16xf32>
        tpu.vector_store %arg17[%swap3A_245, %swap3A_246], %swap3A_249 {strides = array<i32>} : memref<128x32xf32, #tpu.memory_space<vmem>>, vector<1x16xf32>,
        %get3A_250 = arith.index_cast %add3A_235 : i32 to index
        %get3A_251 = arith.constant 16 : index
        %get3A_252 = tpu.vector_load %arg15[%get3A_250, %get3A_251] {strides = array<i32>} : memref<128x32xf32, #tpu.memory_space<vmem>>, vector<1x16xf32>,
        %get3A_253 = vector.shape_cast %get3A_252 : vector<1x16xf32> to vector<16xf32>
        %get3A_254 = arith.index_cast %add3A_169 : i32 to index
        %get3A_255 = arith.constant 80 : index
        %get3A_256 = tpu.vector_load %arg13[%get3A_254, %get3A_255] {strides = array<i32>} : memref<32x128xf32, #tpu.memory_space<vmem>>, vector<1x16xf32>,
        %get3A_257 = vector.shape_cast %get3A_256 : vector<1x16xf32> to vector<16xf32>
        %mul3A_258 = arith.mulf %get3A_253, %get3A_257 : vector<16xf32>
        %swap3A_259 = arith.index_cast %add3A_235 : i32 to index
        %swap3A_260 = arith.constant 16 : index
        %swap3A_261 = tpu.vector_load %arg17[%swap3A_259, %swap3A_260] {strides = array<i32>} : memref<128x32xf32, #tpu.memory_space<vmem>>, vector<1x16xf32>,
        %swap3A_262 = vector.shape_cast %swap3A_261 : vector<1x16xf32> to vector<16xf32>
        %swap3A_263 = vector.shape_cast %mul3A_258 : vector<16xf32> to vector<1x16xf32>
        tpu.vector_store %arg17[%swap3A_259, %swap3A_260], %swap3A_263 {strides = array<i32>} : memref<128x32xf32, #tpu.memory_space<vmem>>, vector<1x16xf32>,
        %mul3A_264 = arith.constant 4 : i32
        %mul3A_265 = arith.muli %add3A_169, %mul3A_264 : i32
        %add3A_266 = arith.constant 3 : i32
        %add3A_267 = arith.addi %mul3A_265, %add3A_266 : i32
        %get3A_268 = arith.index_cast %add3A_267 : i32 to index
        %get3A_269 = arith.constant 0 : index
        %get3A_270 = tpu.vector_load %arg15[%get3A_268, %get3A_269] {strides = array<i32>} : memref<128x32xf32, #tpu.memory_space<vmem>>, vector<1x16xf32>,
        %get3A_271 = vector.shape_cast %get3A_270 : vector<1x16xf32> to vector<16xf32>
        %get3A_272 = arith.index_cast %add3A_169 : i32 to index
        %get3A_273 = arith.constant 96 : index
        %get3A_274 = tpu.vector_load %arg13[%get3A_272, %get3A_273] {strides = array<i32>} : memref<32x128xf32, #tpu.memory_space<vmem>>, vector<1x16xf32>,
        %get3A_275 = vector.shape_cast %get3A_274 : vector<1x16xf32> to vector<16xf32>
        %mul3A_276 = arith.mulf %get3A_271, %get3A_275 : vector<16xf32>
        %swap3A_277 = arith.index_cast %add3A_267 : i32 to index
        %swap3A_278 = arith.constant 0 : index
        %swap3A_279 = tpu.vector_load %arg17[%swap3A_277, %swap3A_278] {strides = array<i32>} : memref<128x32xf32, #tpu.memory_space<vmem>>, vector<1x16xf32>,
        %swap3A_280 = vector.shape_cast %swap3A_279 : vector<1x16xf32> to vector<16xf32>
        %swap3A_281 = vector.shape_cast %mul3A_276 : vector<16xf32> to vector<1x16xf32>
        tpu.vector_store %arg17[%swap3A_277, %swap3A_278], %swap3A_281 {strides = array<i32>} : memref<128x32xf32, #tpu.memory_space<vmem>>, vector<1x16xf32>,
        %get3A_282 = arith.index_cast %add3A_267 : i32 to index
        %get3A_283 = arith.constant 16 : index
        %get3A_284 = tpu.vector_load %arg15[%get3A_282, %get3A_283] {strides = array<i32>} : memref<128x32xf32, #tpu.memory_space<vmem>>, vector<1x16xf32>,
        %get3A_285 = vector.shape_cast %get3A_284 : vector<1x16xf32> to vector<16xf32>
        %get3A_286 = arith.index_cast %add3A_169 : i32 to index
        %get3A_287 = arith.constant 112 : index
        %get3A_288 = tpu.vector_load %arg13[%get3A_286, %get3A_287] {strides = array<i32>} : memref<32x128xf32, #tpu.memory_space<vmem>>, vector<1x16xf32>,
        %get3A_289 = vector.shape_cast %get3A_288 : vector<1x16xf32> to vector<16xf32>
        %mul3A_290 = arith.mulf %get3A_285, %get3A_289 : vector<16xf32>
        %swap3A_291 = arith.index_cast %add3A_267 : i32 to index
        %swap3A_292 = arith.constant 16 : index
        %swap3A_293 = tpu.vector_load %arg17[%swap3A_291, %swap3A_292] {strides = array<i32>} : memref<128x32xf32, #tpu.memory_space<vmem>>, vector<1x16xf32>,
        %swap3A_294 = vector.shape_cast %swap3A_293 : vector<1x16xf32> to vector<16xf32>
        %swap3A_295 = vector.shape_cast %mul3A_290 : vector<16xf32> to vector<1x16xf32>
        tpu.vector_store %arg17[%swap3A_291, %swap3A_292], %swap3A_295 {strides = array<i32>} : memref<128x32xf32, #tpu.memory_space<vmem>>, vector<1x16xf32>,
        %mul3A_296 = arith.constant 2 : i32
        %mul3A_297 = arith.muli %scan3A_164, %mul3A_296 : i32
        %add3A_298 = arith.constant 1 : i32
        %add3A_299 = arith.addi %mul3A_297, %add3A_298 : i32
        %mul3A_300 = arith.constant 4 : i32
        %mul3A_301 = arith.muli %add3A_299, %mul3A_300 : i32
        %add3A_302 = arith.constant 0 : i32
        %add3A_303 = arith.addi %mul3A_301, %add3A_302 : i32
        %get3A_304 = arith.index_cast %add3A_303 : i32 to index
        %get3A_305 = arith.constant 0 : index
        %get3A_306 = tpu.vector_load %arg15[%get3A_304, %get3A_305] {strides = array<i32>} : memref<128x32xf32, #tpu.memory_space<vmem>>, vector<1x16xf32>,
        %get3A_307 = vector.shape_cast %get3A_306 : vector<1x16xf32> to vector<16xf32>
        %get3A_308 = arith.index_cast %add3A_299 : i32 to index
        %get3A_309 = arith.constant 0 : index
        %get3A_310 = tpu.vector_load %arg13[%get3A_308, %get3A_309] {strides = array<i32>} : memref<32x128xf32, #tpu.memory_space<vmem>>, vector<1x16xf32>,
        %get3A_311 = vector.shape_cast %get3A_310 : vector<1x16xf32> to vector<16xf32>
        %mul3A_312 = arith.mulf %get3A_307, %get3A_311 : vector<16xf32>
        %swap3A_313 = arith.index_cast %add3A_303 : i32 to index
        %swap3A_314 = arith.constant 0 : index
        %swap3A_315 = tpu.vector_load %arg17[%swap3A_313, %swap3A_314] {strides = array<i32>} : memref<128x32xf32, #tpu.memory_space<vmem>>, vector<1x16xf32>,
        %swap3A_316 = vector.shape_cast %swap3A_315 : vector<1x16xf32> to vector<16xf32>
        %swap3A_317 = vector.shape_cast %mul3A_312 : vector<16xf32> to vector<1x16xf32>
        tpu.vector_store %arg17[%swap3A_313, %swap3A_314], %swap3A_317 {strides = array<i32>} : memref<128x32xf32, #tpu.memory_space<vmem>>, vector<1x16xf32>,
        %get3A_318 = arith.index_cast %add3A_303 : i32 to index
        %get3A_319 = arith.constant 16 : index
        %get3A_320 = tpu.vector_load %arg15[%get3A_318, %get3A_319] {strides = array<i32>} : memref<128x32xf32, #tpu.memory_space<vmem>>, vector<1x16xf32>,
        %get3A_321 = vector.shape_cast %get3A_320 : vector<1x16xf32> to vector<16xf32>
        %get3A_322 = arith.index_cast %add3A_299 : i32 to index
        %get3A_323 = arith.constant 16 : index
        %get3A_324 = tpu.vector_load %arg13[%get3A_322, %get3A_323] {strides = array<i32>} : memref<32x128xf32, #tpu.memory_space<vmem>>, vector<1x16xf32>,
        %get3A_325 = vector.shape_cast %get3A_324 : vector<1x16xf32> to vector<16xf32>
        %mul3A_326 = arith.mulf %get3A_321, %get3A_325 : vector<16xf32>
        %swap3A_327 = arith.index_cast %add3A_303 : i32 to index
        %swap3A_328 = arith.constant 16 : index
        %swap3A_329 = tpu.vector_load %arg17[%swap3A_327, %swap3A_328] {strides = array<i32>} : memref<128x32xf32, #tpu.memory_space<vmem>>, vector<1x16xf32>,
        %swap3A_330 = vector.shape_cast %swap3A_329 : vector<1x16xf32> to vector<16xf32>
        %swap3A_331 = vector.shape_cast %mul3A_326 : vector<16xf32> to vector<1x16xf32>
        tpu.vector_store %arg17[%swap3A_327, %swap3A_328], %swap3A_331 {strides = array<i32>} : memref<128x32xf32, #tpu.memory_space<vmem>>, vector<1x16xf32>,
        %mul3A_332 = arith.constant 4 : i32
        %mul3A_333 = arith.muli %add3A_299, %mul3A_332 : i32
        %add3A_334 = arith.constant 1 : i32
        %add3A_335 = arith.addi %mul3A_333, %add3A_334 : i32
        %get3A_336 = arith.index_cast %add3A_335 : i32 to index
        %get3A_337 = arith.constant 0 : index
        %get3A_338 = tpu.vector_load %arg15[%get3A_336, %get3A_337] {strides = array<i32>} : memref<128x32xf32, #tpu.memory_space<vmem>>, vector<1x16xf32>,
        %get3A_339 = vector.shape_cast %get3A_338 : vector<1x16xf32> to vector<16xf32>
        %get3A_340 = arith.index_cast %add3A_299 : i32 to index
        %get3A_341 = arith.constant 32 : index
        %get3A_342 = tpu.vector_load %arg13[%get3A_340, %get3A_341] {strides = array<i32>} : memref<32x128xf32, #tpu.memory_space<vmem>>, vector<1x16xf32>,
        %get3A_343 = vector.shape_cast %get3A_342 : vector<1x16xf32> to vector<16xf32>
        %mul3A_344 = arith.mulf %get3A_339, %get3A_343 : vector<16xf32>
        %swap3A_345 = arith.index_cast %add3A_335 : i32 to index
        %swap3A_346 = arith.constant 0 : index
        %swap3A_347 = tpu.vector_load %arg17[%swap3A_345, %swap3A_346] {strides = array<i32>} : memref<128x32xf32, #tpu.memory_space<vmem>>, vector<1x16xf32>,
        %swap3A_348 = vector.shape_cast %swap3A_347 : vector<1x16xf32> to vector<16xf32>
        %swap3A_349 = vector.shape_cast %mul3A_344 : vector<16xf32> to vector<1x16xf32>
        tpu.vector_store %arg17[%swap3A_345, %swap3A_346], %swap3A_349 {strides = array<i32>} : memref<128x32xf32, #tpu.memory_space<vmem>>, vector<1x16xf32>,
        %get3A_350 = arith.index_cast %add3A_335 : i32 to index
        %get3A_351 = arith.constant 16 : index
        %get3A_352 = tpu.vector_load %arg15[%get3A_350, %get3A_351] {strides = array<i32>} : memref<128x32xf32, #tpu.memory_space<vmem>>, vector<1x16xf32>,
        %get3A_353 = vector.shape_cast %get3A_352 : vector<1x16xf32> to vector<16xf32>
        %get3A_354 = arith.index_cast %add3A_299 : i32 to index
        %get3A_355 = arith.constant 48 : index
        %get3A_356 = tpu.vector_load %arg13[%get3A_354, %get3A_355] {strides = array<i32>} : memref<32x128xf32, #tpu.memory_space<vmem>>, vector<1x16xf32>,
        %get3A_357 = vector.shape_cast %get3A_356 : vector<1x16xf32> to vector<16xf32>
        %mul3A_358 = arith.mulf %get3A_353, %get3A_357 : vector<16xf32>
        %swap3A_359 = arith.index_cast %add3A_335 : i32 to index
        %swap3A_360 = arith.constant 16 : index
        %swap3A_361 = tpu.vector_load %arg17[%swap3A_359, %swap3A_360] {strides = array<i32>} : memref<128x32xf32, #tpu.memory_space<vmem>>, vector<1x16xf32>,
        %swap3A_362 = vector.shape_cast %swap3A_361 : vector<1x16xf32> to vector<16xf32>
        %swap3A_363 = vector.shape_cast %mul3A_358 : vector<16xf32> to vector<1x16xf32>
        tpu.vector_store %arg17[%swap3A_359, %swap3A_360], %swap3A_363 {strides = array<i32>} : memref<128x32xf32, #tpu.memory_space<vmem>>, vector<1x16xf32>,
        %mul3A_364 = arith.constant 4 : i32
        %mul3A_365 = arith.muli %add3A_299, %mul3A_364 : i32
        %add3A_366 = arith.constant 2 : i32
        %add3A_367 = arith.addi %mul3A_365, %add3A_366 : i32
        %get3A_368 = arith.index_cast %add3A_367 : i32 to index
        %get3A_369 = arith.constant 0 : index
        %get3A_370 = tpu.vector_load %arg15[%get3A_368, %get3A_369] {strides = array<i32>} : memref<128x32xf32, #tpu.memory_space<vmem>>, vector<1x16xf32>,
        %get3A_371 = vector.shape_cast %get3A_370 : vector<1x16xf32> to vector<16xf32>
        %get3A_372 = arith.index_cast %add3A_299 : i32 to index
        %get3A_373 = arith.constant 64 : index
        %get3A_374 = tpu.vector_load %arg13[%get3A_372, %get3A_373] {strides = array<i32>} : memref<32x128xf32, #tpu.memory_space<vmem>>, vector<1x16xf32>,
        %get3A_375 = vector.shape_cast %get3A_374 : vector<1x16xf32> to vector<16xf32>
        %mul3A_376 = arith.mulf %get3A_371, %get3A_375 : vector<16xf32>
        %swap3A_377 = arith.index_cast %add3A_367 : i32 to index
        %swap3A_378 = arith.constant 0 : index
        %swap3A_379 = tpu.vector_load %arg17[%swap3A_377, %swap3A_378] {strides = array<i32>} : memref<128x32xf32, #tpu.memory_space<vmem>>, vector<1x16xf32>,
        %swap3A_380 = vector.shape_cast %swap3A_379 : vector<1x16xf32> to vector<16xf32>
        %swap3A_381 = vector.shape_cast %mul3A_376 : vector<16xf32> to vector<1x16xf32>
        tpu.vector_store %arg17[%swap3A_377, %swap3A_378], %swap3A_381 {strides = array<i32>} : memref<128x32xf32, #tpu.memory_space<vmem>>, vector<1x16xf32>,
        %get3A_382 = arith.index_cast %add3A_367 : i32 to index
        %get3A_383 = arith.constant 16 : index
        %get3A_384 = tpu.vector_load %arg15[%get3A_382, %get3A_383] {strides = array<i32>} : memref<128x32xf32, #tpu.memory_space<vmem>>, vector<1x16xf32>,
        %get3A_385 = vector.shape_cast %get3A_384 : vector<1x16xf32> to vector<16xf32>
        %get3A_386 = arith.index_cast %add3A_299 : i32 to index
        %get3A_387 = arith.constant 80 : index
        %get3A_388 = tpu.vector_load %arg13[%get3A_386, %get3A_387] {strides = array<i32>} : memref<32x128xf32, #tpu.memory_space<vmem>>, vector<1x16xf32>,
        %get3A_389 = vector.shape_cast %get3A_388 : vector<1x16xf32> to vector<16xf32>
        %mul3A_390 = arith.mulf %get3A_385, %get3A_389 : vector<16xf32>
        %swap3A_391 = arith.index_cast %add3A_367 : i32 to index
        %swap3A_392 = arith.constant 16 : index
        %swap3A_393 = tpu.vector_load %arg17[%swap3A_391, %swap3A_392] {strides = array<i32>} : memref<128x32xf32, #tpu.memory_space<vmem>>, vector<1x16xf32>,
        %swap3A_394 = vector.shape_cast %swap3A_393 : vector<1x16xf32> to vector<16xf32>
        %swap3A_395 = vector.shape_cast %mul3A_390 : vector<16xf32> to vector<1x16xf32>
        tpu.vector_store %arg17[%swap3A_391, %swap3A_392], %swap3A_395 {strides = array<i32>} : memref<128x32xf32, #tpu.memory_space<vmem>>, vector<1x16xf32>,
        %mul3A_396 = arith.constant 4 : i32
        %mul3A_397 = arith.muli %add3A_299, %mul3A_396 : i32
        %add3A_398 = arith.constant 3 : i32
        %add3A_399 = arith.addi %mul3A_397, %add3A_398 : i32
        %get3A_400 = arith.index_cast %add3A_399 : i32 to index
        %get3A_401 = arith.constant 0 : index
        %get3A_402 = tpu.vector_load %arg15[%get3A_400, %get3A_401] {strides = array<i32>} : memref<128x32xf32, #tpu.memory_space<vmem>>, vector<1x16xf32>,
        %get3A_403 = vector.shape_cast %get3A_402 : vector<1x16xf32> to vector<16xf32>
        %get3A_404 = arith.index_cast %add3A_299 : i32 to index
        %get3A_405 = arith.constant 96 : index
        %get3A_406 = tpu.vector_load %arg13[%get3A_404, %get3A_405] {strides = array<i32>} : memref<32x128xf32, #tpu.memory_space<vmem>>, vector<1x16xf32>,
        %get3A_407 = vector.shape_cast %get3A_406 : vector<1x16xf32> to vector<16xf32>
        %mul3A_408 = arith.mulf %get3A_403, %get3A_407 : vector<16xf32>
        %swap3A_409 = arith.index_cast %add3A_399 : i32 to index
        %swap3A_410 = arith.constant 0 : index
        %swap3A_411 = tpu.vector_load %arg17[%swap3A_409, %swap3A_410] {strides = array<i32>} : memref<128x32xf32, #tpu.memory_space<vmem>>, vector<1x16xf32>,
        %swap3A_412 = vector.shape_cast %swap3A_411 : vector<1x16xf32> to vector<16xf32>
        %swap3A_413 = vector.shape_cast %mul3A_408 : vector<16xf32> to vector<1x16xf32>
        tpu.vector_store %arg17[%swap3A_409, %swap3A_410], %swap3A_413 {strides = array<i32>} : memref<128x32xf32, #tpu.memory_space<vmem>>, vector<1x16xf32>,
        %get3A_414 = arith.index_cast %add3A_399 : i32 to index
        %get3A_415 = arith.constant 16 : index
        %get3A_416 = tpu.vector_load %arg15[%get3A_414, %get3A_415] {strides = array<i32>} : memref<128x32xf32, #tpu.memory_space<vmem>>, vector<1x16xf32>,
        %get3A_417 = vector.shape_cast %get3A_416 : vector<1x16xf32> to vector<16xf32>
        %get3A_418 = arith.index_cast %add3A_299 : i32 to index
        %get3A_419 = arith.constant 112 : index
        %get3A_420 = tpu.vector_load %arg13[%get3A_418, %get3A_419] {strides = array<i32>} : memref<32x128xf32, #tpu.memory_space<vmem>>, vector<1x16xf32>,
        %get3A_421 = vector.shape_cast %get3A_420 : vector<1x16xf32> to vector<16xf32>
        %mul3A_422 = arith.mulf %get3A_417, %get3A_421 : vector<16xf32>
        %swap3A_423 = arith.index_cast %add3A_399 : i32 to index
        %swap3A_424 = arith.constant 16 : index
        %swap3A_425 = tpu.vector_load %arg17[%swap3A_423, %swap3A_424] {strides = array<i32>} : memref<128x32xf32, #tpu.memory_space<vmem>>, vector<1x16xf32>,
        %swap3A_426 = vector.shape_cast %swap3A_425 : vector<1x16xf32> to vector<16xf32>
        %swap3A_427 = vector.shape_cast %mul3A_422 : vector<16xf32> to vector<1x16xf32>
        tpu.vector_store %arg17[%swap3A_423, %swap3A_424], %swap3A_427 {strides = array<i32>} : memref<128x32xf32, #tpu.memory_space<vmem>>, vector<1x16xf32>,
        %scan3A_428 = arith.constant 0 : i32
        scf.yield %scan3A_428 : i32
      }
      %scan3A_127 = arith.constant 16 : i32
      "tpu.region"() ({
        %run_scoped3A = tpu.sem_alloc : memref<!tpu.dma_semaphore, #tpu.memory_space<semaphore_mem>>
        %dma_start3A_164 = arith.constant 0 : i32
        %dma_start3A_165 = arith.constant 0 : i32
        %dma_start3A_166 = tpu.memref_slice %arg8[%dma_start3A_164, %dma_start3A_165] : memref<50176x32xf32, #tpu.memory_space<vmem_shared>> -> memref<50176x32xf32, #tpu.memory_space<vmem_shared>>
        tpu.enqueue_indirect_dma source(%arg17 : memref<128x32xf32, #tpu.memory_space<vmem>>) target(%dma_start3A_166 : memref<50176x32xf32, #tpu.memory_space<vmem_shared>>) offsets(%arg11 : memref<128xi32, #tpu.memory_space<vmem>>) semaphore(%run_scoped3A : memref<!tpu.dma_semaphore, #tpu.memory_space<semaphore_mem>>) {add = true}
        %dma_wait3A_167 = arith.constant 0 : i32
        %dma_wait3A_168 = arith.constant 0 : i32
        %dma_wait3A_169 = tpu.memref_slice %arg8[%dma_wait3A_167, %dma_wait3A_168] : memref<50176x32xf32, #tpu.memory_space<vmem_shared>> -> memref<50176x32xf32, #tpu.memory_space<vmem_shared>>
        tpu.wait_indirect_dma semaphore(%run_scoped3A : memref<!tpu.dma_semaphore, #tpu.memory_space<semaphore_mem>>) src(%arg17 : memref<128x32xf32, #tpu.memory_space<vmem>>) dst(%dma_wait3A_169 : memref<50176x32xf32, #tpu.memory_space<vmem_shared>>)
        tpu.yield
      }) : () -> ()
      %add3A_128 = arith.constant 2 : i32
      %add3A_129 = arith.addi %add3A_111, %add3A_128 : i32
      %lt3A_130 = arith.constant 196 : i32
      %lt3A_131 = arith.cmpi slt, %add3A_129, %lt3A_130 : i32
      %convert_element_type3A_132 = arith.extui %lt3A_131 : i1 to i32
      %cond3A_133 = arith.constant 0 : i32
      %cond3A_134 = arith.cmpi ne, %convert_element_type3A_132, %cond3A_133 : i32
      scf.if %cond3A_134 {
        %add3A_164 = arith.constant 2 : i32
        %add3A_165 = arith.addi %add3A_111, %add3A_164 : i32
        %add3A_166 = arith.addi %mul3A_2, %add3A_165 : i32
        %dma_start3A_167 = arith.constant 0 : i32
        %dma_start3A_168 = tpu.memref_slice %arg3[%add3A_166, %dma_start3A_167] : memref<6272x128xi32, #tpu.memory_space<hbm>> -> memref<1x128xi32, #tpu.memory_space<hbm>>
        %dma_start3A_169 = tpu.memref_squeeze %dma_start3A_168 : memref<1x128xi32, #tpu.memory_space<hbm>> -> memref<128xi32, #tpu.memory_space<hbm>>
        %dma_start3A_170 = arith.constant 0 : i32
        %dma_start3A_171 = tpu.memref_slice %arg3[%add3A_166, %dma_start3A_170] : memref<6272x128xi32, #tpu.memory_space<hbm>> -> memref<1x128xi32, #tpu.memory_space<hbm>>
        %dma_start3A_172 = tpu.memref_squeeze %dma_start3A_171 : memref<1x128xi32, #tpu.memory_space<hbm>> -> memref<128xi32, #tpu.memory_space<hbm>>
        tpu.enqueue_dma source(%dma_start3A_172 : memref<128xi32, #tpu.memory_space<hbm>>) target(%arg9 : memref<128xi32, #tpu.memory_space<vmem>>) target_semaphore(%arg19 : memref<!tpu.dma_semaphore, #tpu.memory_space<semaphore_mem>>)
        %add3A_173 = arith.addi %mul3A_2, %add3A_165 : i32
        %dma_start3A_174 = arith.constant 0 : i32
        %dma_start3A_175 = tpu.memref_slice %arg4[%add3A_173, %dma_start3A_174] : memref<6272x128xi32, #tpu.memory_space<hbm>> -> memref<1x128xi32, #tpu.memory_space<hbm>>
        %dma_start3A_176 = tpu.memref_squeeze %dma_start3A_175 : memref<1x128xi32, #tpu.memory_space<hbm>> -> memref<128xi32, #tpu.memory_space<hbm>>
        %dma_start3A_177 = arith.constant 0 : i32
        %dma_start3A_178 = tpu.memref_slice %arg4[%add3A_173, %dma_start3A_177] : memref<6272x128xi32, #tpu.memory_space<hbm>> -> memref<1x128xi32, #tpu.memory_space<hbm>>
        %dma_start3A_179 = tpu.memref_squeeze %dma_start3A_178 : memref<1x128xi32, #tpu.memory_space<hbm>> -> memref<128xi32, #tpu.memory_space<hbm>>
        tpu.enqueue_dma source(%dma_start3A_179 : memref<128xi32, #tpu.memory_space<hbm>>) target(%arg11 : memref<128xi32, #tpu.memory_space<vmem>>) target_semaphore(%arg19 : memref<!tpu.dma_semaphore, #tpu.memory_space<semaphore_mem>>)
        %add3A_180 = arith.addi %mul3A_2, %add3A_165 : i32
        %dma_start3A_181 = arith.constant 0 : i32
        %dma_start3A_182 = arith.constant 0 : i32
        %dma_start3A_183 = tpu.memref_slice %arg5[%add3A_180, %dma_start3A_181, %dma_start3A_182] : memref<6272x32x128xf32, #tpu.memory_space<hbm>> -> memref<1x32x128xf32, #tpu.memory_space<hbm>>
        %dma_start3A_184 = tpu.memref_squeeze %dma_start3A_183 : memref<1x32x128xf32, #tpu.memory_space<hbm>> -> memref<32x128xf32, #tpu.memory_space<hbm>>
        %dma_start3A_185 = arith.constant 0 : i32
        %dma_start3A_186 = arith.constant 0 : i32
        %dma_start3A_187 = tpu.memref_slice %arg5[%add3A_180, %dma_start3A_185, %dma_start3A_186] : memref<6272x32x128xf32, #tpu.memory_space<hbm>> -> memref<1x32x128xf32, #tpu.memory_space<hbm>>
        %dma_start3A_188 = tpu.memref_squeeze %dma_start3A_187 : memref<1x32x128xf32, #tpu.memory_space<hbm>> -> memref<32x128xf32, #tpu.memory_space<hbm>>
        tpu.enqueue_dma source(%dma_start3A_188 : memref<32x128xf32, #tpu.memory_space<hbm>>) target(%arg13 : memref<32x128xf32, #tpu.memory_space<vmem>>) target_semaphore(%arg19 : memref<!tpu.dma_semaphore, #tpu.memory_space<semaphore_mem>>)
      } else {
      }
      %mul3A_135 = arith.constant 2 : i32
      %mul3A_136 = arith.muli %mul3A_135, %scan3A_106 : i32
      %add3A_137 = arith.constant 1 : i32
      %add3A_138 = arith.addi %mul3A_136, %add3A_137 : i32
      %dma_wait3A_139 = arith.constant 0 : i32
      %dma_wait3A_140 = arith.constant 0 : i32
      %dma_wait3A_141 = tpu.memref_slice %arg2[%dma_wait3A_139, %dma_wait3A_140] : memref<50176x32xf32, #tpu.memory_space<hbm>> -> memref<50176x32xf32, #tpu.memory_space<hbm>>
      tpu.wait_indirect_dma semaphore(%arg22 : memref<!tpu.dma_semaphore, #tpu.memory_space<semaphore_mem>>) src(%dma_wait3A_141 : memref<50176x32xf32, #tpu.memory_space<hbm>>) dst(%arg16 : memref<128x32xf32, #tpu.memory_space<vmem>>)
      %add3A_142 = arith.constant 1 : i32
      %add3A_143 = arith.addi %add3A_138, %add3A_142 : i32
      %lt3A_144 = arith.constant 196 : i32
      %lt3A_145 = arith.cmpi slt, %add3A_143, %lt3A_144 : i32
      %convert_element_type3A_146 = arith.extui %lt3A_145 : i1 to i32
      %cond3A_147 = arith.constant 0 : i32
      %cond3A_148 = arith.cmpi ne, %convert_element_type3A_146, %cond3A_147 : i32
      scf.if %cond3A_148 {
        %dma_wait3A_164 = arith.constant 0 : i32
        %dma_wait3A_165 = tpu.memref_slice %arg3[%mul3A_2, %dma_wait3A_164] : memref<6272x128xi32, #tpu.memory_space<hbm>> -> memref<1x128xi32, #tpu.memory_space<hbm>>
        %dma_wait3A_166 = tpu.memref_squeeze %dma_wait3A_165 : memref<1x128xi32, #tpu.memory_space<hbm>> -> memref<128xi32, #tpu.memory_space<hbm>>
        %dma_wait3A_167 = arith.constant 0 : i32
        %dma_wait3A_168 = tpu.memref_slice %arg3[%mul3A_2, %dma_wait3A_167] : memref<6272x128xi32, #tpu.memory_space<hbm>> -> memref<1x128xi32, #tpu.memory_space<hbm>>
        %dma_wait3A_169 = tpu.memref_squeeze %dma_wait3A_168 : memref<1x128xi32, #tpu.memory_space<hbm>> -> memref<128xi32, #tpu.memory_space<hbm>>
        tpu.wait_dma2 semaphore(%arg19 : memref<!tpu.dma_semaphore, #tpu.memory_space<semaphore_mem>>) src(%dma_wait3A_169 : memref<128xi32, #tpu.memory_space<hbm>>) dst(%arg9 : memref<128xi32, #tpu.memory_space<vmem>>)
        %dma_wait3A_170 = arith.constant 0 : i32
        %dma_wait3A_171 = tpu.memref_slice %arg4[%mul3A_2, %dma_wait3A_170] : memref<6272x128xi32, #tpu.memory_space<hbm>> -> memref<1x128xi32, #tpu.memory_space<hbm>>
        %dma_wait3A_172 = tpu.memref_squeeze %dma_wait3A_171 : memref<1x128xi32, #tpu.memory_space<hbm>> -> memref<128xi32, #tpu.memory_space<hbm>>
        %dma_wait3A_173 = arith.constant 0 : i32
        %dma_wait3A_174 = tpu.memref_slice %arg4[%mul3A_2, %dma_wait3A_173] : memref<6272x128xi32, #tpu.memory_space<hbm>> -> memref<1x128xi32, #tpu.memory_space<hbm>>
        %dma_wait3A_175 = tpu.memref_squeeze %dma_wait3A_174 : memref<1x128xi32, #tpu.memory_space<hbm>> -> memref<128xi32, #tpu.memory_space<hbm>>
        tpu.wait_dma2 semaphore(%arg19 : memref<!tpu.dma_semaphore, #tpu.memory_space<semaphore_mem>>) src(%dma_wait3A_175 : memref<128xi32, #tpu.memory_space<hbm>>) dst(%arg11 : memref<128xi32, #tpu.memory_space<vmem>>)
        %dma_wait3A_176 = arith.constant 0 : i32
        %dma_wait3A_177 = arith.constant 0 : i32
        %dma_wait3A_178 = tpu.memref_slice %arg5[%mul3A_2, %dma_wait3A_176, %dma_wait3A_177] : memref<6272x32x128xf32, #tpu.memory_space<hbm>> -> memref<1x32x128xf32, #tpu.memory_space<hbm>>
        %dma_wait3A_179 = tpu.memref_squeeze %dma_wait3A_178 : memref<1x32x128xf32, #tpu.memory_space<hbm>> -> memref<32x128xf32, #tpu.memory_space<hbm>>
        %dma_wait3A_180 = arith.constant 0 : i32
        %dma_wait3A_181 = arith.constant 0 : i32
        %dma_wait3A_182 = tpu.memref_slice %arg5[%mul3A_2, %dma_wait3A_180, %dma_wait3A_181] : memref<6272x32x128xf32, #tpu.memory_space<hbm>> -> memref<1x32x128xf32, #tpu.memory_space<hbm>>
        %dma_wait3A_183 = tpu.memref_squeeze %dma_wait3A_182 : memref<1x32x128xf32, #tpu.memory_space<hbm>> -> memref<32x128xf32, #tpu.memory_space<hbm>>
        tpu.wait_dma2 semaphore(%arg19 : memref<!tpu.dma_semaphore, #tpu.memory_space<semaphore_mem>>) src(%dma_wait3A_183 : memref<32x128xf32, #tpu.memory_space<hbm>>) dst(%arg13 : memref<32x128xf32, #tpu.memory_space<vmem>>)
        %dma_start3A_184 = arith.constant 0 : i32
        %dma_start3A_185 = arith.constant 0 : i32
        %dma_start3A_186 = tpu.memref_slice %arg2[%dma_start3A_184, %dma_start3A_185] : memref<50176x32xf32, #tpu.memory_space<hbm>> -> memref<50176x32xf32, #tpu.memory_space<hbm>>
        tpu.enqueue_indirect_dma source(%dma_start3A_186 : memref<50176x32xf32, #tpu.memory_space<hbm>>) target(%arg15 : memref<128x32xf32, #tpu.memory_space<vmem>>) offsets(%arg9 : memref<128xi32, #tpu.memory_space<vmem>>) semaphore(%arg21 : memref<!tpu.dma_semaphore, #tpu.memory_space<semaphore_mem>>)
      } else {
      }
      %scan3A_149 = arith.constant 0 : i32
      %scan3A_150 = arith.constant 0 : i32
      %scan3A_151 = arith.constant 16 : i32
      %scan3A_152 = arith.addi %scan3A_150, %scan3A_151 : i32
      %scan3A_153 = arith.constant 1 : i32
      %scan3A_154 = scf.for %scan3A_164 = %scan3A_150 to %scan3A_152 step %scan3A_153 iter_args(%scan3A_165 = %scan3A_149) -> (i32)  : i32 {
        %mul3A_166 = arith.constant 2 : i32
        %mul3A_167 = arith.muli %scan3A_164, %mul3A_166 : i32
        %add3A_168 = arith.constant 0 : i32
        %add3A_169 = arith.addi %mul3A_167, %add3A_168 : i32
        %mul3A_170 = arith.constant 4 : i32
        %mul3A_171 = arith.muli %add3A_169, %mul3A_170 : i32
        %add3A_172 = arith.constant 0 : i32
        %add3A_173 = arith.addi %mul3A_171, %add3A_172 : i32
        %get3A = arith.index_cast %add3A_173 : i32 to index
        %get3A_174 = arith.constant 0 : index
        %get3A_175 = tpu.vector_load %arg16[%get3A, %get3A_174] {strides = array<i32>} : memref<128x32xf32, #tpu.memory_space<vmem>>, vector<1x16xf32>,
        %get3A_176 = vector.shape_cast %get3A_175 : vector<1x16xf32> to vector<16xf32>
        %get3A_177 = arith.index_cast %add3A_169 : i32 to index
        %get3A_178 = arith.constant 0 : index
        %get3A_179 = tpu.vector_load %arg14[%get3A_177, %get3A_178] {strides = array<i32>} : memref<32x128xf32, #tpu.memory_space<vmem>>, vector<1x16xf32>,
        %get3A_180 = vector.shape_cast %get3A_179 : vector<1x16xf32> to vector<16xf32>
        %mul3A_181 = arith.mulf %get3A_176, %get3A_180 : vector<16xf32>
        %swap3A = arith.index_cast %add3A_173 : i32 to index
        %swap3A_182 = arith.constant 0 : index
        %swap3A_183 = tpu.vector_load %arg17[%swap3A, %swap3A_182] {strides = array<i32>} : memref<128x32xf32, #tpu.memory_space<vmem>>, vector<1x16xf32>,
        %swap3A_184 = vector.shape_cast %swap3A_183 : vector<1x16xf32> to vector<16xf32>
        %swap3A_185 = vector.shape_cast %mul3A_181 : vector<16xf32> to vector<1x16xf32>
        tpu.vector_store %arg17[%swap3A, %swap3A_182], %swap3A_185 {strides = array<i32>} : memref<128x32xf32, #tpu.memory_space<vmem>>, vector<1x16xf32>,
        %get3A_186 = arith.index_cast %add3A_173 : i32 to index
        %get3A_187 = arith.constant 16 : index
        %get3A_188 = tpu.vector_load %arg16[%get3A_186, %get3A_187] {strides = array<i32>} : memref<128x32xf32, #tpu.memory_space<vmem>>, vector<1x16xf32>,
        %get3A_189 = vector.shape_cast %get3A_188 : vector<1x16xf32> to vector<16xf32>
        %get3A_190 = arith.index_cast %add3A_169 : i32 to index
        %get3A_191 = arith.constant 16 : index
        %get3A_192 = tpu.vector_load %arg14[%get3A_190, %get3A_191] {strides = array<i32>} : memref<32x128xf32, #tpu.memory_space<vmem>>, vector<1x16xf32>,
        %get3A_193 = vector.shape_cast %get3A_192 : vector<1x16xf32> to vector<16xf32>
        %mul3A_194 = arith.mulf %get3A_189, %get3A_193 : vector<16xf32>
        %swap3A_195 = arith.index_cast %add3A_173 : i32 to index
        %swap3A_196 = arith.constant 16 : index
        %swap3A_197 = tpu.vector_load %arg17[%swap3A_195, %swap3A_196] {strides = array<i32>} : memref<128x32xf32, #tpu.memory_space<vmem>>, vector<1x16xf32>,
        %swap3A_198 = vector.shape_cast %swap3A_197 : vector<1x16xf32> to vector<16xf32>
        %swap3A_199 = vector.shape_cast %mul3A_194 : vector<16xf32> to vector<1x16xf32>
        tpu.vector_store %arg17[%swap3A_195, %swap3A_196], %swap3A_199 {strides = array<i32>} : memref<128x32xf32, #tpu.memory_space<vmem>>, vector<1x16xf32>,
        %mul3A_200 = arith.constant 4 : i32
        %mul3A_201 = arith.muli %add3A_169, %mul3A_200 : i32
        %add3A_202 = arith.constant 1 : i32
        %add3A_203 = arith.addi %mul3A_201, %add3A_202 : i32
        %get3A_204 = arith.index_cast %add3A_203 : i32 to index
        %get3A_205 = arith.constant 0 : index
        %get3A_206 = tpu.vector_load %arg16[%get3A_204, %get3A_205] {strides = array<i32>} : memref<128x32xf32, #tpu.memory_space<vmem>>, vector<1x16xf32>,
        %get3A_207 = vector.shape_cast %get3A_206 : vector<1x16xf32> to vector<16xf32>
        %get3A_208 = arith.index_cast %add3A_169 : i32 to index
        %get3A_209 = arith.constant 32 : index
        %get3A_210 = tpu.vector_load %arg14[%get3A_208, %get3A_209] {strides = array<i32>} : memref<32x128xf32, #tpu.memory_space<vmem>>, vector<1x16xf32>,
        %get3A_211 = vector.shape_cast %get3A_210 : vector<1x16xf32> to vector<16xf32>
        %mul3A_212 = arith.mulf %get3A_207, %get3A_211 : vector<16xf32>
        %swap3A_213 = arith.index_cast %add3A_203 : i32 to index
        %swap3A_214 = arith.constant 0 : index
        %swap3A_215 = tpu.vector_load %arg17[%swap3A_213, %swap3A_214] {strides = array<i32>} : memref<128x32xf32, #tpu.memory_space<vmem>>, vector<1x16xf32>,
        %swap3A_216 = vector.shape_cast %swap3A_215 : vector<1x16xf32> to vector<16xf32>
        %swap3A_217 = vector.shape_cast %mul3A_212 : vector<16xf32> to vector<1x16xf32>
        tpu.vector_store %arg17[%swap3A_213, %swap3A_214], %swap3A_217 {strides = array<i32>} : memref<128x32xf32, #tpu.memory_space<vmem>>, vector<1x16xf32>,
        %get3A_218 = arith.index_cast %add3A_203 : i32 to index
        %get3A_219 = arith.constant 16 : index
        %get3A_220 = tpu.vector_load %arg16[%get3A_218, %get3A_219] {strides = array<i32>} : memref<128x32xf32, #tpu.memory_space<vmem>>, vector<1x16xf32>,
        %get3A_221 = vector.shape_cast %get3A_220 : vector<1x16xf32> to vector<16xf32>
        %get3A_222 = arith.index_cast %add3A_169 : i32 to index
        %get3A_223 = arith.constant 48 : index
        %get3A_224 = tpu.vector_load %arg14[%get3A_222, %get3A_223] {strides = array<i32>} : memref<32x128xf32, #tpu.memory_space<vmem>>, vector<1x16xf32>,
        %get3A_225 = vector.shape_cast %get3A_224 : vector<1x16xf32> to vector<16xf32>
        %mul3A_226 = arith.mulf %get3A_221, %get3A_225 : vector<16xf32>
        %swap3A_227 = arith.index_cast %add3A_203 : i32 to index
        %swap3A_228 = arith.constant 16 : index
        %swap3A_229 = tpu.vector_load %arg17[%swap3A_227, %swap3A_228] {strides = array<i32>} : memref<128x32xf32, #tpu.memory_space<vmem>>, vector<1x16xf32>,
        %swap3A_230 = vector.shape_cast %swap3A_229 : vector<1x16xf32> to vector<16xf32>
        %swap3A_231 = vector.shape_cast %mul3A_226 : vector<16xf32> to vector<1x16xf32>
        tpu.vector_store %arg17[%swap3A_227, %swap3A_228], %swap3A_231 {strides = array<i32>} : memref<128x32xf32, #tpu.memory_space<vmem>>, vector<1x16xf32>,
        %mul3A_232 = arith.constant 4 : i32
        %mul3A_233 = arith.muli %add3A_169, %mul3A_232 : i32
        %add3A_234 = arith.constant 2 : i32
        %add3A_235 = arith.addi %mul3A_233, %add3A_234 : i32
        %get3A_236 = arith.index_cast %add3A_235 : i32 to index
        %get3A_237 = arith.constant 0 : index
        %get3A_238 = tpu.vector_load %arg16[%get3A_236, %get3A_237] {strides = array<i32>} : memref<128x32xf32, #tpu.memory_space<vmem>>, vector<1x16xf32>,
        %get3A_239 = vector.shape_cast %get3A_238 : vector<1x16xf32> to vector<16xf32>
        %get3A_240 = arith.index_cast %add3A_169 : i32 to index
        %get3A_241 = arith.constant 64 : index
        %get3A_242 = tpu.vector_load %arg14[%get3A_240, %get3A_241] {strides = array<i32>} : memref<32x128xf32, #tpu.memory_space<vmem>>, vector<1x16xf32>,
        %get3A_243 = vector.shape_cast %get3A_242 : vector<1x16xf32> to vector<16xf32>
        %mul3A_244 = arith.mulf %get3A_239, %get3A_243 : vector<16xf32>
        %swap3A_245 = arith.index_cast %add3A_235 : i32 to index
        %swap3A_246 = arith.constant 0 : index
        %swap3A_247 = tpu.vector_load %arg17[%swap3A_245, %swap3A_246] {strides = array<i32>} : memref<128x32xf32, #tpu.memory_space<vmem>>, vector<1x16xf32>,
        %swap3A_248 = vector.shape_cast %swap3A_247 : vector<1x16xf32> to vector<16xf32>
        %swap3A_249 = vector.shape_cast %mul3A_244 : vector<16xf32> to vector<1x16xf32>
        tpu.vector_store %arg17[%swap3A_245, %swap3A_246], %swap3A_249 {strides = array<i32>} : memref<128x32xf32, #tpu.memory_space<vmem>>, vector<1x16xf32>,
        %get3A_250 = arith.index_cast %add3A_235 : i32 to index
        %get3A_251 = arith.constant 16 : index
        %get3A_252 = tpu.vector_load %arg16[%get3A_250, %get3A_251] {strides = array<i32>} : memref<128x32xf32, #tpu.memory_space<vmem>>, vector<1x16xf32>,
        %get3A_253 = vector.shape_cast %get3A_252 : vector<1x16xf32> to vector<16xf32>
        %get3A_254 = arith.index_cast %add3A_169 : i32 to index
        %get3A_255 = arith.constant 80 : index
        %get3A_256 = tpu.vector_load %arg14[%get3A_254, %get3A_255] {strides = array<i32>} : memref<32x128xf32, #tpu.memory_space<vmem>>, vector<1x16xf32>,
        %get3A_257 = vector.shape_cast %get3A_256 : vector<1x16xf32> to vector<16xf32>
        %mul3A_258 = arith.mulf %get3A_253, %get3A_257 : vector<16xf32>
        %swap3A_259 = arith.index_cast %add3A_235 : i32 to index
        %swap3A_260 = arith.constant 16 : index
        %swap3A_261 = tpu.vector_load %arg17[%swap3A_259, %swap3A_260] {strides = array<i32>} : memref<128x32xf32, #tpu.memory_space<vmem>>, vector<1x16xf32>,
        %swap3A_262 = vector.shape_cast %swap3A_261 : vector<1x16xf32> to vector<16xf32>
        %swap3A_263 = vector.shape_cast %mul3A_258 : vector<16xf32> to vector<1x16xf32>
        tpu.vector_store %arg17[%swap3A_259, %swap3A_260], %swap3A_263 {strides = array<i32>} : memref<128x32xf32, #tpu.memory_space<vmem>>, vector<1x16xf32>,
        %mul3A_264 = arith.constant 4 : i32
        %mul3A_265 = arith.muli %add3A_169, %mul3A_264 : i32
        %add3A_266 = arith.constant 3 : i32
        %add3A_267 = arith.addi %mul3A_265, %add3A_266 : i32
        %get3A_268 = arith.index_cast %add3A_267 : i32 to index
        %get3A_269 = arith.constant 0 : index
        %get3A_270 = tpu.vector_load %arg16[%get3A_268, %get3A_269] {strides = array<i32>} : memref<128x32xf32, #tpu.memory_space<vmem>>, vector<1x16xf32>,
        %get3A_271 = vector.shape_cast %get3A_270 : vector<1x16xf32> to vector<16xf32>
        %get3A_272 = arith.index_cast %add3A_169 : i32 to index
        %get3A_273 = arith.constant 96 : index
        %get3A_274 = tpu.vector_load %arg14[%get3A_272, %get3A_273] {strides = array<i32>} : memref<32x128xf32, #tpu.memory_space<vmem>>, vector<1x16xf32>,
        %get3A_275 = vector.shape_cast %get3A_274 : vector<1x16xf32> to vector<16xf32>
        %mul3A_276 = arith.mulf %get3A_271, %get3A_275 : vector<16xf32>
        %swap3A_277 = arith.index_cast %add3A_267 : i32 to index
        %swap3A_278 = arith.constant 0 : index
        %swap3A_279 = tpu.vector_load %arg17[%swap3A_277, %swap3A_278] {strides = array<i32>} : memref<128x32xf32, #tpu.memory_space<vmem>>, vector<1x16xf32>,
        %swap3A_280 = vector.shape_cast %swap3A_279 : vector<1x16xf32> to vector<16xf32>
        %swap3A_281 = vector.shape_cast %mul3A_276 : vector<16xf32> to vector<1x16xf32>
        tpu.vector_store %arg17[%swap3A_277, %swap3A_278], %swap3A_281 {strides = array<i32>} : memref<128x32xf32, #tpu.memory_space<vmem>>, vector<1x16xf32>,
        %get3A_282 = arith.index_cast %add3A_267 : i32 to index
        %get3A_283 = arith.constant 16 : index
        %get3A_284 = tpu.vector_load %arg16[%get3A_282, %get3A_283] {strides = array<i32>} : memref<128x32xf32, #tpu.memory_space<vmem>>, vector<1x16xf32>,
        %get3A_285 = vector.shape_cast %get3A_284 : vector<1x16xf32> to vector<16xf32>
        %get3A_286 = arith.index_cast %add3A_169 : i32 to index
        %get3A_287 = arith.constant 112 : index
        %get3A_288 = tpu.vector_load %arg14[%get3A_286, %get3A_287] {strides = array<i32>} : memref<32x128xf32, #tpu.memory_space<vmem>>, vector<1x16xf32>,
        %get3A_289 = vector.shape_cast %get3A_288 : vector<1x16xf32> to vector<16xf32>
        %mul3A_290 = arith.mulf %get3A_285, %get3A_289 : vector<16xf32>
        %swap3A_291 = arith.index_cast %add3A_267 : i32 to index
        %swap3A_292 = arith.constant 16 : index
        %swap3A_293 = tpu.vector_load %arg17[%swap3A_291, %swap3A_292] {strides = array<i32>} : memref<128x32xf32, #tpu.memory_space<vmem>>, vector<1x16xf32>,
        %swap3A_294 = vector.shape_cast %swap3A_293 : vector<1x16xf32> to vector<16xf32>
        %swap3A_295 = vector.shape_cast %mul3A_290 : vector<16xf32> to vector<1x16xf32>
        tpu.vector_store %arg17[%swap3A_291, %swap3A_292], %swap3A_295 {strides = array<i32>} : memref<128x32xf32, #tpu.memory_space<vmem>>, vector<1x16xf32>,
        %mul3A_296 = arith.constant 2 : i32
        %mul3A_297 = arith.muli %scan3A_164, %mul3A_296 : i32
        %add3A_298 = arith.constant 1 : i32
        %add3A_299 = arith.addi %mul3A_297, %add3A_298 : i32
        %mul3A_300 = arith.constant 4 : i32
        %mul3A_301 = arith.muli %add3A_299, %mul3A_300 : i32
        %add3A_302 = arith.constant 0 : i32
        %add3A_303 = arith.addi %mul3A_301, %add3A_302 : i32
        %get3A_304 = arith.index_cast %add3A_303 : i32 to index
        %get3A_305 = arith.constant 0 : index
        %get3A_306 = tpu.vector_load %arg16[%get3A_304, %get3A_305] {strides = array<i32>} : memref<128x32xf32, #tpu.memory_space<vmem>>, vector<1x16xf32>,
        %get3A_307 = vector.shape_cast %get3A_306 : vector<1x16xf32> to vector<16xf32>
        %get3A_308 = arith.index_cast %add3A_299 : i32 to index
        %get3A_309 = arith.constant 0 : index
        %get3A_310 = tpu.vector_load %arg14[%get3A_308, %get3A_309] {strides = array<i32>} : memref<32x128xf32, #tpu.memory_space<vmem>>, vector<1x16xf32>,
        %get3A_311 = vector.shape_cast %get3A_310 : vector<1x16xf32> to vector<16xf32>
        %mul3A_312 = arith.mulf %get3A_307, %get3A_311 : vector<16xf32>
        %swap3A_313 = arith.index_cast %add3A_303 : i32 to index
        %swap3A_314 = arith.constant 0 : index
        %swap3A_315 = tpu.vector_load %arg17[%swap3A_313, %swap3A_314] {strides = array<i32>} : memref<128x32xf32, #tpu.memory_space<vmem>>, vector<1x16xf32>,
        %swap3A_316 = vector.shape_cast %swap3A_315 : vector<1x16xf32> to vector<16xf32>
        %swap3A_317 = vector.shape_cast %mul3A_312 : vector<16xf32> to vector<1x16xf32>
        tpu.vector_store %arg17[%swap3A_313, %swap3A_314], %swap3A_317 {strides = array<i32>} : memref<128x32xf32, #tpu.memory_space<vmem>>, vector<1x16xf32>,
        %get3A_318 = arith.index_cast %add3A_303 : i32 to index
        %get3A_319 = arith.constant 16 : index
        %get3A_320 = tpu.vector_load %arg16[%get3A_318, %get3A_319] {strides = array<i32>} : memref<128x32xf32, #tpu.memory_space<vmem>>, vector<1x16xf32>,
        %get3A_321 = vector.shape_cast %get3A_320 : vector<1x16xf32> to vector<16xf32>
        %get3A_322 = arith.index_cast %add3A_299 : i32 to index
        %get3A_323 = arith.constant 16 : index
        %get3A_324 = tpu.vector_load %arg14[%get3A_322, %get3A_323] {strides = array<i32>} : memref<32x128xf32, #tpu.memory_space<vmem>>, vector<1x16xf32>,
        %get3A_325 = vector.shape_cast %get3A_324 : vector<1x16xf32> to vector<16xf32>
        %mul3A_326 = arith.mulf %get3A_321, %get3A_325 : vector<16xf32>
        %swap3A_327 = arith.index_cast %add3A_303 : i32 to index
        %swap3A_328 = arith.constant 16 : index
        %swap3A_329 = tpu.vector_load %arg17[%swap3A_327, %swap3A_328] {strides = array<i32>} : memref<128x32xf32, #tpu.memory_space<vmem>>, vector<1x16xf32>,
        %swap3A_330 = vector.shape_cast %swap3A_329 : vector<1x16xf32> to vector<16xf32>
        %swap3A_331 = vector.shape_cast %mul3A_326 : vector<16xf32> to vector<1x16xf32>
        tpu.vector_store %arg17[%swap3A_327, %swap3A_328], %swap3A_331 {strides = array<i32>} : memref<128x32xf32, #tpu.memory_space<vmem>>, vector<1x16xf32>,
        %mul3A_332 = arith.constant 4 : i32
        %mul3A_333 = arith.muli %add3A_299, %mul3A_332 : i32
        %add3A_334 = arith.constant 1 : i32
        %add3A_335 = arith.addi %mul3A_333, %add3A_334 : i32
        %get3A_336 = arith.index_cast %add3A_335 : i32 to index
        %get3A_337 = arith.constant 0 : index
        %get3A_338 = tpu.vector_load %arg16[%get3A_336, %get3A_337] {strides = array<i32>} : memref<128x32xf32, #tpu.memory_space<vmem>>, vector<1x16xf32>,
        %get3A_339 = vector.shape_cast %get3A_338 : vector<1x16xf32> to vector<16xf32>
        %get3A_340 = arith.index_cast %add3A_299 : i32 to index
        %get3A_341 = arith.constant 32 : index
        %get3A_342 = tpu.vector_load %arg14[%get3A_340, %get3A_341] {strides = array<i32>} : memref<32x128xf32, #tpu.memory_space<vmem>>, vector<1x16xf32>,
        %get3A_343 = vector.shape_cast %get3A_342 : vector<1x16xf32> to vector<16xf32>
        %mul3A_344 = arith.mulf %get3A_339, %get3A_343 : vector<16xf32>
        %swap3A_345 = arith.index_cast %add3A_335 : i32 to index
        %swap3A_346 = arith.constant 0 : index
        %swap3A_347 = tpu.vector_load %arg17[%swap3A_345, %swap3A_346] {strides = array<i32>} : memref<128x32xf32, #tpu.memory_space<vmem>>, vector<1x16xf32>,
        %swap3A_348 = vector.shape_cast %swap3A_347 : vector<1x16xf32> to vector<16xf32>
        %swap3A_349 = vector.shape_cast %mul3A_344 : vector<16xf32> to vector<1x16xf32>
        tpu.vector_store %arg17[%swap3A_345, %swap3A_346], %swap3A_349 {strides = array<i32>} : memref<128x32xf32, #tpu.memory_space<vmem>>, vector<1x16xf32>,
        %get3A_350 = arith.index_cast %add3A_335 : i32 to index
        %get3A_351 = arith.constant 16 : index
        %get3A_352 = tpu.vector_load %arg16[%get3A_350, %get3A_351] {strides = array<i32>} : memref<128x32xf32, #tpu.memory_space<vmem>>, vector<1x16xf32>,
        %get3A_353 = vector.shape_cast %get3A_352 : vector<1x16xf32> to vector<16xf32>
        %get3A_354 = arith.index_cast %add3A_299 : i32 to index
        %get3A_355 = arith.constant 48 : index
        %get3A_356 = tpu.vector_load %arg14[%get3A_354, %get3A_355] {strides = array<i32>} : memref<32x128xf32, #tpu.memory_space<vmem>>, vector<1x16xf32>,
        %get3A_357 = vector.shape_cast %get3A_356 : vector<1x16xf32> to vector<16xf32>
        %mul3A_358 = arith.mulf %get3A_353, %get3A_357 : vector<16xf32>
        %swap3A_359 = arith.index_cast %add3A_335 : i32 to index
        %swap3A_360 = arith.constant 16 : index
        %swap3A_361 = tpu.vector_load %arg17[%swap3A_359, %swap3A_360] {strides = array<i32>} : memref<128x32xf32, #tpu.memory_space<vmem>>, vector<1x16xf32>,
        %swap3A_362 = vector.shape_cast %swap3A_361 : vector<1x16xf32> to vector<16xf32>
        %swap3A_363 = vector.shape_cast %mul3A_358 : vector<16xf32> to vector<1x16xf32>
        tpu.vector_store %arg17[%swap3A_359, %swap3A_360], %swap3A_363 {strides = array<i32>} : memref<128x32xf32, #tpu.memory_space<vmem>>, vector<1x16xf32>,
        %mul3A_364 = arith.constant 4 : i32
        %mul3A_365 = arith.muli %add3A_299, %mul3A_364 : i32
        %add3A_366 = arith.constant 2 : i32
        %add3A_367 = arith.addi %mul3A_365, %add3A_366 : i32
        %get3A_368 = arith.index_cast %add3A_367 : i32 to index
        %get3A_369 = arith.constant 0 : index
        %get3A_370 = tpu.vector_load %arg16[%get3A_368, %get3A_369] {strides = array<i32>} : memref<128x32xf32, #tpu.memory_space<vmem>>, vector<1x16xf32>,
        %get3A_371 = vector.shape_cast %get3A_370 : vector<1x16xf32> to vector<16xf32>
        %get3A_372 = arith.index_cast %add3A_299 : i32 to index
        %get3A_373 = arith.constant 64 : index
        %get3A_374 = tpu.vector_load %arg14[%get3A_372, %get3A_373] {strides = array<i32>} : memref<32x128xf32, #tpu.memory_space<vmem>>, vector<1x16xf32>,
        %get3A_375 = vector.shape_cast %get3A_374 : vector<1x16xf32> to vector<16xf32>
        %mul3A_376 = arith.mulf %get3A_371, %get3A_375 : vector<16xf32>
        %swap3A_377 = arith.index_cast %add3A_367 : i32 to index
        %swap3A_378 = arith.constant 0 : index
        %swap3A_379 = tpu.vector_load %arg17[%swap3A_377, %swap3A_378] {strides = array<i32>} : memref<128x32xf32, #tpu.memory_space<vmem>>, vector<1x16xf32>,
        %swap3A_380 = vector.shape_cast %swap3A_379 : vector<1x16xf32> to vector<16xf32>
        %swap3A_381 = vector.shape_cast %mul3A_376 : vector<16xf32> to vector<1x16xf32>
        tpu.vector_store %arg17[%swap3A_377, %swap3A_378], %swap3A_381 {strides = array<i32>} : memref<128x32xf32, #tpu.memory_space<vmem>>, vector<1x16xf32>,
        %get3A_382 = arith.index_cast %add3A_367 : i32 to index
        %get3A_383 = arith.constant 16 : index
        %get3A_384 = tpu.vector_load %arg16[%get3A_382, %get3A_383] {strides = array<i32>} : memref<128x32xf32, #tpu.memory_space<vmem>>, vector<1x16xf32>,
        %get3A_385 = vector.shape_cast %get3A_384 : vector<1x16xf32> to vector<16xf32>
        %get3A_386 = arith.index_cast %add3A_299 : i32 to index
        %get3A_387 = arith.constant 80 : index
        %get3A_388 = tpu.vector_load %arg14[%get3A_386, %get3A_387] {strides = array<i32>} : memref<32x128xf32, #tpu.memory_space<vmem>>, vector<1x16xf32>,
        %get3A_389 = vector.shape_cast %get3A_388 : vector<1x16xf32> to vector<16xf32>
        %mul3A_390 = arith.mulf %get3A_385, %get3A_389 : vector<16xf32>
        %swap3A_391 = arith.index_cast %add3A_367 : i32 to index
        %swap3A_392 = arith.constant 16 : index
        %swap3A_393 = tpu.vector_load %arg17[%swap3A_391, %swap3A_392] {strides = array<i32>} : memref<128x32xf32, #tpu.memory_space<vmem>>, vector<1x16xf32>,
        %swap3A_394 = vector.shape_cast %swap3A_393 : vector<1x16xf32> to vector<16xf32>
        %swap3A_395 = vector.shape_cast %mul3A_390 : vector<16xf32> to vector<1x16xf32>
        tpu.vector_store %arg17[%swap3A_391, %swap3A_392], %swap3A_395 {strides = array<i32>} : memref<128x32xf32, #tpu.memory_space<vmem>>, vector<1x16xf32>,
        %mul3A_396 = arith.constant 4 : i32
        %mul3A_397 = arith.muli %add3A_299, %mul3A_396 : i32
        %add3A_398 = arith.constant 3 : i32
        %add3A_399 = arith.addi %mul3A_397, %add3A_398 : i32
        %get3A_400 = arith.index_cast %add3A_399 : i32 to index
        %get3A_401 = arith.constant 0 : index
        %get3A_402 = tpu.vector_load %arg16[%get3A_400, %get3A_401] {strides = array<i32>} : memref<128x32xf32, #tpu.memory_space<vmem>>, vector<1x16xf32>,
        %get3A_403 = vector.shape_cast %get3A_402 : vector<1x16xf32> to vector<16xf32>
        %get3A_404 = arith.index_cast %add3A_299 : i32 to index
        %get3A_405 = arith.constant 96 : index
        %get3A_406 = tpu.vector_load %arg14[%get3A_404, %get3A_405] {strides = array<i32>} : memref<32x128xf32, #tpu.memory_space<vmem>>, vector<1x16xf32>,
        %get3A_407 = vector.shape_cast %get3A_406 : vector<1x16xf32> to vector<16xf32>
        %mul3A_408 = arith.mulf %get3A_403, %get3A_407 : vector<16xf32>
        %swap3A_409 = arith.index_cast %add3A_399 : i32 to index
        %swap3A_410 = arith.constant 0 : index
        %swap3A_411 = tpu.vector_load %arg17[%swap3A_409, %swap3A_410] {strides = array<i32>} : memref<128x32xf32, #tpu.memory_space<vmem>>, vector<1x16xf32>,
        %swap3A_412 = vector.shape_cast %swap3A_411 : vector<1x16xf32> to vector<16xf32>
        %swap3A_413 = vector.shape_cast %mul3A_408 : vector<16xf32> to vector<1x16xf32>
        tpu.vector_store %arg17[%swap3A_409, %swap3A_410], %swap3A_413 {strides = array<i32>} : memref<128x32xf32, #tpu.memory_space<vmem>>, vector<1x16xf32>,
        %get3A_414 = arith.index_cast %add3A_399 : i32 to index
        %get3A_415 = arith.constant 16 : index
        %get3A_416 = tpu.vector_load %arg16[%get3A_414, %get3A_415] {strides = array<i32>} : memref<128x32xf32, #tpu.memory_space<vmem>>, vector<1x16xf32>,
        %get3A_417 = vector.shape_cast %get3A_416 : vector<1x16xf32> to vector<16xf32>
        %get3A_418 = arith.index_cast %add3A_299 : i32 to index
        %get3A_419 = arith.constant 112 : index
        %get3A_420 = tpu.vector_load %arg14[%get3A_418, %get3A_419] {strides = array<i32>} : memref<32x128xf32, #tpu.memory_space<vmem>>, vector<1x16xf32>,
        %get3A_421 = vector.shape_cast %get3A_420 : vector<1x16xf32> to vector<16xf32>
        %mul3A_422 = arith.mulf %get3A_417, %get3A_421 : vector<16xf32>
        %swap3A_423 = arith.index_cast %add3A_399 : i32 to index
        %swap3A_424 = arith.constant 16 : index
        %swap3A_425 = tpu.vector_load %arg17[%swap3A_423, %swap3A_424] {strides = array<i32>} : memref<128x32xf32, #tpu.memory_space<vmem>>, vector<1x16xf32>,
        %swap3A_426 = vector.shape_cast %swap3A_425 : vector<1x16xf32> to vector<16xf32>
        %swap3A_427 = vector.shape_cast %mul3A_422 : vector<16xf32> to vector<1x16xf32>
        tpu.vector_store %arg17[%swap3A_423, %swap3A_424], %swap3A_427 {strides = array<i32>} : memref<128x32xf32, #tpu.memory_space<vmem>>, vector<1x16xf32>,
        %scan3A_428 = arith.constant 0 : i32
        scf.yield %scan3A_428 : i32
      }
      %scan3A_155 = arith.constant 16 : i32
      "tpu.region"() ({
        %run_scoped3A = tpu.sem_alloc : memref<!tpu.dma_semaphore, #tpu.memory_space<semaphore_mem>>
        %dma_start3A_164 = arith.constant 0 : i32
        %dma_start3A_165 = arith.constant 0 : i32
        %dma_start3A_166 = tpu.memref_slice %arg8[%dma_start3A_164, %dma_start3A_165] : memref<50176x32xf32, #tpu.memory_space<vmem_shared>> -> memref<50176x32xf32, #tpu.memory_space<vmem_shared>>
        tpu.enqueue_indirect_dma source(%arg17 : memref<128x32xf32, #tpu.memory_space<vmem>>) target(%dma_start3A_166 : memref<50176x32xf32, #tpu.memory_space<vmem_shared>>) offsets(%arg12 : memref<128xi32, #tpu.memory_space<vmem>>) semaphore(%run_scoped3A : memref<!tpu.dma_semaphore, #tpu.memory_space<semaphore_mem>>) {add = true}
        %dma_wait3A_167 = arith.constant 0 : i32
        %dma_wait3A_168 = arith.constant 0 : i32
        %dma_wait3A_169 = tpu.memref_slice %arg8[%dma_wait3A_167, %dma_wait3A_168] : memref<50176x32xf32, #tpu.memory_space<vmem_shared>> -> memref<50176x32xf32, #tpu.memory_space<vmem_shared>>
        tpu.wait_indirect_dma semaphore(%run_scoped3A : memref<!tpu.dma_semaphore, #tpu.memory_space<semaphore_mem>>) src(%arg17 : memref<128x32xf32, #tpu.memory_space<vmem>>) dst(%dma_wait3A_169 : memref<50176x32xf32, #tpu.memory_space<vmem_shared>>)
        tpu.yield
      }) : () -> ()
      %add3A_156 = arith.constant 2 : i32
      %add3A_157 = arith.addi %add3A_138, %add3A_156 : i32
      %lt3A_158 = arith.constant 196 : i32
      %lt3A_159 = arith.cmpi slt, %add3A_157, %lt3A_158 : i32
      %convert_element_type3A_160 = arith.extui %lt3A_159 : i1 to i32
      %cond3A_161 = arith.constant 0 : i32
      %cond3A_162 = arith.cmpi ne, %convert_element_type3A_160, %cond3A_161 : i32
      scf.if %cond3A_162 {
        %add3A_164 = arith.constant 2 : i32
        %add3A_165 = arith.addi %add3A_138, %add3A_164 : i32
        %add3A_166 = arith.addi %mul3A_2, %add3A_165 : i32
        %dma_start3A_167 = arith.constant 0 : i32
        %dma_start3A_168 = tpu.memref_slice %arg3[%add3A_166, %dma_start3A_167] : memref<6272x128xi32, #tpu.memory_space<hbm>> -> memref<1x128xi32, #tpu.memory_space<hbm>>
        %dma_start3A_169 = tpu.memref_squeeze %dma_start3A_168 : memref<1x128xi32, #tpu.memory_space<hbm>> -> memref<128xi32, #tpu.memory_space<hbm>>
        %dma_start3A_170 = arith.constant 0 : i32
        %dma_start3A_171 = tpu.memref_slice %arg3[%add3A_166, %dma_start3A_170] : memref<6272x128xi32, #tpu.memory_space<hbm>> -> memref<1x128xi32, #tpu.memory_space<hbm>>
        %dma_start3A_172 = tpu.memref_squeeze %dma_start3A_171 : memref<1x128xi32, #tpu.memory_space<hbm>> -> memref<128xi32, #tpu.memory_space<hbm>>
        tpu.enqueue_dma source(%dma_start3A_172 : memref<128xi32, #tpu.memory_space<hbm>>) target(%arg10 : memref<128xi32, #tpu.memory_space<vmem>>) target_semaphore(%arg20 : memref<!tpu.dma_semaphore, #tpu.memory_space<semaphore_mem>>)
        %add3A_173 = arith.addi %mul3A_2, %add3A_165 : i32
        %dma_start3A_174 = arith.constant 0 : i32
        %dma_start3A_175 = tpu.memref_slice %arg4[%add3A_173, %dma_start3A_174] : memref<6272x128xi32, #tpu.memory_space<hbm>> -> memref<1x128xi32, #tpu.memory_space<hbm>>
        %dma_start3A_176 = tpu.memref_squeeze %dma_start3A_175 : memref<1x128xi32, #tpu.memory_space<hbm>> -> memref<128xi32, #tpu.memory_space<hbm>>
        %dma_start3A_177 = arith.constant 0 : i32
        %dma_start3A_178 = tpu.memref_slice %arg4[%add3A_173, %dma_start3A_177] : memref<6272x128xi32, #tpu.memory_space<hbm>> -> memref<1x128xi32, #tpu.memory_space<hbm>>
        %dma_start3A_179 = tpu.memref_squeeze %dma_start3A_178 : memref<1x128xi32, #tpu.memory_space<hbm>> -> memref<128xi32, #tpu.memory_space<hbm>>
        tpu.enqueue_dma source(%dma_start3A_179 : memref<128xi32, #tpu.memory_space<hbm>>) target(%arg12 : memref<128xi32, #tpu.memory_space<vmem>>) target_semaphore(%arg20 : memref<!tpu.dma_semaphore, #tpu.memory_space<semaphore_mem>>)
        %add3A_180 = arith.addi %mul3A_2, %add3A_165 : i32
        %dma_start3A_181 = arith.constant 0 : i32
        %dma_start3A_182 = arith.constant 0 : i32
        %dma_start3A_183 = tpu.memref_slice %arg5[%add3A_180, %dma_start3A_181, %dma_start3A_182] : memref<6272x32x128xf32, #tpu.memory_space<hbm>> -> memref<1x32x128xf32, #tpu.memory_space<hbm>>
        %dma_start3A_184 = tpu.memref_squeeze %dma_start3A_183 : memref<1x32x128xf32, #tpu.memory_space<hbm>> -> memref<32x128xf32, #tpu.memory_space<hbm>>
        %dma_start3A_185 = arith.constant 0 : i32
        %dma_start3A_186 = arith.constant 0 : i32
        %dma_start3A_187 = tpu.memref_slice %arg5[%add3A_180, %dma_start3A_185, %dma_start3A_186] : memref<6272x32x128xf32, #tpu.memory_space<hbm>> -> memref<1x32x128xf32, #tpu.memory_space<hbm>>
        %dma_start3A_188 = tpu.memref_squeeze %dma_start3A_187 : memref<1x32x128xf32, #tpu.memory_space<hbm>> -> memref<32x128xf32, #tpu.memory_space<hbm>>
        tpu.enqueue_dma source(%dma_start3A_188 : memref<32x128xf32, #tpu.memory_space<hbm>>) target(%arg14 : memref<32x128xf32, #tpu.memory_space<vmem>>) target_semaphore(%arg20 : memref<!tpu.dma_semaphore, #tpu.memory_space<semaphore_mem>>)
      } else {
      }
      %scan3A_163 = arith.constant 0 : i32
      scf.yield %scan3A_163 : i32
    }
    %scan3A_95 = arith.constant 98 : i32
    %barrier3A_96 = arith.constant 0 : index
    tpu.barrier barrier_id(%barrier3A_96)
    %mul3A_97 = arith.constant 3136 : i32
    %mul3A_98 = arith.muli %arg1, %mul3A_97 : i32
    %eq3A = arith.constant 0 : i32
    %eq3A_99 = arith.cmpi eq, %arg0, %eq3A : i32
    %convert_element_type3A = arith.extui %eq3A_99 : i1 to i32
    %cond3A = arith.constant 0 : i32
    %cond3A_100 = arith.cmpi ne, %convert_element_type3A, %cond3A : i32
    scf.if %cond3A_100 {
      "tpu.region"() ({
        %run_scoped3A = tpu.sem_alloc : memref<!tpu.dma_semaphore, #tpu.memory_space<semaphore_mem>>
        %dma_start3A_106 = arith.constant 0 : i32
        %dma_start3A_107 = tpu.memref_slice %arg6[%mul3A_98, %dma_start3A_106] : memref<50176x32xf32, #tpu.memory_space<hbm>> -> memref<3136x32xf32, #tpu.memory_space<hbm>>
        %dma_start3A_108 = arith.constant 0 : i32
        %dma_start3A_109 = tpu.memref_slice %arg8[%mul3A_98, %dma_start3A_108] : memref<50176x32xf32, #tpu.memory_space<vmem_shared>> -> memref<3136x32xf32, #tpu.memory_space<vmem_shared>>
        tpu.enqueue_dma source(%dma_start3A_109 : memref<3136x32xf32, #tpu.memory_space<vmem_shared>>) target(%dma_start3A_107 : memref<3136x32xf32, #tpu.memory_space<hbm>>) target_semaphore(%run_scoped3A : memref<!tpu.dma_semaphore, #tpu.memory_space<semaphore_mem>>)
        %dma_wait3A_110 = arith.constant 0 : i32
        %dma_wait3A_111 = tpu.memref_slice %arg6[%mul3A_98, %dma_wait3A_110] : memref<50176x32xf32, #tpu.memory_space<hbm>> -> memref<3136x32xf32, #tpu.memory_space<hbm>>
        %dma_wait3A_112 = arith.constant 0 : i32
        %dma_wait3A_113 = tpu.memref_slice %arg8[%mul3A_98, %dma_wait3A_112] : memref<50176x32xf32, #tpu.memory_space<vmem_shared>> -> memref<3136x32xf32, #tpu.memory_space<vmem_shared>>
        tpu.wait_dma2 semaphore(%run_scoped3A : memref<!tpu.dma_semaphore, #tpu.memory_space<semaphore_mem>>) src(%dma_wait3A_113 : memref<3136x32xf32, #tpu.memory_space<vmem_shared>>) dst(%dma_wait3A_111 : memref<3136x32xf32, #tpu.memory_space<hbm>>)
        tpu.yield
      }) : () -> ()
    } else {
    }
    %eq3A_101 = arith.constant 1 : i32
    %eq3A_102 = arith.cmpi eq, %arg0, %eq3A_101 : i32
    %convert_element_type3A_103 = arith.extui %eq3A_102 : i1 to i32
    %cond3A_104 = arith.constant 0 : i32
    %cond3A_105 = arith.cmpi ne, %convert_element_type3A_103, %cond3A_104 : i32
    scf.if %cond3A_105 {
      "tpu.region"() ({
        %run_scoped3A = tpu.sem_alloc : memref<!tpu.dma_semaphore, #tpu.memory_space<semaphore_mem>>
        %dma_start3A_106 = arith.constant 0 : i32
        %dma_start3A_107 = tpu.memref_slice %arg7[%mul3A_98, %dma_start3A_106] : memref<50176x32xf32, #tpu.memory_space<hbm>> -> memref<3136x32xf32, #tpu.memory_space<hbm>>
        %dma_start3A_108 = arith.constant 0 : i32
        %dma_start3A_109 = tpu.memref_slice %arg8[%mul3A_98, %dma_start3A_108] : memref<50176x32xf32, #tpu.memory_space<vmem_shared>> -> memref<3136x32xf32, #tpu.memory_space<vmem_shared>>
        tpu.enqueue_dma source(%dma_start3A_109 : memref<3136x32xf32, #tpu.memory_space<vmem_shared>>) target(%dma_start3A_107 : memref<3136x32xf32, #tpu.memory_space<hbm>>) target_semaphore(%run_scoped3A : memref<!tpu.dma_semaphore, #tpu.memory_space<semaphore_mem>>)
        %dma_wait3A_110 = arith.constant 0 : i32
        %dma_wait3A_111 = tpu.memref_slice %arg7[%mul3A_98, %dma_wait3A_110] : memref<50176x32xf32, #tpu.memory_space<hbm>> -> memref<3136x32xf32, #tpu.memory_space<hbm>>
        %dma_wait3A_112 = arith.constant 0 : i32
        %dma_wait3A_113 = tpu.memref_slice %arg8[%mul3A_98, %dma_wait3A_112] : memref<50176x32xf32, #tpu.memory_space<vmem_shared>> -> memref<3136x32xf32, #tpu.memory_space<vmem_shared>>
        tpu.wait_dma2 semaphore(%run_scoped3A : memref<!tpu.dma_semaphore, #tpu.memory_space<semaphore_mem>>) src(%dma_wait3A_113 : memref<3136x32xf32, #tpu.memory_space<vmem_shared>>) dst(%dma_wait3A_111 : memref<3136x32xf32, #tpu.memory_space<hbm>>)
        tpu.yield
      }) : () -> ()
    } else {
    }
    return
  }
}

module attributes {stable_mosaic.version = 14 : i64} {
  func.func @_embed_body(%arg0: i32, %arg1: memref<1024x92xf32, #tpu.memory_space<vmem>>, %arg2: memref<92x32xf32, #tpu.memory_space<vmem>>, %arg3: memref<1x32xf32, #tpu.memory_space<vmem>>, %arg4: memref<32x32xf32, #tpu.memory_space<vmem>>, %arg5: memref<1x32xf32, #tpu.memory_space<vmem>>, %arg6: memref<1024x32xf32, #tpu.memory_space<vmem>>, %arg7: memref<1024x32xf32, #tpu.memory_space<vmem>>) attributes {dimension_semantics = [#tpu.dimension_semantics<arbitrary>], iteration_bounds = array<i64: 49>, scalar_prefetch = 0 : i64, scratch_operands = 0 : i64, tpu.core_type = #tpu.core_type<tc>, window_params = [{transform_indices = @transform_0, window_bounds = array<i64: 1024, 92>}, {pipeline_mode = #tpu.pipeline_mode<synchronous>, transform_indices = @transform_1, window_bounds = array<i64: 92, 32>}, {pipeline_mode = #tpu.pipeline_mode<synchronous>, transform_indices = @transform_2, window_bounds = array<i64: 1, 32>}, {pipeline_mode = #tpu.pipeline_mode<synchronous>, transform_indices = @transform_3, window_bounds = array<i64: 32, 32>}, {pipeline_mode = #tpu.pipeline_mode<synchronous>, transform_indices = @transform_4, window_bounds = array<i64: 1, 32>}, {transform_indices = @transform_5, window_bounds = array<i64: 1024, 32>}, {transform_indices = @transform_6, window_bounds = array<i64: 1024, 32>}]} {
    %get3A = arith.constant 0 : index
    %get3A_0 = arith.constant 0 : index
    %get3A_1 = vector.load %arg1[%get3A, %get3A_0] : memref<1024x92xf32, #tpu.memory_space<vmem>>, vector<1024x92xf32>
    %get3A_2 = arith.constant 0 : index
    %get3A_3 = arith.constant 0 : index
    %get3A_4 = vector.load %arg2[%get3A_2, %get3A_3] : memref<92x32xf32, #tpu.memory_space<vmem>>, vector<92x32xf32>
    %dot_general3A = arith.constant dense<0.000000e+00> : vector<1024x32xf32>
    %dot_general3A_5 = tpu.matmul %get3A_1, %get3A_4, %dot_general3A {dimension_numbers = #tpu.dot_dimension_numbers<[1], [0], [0], [1], [0, 0, 1, 1], [], []>, transpose_lhs_hint = false} : vector<1024x92xf32>, vector<92x32xf32>, vector<1024x32xf32> -> vector<1024x32xf32>
    %get3A_6 = arith.constant 0 : index
    %get3A_7 = arith.constant 0 : index
    %get3A_8 = vector.load %arg3[%get3A_6, %get3A_7] : memref<1x32xf32, #tpu.memory_space<vmem>>, vector<1x32xf32>
    %add3A = vector.broadcast %get3A_8 : vector<1x32xf32> to vector<1024x32xf32>
    %add3A_9 = arith.addf %dot_general3A_5, %add3A : vector<1024x32xf32>
    %swap3A = arith.constant 0 : index
    %swap3A_10 = arith.constant 0 : index
    %swap3A_11 = vector.load %arg6[%swap3A, %swap3A_10] : memref<1024x32xf32, #tpu.memory_space<vmem>>, vector<1024x32xf32>
    tpu.vector_store %arg6[%swap3A, %swap3A_10], %add3A_9 {strides = array<i32>} : memref<1024x32xf32, #tpu.memory_space<vmem>>, vector<1024x32xf32>,
    %get3A_12 = arith.constant 0 : index
    %get3A_13 = arith.constant 0 : index
    %get3A_14 = vector.load %arg4[%get3A_12, %get3A_13] : memref<32x32xf32, #tpu.memory_space<vmem>>, vector<32x32xf32>
    %dot_general3A_15 = arith.constant dense<0.000000e+00> : vector<1024x32xf32>
    %dot_general3A_16 = tpu.matmul %add3A_9, %get3A_14, %dot_general3A_15 {dimension_numbers = #tpu.dot_dimension_numbers<[1], [0], [0], [1], [0, 0, 1, 1], [], []>, transpose_lhs_hint = false} : vector<1024x32xf32>, vector<32x32xf32>, vector<1024x32xf32> -> vector<1024x32xf32>
    %get3A_17 = arith.constant 0 : index
    %get3A_18 = arith.constant 0 : index
    %get3A_19 = vector.load %arg5[%get3A_17, %get3A_18] : memref<1x32xf32, #tpu.memory_space<vmem>>, vector<1x32xf32>
    %add3A_20 = vector.broadcast %get3A_19 : vector<1x32xf32> to vector<1024x32xf32>
    %add3A_21 = arith.addf %dot_general3A_16, %add3A_20 : vector<1024x32xf32>
    %swap3A_22 = arith.constant 0 : index
    %swap3A_23 = arith.constant 0 : index
    %swap3A_24 = vector.load %arg7[%swap3A_22, %swap3A_23] : memref<1024x32xf32, #tpu.memory_space<vmem>>, vector<1024x32xf32>
    tpu.vector_store %arg7[%swap3A_22, %swap3A_23], %add3A_21 {strides = array<i32>} : memref<1024x32xf32, #tpu.memory_space<vmem>>, vector<1024x32xf32>,
    return
  }
  func.func @transform_0(%arg0: i32) -> (i32, i32) {
    %c0_i32 = arith.constant 0 : i32
    %c0_i32_0 = arith.constant 0 : i32
    return %arg0, %c0_i32 : i32, i32
  }
  func.func @transform_1(%arg0: i32) -> (i32, i32) {
    %c0_i32 = arith.constant 0 : i32
    %c0_i32_0 = arith.constant 0 : i32
    %c0_i32_1 = arith.constant 0 : i32
    return %c0_i32, %c0_i32_0 : i32, i32
  }
  func.func @transform_2(%arg0: i32) -> (i32, i32) {
    %c0_i32 = arith.constant 0 : i32
    %c0_i32_0 = arith.constant 0 : i32
    %c0_i32_1 = arith.constant 0 : i32
    return %c0_i32, %c0_i32_0 : i32, i32
  }
  func.func @transform_3(%arg0: i32) -> (i32, i32) {
    %c0_i32 = arith.constant 0 : i32
    %c0_i32_0 = arith.constant 0 : i32
    %c0_i32_1 = arith.constant 0 : i32
    return %c0_i32, %c0_i32_0 : i32, i32
  }
  func.func @transform_4(%arg0: i32) -> (i32, i32) {
    %c0_i32 = arith.constant 0 : i32
    %c0_i32_0 = arith.constant 0 : i32
    %c0_i32_1 = arith.constant 0 : i32
    return %c0_i32, %c0_i32_0 : i32, i32
  }
  func.func @transform_5(%arg0: i32) -> (i32, i32) {
    %c0_i32 = arith.constant 0 : i32
    %c0_i32_0 = arith.constant 0 : i32
    return %arg0, %c0_i32 : i32, i32
  }
  func.func @transform_6(%arg0: i32) -> (i32, i32) {
    %c0_i32 = arith.constant 0 : i32
    %c0_i32_0 = arith.constant 0 : i32
    return %arg0, %c0_i32 : i32, i32
  }
}

module attributes {stable_mosaic.version = 14 : i64} {
  func.func @_gates_body(%arg0: i32, %arg1: memref<2048x9xf32, #tpu.memory_space<vmem>>, %arg2: memref<2048x1xf32, #tpu.memory_space<vmem>>, %arg3: memref<1x64xf32, #tpu.memory_space<vmem>>, %arg4: memref<1x1xf32, #tpu.memory_space<vmem>>, %arg5: memref<64x64xf32, #tpu.memory_space<vmem>>, %arg6: memref<1x64xf32, #tpu.memory_space<vmem>>, %arg7: memref<64x16xf32, #tpu.memory_space<vmem>>, %arg8: memref<1x16xf32, #tpu.memory_space<vmem>>, %arg9: memref<9x32xf32, #tpu.memory_space<vmem>>, %arg10: memref<1x32xf32, #tpu.memory_space<vmem>>, %arg11: memref<32x16xf32, #tpu.memory_space<vmem>>, %arg12: memref<1x16xf32, #tpu.memory_space<vmem>>, %arg13: memref<32x96xf32, #tpu.memory_space<vmem>>, %arg14: memref<1x96xf32, #tpu.memory_space<vmem>>, %arg15: memref<512x128xf32, #tpu.memory_space<vmem>>, %arg16: memref<512x128xf32, #tpu.memory_space<vmem>>, %arg17: memref<512x128xf32, #tpu.memory_space<vmem>>) attributes {dimension_semantics = [#tpu.dimension_semantics<arbitrary>], iteration_bounds = array<i64: 392>, scalar_prefetch = 0 : i64, scratch_operands = 0 : i64, tpu.core_type = #tpu.core_type<tc>, window_params = [{transform_indices = @transform_0, window_bounds = array<i64: 2048, 9>}, {transform_indices = @transform_1, window_bounds = array<i64: 2048, 1>}, {pipeline_mode = #tpu.pipeline_mode<synchronous>, transform_indices = @transform_2, window_bounds = array<i64: 1, 64>}, {pipeline_mode = #tpu.pipeline_mode<synchronous>, transform_indices = @transform_3, window_bounds = array<i64: 1, 1>}, {pipeline_mode = #tpu.pipeline_mode<synchronous>, transform_indices = @transform_4, window_bounds = array<i64: 64, 64>}, {pipeline_mode = #tpu.pipeline_mode<synchronous>, transform_indices = @transform_5, window_bounds = array<i64: 1, 64>}, {pipeline_mode = #tpu.pipeline_mode<synchronous>, transform_indices = @transform_6, window_bounds = array<i64: 64, 16>}, {pipeline_mode = #tpu.pipeline_mode<synchronous>, transform_indices = @transform_7, window_bounds = array<i64: 1, 16>}, {pipeline_mode = #tpu.pipeline_mode<synchronous>, transform_indices = @transform_8, window_bounds = array<i64: 9, 32>}, {pipeline_mode = #tpu.pipeline_mode<synchronous>, transform_indices = @transform_9, window_bounds = array<i64: 1, 32>}, {pipeline_mode = #tpu.pipeline_mode<synchronous>, transform_indices = @transform_10, window_bounds = array<i64: 32, 16>}, {pipeline_mode = #tpu.pipeline_mode<synchronous>, transform_indices = @transform_11, window_bounds = array<i64: 1, 16>}, {pipeline_mode = #tpu.pipeline_mode<synchronous>, transform_indices = @transform_12, window_bounds = array<i64: 32, 96>}, {pipeline_mode = #tpu.pipeline_mode<synchronous>, transform_indices = @transform_13, window_bounds = array<i64: 1, 96>}, {transform_indices = @transform_14, window_bounds = array<i64: 512, 128>}, {transform_indices = @transform_15, window_bounds = array<i64: 512, 128>}, {transform_indices = @transform_16, window_bounds = array<i64: 512, 128>}]} {
    %get3A = arith.constant 0 : index
    %get3A_0 = arith.constant 0 : index
    %get3A_1 = vector.load %arg2[%get3A, %get3A_0] : memref<2048x1xf32, #tpu.memory_space<vmem>>, vector<2048x1xf32>
    %div3A = arith.constant 1.000000e+00 : f32
    %div3A_2 = vector.broadcast %div3A : f32 to vector<2048x1xf32>
    %div3A_3 = arith.divf %div3A_2, %get3A_1 : vector<2048x1xf32>
    %get3A_4 = arith.constant 0 : index
    %get3A_5 = arith.constant 0 : index
    %get3A_6 = vector.load %arg3[%get3A_4, %get3A_5] : memref<1x64xf32, #tpu.memory_space<vmem>>, vector<1x64xf32>
    %sub3A = vector.broadcast %div3A_3 : vector<2048x1xf32> to vector<2048x64xf32>
    %sub3A_7 = vector.broadcast %get3A_6 : vector<1x64xf32> to vector<2048x64xf32>
    %sub3A_8 = arith.subf %sub3A, %sub3A_7 : vector<2048x64xf32>
    %get3A_9 = arith.constant 0 : index
    %get3A_10 = arith.constant 0 : index
    %get3A_11 = vector.load %arg4[%get3A_9, %get3A_10] : memref<1x1xf32, #tpu.memory_space<vmem>>, vector<1x1xf32>
    %get3A_12 = vector.extract %get3A_11[0, 0] : f32 from vector<1x1xf32>
    %neg3A = arith.constant 0.000000e+00 : f32
    %neg3A_13 = arith.subf %neg3A, %get3A_12 : f32
    %mul3A = vector.broadcast %neg3A_13 : f32 to vector<2048x64xf32>
    %mul3A_14 = arith.mulf %mul3A, %sub3A_8 : vector<2048x64xf32>
    %mul3A_15 = arith.mulf %mul3A_14, %sub3A_8 : vector<2048x64xf32>
    %exp3A = math.exp %mul3A_15 : vector<2048x64xf32>
    %get3A_16 = arith.constant 0 : index
    %get3A_17 = arith.constant 0 : index
    %get3A_18 = vector.load %arg5[%get3A_16, %get3A_17] : memref<64x64xf32, #tpu.memory_space<vmem>>, vector<64x64xf32>
    %dot_general3A = arith.constant dense<0.000000e+00> : vector<2048x64xf32>
    %dot_general3A_19 = tpu.matmul %exp3A, %get3A_18, %dot_general3A {dimension_numbers = #tpu.dot_dimension_numbers<[1], [0], [0], [1], [0, 0, 1, 1], [], []>, transpose_lhs_hint = false} : vector<2048x64xf32>, vector<64x64xf32>, vector<2048x64xf32> -> vector<2048x64xf32>
    %get3A_20 = arith.constant 0 : index
    %get3A_21 = arith.constant 0 : index
    %get3A_22 = vector.load %arg6[%get3A_20, %get3A_21] : memref<1x64xf32, #tpu.memory_space<vmem>>, vector<1x64xf32>
    %add3A = vector.broadcast %get3A_22 : vector<1x64xf32> to vector<2048x64xf32>
    %add3A_23 = arith.addf %dot_general3A_19, %add3A : vector<2048x64xf32>
    %logistic3A = arith.negf %add3A_23 : vector<2048x64xf32>
    %logistic3A_24 = math.exp %logistic3A : vector<2048x64xf32>
    %logistic3A_25 = arith.constant 1.000000e+00 : f32
    %logistic3A_26 = vector.broadcast %logistic3A_25 : f32 to vector<2048x64xf32>
    %logistic3A_27 = arith.addf %logistic3A_26, %logistic3A_24 : vector<2048x64xf32>
    %logistic3A_28 = arith.divf %logistic3A_26, %logistic3A_27 : vector<2048x64xf32>
    %mul3A_29 = arith.mulf %add3A_23, %logistic3A_28 : vector<2048x64xf32>
    %get3A_30 = arith.constant 0 : index
    %get3A_31 = arith.constant 0 : index
    %get3A_32 = vector.load %arg7[%get3A_30, %get3A_31] : memref<64x16xf32, #tpu.memory_space<vmem>>, vector<64x16xf32>
    %dot_general3A_33 = arith.constant dense<0.000000e+00> : vector<2048x16xf32>
    %dot_general3A_34 = tpu.matmul %mul3A_29, %get3A_32, %dot_general3A_33 {dimension_numbers = #tpu.dot_dimension_numbers<[1], [0], [0], [1], [0, 0, 1, 1], [], []>, transpose_lhs_hint = false} : vector<2048x64xf32>, vector<64x16xf32>, vector<2048x16xf32> -> vector<2048x16xf32>
    %get3A_35 = arith.constant 0 : index
    %get3A_36 = arith.constant 0 : index
    %get3A_37 = vector.load %arg8[%get3A_35, %get3A_36] : memref<1x16xf32, #tpu.memory_space<vmem>>, vector<1x16xf32>
    %add3A_38 = vector.broadcast %get3A_37 : vector<1x16xf32> to vector<2048x16xf32>
    %add3A_39 = arith.addf %dot_general3A_34, %add3A_38 : vector<2048x16xf32>
    %get3A_40 = arith.constant 0 : index
    %get3A_41 = arith.constant 0 : index
    %get3A_42 = vector.load %arg1[%get3A_40, %get3A_41] : memref<2048x9xf32, #tpu.memory_space<vmem>>, vector<2048x9xf32>
    %get3A_43 = arith.constant 0 : index
    %get3A_44 = arith.constant 0 : index
    %get3A_45 = vector.load %arg9[%get3A_43, %get3A_44] : memref<9x32xf32, #tpu.memory_space<vmem>>, vector<9x32xf32>
    %dot_general3A_46 = arith.constant dense<0.000000e+00> : vector<2048x32xf32>
    %dot_general3A_47 = tpu.matmul %get3A_42, %get3A_45, %dot_general3A_46 {dimension_numbers = #tpu.dot_dimension_numbers<[1], [0], [0], [1], [0, 0, 1, 1], [], []>, transpose_lhs_hint = false} : vector<2048x9xf32>, vector<9x32xf32>, vector<2048x32xf32> -> vector<2048x32xf32>
    %get3A_48 = arith.constant 0 : index
    %get3A_49 = arith.constant 0 : index
    %get3A_50 = vector.load %arg10[%get3A_48, %get3A_49] : memref<1x32xf32, #tpu.memory_space<vmem>>, vector<1x32xf32>
    %add3A_51 = vector.broadcast %get3A_50 : vector<1x32xf32> to vector<2048x32xf32>
    %add3A_52 = arith.addf %dot_general3A_47, %add3A_51 : vector<2048x32xf32>
    %logistic3A_53 = arith.negf %add3A_52 : vector<2048x32xf32>
    %logistic3A_54 = math.exp %logistic3A_53 : vector<2048x32xf32>
    %logistic3A_55 = arith.constant 1.000000e+00 : f32
    %logistic3A_56 = vector.broadcast %logistic3A_55 : f32 to vector<2048x32xf32>
    %logistic3A_57 = arith.addf %logistic3A_56, %logistic3A_54 : vector<2048x32xf32>
    %logistic3A_58 = arith.divf %logistic3A_56, %logistic3A_57 : vector<2048x32xf32>
    %mul3A_59 = arith.mulf %add3A_52, %logistic3A_58 : vector<2048x32xf32>
    %get3A_60 = arith.constant 0 : index
    %get3A_61 = arith.constant 0 : index
    %get3A_62 = vector.load %arg11[%get3A_60, %get3A_61] : memref<32x16xf32, #tpu.memory_space<vmem>>, vector<32x16xf32>
    %dot_general3A_63 = arith.constant dense<0.000000e+00> : vector<2048x16xf32>
    %dot_general3A_64 = tpu.matmul %mul3A_59, %get3A_62, %dot_general3A_63 {dimension_numbers = #tpu.dot_dimension_numbers<[1], [0], [0], [1], [0, 0, 1, 1], [], []>, transpose_lhs_hint = false} : vector<2048x32xf32>, vector<32x16xf32>, vector<2048x16xf32> -> vector<2048x16xf32>
    %get3A_65 = arith.constant 0 : index
    %get3A_66 = arith.constant 0 : index
    %get3A_67 = vector.load %arg12[%get3A_65, %get3A_66] : memref<1x16xf32, #tpu.memory_space<vmem>>, vector<1x16xf32>
    %add3A_68 = vector.broadcast %get3A_67 : vector<1x16xf32> to vector<2048x16xf32>
    %add3A_69 = arith.addf %dot_general3A_64, %add3A_68 : vector<2048x16xf32>
    %concatenate3A = tpu.concatenate %add3A_39, %add3A_69 in 1 : vector<2048x16xf32>, vector<2048x16xf32> -> vector<2048x32xf32>
    %get3A_70 = arith.constant 0 : index
    %get3A_71 = arith.constant 0 : index
    %get3A_72 = vector.load %arg13[%get3A_70, %get3A_71] : memref<32x96xf32, #tpu.memory_space<vmem>>, vector<32x96xf32>
    %dot_general3A_73 = arith.constant dense<0.000000e+00> : vector<2048x96xf32>
    %dot_general3A_74 = tpu.matmul %concatenate3A, %get3A_72, %dot_general3A_73 {dimension_numbers = #tpu.dot_dimension_numbers<[1], [0], [0], [1], [0, 0, 1, 1], [], []>, transpose_lhs_hint = false} : vector<2048x32xf32>, vector<32x96xf32>, vector<2048x96xf32> -> vector<2048x96xf32>
    %get3A_75 = arith.constant 0 : index
    %get3A_76 = arith.constant 0 : index
    %get3A_77 = vector.load %arg14[%get3A_75, %get3A_76] : memref<1x96xf32, #tpu.memory_space<vmem>>, vector<1x96xf32>
    %add3A_78 = vector.broadcast %get3A_77 : vector<1x96xf32> to vector<2048x96xf32>
    %add3A_79 = arith.addf %dot_general3A_74, %add3A_78 : vector<2048x96xf32>
    %logistic3A_80 = arith.negf %add3A_79 : vector<2048x96xf32>
    %logistic3A_81 = math.exp %logistic3A_80 : vector<2048x96xf32>
    %logistic3A_82 = arith.constant 1.000000e+00 : f32
    %logistic3A_83 = vector.broadcast %logistic3A_82 : f32 to vector<2048x96xf32>
    %logistic3A_84 = arith.addf %logistic3A_83, %logistic3A_81 : vector<2048x96xf32>
    %logistic3A_85 = arith.divf %logistic3A_83, %logistic3A_84 : vector<2048x96xf32>
    %mul3A_86 = arith.mulf %add3A_79, %logistic3A_85 : vector<2048x96xf32>
    %slice3A = vector.extract_strided_slice %mul3A_86 {offsets = [0, 0], sizes = [512, 32], strides = [1, 1]} : vector<2048x96xf32> to vector<512x32xf32>
    %slice3A_87 = vector.extract_strided_slice %mul3A_86 {offsets = [512, 0], sizes = [512, 32], strides = [1, 1]} : vector<2048x96xf32> to vector<512x32xf32>
    %slice3A_88 = vector.extract_strided_slice %mul3A_86 {offsets = [1024, 0], sizes = [512, 32], strides = [1, 1]} : vector<2048x96xf32> to vector<512x32xf32>
    %slice3A_89 = vector.extract_strided_slice %mul3A_86 {offsets = [1536, 0], sizes = [512, 32], strides = [1, 1]} : vector<2048x96xf32> to vector<512x32xf32>
    %concatenate3A_90 = tpu.concatenate %slice3A, %slice3A_87, %slice3A_88, %slice3A_89 in 1 : vector<512x32xf32>, vector<512x32xf32>, vector<512x32xf32>, vector<512x32xf32> -> vector<512x128xf32>
    %swap3A = arith.constant 0 : index
    %swap3A_91 = arith.constant 0 : index
    %swap3A_92 = vector.load %arg15[%swap3A, %swap3A_91] : memref<512x128xf32, #tpu.memory_space<vmem>>, vector<512x128xf32>
    tpu.vector_store %arg15[%swap3A, %swap3A_91], %concatenate3A_90 {strides = array<i32>} : memref<512x128xf32, #tpu.memory_space<vmem>>, vector<512x128xf32>,
    %slice3A_93 = vector.extract_strided_slice %mul3A_86 {offsets = [0, 32], sizes = [512, 32], strides = [1, 1]} : vector<2048x96xf32> to vector<512x32xf32>
    %slice3A_94 = vector.extract_strided_slice %mul3A_86 {offsets = [512, 32], sizes = [512, 32], strides = [1, 1]} : vector<2048x96xf32> to vector<512x32xf32>
    %slice3A_95 = vector.extract_strided_slice %mul3A_86 {offsets = [1024, 32], sizes = [512, 32], strides = [1, 1]} : vector<2048x96xf32> to vector<512x32xf32>
    %slice3A_96 = vector.extract_strided_slice %mul3A_86 {offsets = [1536, 32], sizes = [512, 32], strides = [1, 1]} : vector<2048x96xf32> to vector<512x32xf32>
    %concatenate3A_97 = tpu.concatenate %slice3A_93, %slice3A_94, %slice3A_95, %slice3A_96 in 1 : vector<512x32xf32>, vector<512x32xf32>, vector<512x32xf32>, vector<512x32xf32> -> vector<512x128xf32>
    %swap3A_98 = arith.constant 0 : index
    %swap3A_99 = arith.constant 0 : index
    %swap3A_100 = vector.load %arg16[%swap3A_98, %swap3A_99] : memref<512x128xf32, #tpu.memory_space<vmem>>, vector<512x128xf32>
    tpu.vector_store %arg16[%swap3A_98, %swap3A_99], %concatenate3A_97 {strides = array<i32>} : memref<512x128xf32, #tpu.memory_space<vmem>>, vector<512x128xf32>,
    %slice3A_101 = vector.extract_strided_slice %mul3A_86 {offsets = [0, 64], sizes = [512, 32], strides = [1, 1]} : vector<2048x96xf32> to vector<512x32xf32>
    %slice3A_102 = vector.extract_strided_slice %mul3A_86 {offsets = [512, 64], sizes = [512, 32], strides = [1, 1]} : vector<2048x96xf32> to vector<512x32xf32>
    %slice3A_103 = vector.extract_strided_slice %mul3A_86 {offsets = [1024, 64], sizes = [512, 32], strides = [1, 1]} : vector<2048x96xf32> to vector<512x32xf32>
    %slice3A_104 = vector.extract_strided_slice %mul3A_86 {offsets = [1536, 64], sizes = [512, 32], strides = [1, 1]} : vector<2048x96xf32> to vector<512x32xf32>
    %concatenate3A_105 = tpu.concatenate %slice3A_101, %slice3A_102, %slice3A_103, %slice3A_104 in 1 : vector<512x32xf32>, vector<512x32xf32>, vector<512x32xf32>, vector<512x32xf32> -> vector<512x128xf32>
    %swap3A_106 = arith.constant 0 : index
    %swap3A_107 = arith.constant 0 : index
    %swap3A_108 = vector.load %arg17[%swap3A_106, %swap3A_107] : memref<512x128xf32, #tpu.memory_space<vmem>>, vector<512x128xf32>
    tpu.vector_store %arg17[%swap3A_106, %swap3A_107], %concatenate3A_105 {strides = array<i32>} : memref<512x128xf32, #tpu.memory_space<vmem>>, vector<512x128xf32>,
    return
  }
  func.func @transform_0(%arg0: i32) -> (i32, i32) {
    %c0_i32 = arith.constant 0 : i32
    %c0_i32_0 = arith.constant 0 : i32
    return %arg0, %c0_i32 : i32, i32
  }
  func.func @transform_1(%arg0: i32) -> (i32, i32) {
    %c0_i32 = arith.constant 0 : i32
    %c0_i32_0 = arith.constant 0 : i32
    return %arg0, %c0_i32 : i32, i32
  }
  func.func @transform_2(%arg0: i32) -> (i32, i32) {
    %c0_i32 = arith.constant 0 : i32
    %c0_i32_0 = arith.constant 0 : i32
    %c0_i32_1 = arith.constant 0 : i32
    return %c0_i32, %c0_i32_0 : i32, i32
  }
  func.func @transform_3(%arg0: i32) -> (i32, i32) {
    %c0_i32 = arith.constant 0 : i32
    %c0_i32_0 = arith.constant 0 : i32
    %c0_i32_1 = arith.constant 0 : i32
    return %c0_i32, %c0_i32_0 : i32, i32
  }
  func.func @transform_4(%arg0: i32) -> (i32, i32) {
    %c0_i32 = arith.constant 0 : i32
    %c0_i32_0 = arith.constant 0 : i32
    %c0_i32_1 = arith.constant 0 : i32
    return %c0_i32, %c0_i32_0 : i32, i32
  }
  func.func @transform_5(%arg0: i32) -> (i32, i32) {
    %c0_i32 = arith.constant 0 : i32
    %c0_i32_0 = arith.constant 0 : i32
    %c0_i32_1 = arith.constant 0 : i32
    return %c0_i32, %c0_i32_0 : i32, i32
  }
  func.func @transform_6(%arg0: i32) -> (i32, i32) {
    %c0_i32 = arith.constant 0 : i32
    %c0_i32_0 = arith.constant 0 : i32
    %c0_i32_1 = arith.constant 0 : i32
    return %c0_i32, %c0_i32_0 : i32, i32
  }
  func.func @transform_7(%arg0: i32) -> (i32, i32) {
    %c0_i32 = arith.constant 0 : i32
    %c0_i32_0 = arith.constant 0 : i32
    %c0_i32_1 = arith.constant 0 : i32
    return %c0_i32, %c0_i32_0 : i32, i32
  }
  func.func @transform_8(%arg0: i32) -> (i32, i32) {
    %c0_i32 = arith.constant 0 : i32
    %c0_i32_0 = arith.constant 0 : i32
    %c0_i32_1 = arith.constant 0 : i32
    return %c0_i32, %c0_i32_0 : i32, i32
  }
  func.func @transform_9(%arg0: i32) -> (i32, i32) {
    %c0_i32 = arith.constant 0 : i32
    %c0_i32_0 = arith.constant 0 : i32
    %c0_i32_1 = arith.constant 0 : i32
    return %c0_i32, %c0_i32_0 : i32, i32
  }
  func.func @transform_10(%arg0: i32) -> (i32, i32) {
    %c0_i32 = arith.constant 0 : i32
    %c0_i32_0 = arith.constant 0 : i32
    %c0_i32_1 = arith.constant 0 : i32
    return %c0_i32, %c0_i32_0 : i32, i32
  }
  func.func @transform_11(%arg0: i32) -> (i32, i32) {
    %c0_i32 = arith.constant 0 : i32
    %c0_i32_0 = arith.constant 0 : i32
    %c0_i32_1 = arith.constant 0 : i32
    return %c0_i32, %c0_i32_0 : i32, i32
  }
  func.func @transform_12(%arg0: i32) -> (i32, i32) {
    %c0_i32 = arith.constant 0 : i32
    %c0_i32_0 = arith.constant 0 : i32
    %c0_i32_1 = arith.constant 0 : i32
    return %c0_i32, %c0_i32_0 : i32, i32
  }
  func.func @transform_13(%arg0: i32) -> (i32, i32) {
    %c0_i32 = arith.constant 0 : i32
    %c0_i32_0 = arith.constant 0 : i32
    %c0_i32_1 = arith.constant 0 : i32
    return %c0_i32, %c0_i32_0 : i32, i32
  }
  func.func @transform_14(%arg0: i32) -> (i32, i32) {
    %c0_i32 = arith.constant 0 : i32
    %c0_i32_0 = arith.constant 0 : i32
    return %arg0, %c0_i32 : i32, i32
  }
  func.func @transform_15(%arg0: i32) -> (i32, i32) {
    %c0_i32 = arith.constant 0 : i32
    %c0_i32_0 = arith.constant 0 : i32
    return %arg0, %c0_i32 : i32, i32
  }
  func.func @transform_16(%arg0: i32) -> (i32, i32) {
    %c0_i32 = arith.constant 0 : i32
    %c0_i32_0 = arith.constant 0 : i32
    return %arg0, %c0_i32 : i32, i32
  }
}

module attributes {stable_mosaic.version = 14 : i64} {
  func.func @_update_body(%arg0: i32, %arg1: memref<1024x32xf32, #tpu.memory_space<vmem>>, %arg2: memref<1024x32xf32, #tpu.memory_space<vmem>>, %arg3: memref<1024x32xf32, #tpu.memory_space<vmem>>, %arg4: memref<32x32xf32, #tpu.memory_space<vmem>>, %arg5: memref<1x32xf32, #tpu.memory_space<vmem>>, %arg6: memref<32x32xf32, #tpu.memory_space<vmem>>, %arg7: memref<1x32xf32, #tpu.memory_space<vmem>>, %arg8: memref<1024x32xf32, #tpu.memory_space<vmem>>, %arg9: memref<1024x32xf32, #tpu.memory_space<vmem>>) attributes {dimension_semantics = [#tpu.dimension_semantics<arbitrary>], iteration_bounds = array<i64: 49>, scalar_prefetch = 0 : i64, scratch_operands = 0 : i64, tpu.core_type = #tpu.core_type<tc>, window_params = [{transform_indices = @transform_0, window_bounds = array<i64: 1024, 32>}, {transform_indices = @transform_1, window_bounds = array<i64: 1024, 32>}, {transform_indices = @transform_2, window_bounds = array<i64: 1024, 32>}, {pipeline_mode = #tpu.pipeline_mode<synchronous>, transform_indices = @transform_3, window_bounds = array<i64: 32, 32>}, {pipeline_mode = #tpu.pipeline_mode<synchronous>, transform_indices = @transform_4, window_bounds = array<i64: 1, 32>}, {pipeline_mode = #tpu.pipeline_mode<synchronous>, transform_indices = @transform_5, window_bounds = array<i64: 32, 32>}, {pipeline_mode = #tpu.pipeline_mode<synchronous>, transform_indices = @transform_6, window_bounds = array<i64: 1, 32>}, {transform_indices = @transform_7, window_bounds = array<i64: 1024, 32>}, {transform_indices = @transform_8, window_bounds = array<i64: 1024, 32>}]} {
    %get3A = arith.constant 0 : index
    %get3A_0 = arith.constant 0 : index
    %get3A_1 = vector.load %arg2[%get3A, %get3A_0] : memref<1024x32xf32, #tpu.memory_space<vmem>>, vector<1024x32xf32>
    %get3A_2 = arith.constant 0 : index
    %get3A_3 = arith.constant 0 : index
    %get3A_4 = vector.load %arg3[%get3A_2, %get3A_3] : memref<1024x32xf32, #tpu.memory_space<vmem>>, vector<1024x32xf32>
    %add3A = arith.addf %get3A_1, %get3A_4 : vector<1024x32xf32>
    %get3A_5 = arith.constant 0 : index
    %get3A_6 = arith.constant 0 : index
    %get3A_7 = vector.load %arg1[%get3A_5, %get3A_6] : memref<1024x32xf32, #tpu.memory_space<vmem>>, vector<1024x32xf32>
    %get3A_8 = arith.constant 0 : index
    %get3A_9 = arith.constant 0 : index
    %get3A_10 = vector.load %arg4[%get3A_8, %get3A_9] : memref<32x32xf32, #tpu.memory_space<vmem>>, vector<32x32xf32>
    %dot_general3A = arith.constant dense<0.000000e+00> : vector<1024x32xf32>
    %dot_general3A_11 = tpu.matmul %add3A, %get3A_10, %dot_general3A {dimension_numbers = #tpu.dot_dimension_numbers<[1], [0], [0], [1], [0, 0, 1, 1], [], []>, transpose_lhs_hint = false} : vector<1024x32xf32>, vector<32x32xf32>, vector<1024x32xf32> -> vector<1024x32xf32>
    %get3A_12 = arith.constant 0 : index
    %get3A_13 = arith.constant 0 : index
    %get3A_14 = vector.load %arg5[%get3A_12, %get3A_13] : memref<1x32xf32, #tpu.memory_space<vmem>>, vector<1x32xf32>
    %add3A_15 = vector.broadcast %get3A_14 : vector<1x32xf32> to vector<1024x32xf32>
    %add3A_16 = arith.addf %dot_general3A_11, %add3A_15 : vector<1024x32xf32>
    %logistic3A = arith.negf %add3A_16 : vector<1024x32xf32>
    %logistic3A_17 = math.exp %logistic3A : vector<1024x32xf32>
    %logistic3A_18 = arith.constant 1.000000e+00 : f32
    %logistic3A_19 = vector.broadcast %logistic3A_18 : f32 to vector<1024x32xf32>
    %logistic3A_20 = arith.addf %logistic3A_19, %logistic3A_17 : vector<1024x32xf32>
    %logistic3A_21 = arith.divf %logistic3A_19, %logistic3A_20 : vector<1024x32xf32>
    %mul3A = arith.mulf %add3A_16, %logistic3A_21 : vector<1024x32xf32>
    %add3A_22 = arith.addf %get3A_7, %mul3A : vector<1024x32xf32>
    %swap3A = arith.constant 0 : index
    %swap3A_23 = arith.constant 0 : index
    %swap3A_24 = vector.load %arg8[%swap3A, %swap3A_23] : memref<1024x32xf32, #tpu.memory_space<vmem>>, vector<1024x32xf32>
    tpu.vector_store %arg8[%swap3A, %swap3A_23], %add3A_22 {strides = array<i32>} : memref<1024x32xf32, #tpu.memory_space<vmem>>, vector<1024x32xf32>,
    %get3A_25 = arith.constant 0 : index
    %get3A_26 = arith.constant 0 : index
    %get3A_27 = vector.load %arg6[%get3A_25, %get3A_26] : memref<32x32xf32, #tpu.memory_space<vmem>>, vector<32x32xf32>
    %dot_general3A_28 = arith.constant dense<0.000000e+00> : vector<1024x32xf32>
    %dot_general3A_29 = tpu.matmul %add3A_22, %get3A_27, %dot_general3A_28 {dimension_numbers = #tpu.dot_dimension_numbers<[1], [0], [0], [1], [0, 0, 1, 1], [], []>, transpose_lhs_hint = false} : vector<1024x32xf32>, vector<32x32xf32>, vector<1024x32xf32> -> vector<1024x32xf32>
    %get3A_30 = arith.constant 0 : index
    %get3A_31 = arith.constant 0 : index
    %get3A_32 = vector.load %arg7[%get3A_30, %get3A_31] : memref<1x32xf32, #tpu.memory_space<vmem>>, vector<1x32xf32>
    %add3A_33 = vector.broadcast %get3A_32 : vector<1x32xf32> to vector<1024x32xf32>
    %add3A_34 = arith.addf %dot_general3A_29, %add3A_33 : vector<1024x32xf32>
    %swap3A_35 = arith.constant 0 : index
    %swap3A_36 = arith.constant 0 : index
    %swap3A_37 = vector.load %arg9[%swap3A_35, %swap3A_36] : memref<1024x32xf32, #tpu.memory_space<vmem>>, vector<1024x32xf32>
    tpu.vector_store %arg9[%swap3A_35, %swap3A_36], %add3A_34 {strides = array<i32>} : memref<1024x32xf32, #tpu.memory_space<vmem>>, vector<1024x32xf32>,
    return
  }
  func.func @transform_0(%arg0: i32) -> (i32, i32) {
    %c0_i32 = arith.constant 0 : i32
    %c0_i32_0 = arith.constant 0 : i32
    return %arg0, %c0_i32 : i32, i32
  }
  func.func @transform_1(%arg0: i32) -> (i32, i32) {
    %c0_i32 = arith.constant 0 : i32
    %c0_i32_0 = arith.constant 0 : i32
    return %arg0, %c0_i32 : i32, i32
  }
  func.func @transform_2(%arg0: i32) -> (i32, i32) {
    %c0_i32 = arith.constant 0 : i32
    %c0_i32_0 = arith.constant 0 : i32
    return %arg0, %c0_i32 : i32, i32
  }
  func.func @transform_3(%arg0: i32) -> (i32, i32) {
    %c0_i32 = arith.constant 0 : i32
    %c0_i32_0 = arith.constant 0 : i32
    %c0_i32_1 = arith.constant 0 : i32
    return %c0_i32, %c0_i32_0 : i32, i32
  }
  func.func @transform_4(%arg0: i32) -> (i32, i32) {
    %c0_i32 = arith.constant 0 : i32
    %c0_i32_0 = arith.constant 0 : i32
    %c0_i32_1 = arith.constant 0 : i32
    return %c0_i32, %c0_i32_0 : i32, i32
  }
  func.func @transform_5(%arg0: i32) -> (i32, i32) {
    %c0_i32 = arith.constant 0 : i32
    %c0_i32_0 = arith.constant 0 : i32
    %c0_i32_1 = arith.constant 0 : i32
    return %c0_i32, %c0_i32_0 : i32, i32
  }
  func.func @transform_6(%arg0: i32) -> (i32, i32) {
    %c0_i32 = arith.constant 0 : i32
    %c0_i32_0 = arith.constant 0 : i32
    %c0_i32_1 = arith.constant 0 : i32
    return %c0_i32, %c0_i32_0 : i32, i32
  }
  func.func @transform_7(%arg0: i32) -> (i32, i32) {
    %c0_i32 = arith.constant 0 : i32
    %c0_i32_0 = arith.constant 0 : i32
    return %arg0, %c0_i32 : i32, i32
  }
  func.func @transform_8(%arg0: i32) -> (i32, i32) {
    %c0_i32 = arith.constant 0 : i32
    %c0_i32_0 = arith.constant 0 : i32
    return %arg0, %c0_i32 : i32, i32
  }
}

module attributes {stable_mosaic.version = 14 : i64} {
  func.func @_lambda_(%arg0: i32, %arg1: memref<1024x32xf32, #tpu.memory_space<vmem>>, %arg2: memref<1024x32xf32, #tpu.memory_space<vmem>>, %arg3: memref<1024x32xf32, #tpu.memory_space<vmem>>, %arg4: memref<32x32xf32, #tpu.memory_space<vmem>>, %arg5: memref<1x32xf32, #tpu.memory_space<vmem>>, %arg6: memref<1024x32xf32, #tpu.memory_space<vmem>>) attributes {dimension_semantics = [#tpu.dimension_semantics<arbitrary>], iteration_bounds = array<i64: 49>, scalar_prefetch = 0 : i64, scratch_operands = 0 : i64, tpu.core_type = #tpu.core_type<tc>, window_params = [{transform_indices = @transform_0, window_bounds = array<i64: 1024, 32>}, {transform_indices = @transform_1, window_bounds = array<i64: 1024, 32>}, {transform_indices = @transform_2, window_bounds = array<i64: 1024, 32>}, {pipeline_mode = #tpu.pipeline_mode<synchronous>, transform_indices = @transform_3, window_bounds = array<i64: 32, 32>}, {pipeline_mode = #tpu.pipeline_mode<synchronous>, transform_indices = @transform_4, window_bounds = array<i64: 1, 32>}, {transform_indices = @transform_5, window_bounds = array<i64: 1024, 32>}]} {
    %get3A = arith.constant 0 : index
    %get3A_0 = arith.constant 0 : index
    %get3A_1 = vector.load %arg2[%get3A, %get3A_0] : memref<1024x32xf32, #tpu.memory_space<vmem>>, vector<1024x32xf32>
    %get3A_2 = arith.constant 0 : index
    %get3A_3 = arith.constant 0 : index
    %get3A_4 = vector.load %arg3[%get3A_2, %get3A_3] : memref<1024x32xf32, #tpu.memory_space<vmem>>, vector<1024x32xf32>
    %add3A = arith.addf %get3A_1, %get3A_4 : vector<1024x32xf32>
    %get3A_5 = arith.constant 0 : index
    %get3A_6 = arith.constant 0 : index
    %get3A_7 = vector.load %arg1[%get3A_5, %get3A_6] : memref<1024x32xf32, #tpu.memory_space<vmem>>, vector<1024x32xf32>
    %get3A_8 = arith.constant 0 : index
    %get3A_9 = arith.constant 0 : index
    %get3A_10 = vector.load %arg4[%get3A_8, %get3A_9] : memref<32x32xf32, #tpu.memory_space<vmem>>, vector<32x32xf32>
    %dot_general3A = arith.constant dense<0.000000e+00> : vector<1024x32xf32>
    %dot_general3A_11 = tpu.matmul %add3A, %get3A_10, %dot_general3A {dimension_numbers = #tpu.dot_dimension_numbers<[1], [0], [0], [1], [0, 0, 1, 1], [], []>, transpose_lhs_hint = false} : vector<1024x32xf32>, vector<32x32xf32>, vector<1024x32xf32> -> vector<1024x32xf32>
    %get3A_12 = arith.constant 0 : index
    %get3A_13 = arith.constant 0 : index
    %get3A_14 = vector.load %arg5[%get3A_12, %get3A_13] : memref<1x32xf32, #tpu.memory_space<vmem>>, vector<1x32xf32>
    %add3A_15 = vector.broadcast %get3A_14 : vector<1x32xf32> to vector<1024x32xf32>
    %add3A_16 = arith.addf %dot_general3A_11, %add3A_15 : vector<1024x32xf32>
    %logistic3A = arith.negf %add3A_16 : vector<1024x32xf32>
    %logistic3A_17 = math.exp %logistic3A : vector<1024x32xf32>
    %logistic3A_18 = arith.constant 1.000000e+00 : f32
    %logistic3A_19 = vector.broadcast %logistic3A_18 : f32 to vector<1024x32xf32>
    %logistic3A_20 = arith.addf %logistic3A_19, %logistic3A_17 : vector<1024x32xf32>
    %logistic3A_21 = arith.divf %logistic3A_19, %logistic3A_20 : vector<1024x32xf32>
    %mul3A = arith.mulf %add3A_16, %logistic3A_21 : vector<1024x32xf32>
    %add3A_22 = arith.addf %get3A_7, %mul3A : vector<1024x32xf32>
    %swap3A = arith.constant 0 : index
    %swap3A_23 = arith.constant 0 : index
    %swap3A_24 = vector.load %arg6[%swap3A, %swap3A_23] : memref<1024x32xf32, #tpu.memory_space<vmem>>, vector<1024x32xf32>
    tpu.vector_store %arg6[%swap3A, %swap3A_23], %add3A_22 {strides = array<i32>} : memref<1024x32xf32, #tpu.memory_space<vmem>>, vector<1024x32xf32>,
    return
  }
  func.func @transform_0(%arg0: i32) -> (i32, i32) {
    %c0_i32 = arith.constant 0 : i32
    %c0_i32_0 = arith.constant 0 : i32
    return %arg0, %c0_i32 : i32, i32
  }
  func.func @transform_1(%arg0: i32) -> (i32, i32) {
    %c0_i32 = arith.constant 0 : i32
    %c0_i32_0 = arith.constant 0 : i32
    return %arg0, %c0_i32 : i32, i32
  }
  func.func @transform_2(%arg0: i32) -> (i32, i32) {
    %c0_i32 = arith.constant 0 : i32
    %c0_i32_0 = arith.constant 0 : i32
    return %arg0, %c0_i32 : i32, i32
  }
  func.func @transform_3(%arg0: i32) -> (i32, i32) {
    %c0_i32 = arith.constant 0 : i32
    %c0_i32_0 = arith.constant 0 : i32
    %c0_i32_1 = arith.constant 0 : i32
    return %c0_i32, %c0_i32_0 : i32, i32
  }
  func.func @transform_4(%arg0: i32) -> (i32, i32) {
    %c0_i32 = arith.constant 0 : i32
    %c0_i32_0 = arith.constant 0 : i32
    %c0_i32_1 = arith.constant 0 : i32
    return %c0_i32, %c0_i32_0 : i32, i32
  }
  func.func @transform_5(%arg0: i32) -> (i32, i32) {
    %c0_i32 = arith.constant 0 : i32
    %c0_i32_0 = arith.constant 0 : i32
    return %arg0, %c0_i32 : i32, i32
  }
}

module attributes {stable_mosaic.version = 14 : i64} {
  func.func @_pool_body(%arg0: i32, %arg1: memref<1024x32xf32, #tpu.memory_space<vmem>>, %arg2: memref<1x1024xi32, #tpu.memory_space<vmem>>, %arg3: memref<32x128xf32, #tpu.memory_space<vmem>>, %arg4: memref<1x128xf32, #tpu.memory_space<vmem>>, %arg5: memref<128x1xf32, #tpu.memory_space<vmem>>, %arg6: memref<1x1xf32, #tpu.memory_space<vmem>>, %arg7: memref<64x1xf32, #tpu.memory_space<vmem>>, %arg8: memref<64x32xf32, #tpu.memory_space<vmem>>, %arg9: memref<64x1xf32, #tpu.memory_space<vmem>>) attributes {dimension_semantics = [#tpu.dimension_semantics<arbitrary>], iteration_bounds = array<i64: 49>, scalar_prefetch = 0 : i64, scratch_operands = 2 : i64, tpu.core_type = #tpu.core_type<tc>, window_params = [{transform_indices = @transform_0, window_bounds = array<i64: 1024, 32>}, {transform_indices = @transform_1, window_bounds = array<i64: 1, 1024>}, {pipeline_mode = #tpu.pipeline_mode<synchronous>, transform_indices = @transform_2, window_bounds = array<i64: 32, 128>}, {pipeline_mode = #tpu.pipeline_mode<synchronous>, transform_indices = @transform_3, window_bounds = array<i64: 1, 128>}, {pipeline_mode = #tpu.pipeline_mode<synchronous>, transform_indices = @transform_4, window_bounds = array<i64: 128, 1>}, {pipeline_mode = #tpu.pipeline_mode<synchronous>, transform_indices = @transform_5, window_bounds = array<i64: 1, 1>}, {pipeline_mode = #tpu.pipeline_mode<synchronous>, transform_indices = @transform_6, window_bounds = array<i64: 64, 1>}]} {
    %eq3A = arith.constant 0 : i32
    %eq3A_0 = arith.cmpi eq, %arg0, %eq3A : i32
    %convert_element_type3A = arith.extui %eq3A_0 : i1 to i32
    %cond3A = arith.constant 0 : i32
    %cond3A_1 = arith.cmpi ne, %convert_element_type3A, %cond3A : i32
    scf.if %cond3A_1 {
      %broadcast_in_dim3A_30 = arith.constant 0.000000e+00 : f32
      %broadcast_in_dim3A_31 = vector.broadcast %broadcast_in_dim3A_30 : f32 to vector<64x32xf32>
      %swap3A_32 = arith.constant 0 : index
      %swap3A_33 = arith.constant 0 : index
      %swap3A_34 = vector.load %arg8[%swap3A_32, %swap3A_33] : memref<64x32xf32, #tpu.memory_space<vmem>>, vector<64x32xf32>
      tpu.vector_store %arg8[%swap3A_32, %swap3A_33], %broadcast_in_dim3A_31 {strides = array<i32>} : memref<64x32xf32, #tpu.memory_space<vmem>>, vector<64x32xf32>,
      %broadcast_in_dim3A_35 = arith.constant 0.000000e+00 : f32
      %broadcast_in_dim3A_36 = vector.broadcast %broadcast_in_dim3A_35 : f32 to vector<64x1xf32>
      %swap3A_37 = arith.constant 0 : index
      %swap3A_38 = arith.constant 0 : index
      %swap3A_39 = vector.load %arg9[%swap3A_37, %swap3A_38] : memref<64x1xf32, #tpu.memory_space<vmem>>, vector<64x1xf32>
      tpu.vector_store %arg9[%swap3A_37, %swap3A_38], %broadcast_in_dim3A_36 {strides = array<i32>} : memref<64x1xf32, #tpu.memory_space<vmem>>, vector<64x1xf32>,
    } else {
    }
    %iota3A = tpu.iota {dimensions = array<i32: 0>} : vector<64x1024xi32>
    %get3A = arith.constant 0 : index
    %get3A_2 = arith.constant 0 : index
    %get3A_3 = vector.load %arg2[%get3A, %get3A_2] : memref<1x1024xi32, #tpu.memory_space<vmem>>, vector<1x1024xi32>
    %eq3A_4 = vector.broadcast %get3A_3 : vector<1x1024xi32> to vector<64x1024xi32>
    %eq3A_5 = arith.cmpi eq, %iota3A, %eq3A_4 : vector<64x1024xi32>
    %convert_element_type3A_6 = arith.extui %eq3A_5 : vector<64x1024xi1> to vector<64x1024xi32>
    %convert_element_type3A_7 = arith.sitofp %convert_element_type3A_6 : vector<64x1024xi32> to vector<64x1024xf32>
    %get3A_8 = arith.constant 0 : index
    %get3A_9 = arith.constant 0 : index
    %get3A_10 = vector.load %arg8[%get3A_8, %get3A_9] : memref<64x32xf32, #tpu.memory_space<vmem>>, vector<64x32xf32>
    %get3A_11 = arith.constant 0 : index
    %get3A_12 = arith.constant 0 : index
    %get3A_13 = vector.load %arg1[%get3A_11, %get3A_12] : memref<1024x32xf32, #tpu.memory_space<vmem>>, vector<1024x32xf32>
    %dot_general3A = arith.constant dense<0.000000e+00> : vector<64x32xf32>
    %dot_general3A_14 = tpu.matmul %convert_element_type3A_7, %get3A_13, %dot_general3A {dimension_numbers = #tpu.dot_dimension_numbers<[1], [0], [0], [1], [0, 0, 1, 1], [], []>, transpose_lhs_hint = false} : vector<64x1024xf32>, vector<1024x32xf32>, vector<64x32xf32> -> vector<64x32xf32>
    %add3A = arith.addf %get3A_10, %dot_general3A_14 : vector<64x32xf32>
    %swap3A = arith.constant 0 : index
    %swap3A_15 = arith.constant 0 : index
    %swap3A_16 = vector.load %arg8[%swap3A, %swap3A_15] : memref<64x32xf32, #tpu.memory_space<vmem>>, vector<64x32xf32>
    tpu.vector_store %arg8[%swap3A, %swap3A_15], %add3A {strides = array<i32>} : memref<64x32xf32, #tpu.memory_space<vmem>>, vector<64x32xf32>,
    %get3A_17 = arith.constant 0 : index
    %get3A_18 = arith.constant 0 : index
    %get3A_19 = vector.load %arg9[%get3A_17, %get3A_18] : memref<64x1xf32, #tpu.memory_space<vmem>>, vector<64x1xf32>
    %reduce_sum3A = arith.constant dense<0.000000e+00> : vector<64xf32>
    %reduce_sum3A_20 = vector.multi_reduction <add>, %convert_element_type3A_7, %reduce_sum3A [1] : vector<64x1024xf32> to vector<64xf32>
    %broadcast_in_dim3A = vector.shape_cast %reduce_sum3A_20 : vector<64xf32> to vector<64x1xf32>
    %add3A_21 = arith.addf %get3A_19, %broadcast_in_dim3A : vector<64x1xf32>
    %swap3A_22 = arith.constant 0 : index
    %swap3A_23 = arith.constant 0 : index
    %swap3A_24 = vector.load %arg9[%swap3A_22, %swap3A_23] : memref<64x1xf32, #tpu.memory_space<vmem>>, vector<64x1xf32>
    tpu.vector_store %arg9[%swap3A_22, %swap3A_23], %add3A_21 {strides = array<i32>} : memref<64x1xf32, #tpu.memory_space<vmem>>, vector<64x1xf32>,
    %eq3A_25 = arith.constant 48 : i32
    %eq3A_26 = arith.cmpi eq, %arg0, %eq3A_25 : i32
    %convert_element_type3A_27 = arith.extui %eq3A_26 : i1 to i32
    %cond3A_28 = arith.constant 0 : i32
    %cond3A_29 = arith.cmpi ne, %convert_element_type3A_27, %cond3A_28 : i32
    scf.if %cond3A_29 {
      %get3A_30 = arith.constant 0 : index
      %get3A_31 = arith.constant 0 : index
      %get3A_32 = vector.load %arg8[%get3A_30, %get3A_31] : memref<64x32xf32, #tpu.memory_space<vmem>>, vector<64x32xf32>
      %get3A_33 = arith.constant 0 : index
      %get3A_34 = arith.constant 0 : index
      %get3A_35 = vector.load %arg9[%get3A_33, %get3A_34] : memref<64x1xf32, #tpu.memory_space<vmem>>, vector<64x1xf32>
      %max3A = arith.constant 1.000000e+00 : f32
      %max3A_36 = vector.broadcast %max3A : f32 to vector<64x1xf32>
      %max3A_37 = arith.maximumf %get3A_35, %max3A_36 : vector<64x1xf32>
      %div3A = vector.broadcast %max3A_37 : vector<64x1xf32> to vector<64x32xf32>
      %div3A_38 = arith.divf %get3A_32, %div3A : vector<64x32xf32>
      %get3A_39 = arith.constant 0 : index
      %get3A_40 = arith.constant 0 : index
      %get3A_41 = vector.load %arg3[%get3A_39, %get3A_40] : memref<32x128xf32, #tpu.memory_space<vmem>>, vector<32x128xf32>
      %dot_general3A_42 = arith.constant dense<0.000000e+00> : vector<64x128xf32>
      %dot_general3A_43 = tpu.matmul %div3A_38, %get3A_41, %dot_general3A_42 {dimension_numbers = #tpu.dot_dimension_numbers<[1], [0], [0], [1], [0, 0, 1, 1], [], []>, transpose_lhs_hint = false} : vector<64x32xf32>, vector<32x128xf32>, vector<64x128xf32> -> vector<64x128xf32>
      %get3A_44 = arith.constant 0 : index
      %get3A_45 = arith.constant 0 : index
      %get3A_46 = vector.load %arg4[%get3A_44, %get3A_45] : memref<1x128xf32, #tpu.memory_space<vmem>>, vector<1x128xf32>
      %add3A_47 = vector.broadcast %get3A_46 : vector<1x128xf32> to vector<64x128xf32>
      %add3A_48 = arith.addf %dot_general3A_43, %add3A_47 : vector<64x128xf32>
      %logistic3A = arith.negf %add3A_48 : vector<64x128xf32>
      %logistic3A_49 = math.exp %logistic3A : vector<64x128xf32>
      %logistic3A_50 = arith.constant 1.000000e+00 : f32
      %logistic3A_51 = vector.broadcast %logistic3A_50 : f32 to vector<64x128xf32>
      %logistic3A_52 = arith.addf %logistic3A_51, %logistic3A_49 : vector<64x128xf32>
      %logistic3A_53 = arith.divf %logistic3A_51, %logistic3A_52 : vector<64x128xf32>
      %mul3A = arith.mulf %add3A_48, %logistic3A_53 : vector<64x128xf32>
      %get3A_54 = arith.constant 0 : index
      %get3A_55 = arith.constant 0 : index
      %get3A_56 = vector.load %arg5[%get3A_54, %get3A_55] : memref<128x1xf32, #tpu.memory_space<vmem>>, vector<128x1xf32>
      %dot_general3A_57 = arith.constant dense<0.000000e+00> : vector<64x1xf32>
      %dot_general3A_58 = tpu.matmul %mul3A, %get3A_56, %dot_general3A_57 {dimension_numbers = #tpu.dot_dimension_numbers<[1], [0], [0], [1], [0, 0, 1, 1], [], []>, transpose_lhs_hint = false} : vector<64x128xf32>, vector<128x1xf32>, vector<64x1xf32> -> vector<64x1xf32>
      %get3A_59 = arith.constant 0 : index
      %get3A_60 = arith.constant 0 : index
      %get3A_61 = vector.load %arg6[%get3A_59, %get3A_60] : memref<1x1xf32, #tpu.memory_space<vmem>>, vector<1x1xf32>
      %add3A_62 = vector.broadcast %get3A_61 : vector<1x1xf32> to vector<64x1xf32>
      %add3A_63 = arith.addf %dot_general3A_58, %add3A_62 : vector<64x1xf32>
      %swap3A_64 = arith.constant 0 : index
      %swap3A_65 = arith.constant 0 : index
      %swap3A_66 = vector.load %arg7[%swap3A_64, %swap3A_65] : memref<64x1xf32, #tpu.memory_space<vmem>>, vector<64x1xf32>
      tpu.vector_store %arg7[%swap3A_64, %swap3A_65], %add3A_63 {strides = array<i32>} : memref<64x1xf32, #tpu.memory_space<vmem>>, vector<64x1xf32>,
    } else {
    }
    return
  }
  func.func @transform_0(%arg0: i32) -> (i32, i32) {
    %c0_i32 = arith.constant 0 : i32
    %c0_i32_0 = arith.constant 0 : i32
    return %arg0, %c0_i32 : i32, i32
  }
  func.func @transform_1(%arg0: i32) -> (i32, i32) {
    %c0_i32 = arith.constant 0 : i32
    %c0_i32_0 = arith.constant 0 : i32
    return %c0_i32, %arg0 : i32, i32
  }
  func.func @transform_2(%arg0: i32) -> (i32, i32) {
    %c0_i32 = arith.constant 0 : i32
    %c0_i32_0 = arith.constant 0 : i32
    %c0_i32_1 = arith.constant 0 : i32
    return %c0_i32, %c0_i32_0 : i32, i32
  }
  func.func @transform_3(%arg0: i32) -> (i32, i32) {
    %c0_i32 = arith.constant 0 : i32
    %c0_i32_0 = arith.constant 0 : i32
    %c0_i32_1 = arith.constant 0 : i32
    return %c0_i32, %c0_i32_0 : i32, i32
  }
  func.func @transform_4(%arg0: i32) -> (i32, i32) {
    %c0_i32 = arith.constant 0 : i32
    %c0_i32_0 = arith.constant 0 : i32
    %c0_i32_1 = arith.constant 0 : i32
    return %c0_i32, %c0_i32_0 : i32, i32
  }
  func.func @transform_5(%arg0: i32) -> (i32, i32) {
    %c0_i32 = arith.constant 0 : i32
    %c0_i32_0 = arith.constant 0 : i32
    %c0_i32_1 = arith.constant 0 : i32
    return %c0_i32, %c0_i32_0 : i32, i32
  }
  func.func @transform_6(%arg0: i32) -> (i32, i32) {
    %c0_i32 = arith.constant 0 : i32
    %c0_i32_0 = arith.constant 0 : i32
    %c0_i32_1 = arith.constant 0 : i32
    return %c0_i32, %c0_i32_0 : i32, i32
  }
}

</mosaic_0001>

<sc_bundles>
// kernel: kernel.11.cloned.1.call-start
scs
__scs_entry_jumppad:
0x0: {  	(pc) =	sbr.rel $0x88, $3  }
0x1: {  	(tag) =	ssettag $0x0;
	lr =	simm.s32 $0x1  }
0x2: {  	[smem:$0x3F88] =	sst lr;
	_ =	strace $0xD0000000  }
0x3: {  	_ = 	snop  }
0x4: {  	_ = 	snop  }
0x5: {  	_ = 	snop  }
0x6: {  	_ = 	snop  }
0x7: {  	_ = 	snop  }
__scs_overlays_trampoline_lowered:
0x8: {  	[smem:$0x3F97] =	sst s0  }
0x9: {  	[smem:$0x3F98] =	sst s1  }
0xa: {  	[smem:$0x3F99] =	sst s2  }
0xb: {  	[smem:$0x3F9A] =	sst s3  }
0xc: {  	[smem:$0x3F9B] =	sst s4  }
0xd: {  	[smem:$0x3F9C] =	sst s5  }
0xe: {  	[smem:$0x3F9D] =	sst s6  }
0xf: {  	[smem:$0x3F9E] =	sst s7  }
0x10: {  	[smem:$0x3F9F] =	sst s8  }
0x11: {  	[smem:$0x3FA0] =	sst s9;
	s0 =	simm.s32 @!p0 $0x0  }
0x12: {  	s1 =	sld [smem:$0x3F86];
	s0 =	simm.s32 @p0 $0x1  }
0x13: {  	[smem:$0x3FA1] =	sst s0;
	s0 =	simm.s32 @!p1 $0x0  }
0x14: {  	s2 =	sld [smem:$0x3F85];
	s0 =	simm.s32 @p1 $0x1  }
0x15: {  	[smem:$0x3FA2] =	sst s0;
	s0 =	simm.s32 @!p2 $0x0  }
0x16: {  	s3 =	sld [smem:$0x3FDB];
	s0 =	simm.s32 @p2 $0x1  }
0x17: {  	s4 =	simm.s32 $0x1BF5;
	[smem:$0x3FA4] =	sst s0  }
0x18: {  	s0 =	sld [smem:$0x3F87];
	_ =	swait.ge [sflag:s4], $0x0  }
0x19: {  	s7 =	sld [smem:$0x3F88]  }
0x1a: {  	s8 =	sadd.s32 $0xFFFFE003, lr  }
0x1b: {  	s9 =	sadd.s32 $0xFFFFFEF7, lr;
	s5 =	simm.s32 $0xFFFFFFFF;
	p2 =	slt.u32 s8, $0xFFFFF086  }
0x1c: {  	p1 =	slt.u32 s9, $0xF7A;
	s5 =	simm.s32 @!p2 $0x0  }
0x1d: {  	s5 =	simm.s32 @p1 $0x1;
	p0 =	seq.s32 s7, s2  }
0x1e: {  	s7 =	smul.u32 @!p0 $0xF7A, s2;
	p2 =	seq.s32 @!p0 s5, $0x0  }
0x1f: {  	s9 =	smul.u32 $0xF7A, s1;
	s8 =	simm.s32 @!p0 $0x1BF5;
	p2 =	por !p2, p0  }
0x20: {  	[sflag:s8] =	ssyncset.s32 @!p0 $0xFFFFF086;
	s6 =	sadd.s32 @!p0 s3, s7;
	s7 =	simm.s32 @!p0 $0x108  }
0x21: {  	s3 =	sadd.s32 s3, s9;
	s6 =	sadd.s32 @!p0 $0x88, s6;
	s7 =	simm.s32 @p2 $0x1082  }
0x22: {  	[simem:s7], [sflag:s8] =	dma.local @!p0 [hbm:s6], $0xF7A  }
0x23: {  	s9 =	sor.u32 $0xD0000000, s2;
	s6 =	simm.s32 $0x108;
	_ =	swait.ge @!p0 [sflag:s8], $0x0  }
0x24: {  	s3 =	sadd.s32 $0x88, s3;
	s6 =	simm.s32 @!p1 $0x1082;
	[sflag:s4] =	ssyncset.s32 $0xFFFFF086  }
0x25: {  	[simem:s6], [sflag:s4] =	dma.local [hbm:s3], $0xF7A  }
0x26: {  	[smem:$0x3F88] =	sst s1;
	(tag) =	ssettag s2;
	_ =	strace s9  }
0x27: {  	s1 =	sld [smem:$0x3F98]  }
0x28: {  	s2 =	sld [smem:$0x3F99]  }
0x29: {  	s4 =	sld [smem:$0x3F9B]  }
0x2a: {  	p0 =	seq.s32 s5, $0x0;
	s5 =	sld [smem:$0x3F9C]  }
0x2b: {  	s6 =	sld [smem:$0x3F9D]  }
0x2c: {  	s7 =	sld [smem:$0x3F9E]  }
0x2d: {  	s3 =	simm.s32 $0x108;
	s8 =	sld [smem:$0x3F9F]  }
0x2e: {  	s3 =	simm.s32 @!p0 $0x1082;
	s9 =	sld [smem:$0x3FA0]  }
0x2f: {  	lr =	sadd.s32 s0, s3;
	s0 =	sld [smem:$0x3F97]  }
0x30: {  	s3 =	sld [smem:$0x3F9A]  }
0x31: {  	[smem:$0x3FA3] =	sst s10  }
0x32: {  	s10 =	sld [smem:$0x3FA1];
	_ =	sdelay $0x3  }
0x33: {  	p0 =	seq.s32 s10, $0x1;
	s10 =	sld [smem:$0x3FA3];
	_ =	sdelay $0x3  }
0x34: {  	[smem:$0x3FA3] =	sst s10  }
0x35: {  	s10 =	sld [smem:$0x3FA2];
	_ =	sdelay $0x3  }
0x36: {  	p1 =	seq.s32 s10, $0x1;
	s10 =	sld [smem:$0x3FA3];
	_ =	sdelay $0x3  }
0x37: {  	[smem:$0x3FA3] =	sst s10  }
0x38: {  	s10 =	sld [smem:$0x3FA4]  }
0x39: {  	_ = 	snop;
	(pc) =	sbr.ind lr, $3  }
0x3a: {  	_ = 	snop  }
0x3b: {  	_ = 	snop  }
0x3c: {  	p2 =	seq.s32 s10, $0x1;
	s10 =	sld [smem:$0x3FA3]  }
0x3d: {  	_ =	shalt  }
0x3e: {  	_ =	shalt  }
0x3f: {  	_ =	shalt  }
0x40: {  	_ =	shalt  }
0x41: {  	_ =	shalt  }
0x42: {  	_ =	shalt  }
0x43: {  	_ =	shalt  }
0x44: {  	_ =	shalt  }
0x45: {  	_ =	shalt  }
0x46: {  	_ =	shalt  }
0x47: {  	_ =	shalt  }
0x48: {  	_ =	shalt  }
0x49: {  	_ =	shalt  }
0x4a: {  	_ =	shalt  }
0x4b: {  	_ =	shalt  }
0x4c: {  	_ =	shalt  }
0x4d: {  	_ =	shalt  }
0x4e: {  	_ =	shalt  }
0x4f: {  	_ =	shalt  }
0x50: {  	_ =	shalt  }
0x51: {  	_ =	shalt  }
0x52: {  	_ =	shalt  }
0x53: {  	_ =	shalt  }
0x54: {  	_ =	shalt  }
0x55: {  	_ =	shalt  }
0x56: {  	_ =	shalt  }
0x57: {  	_ =	shalt  }
0x58: {  	_ =	shalt  }
0x59: {  	_ =	shalt  }
0x5a: {  	_ =	shalt  }
0x5b: {  	_ =	shalt  }
0x5c: {  	_ =	shalt  }
0x5d: {  	_ =	shalt  }
0x5e: {  	_ =	shalt  }
0x5f: {  	_ =	shalt  }
0x60: {  	_ =	shalt  }
0x61: {  	_ =	shalt  }
0x62: {  	_ =	shalt  }
0x63: {  	_ =	shalt  }
0x64: {  	_ =	shalt  }
0x65: {  	_ =	shalt  }
0x66: {  	_ =	shalt  }
0x67: {  	_ =	shalt  }
0x68: {  	_ =	shalt  }
0x69: {  	_ =	shalt  }
0x6a: {  	_ =	shalt  }
0x6b: {  	_ =	shalt  }
0x6c: {  	_ =	shalt  }
0x6d: {  	_ =	shalt  }
0x6e: {  	_ =	shalt  }
0x6f: {  	_ =	shalt  }
0x70: {  	_ =	shalt  }
0x71: {  	_ =	shalt  }
0x72: {  	_ =	shalt  }
0x73: {  	_ =	shalt  }
0x74: {  	_ =	shalt  }
0x75: {  	_ =	shalt  }
0x76: {  	_ =	shalt  }
0x77: {  	_ =	shalt  }
0x78: {  	_ =	shalt  }
0x79: {  	_ =	shalt  }
0x7a: {  	_ =	shalt  }
0x7b: {  	_ =	shalt  }
0x7c: {  	_ =	shalt  }
0x7d: {  	_ =	shalt  }
0x7e: {  	_ =	shalt  }
0x7f: {  	_ =	shalt  }
0x80: {  	_ =	shalt  }
0x81: {  	_ =	shalt  }
0x82: {  	_ =	shalt  }
0x83: {  	_ =	shalt  }
0x84: {  	_ =	shalt  }
0x85: {  	_ =	shalt  }
0x86: {  	_ =	shalt  }
0x87: {  	_ =	shalt  }
.Lfunc_end0:
.L_simem_size_0:
called_computation_lowered:
.L_overlay_start_0:
0x88: {  	s2 =	sld [smem:$0x3FD9]  }
0x89: {  	s3 =	sld [smem:$0x3FFE];
	_ =	sdelay $0x1  }
0x8a: {  	s1 =	srdreg.scid  }
0x8b: {  	s0 =	sand.u32 $0x1, s1  }
0x8c: {  	s16 =	sshll.u32 s0, $0xA;
	s2 =	sadd.s32 s3, s2  }
0x8d: {  	s2 =	sadd.s32 s2, s16  }
0x8e: {  	[smem:$0x3FAF] =	sst s2  }
0x8f: {  	_ = 	snop  }
0x90: {  	(tm) =	ssettm $0x1  }
0x91: {  	s17 =	sld [smem:$0x3FFB];
	_ =	sdelay $0x3  }
0x92: {  	_ =	strace s17  }
0x93: {  	s2 =	sld [smem:$0x3FFC];
	_ =	sdelay $0x3  }
0x94: {  	_ =	strace s2  }
0x95: {  	s2 =	sld [smem:$0x3FFD];
	_ =	sdelay $0x3  }
0x96: {  	_ =	strace s2  }
0x97: {  	_ =	strace $0x8FFFFFFF  }
0x98: {  	s18 =	sld [smem:$0x3FDB];
	_ =	sdelay $0x1  }
0x99: {  	s19 =	simm.s32 $_scs_section_size  }
0x9a: {  	s4 =	simm.s32 $_size__tile_overlayer_lowered;
	s5 =	simm.s32 $_tile_overlayer_lowered  }
0x9b: {  	s22 =	simm.s32 $0x1BFF;
	s21 =	sshll.u32 s5, $0x1;
	s2 =	sadd.s32 s19, s18  }
0x9c: {  	s6 =	simm.s32 $0x0;
	s20 =	sshll.u32 s4, $0x1;
	s4 =	sadd.s32 s21, s2  }
0x9d: {  	[timem:s6], [sflag:s22] =	dma.local [hbm:s4], s20  }
0x9e: {  	_ =	swait.ge [sflag:s22], s20  }
0x9f: {  	s3 =	ssub.s32 $0x0, s20;
	[sflag:s22] =	ssyncset.done $0x0  }
0xa0: {  	[sflag:s22] =	ssyncadd.s32 s3;
	_ =	sdelay $0x1  }
0xa1: {  	s23 =	simm.s32 $0x1B8B  }
0xa2: {  	_ =	swait.ge [sflag:s23], $0x1  }
0xa3: {  	[sflag:s23] =	ssyncset.done $0x0  }
0xa4: {  	s25 =	simm.s32 $0x1B8E;
	s24 =	sld [smem:$0x3FFE];
	[sflag:s23] =	ssyncadd.s32 $0xFFFFFFFF  }
0xa5: {  	s26 =	simm.s32 $execute0_lowered;
	[smem:$0x3FD2] =	sst s25  }
0xa6: {  	s4 =	sshll.u32 s26, $0x1;
	_ =	strace $0x80000046;
	[dreg:$0x1] =	wrdreg $0xFFFFFFFF  }
0xa7: {  	s28 =	simm.s32 $_size_execute0_lowered;
	s2 =	sadd.s32 s2, s4;
	[dreg:$0x0] =	wrdreg $0x0  }
0xa8: {  	s4 =	sshll.u32 s28, $0x1;
	[dreg:$0x2] =	wrdreg s2  }
0xa9: {  	[dreg:$0x3] =	wrdreg s4  }
0xaa: {  	[dreg:$0x4] =	wrdreg $0xC0  }
0xab: {  	_ =	task [dreg:s6], $0x5FFFF  }
0xac: {  	[dreg:$0x1] =	wrdreg $0xFFFFFFFF  }
0xad: {  	[dreg:$0x0] =	wrdreg $0x60  }
0xae: {  	[dreg:$0x2] =	wrdreg s24  }
0xaf: {  	[dreg:$0x3] =	wrdreg $0x0  }
0xb0: {  	[dreg:$0x4] =	wrdreg $0x9  }
0xb1: {  	_ =	task.clear_ibuf [dreg:s6], $0x5FFFF;
	_ =	strace $0x90000046  }
0xb2: {  	s29 =	simm.s32 $0x9;
	_ =	strace $0x80000048  }
0xb3: {  	_ =	swait.ge [sflag:s29], $0x1  }
0xb4: {  	[sflag:s29] =	ssyncadd.s32 $0xFFFFFFFF  }
0xb5: {  	_ =	strace $0x90000048  }
0xb6: {  	_ =	sfence  }
0xb7: {  	s30 =	sld [smem:$0x0];
	_ =	sdelay $0x2  }
0xb8: {  	s31 =	sshll.u32 s1, $0xD;
	s1 =	sshrl.u32 s1, $0x2  }
0xb9: {  	s3 =	sand.u32 $0x4000, s31;
	s1 =	sadd.s32 s1, s30  }
0xba: {  	s0 =	sor.u32 s3, s0;
	s1 =	sshll.u32 s1, $0x11  }
0xbb: {  	s0 =	sor.u32 s1, s0  }
0xbc: {  	s0 =	sadd.s32 $0x8F2B, s0  }
0xbd: {  	[sflag:s0] =	ssyncadd.remote.s32 $0x1  }
0xbe: {  	_ =	sfence.sel $0xFFFF  }
0xbf: {  	[dreg:$0x0] =	wrdreg $0xFFFFFFFF;
	(pc) =	sbr.abs _section_cstart, $3  }
0xc0: {  	[dreg:$0x1] =	wrdreg $0xFFFFFFFF  }
0xc1: {  	_ =	task.clear_ibuf [dreg:s6], $0x2FFFF;
	_ =	strace $0x9FFFFFFF  }
0xc2: {  	(tm) =	ssettm $0x7FFFFFFF  }
0xc3: {  	_ =	shalt  }
tec
execute0_lowered:
.L_overlay_start_1:
0x0: {  	(tag) =	ssettag $0x1  }
0x1: {  	s0 =	rddreg [dreg:$0x0]  }
0x2: {  	s1 =	rddreg [dreg:$0x1];
	s2 =	simm.s32 $0x0  }
0x3: {  	s3 =	srdreg.scid;
	s13 =	stileid.u32;
	s4 =	sadd.s32 $0x1880E00, s0  }
0x4: {  	[smem:$0x7FF] =	sst s2;
	s5 =	sadd.s32 $0x18CA600, s0;
	s30 =	smul.u32 $0x18800, s13  }
0x5: {  	s3 =	sand.u32 $0x1, s3;
	s7 =	sadd.s32 $0x256600, s0;
	s31 =	smul.u32 $0x62000, s13  }
0x6: {  	_ =	strace $0x80000047;
	s6 =	sshll.u32 s3, $0x4;
	s9 =	ssub.s32 $0x2, s3  }
0x7: {  	p0 =	seq.s32 s3, $0x1;
	s3 =	simm.s32 $0x18800;
	s11 =	sshrl.u32 s9, $0x1  }
0x8: {  	s8 =	sor.u32 s13, s6;
	s16 =	sshrl.u32 s31, $0x2;
	s9 =	ssub.s32 s9, s11  }
0x9: {  	s6 =	sadd.s32 $0x18B1E00, s0;
	s16 =	sadd.s32 s16, s1;
	s9 =	smax.u32 s9, $0x1  }
0xa: {  	s13 =	sshrl.u32 s30, $0x3;
	s17 =	sadd.s32 $0x1880, s16;
	[dreg:$0x9] =	wrdreg s9  }
0xb: {  	s10 =	smul.u32 $0xC4, s8;
	s18 =	sadd.s32 $0x3100, s16;
	[dreg:$0xa] =	wrdreg s17  }
0xc: {  	s12 =	smul.u32 $0xC40, s8;
	s19 =	sadd.s32 $0x4980, s16;
	[dreg:$0xb] =	wrdreg s18  }
0xd: {  	s8 =	smul.u32 $0x18800, s8;
	s20 =	sadd.s32 $0x6200, s16;
	[dreg:$0xc] =	wrdreg s19  }
0xe: {  	s21 =	sadd.s32 $0x7A80, s16;
	s22 =	sadd.s32 $0x9300, s16;
	[dreg:$0xd] =	wrdreg s20  }
0xf: {  	s24 =	sadd.s32 $0xAB80, s16;
	s25 =	sadd.s32 $0xC400, s16;
	[dreg:$0xe] =	wrdreg s21  }
0x10: {  	s31 =	sadd.s32 $0x13E80, s16;
	s26 =	sor.u32 $0x1, s10;
	[dreg:$0x10] =	wrdreg s22  }
0x11: {  	s14 =	sadd.s32 s5, s12;
	s12 =	sadd.s32 s6, s12;
	[dreg:$0x12] =	wrdreg s24  }
0x12: {  	s8 =	sadd.s32 s7, s8;
	s15 =	sor.u32 $0x3, s10;
	[dreg:$0x13] =	wrdreg s25  }
0x13: {  	[dreg:$0x18] =	wrdreg s31;
	s9 =	sadd.s32 $0x16F80, s16;
	s17 =	simm.s32 $0x1  }
0x14: {  	s18 =	simm.s32 $0x80;
	s19 =	simm.s32 $0x18880;
	s20 =	simm.s32 $0x18980  }
0x15: {  	s21 =	simm.s32 $0x19A00;
	s22 =	simm.s32 $0x3;
	[dreg:$0x3] =	wrdreg s14  }
0x16: {  	s24 =	simm.s32 $0x1BA00;
	[dreg:$0x4] =	wrdreg s12;
	s28 =	sshll.u32 s26, $0x4  }
0x17: {  	[dreg:$0x5] =	wrdreg s8;
	s11 =	sshll.u32 s26, $0x9;
	s26 =	sadd.s32 $0xDC80, s16  }
0x18: {  	s8 =	sadd.s32 s30, s1;
	s30 =	sadd.s32 $0x12600, s16;
	[dreg:$0x14] =	wrdreg s26  }
0x19: {  	s25 =	simm.s32 $0x0;
	s29 =	sadd.s32 s5, s28;
	[dreg:$0x17] =	wrdreg s30  }
0x1a: {  	s14 =	sor.u32 $0x2, s10;
	s12 =	sadd.s32 s6, s28;
	[dreg:$0x6] =	wrdreg s29  }
0x1b: {  	s10 =	simm.s32 $0x9000;
	s11 =	sadd.s32 s7, s11;
	[dreg:$0x7] =	wrdreg s12  }
0x1c: {  	s10 =	simm.s32 @!p0 $0x3A000;
	s23 =	sshrl.u32 s8, $0x3;
	[dreg:$0x8] =	wrdreg s11  }
.Ltmp0:
0x1d: {  	s28 =	sadd.s32 $0xF500, s16;
	[dreg:$0x11] =	wrdreg s23;
	(pc) =	sbr.rel .LBB2_1-.Ltmp0, $4  }
0x1e: {  	s8 =	sadd.s32 $0x15700, s16;
	s0 =	sadd.s32 s10, s0;
	[dreg:$0x15] =	wrdreg s28  }
0x1f: {  	s29 =	sadd.s32 $0x10D80, s16;
	s11 =	simm.s32 $0x18900;
	s12 =	simm.s32 $0x1DA00  }
0x20: {  	s23 =	simm.s32 $0x2;
	s0 =	sadd.s32 s0, s13;
	[dreg:$0x16] =	wrdreg s29  }
0x21: {  	v0 =	vimm.f32 $0.0e+00;
	s10 =	simm.s32 $0x1CA00;
	s13 =	simm.s32 $0x5;
	[dreg:$0xf] =	wrdreg s0  }
.LBB2_10:
0x22: {  	s0 =	stileid.u32;
	[bflag:$0x0] =	sbarrier.arrive $0xFFFF  }
0x23: {  	s0 =	sshll.u32 s0, $0x6;
	s3 =	rddreg [dreg:$0xf]  }
0x24: {  	s26 =	rddreg [dreg:$0x11];
	s0 =	sor.u32 $0x1C05, s0  }
0x25: {  	[hbm:s3], [sflag:s0] =	dma.local [spmem:s26], $0x3100  }
0x26: {  	_ =	swait.ge [sflag:s13], $0x3100  }
0x27: {  	s25 =	sadd.s32 $0x1, s25;
	s31 =	rddreg [dreg:$0x9]  }
0x28: {  	p0 =	sne.s32 s25, s31  }
.Ltmp1:
0x29: {  	_ = 	snop;
	(pc) =	sbr.rel @!p0 .LBB2_11-.Ltmp1, $3  }
0x2a: {  	_ =	sdelay $0x1  }
0x2b: {  	[sflag:s13] =	ssyncset.done $0x0  }
0x2c: {  	s3 =	simm.s32 $0x18800;
	[sflag:s13] =	ssyncadd.s32 $0xFFFFCF00  }
.LBB2_1:
0x2d: {  	s0 =	rddreg [dreg:$0x3]  }
0x2e: {  	[tilespmem:s3], [sflag:$0x1] =	stream.linear.gather [hbm4b:s0+s2], $0x80, $0x38;
	[tilespmem:$0x1F280] =	vst v63  }
0x2f: {  	s30 =	rddreg [dreg:$0x4]  }
0x30: {  	[tilespmem:s11], [sflag:$0x1] =	stream.linear.gather [hbm4b:s30+s2], $0x80, $0x38;
	[tilespmem:$0x1F280] =	vst v63  }
0x31: {  	s31 =	rddreg [dreg:$0x5];
	s26 =	simm.s32 $0x18A00  }
0x32: {  	[tilespmem:s26], [sflag:$0x1] =	stream.linear.gather [hbm4b:s31+s2], $0x1000, $0x38;
	[tilespmem:$0x1F280] =	vst v63  }
0x33: {  	s28 =	simm.s32 $0x0;
	s26 =	simm.s32 $0x80  }
.LBB2_2:
0x34: {  	p0 =	sne.s32 s26, $0x6180;
	[tilespmem:s28+$0x1DA00] =	vst v0;
	s29 =	smov.u32 s26;
	s26 =	sadd.s32 $0x80, s26  }
.Ltmp2:
0x35: {  	[tilespmem:s28+$0x1DA10] =	vst v0;
	(pc) =	sbr.rel @p0 .LBB2_2-.Ltmp2, $2  }
0x36: {  	_ =	sdelay $0x2  }
0x37: {  	s28 =	sshra.s32 s29, $0x2  }
0x38: {  	[tilespmem:s28+$0x1DA00] =	vst v0  }
0x39: {  	[tilespmem:s28+$0x1DA10] =	vst v0  }
0x3a: {  	[spmem:s16] =	stream.linear.scatter [tilespmem:s12], [sflag:$0x5], $0x1880, $0x38;
	[tilespmem:$0x1F280] =	vst v63  }
0x3b: {  	_ =	swait.ge [sflag:s13], $0x1880  }
0x3c: {  	[sflag:s13] =	ssyncset.done $0x0  }
0x3d: {  	s0 =	rddreg [dreg:$0xa];
	[sflag:s13] =	ssyncadd.s32 $0xFFFFE780  }
0x3e: {  	[spmem:s0] =	stream.linear.scatter [tilespmem:s12], [sflag:$0x5], $0x1880, $0x38;
	[tilespmem:$0x1F280] =	vst v63  }
0x3f: {  	_ =	swait.ge [sflag:s13], $0x1880  }
0x40: {  	[sflag:s13] =	ssyncset.done $0x0  }
0x41: {  	s31 =	rddreg [dreg:$0xb];
	[sflag:s13] =	ssyncadd.s32 $0xFFFFE780  }
0x42: {  	[spmem:s31] =	stream.linear.scatter [tilespmem:s12], [sflag:$0x5], $0x1880, $0x38;
	[tilespmem:$0x1F280] =	vst v63  }
0x43: {  	_ =	swait.ge [sflag:s13], $0x1880  }
0x44: {  	[sflag:s13] =	ssyncset.done $0x0  }
0x45: {  	s26 =	rddreg [dreg:$0xc];
	[sflag:s13] =	ssyncadd.s32 $0xFFFFE780  }
0x46: {  	[spmem:s26] =	stream.linear.scatter [tilespmem:s12], [sflag:$0x5], $0x1880, $0x38;
	[tilespmem:$0x1F280] =	vst v63  }
0x47: {  	_ =	swait.ge [sflag:s13], $0x1880  }
0x48: {  	[sflag:s13] =	ssyncset.done $0x0  }
0x49: {  	s28 =	rddreg [dreg:$0xd];
	[sflag:s13] =	ssyncadd.s32 $0xFFFFE780  }
0x4a: {  	[spmem:s28] =	stream.linear.scatter [tilespmem:s12], [sflag:$0x5], $0x1880, $0x38;
	[tilespmem:$0x1F280] =	vst v63  }
0x4b: {  	_ =	swait.ge [sflag:s13], $0x1880  }
0x4c: {  	[sflag:s13] =	ssyncset.done $0x0  }
0x4d: {  	s29 =	rddreg [dreg:$0xe];
	[sflag:s13] =	ssyncadd.s32 $0xFFFFE780  }
0x4e: {  	[spmem:s29] =	stream.linear.scatter [tilespmem:s12], [sflag:$0x5], $0x1880, $0x38;
	[tilespmem:$0x1F280] =	vst v63  }
0x4f: {  	_ =	swait.ge [sflag:s13], $0x1880  }
0x50: {  	[sflag:s13] =	ssyncset.done $0x0  }
0x51: {  	s30 =	rddreg [dreg:$0x10];
	[sflag:s13] =	ssyncadd.s32 $0xFFFFE780  }
0x52: {  	[spmem:s30] =	stream.linear.scatter [tilespmem:s12], [sflag:$0x5], $0x1880, $0x38;
	[tilespmem:$0x1F280] =	vst v63  }
0x53: {  	_ =	swait.ge [sflag:s13], $0x1880  }
0x54: {  	[sflag:s13] =	ssyncset.done $0x0  }
0x55: {  	s31 =	rddreg [dreg:$0x12];
	[sflag:s13] =	ssyncadd.s32 $0xFFFFE780  }
0x56: {  	[spmem:s31] =	stream.linear.scatter [tilespmem:s12], [sflag:$0x5], $0x1880, $0x38;
	[tilespmem:$0x1F280] =	vst v63  }
0x57: {  	_ =	swait.ge [sflag:s13], $0x1880  }
0x58: {  	[sflag:s13] =	ssyncset.done $0x0  }
0x59: {  	s26 =	rddreg [dreg:$0x13];
	[sflag:s13] =	ssyncadd.s32 $0xFFFFE780  }
0x5a: {  	[spmem:s26] =	stream.linear.scatter [tilespmem:s12], [sflag:$0x5], $0x1880, $0x38;
	[tilespmem:$0x1F280] =	vst v63  }
0x5b: {  	_ =	swait.ge [sflag:s13], $0x1880  }
0x5c: {  	[sflag:s13] =	ssyncset.done $0x0  }
0x5d: {  	s28 =	rddreg [dreg:$0x14];
	[sflag:s13] =	ssyncadd.s32 $0xFFFFE780  }
0x5e: {  	[spmem:s28] =	stream.linear.scatter [tilespmem:s12], [sflag:$0x5], $0x1880, $0x38;
	[tilespmem:$0x1F280] =	vst v63  }
0x5f: {  	_ =	swait.ge [sflag:s13], $0x1880  }
0x60: {  	[sflag:s13] =	ssyncset.done $0x0  }
0x61: {  	s29 =	rddreg [dreg:$0x15];
	[sflag:s13] =	ssyncadd.s32 $0xFFFFE780  }
0x62: {  	[spmem:s29] =	stream.linear.scatter [tilespmem:s12], [sflag:$0x5], $0x1880, $0x38;
	[tilespmem:$0x1F280] =	vst v63  }
0x63: {  	_ =	swait.ge [sflag:s13], $0x1880  }
0x64: {  	[sflag:s13] =	ssyncset.done $0x0  }
0x65: {  	s30 =	rddreg [dreg:$0x16];
	[sflag:s13] =	ssyncadd.s32 $0xFFFFE780  }
0x66: {  	[spmem:s30] =	stream.linear.scatter [tilespmem:s12], [sflag:$0x5], $0x1880, $0x38;
	[tilespmem:$0x1F280] =	vst v63  }
0x67: {  	_ =	swait.ge [sflag:s13], $0x1880  }
0x68: {  	[sflag:s13] =	ssyncset.done $0x0  }
0x69: {  	s31 =	rddreg [dreg:$0x17];
	[sflag:s13] =	ssyncadd.s32 $0xFFFFE780  }
0x6a: {  	[spmem:s31] =	stream.linear.scatter [tilespmem:s12], [sflag:$0x5], $0x1880, $0x38;
	[tilespmem:$0x1F280] =	vst v63  }
0x6b: {  	_ =	swait.ge [sflag:s13], $0x1880  }
0x6c: {  	[sflag:s13] =	ssyncset.done $0x0  }
0x6d: {  	s26 =	rddreg [dreg:$0x18];
	[sflag:s13] =	ssyncadd.s32 $0xFFFFE780  }
0x6e: {  	[spmem:s26] =	stream.linear.scatter [tilespmem:s12], [sflag:$0x5], $0x1880, $0x38;
	[tilespmem:$0x1F280] =	vst v63  }
0x6f: {  	_ =	swait.ge [sflag:s13], $0x1880  }
0x70: {  	[sflag:s13] =	ssyncset.done $0x0  }
0x71: {  	[sflag:s13] =	ssyncadd.s32 $0xFFFFE780  }
0x72: {  	[spmem:s8] =	stream.linear.scatter [tilespmem:s12], [sflag:$0x5], $0x1880, $0x38;
	[tilespmem:$0x1F280] =	vst v63  }
0x73: {  	_ =	swait.ge [sflag:s13], $0x1880  }
0x74: {  	[sflag:s13] =	ssyncset.done $0x0  }
0x75: {  	[sflag:s13] =	ssyncadd.s32 $0xFFFFE780  }
0x76: {  	[spmem:s9] =	stream.linear.scatter [tilespmem:s12], [sflag:$0x5], $0x1880, $0x38;
	[tilespmem:$0x1F280] =	vst v63  }
0x77: {  	_ =	swait.ge [sflag:s13], $0x1880  }
0x78: {  	[sflag:s13] =	ssyncset.done $0x0  }
0x79: {  	[sflag:s13] =	ssyncadd.s32 $0xFFFFE780  }
0x7a: {  	_ =	swait.ge [sflag:s17], $0x80  }
0x7b: {  	[sflag:s17] =	ssyncset.done $0x0  }
0x7c: {  	[sflag:s17] =	ssyncadd.s32 $0xFFFFFF80  }
0x7d: {  	_ =	swait.ge [sflag:s17], $0x80  }
0x7e: {  	[sflag:s17] =	ssyncset.done $0x0  }
0x7f: {  	[sflag:s17] =	ssyncadd.s32 $0xFFFFFF80  }
0x80: {  	_ =	swait.ge [sflag:s17], $0x1000  }
0x81: {  	[sflag:s17] =	ssyncset.done $0x0  }
0x82: {  	s28 =	simm.s32 $0x1AA00;
	[sflag:s17] =	ssyncadd.s32 $0xFFFFF000  }
0x83: {  	[tilespmem:s28], [sflag:$0x3] =	stream.indirect.gather [hbm4b:s4+s18], $0x20, s3, s18, $0xb8;
	[tilespmem:$0x1F280] =	vst v63  }
0x84: {  	s26 =	simm.s32 $0x0;
	s29 =	rddreg [dreg:$0x6]  }
0x85: {  	[tilespmem:s19], [sflag:$0x2] =	stream.linear.gather [hbm4b:s29+s26], $0x80, $0x38;
	[tilespmem:$0x1F280] =	vst v63  }
0x86: {  	s30 =	rddreg [dreg:$0x7]  }
0x87: {  	[tilespmem:s20], [sflag:$0x2] =	stream.linear.gather [hbm4b:s30+s26], $0x80, $0x38;
	[tilespmem:$0x1F280] =	vst v63  }
0x88: {  	s31 =	rddreg [dreg:$0x8]  }
0x89: {  	[tilespmem:s21], [sflag:$0x2] =	stream.linear.gather [hbm4b:s31+s26], $0x1000, $0x38;
	[tilespmem:$0x1F280] =	vst v63  }
0x8a: {  	[bflag:$0x0] =	sbarrier.arrive $0xFFFF  }
.LBB2_4:
0x8b: {  	_ =	swait.ge [sflag:s22], $0x1000  }
0x8c: {  	[sflag:s22] =	ssyncset.done $0x0  }
0x8d: {  	[sflag:s22] =	ssyncadd.s32 $0xFFFFF000  }
0x8e: {  	_ =	swait.ge [sflag:s23], $0x80  }
0x8f: {  	[sflag:s23] =	ssyncset.done $0x0  }
0x90: {  	[sflag:s23] =	ssyncadd.s32 $0xFFFFFF80  }
0x91: {  	_ =	swait.ge [sflag:s23], $0x80  }
0x92: {  	[sflag:s23] =	ssyncset.done $0x0  }
0x93: {  	[sflag:s23] =	ssyncadd.s32 $0xFFFFFF80  }
0x94: {  	_ =	swait.ge [sflag:s23], $0x1000  }
0x95: {  	[sflag:s23] =	ssyncset.done $0x0  }
0x96: {  	s28 =	simm.s32 $0x0;
	[sflag:s23] =	ssyncadd.s32 $0xFFFFF000  }
0x97: {  	[tilespmem:s24], [sflag:$0x4] =	stream.indirect.gather [hbm4b:s4+s18], $0x20, s19, s18, $0xb8;
	[tilespmem:$0x1F280] =	vst v63  }
0x98: {  	v1 =	vld [tilespmem:s28+$0x1AAF0]  }
0x99: {  	v2 =	vld [tilespmem:s28+$0x18AF0]  }
0x9a: {  	v3 =	vld [tilespmem:s28+$0x1AA00]  }
0x9b: {  	v4 =	vld [tilespmem:s28+$0x18A00]  }
0x9c: {  	v5 =	vld [tilespmem:s28+$0x1AA10]  }
0x9d: {  	v6 =	vld [tilespmem:s28+$0x18A10]  }
0x9e: {  	v7 =	vld [tilespmem:s28+$0x1AA20]  }
0x9f: {  	v8 =	vld [tilespmem:s28+$0x1AA30]  }
0xa0: {  	v1 =	vmul.f32 v2, v1;
	v2 =	vld [tilespmem:s28+$0x18A20]  }
0xa1: {  	v3 =	vmul.f32 v4, v3;
	v4 =	vld [tilespmem:s28+$0x1AA40]  }
0xa2: {  	[tilespmem:s28+$0x1CAF0] =	vst v1;
	v1 =	vld [tilespmem:s28+$0x18A30]  }
0xa3: {  	[tilespmem:s28+$0x1CA00] =	vst v3;
	v3 =	vmul.f32 v6, v5;
	v5 =	vld [tilespmem:s28+$0x18A40]  }
0xa4: {  	v6 =	vld [tilespmem:s28+$0x18A50]  }
0xa5: {  	[tilespmem:s28+$0x1CA10] =	vst v3;
	v3 =	vld [tilespmem:s28+$0x1AA50];
	v2 =	vmul.f32 v2, v7  }
0xa6: {  	v7 =	vld [tilespmem:s28+$0x18A60]  }
0xa7: {  	[tilespmem:s28+$0x1CA20] =	vst v2;
	v1 =	vmul.f32 v1, v8;
	v2 =	vld [tilespmem:s28+$0x1AA60]  }
0xa8: {  	v8 =	vld [tilespmem:s28+$0x18AB0]  }
0xa9: {  	[tilespmem:s28+$0x1CA30] =	vst v1;
	v1 =	vmul.f32 v5, v4;
	v4 =	vld [tilespmem:s28+$0x1AA70]  }
0xaa: {  	v5 =	vld [tilespmem:s28+$0x18A70]  }
0xab: {  	[tilespmem:s28+$0x1CA40] =	vst v1;
	v1 =	vmul.f32 v6, v3;
	v3 =	vld [tilespmem:s28+$0x1AA80]  }
0xac: {  	v6 =	vld [tilespmem:s28+$0x18A80]  }
0xad: {  	[tilespmem:s28+$0x1CA50] =	vst v1;
	v1 =	vmul.f32 v7, v2;
	v2 =	vld [tilespmem:s28+$0x1AA90]  }
0xae: {  	v7 =	vld [tilespmem:s28+$0x18A90]  }
0xaf: {  	[tilespmem:s28+$0x1CA60] =	vst v1;
	v1 =	vmul.f32 v5, v4;
	v4 =	vld [tilespmem:s28+$0x1AAA0]  }
0xb0: {  	v5 =	vld [tilespmem:s28+$0x18AA0]  }
0xb1: {  	[tilespmem:s28+$0x1CA70] =	vst v1;
	v1 =	vmul.f32 v6, v3;
	v6 =	vld [tilespmem:s28+$0x1AAB0]  }
0xb2: {  	v9 =	vld [tilespmem:s28+$0x18AC0]  }
0xb3: {  	[tilespmem:s28+$0x1CA80] =	vst v1;
	v1 =	vmul.f32 v7, v2;
	v7 =	vld [tilespmem:s28+$0x1AAC0]  }
0xb4: {  	v3 =	vld [tilespmem:s28+$0x1AAD0]  }
0xb5: {  	[tilespmem:s28+$0x1CA90] =	vst v1;
	v1 =	vmul.f32 v5, v4;
	v4 =	vld [tilespmem:s28+$0x18AD0]  }
0xb6: {  	v5 =	vld [tilespmem:s28+$0x18AE0];
	v6 =	vmul.f32 v8, v6  }
0xb7: {  	s30 =	simm.s32 $0x100;
	[tilespmem:s28+$0x1CAA0] =	vst v1;
	v1 =	vld [tilespmem:s28+$0x1AAE0]  }
0xb8: {  	s29 =	simm.s32 $0x800;
	v2 =	vld [tilespmem:s30+$0x1AAF0];
	[tilespmem:s28+$0x1CAB0] =	vst v6;
	v6 =	vmul.f32 v9, v7  }
.LBB2_5:
0xb9: {  	p0 =	sne.s32 s29, $0x3C00;
	v7 =	vld [tilespmem:s30+$0x18AF0]  }
0xba: {  	v8 =	vld [tilespmem:s30+$0x1AA00];
	[tilespmem:s28+$0x1CAC0] =	vst v6;
	v3 =	vmul.f32 v4, v3  }
0xbb: {  	v4 =	vld [tilespmem:s30+$0x18A00]  }
0xbc: {  	v6 =	vld [tilespmem:s30+$0x1AA10];
	[tilespmem:s28+$0x1CAD0] =	vst v3;
	v1 =	vmul.f32 v5, v1  }
0xbd: {  	v3 =	vld [tilespmem:s30+$0x18A10]  }
0xbe: {  	v5 =	vld [tilespmem:s30+$0x1AA20];
	v2 =	vmul.f32 v7, v2;
	[tilespmem:s28+$0x1CAE0] =	vst v1;
	s28 =	smov.u32 s30  }
0xbf: {  	v1 =	vld [tilespmem:s28+$0x18A20]  }
0xc0: {  	v4 =	vmul.f32 v4, v8;
	v7 =	vld [tilespmem:s28+$0x1AA30];
	[tilespmem:s28+$0x1CAF0] =	vst v2  }
0xc1: {  	v2 =	vld [tilespmem:s28+$0x18A30]  }
0xc2: {  	[tilespmem:s28+$0x1CA00] =	vst v4;
	v3 =	vmul.f32 v3, v6;
	v4 =	vld [tilespmem:s28+$0x1AA40]  }
0xc3: {  	v6 =	vld [tilespmem:s28+$0x18A40]  }
0xc4: {  	[tilespmem:s28+$0x1CA10] =	vst v3;
	v1 =	vmul.f32 v1, v5;
	v3 =	vld [tilespmem:s28+$0x1AA50]  }
0xc5: {  	v5 =	vld [tilespmem:s28+$0x18A50]  }
0xc6: {  	[tilespmem:s28+$0x1CA20] =	vst v1;
	v1 =	vmul.f32 v2, v7;
	v2 =	vld [tilespmem:s28+$0x1AA60]  }
0xc7: {  	v7 =	vld [tilespmem:s28+$0x18A60]  }
0xc8: {  	[tilespmem:s28+$0x1CA30] =	vst v1;
	v1 =	vmul.f32 v6, v4;
	v4 =	vld [tilespmem:s28+$0x1AA70]  }
0xc9: {  	v6 =	vld [tilespmem:s28+$0x18A70]  }
0xca: {  	[tilespmem:s28+$0x1CA40] =	vst v1;
	v1 =	vmul.f32 v5, v3;
	v3 =	vld [tilespmem:s28+$0x1AA80]  }
0xcb: {  	v5 =	vld [tilespmem:s28+$0x18A80]  }
0xcc: {  	[tilespmem:s28+$0x1CA50] =	vst v1;
	v1 =	vmul.f32 v7, v2;
	v2 =	vld [tilespmem:s28+$0x1AA90]  }
0xcd: {  	v7 =	vld [tilespmem:s28+$0x18A90]  }
0xce: {  	[tilespmem:s28+$0x1CA60] =	vst v1;
	v1 =	vmul.f32 v6, v4;
	v4 =	vld [tilespmem:s28+$0x1AAA0]  }
0xcf: {  	v6 =	vld [tilespmem:s28+$0x18AA0]  }
0xd0: {  	[tilespmem:s28+$0x1CA70] =	vst v1;
	v1 =	vmul.f32 v5, v3;
	v5 =	vld [tilespmem:s28+$0x1AAB0]  }
0xd1: {  	v8 =	vld [tilespmem:s28+$0x18AB0]  }
0xd2: {  	[tilespmem:s28+$0x1CA80] =	vst v1;
	v1 =	vmul.f32 v7, v2;
	v7 =	vld [tilespmem:s28+$0x1AAC0]  }
0xd3: {  	v9 =	vld [tilespmem:s28+$0x18AC0]  }
.Ltmp3:
0xd4: {  	[tilespmem:s28+$0x1CA90] =	vst v1;
	v1 =	vmul.f32 v6, v4;
	v3 =	vld [tilespmem:s28+$0x1AAD0];
	(pc) =	sbr.rel @p0 .LBB2_5-.Ltmp3, $4  }
0xd5: {  	v4 =	vld [tilespmem:s28+$0x18AD0]  }
0xd6: {  	[tilespmem:s28+$0x1CAA0] =	vst v1;
	v6 =	vmul.f32 v8, v5;
	v1 =	vld [tilespmem:s28+$0x1AAE0]  }
0xd7: {  	s30 =	sshra.s32 s29, $0x2;
	v5 =	vld [tilespmem:s28+$0x18AE0]  }
0xd8: {  	s29 =	sadd.s32 $0x400, s29;
	v2 =	vld [tilespmem:s30+$0x1AAF0];
	[tilespmem:s28+$0x1CAB0] =	vst v6;
	v6 =	vmul.f32 v9, v7  }
0xd9: {  	v7 =	vld [tilespmem:s30+$0x18AF0]  }
0xda: {  	v8 =	vld [tilespmem:s30+$0x1AA00];
	[tilespmem:s28+$0x1CAC0] =	vst v6;
	v3 =	vmul.f32 v4, v3  }
0xdb: {  	v4 =	vld [tilespmem:s30+$0x18A00]  }
0xdc: {  	v6 =	vld [tilespmem:s30+$0x1AA10];
	[tilespmem:s28+$0x1CAD0] =	vst v3;
	v1 =	vmul.f32 v5, v1  }
0xdd: {  	v3 =	vld [tilespmem:s30+$0x18A10]  }
0xde: {  	v5 =	vld [tilespmem:s30+$0x1AA20];
	[tilespmem:s28+$0x1CAE0] =	vst v1  }
0xdf: {  	v1 =	vmul.f32 v7, v2;
	v2 =	vld [tilespmem:s30+$0x18A20]  }
0xe0: {  	v7 =	vld [tilespmem:s30+$0x1AA30]  }
0xe1: {  	v4 =	vmul.f32 v4, v8;
	[tilespmem:s30+$0x1CAF0] =	vst v1;
	v1 =	vld [tilespmem:s30+$0x18A30]  }
0xe2: {  	v8 =	vld [tilespmem:s30+$0x18AE0]  }
0xe3: {  	[tilespmem:s30+$0x1CA00] =	vst v4;
	v3 =	vmul.f32 v3, v6;
	v4 =	vld [tilespmem:s30+$0x1AA40]  }
0xe4: {  	v6 =	vld [tilespmem:s30+$0x18A40]  }
0xe5: {  	[tilespmem:s30+$0x1CA10] =	vst v3;
	v3 =	vld [tilespmem:s30+$0x1AA50]  }
0xe6: {  	v2 =	vmul.f32 v2, v5;
	v5 =	vld [tilespmem:s30+$0x18A50]  }
0xe7: {  	v1 =	vmul.f32 v1, v7;
	v7 =	vld [tilespmem:s30+$0x18A60]  }
0xe8: {  	[tilespmem:s30+$0x1CA20] =	vst v2;
	v2 =	vld [tilespmem:s30+$0x1AA60]  }
0xe9: {  	[tilespmem:s30+$0x1CA30] =	vst v1;
	v1 =	vmul.f32 v6, v4;
	v4 =	vld [tilespmem:s30+$0x1AA70]  }
0xea: {  	v6 =	vld [tilespmem:s30+$0x18A70]  }
0xeb: {  	[tilespmem:s30+$0x1CA40] =	vst v1;
	v1 =	vmul.f32 v5, v3;
	v3 =	vld [tilespmem:s30+$0x1AA80]  }
0xec: {  	v5 =	vld [tilespmem:s30+$0x18A80]  }
0xed: {  	[tilespmem:s30+$0x1CA50] =	vst v1;
	v1 =	vmul.f32 v7, v2;
	v2 =	vld [tilespmem:s30+$0x1AA90]  }
0xee: {  	v7 =	vld [tilespmem:s30+$0x18A90]  }
0xef: {  	[tilespmem:s30+$0x1CA60] =	vst v1;
	v1 =	vmul.f32 v6, v4;
	v4 =	vld [tilespmem:s30+$0x1AAA0]  }
0xf0: {  	v6 =	vld [tilespmem:s30+$0x18AA0]  }
0xf1: {  	[tilespmem:s30+$0x1CA70] =	vst v1;
	v1 =	vmul.f32 v5, v3;
	v3 =	vld [tilespmem:s30+$0x1AAB0]  }
0xf2: {  	v5 =	vld [tilespmem:s30+$0x18AB0]  }
0xf3: {  	[tilespmem:s30+$0x1CA80] =	vst v1;
	v1 =	vmul.f32 v7, v2;
	v2 =	vld [tilespmem:s30+$0x1AAC0]  }
0xf4: {  	v7 =	vld [tilespmem:s30+$0x18AC0]  }
0xf5: {  	[tilespmem:s30+$0x1CA90] =	vst v1;
	v1 =	vmul.f32 v6, v4;
	v4 =	vld [tilespmem:s30+$0x1AAD0]  }
0xf6: {  	v6 =	vld [tilespmem:s30+$0x18AD0]  }
0xf7: {  	[tilespmem:s30+$0x1CAA0] =	vst v1;
	v1 =	vld [tilespmem:s30+$0x1AAE0];
	_ =	sdelay $0x1  }
0xf8: {  	v3 =	vmul.f32 v5, v3  }
0xf9: {  	v2 =	vmul.f32 v7, v2  }
0xfa: {  	[tilespmem:s30+$0x1CAB0] =	vst v3;
	v3 =	vmul.f32 v6, v4  }
0xfb: {  	[tilespmem:s30+$0x1CAC0] =	vst v2;
	v1 =	vmul.f32 v8, v1  }
0xfc: {  	[tilespmem:s30+$0x1CAD0] =	vst v3  }
0xfd: {  	[tilespmem:s30+$0x1CAE0] =	vst v1  }
0xfe: {  	[spmem:s1] =	stream.indirect.scatter.add.f32 [tilespmem:s10], [sflag:$0x5], $0x20, s11, s18, $0xb8;
	[tilespmem:$0x1F280] =	vst v63  }
0xff: {  	_ =	swait.ge [sflag:s13], $0x1000  }
0x100: {  	p0 =	seq.s32 s26, $0x61;
	[sflag:s13] =	ssyncset.done $0x0  }
0x101: {  	s29 =	simm.s32 @p0 $0x4;
	s28 =	sshll.u32 s26, $0x1;
	[sflag:s13] =	ssyncadd.s32 $0xFFFFF000  }
0x102: {  	s30 =	sadd.s32 @!p0 s28, s14;
	_ =	swait.ge @p0 [sflag:s29], $0x1000  }
0x103: {  	s31 =	sshll.u32 @!p0 s30, $0x4;
	[sflag:s29] =	ssyncset.done @p0 $0x0  }
0x104: {  	[sflag:s29] =	ssyncadd.s32 @p0 $0xFFFFF000;
	s29 =	sand.u32 @!p0 $0x1FFFFFE0, s31  }
0x105: {  	s0 =	simm.s32 @!p0 $0x0;
	s3 =	simm.s32 @!p0 $0x18800;
	s31 =	sadd.s32 @!p0 s5, s29  }
0x106: {  	[tilespmem:s3], [sflag:$0x1] =	stream.linear.gather @!p0 [hbm4b:s31+s0], $0x80, $0x38;
	[tilespmem:$0x1F280] =	vst v63  }
0x107: {  	s29 =	sadd.s32 @!p0 s6, s29;
	s31 =	simm.s32 @!p0 $0x18900  }
0x108: {  	[tilespmem:s31], [sflag:$0x1] =	stream.linear.gather @!p0 [hbm4b:s29+s0], $0x80, $0x38;
	[tilespmem:$0x1F280] =	vst v63  }
0x109: {  	s29 =	sshll.u32 @!p0 s30, $0x9  }
0x10a: {  	s29 =	sand.u32 @!p0 $0x1FFFFC00, s29  }
0x10b: {  	s30 =	simm.s32 @!p0 $0x18A00;
	s29 =	sadd.s32 @!p0 s7, s29  }
0x10c: {  	[tilespmem:s30], [sflag:$0x1] =	stream.linear.gather @!p0 [hbm4b:s29+s0], $0x1000, $0x38;
	[tilespmem:$0x1F280] =	vst v63  }
0x10d: {  	s0 =	simm.s32 @!p0 $0x4  }
0x10e: {  	_ =	swait.ge @!p0 [sflag:s0], $0x1000  }
0x10f: {  	[sflag:s0] =	ssyncset.done @!p0 $0x0  }
0x110: {  	[sflag:s0] =	ssyncadd.s32 @!p0 $0xFFFFF000;
	s0 =	simm.s32 @!p0 $0x1  }
0x111: {  	_ =	swait.ge @!p0 [sflag:s0], $0x80  }
0x112: {  	[sflag:s0] =	ssyncset.done @!p0 $0x0  }
0x113: {  	[sflag:s0] =	ssyncadd.s32 @!p0 $0xFFFFFF80  }
0x114: {  	_ =	swait.ge @!p0 [sflag:s0], $0x80  }
0x115: {  	[sflag:s0] =	ssyncset.done @!p0 $0x0  }
0x116: {  	[sflag:s0] =	ssyncadd.s32 @!p0 $0xFFFFFF80  }
0x117: {  	_ =	swait.ge @!p0 [sflag:s0], $0x1000  }
0x118: {  	[sflag:s0] =	ssyncset.done @!p0 $0x0  }
0x119: {  	s29 =	simm.s32 @!p0 $0x1AA00;
	[sflag:s0] =	ssyncadd.s32 @!p0 $0xFFFFF000;
	s0 =	simm.s32 @!p0 $0x80  }
0x11a: {  	[tilespmem:s29], [sflag:$0x3] =	stream.indirect.gather @!p0 [hbm4b:s4+s0], $0x20, s3, s0, $0xb8;
	[tilespmem:$0x1F280] =	vst v63  }
0x11b: {  	s29 =	simm.s32 $0x0  }
0x11c: {  	v1 =	vld [tilespmem:s29+$0x1BAF0]  }
0x11d: {  	v2 =	vld [tilespmem:s29+$0x19AF0]  }
0x11e: {  	v3 =	vld [tilespmem:s29+$0x1BA00]  }
0x11f: {  	v4 =	vld [tilespmem:s29+$0x19A00]  }
0x120: {  	v5 =	vld [tilespmem:s29+$0x1BA10]  }
0x121: {  	v6 =	vld [tilespmem:s29+$0x19A10]  }
0x122: {  	v7 =	vld [tilespmem:s29+$0x1BA20]  }
0x123: {  	v8 =	vld [tilespmem:s29+$0x1BA30]  }
0x124: {  	v1 =	vmul.f32 v2, v1;
	v2 =	vld [tilespmem:s29+$0x19A20]  }
0x125: {  	v3 =	vmul.f32 v4, v3;
	v4 =	vld [tilespmem:s29+$0x1BA40]  }
0x126: {  	[tilespmem:s29+$0x1CAF0] =	vst v1;
	v1 =	vld [tilespmem:s29+$0x19A30]  }
0x127: {  	[tilespmem:s29+$0x1CA00] =	vst v3;
	v3 =	vmul.f32 v6, v5;
	v5 =	vld [tilespmem:s29+$0x19A40]  }
0x128: {  	v6 =	vld [tilespmem:s29+$0x19A50]  }
0x129: {  	[tilespmem:s29+$0x1CA10] =	vst v3;
	v3 =	vld [tilespmem:s29+$0x1BA50];
	v2 =	vmul.f32 v2, v7  }
0x12a: {  	v7 =	vld [tilespmem:s29+$0x19A60]  }
0x12b: {  	[tilespmem:s29+$0x1CA20] =	vst v2;
	v1 =	vmul.f32 v1, v8;
	v2 =	vld [tilespmem:s29+$0x1BA60]  }
0x12c: {  	v8 =	vld [tilespmem:s29+$0x19AB0]  }
0x12d: {  	[tilespmem:s29+$0x1CA30] =	vst v1;
	v1 =	vmul.f32 v5, v4;
	v4 =	vld [tilespmem:s29+$0x1BA70]  }
0x12e: {  	v5 =	vld [tilespmem:s29+$0x19A70]  }
0x12f: {  	[tilespmem:s29+$0x1CA40] =	vst v1;
	v1 =	vmul.f32 v6, v3;
	v3 =	vld [tilespmem:s29+$0x1BA80]  }
0x130: {  	v6 =	vld [tilespmem:s29+$0x19A80]  }
0x131: {  	[tilespmem:s29+$0x1CA50] =	vst v1;
	v1 =	vmul.f32 v7, v2;
	v2 =	vld [tilespmem:s29+$0x1BA90]  }
0x132: {  	v7 =	vld [tilespmem:s29+$0x19A90]  }
0x133: {  	[tilespmem:s29+$0x1CA60] =	vst v1;
	v1 =	vmul.f32 v5, v4;
	v4 =	vld [tilespmem:s29+$0x1BAA0]  }
0x134: {  	v5 =	vld [tilespmem:s29+$0x19AA0]  }
0x135: {  	[tilespmem:s29+$0x1CA70] =	vst v1;
	v1 =	vmul.f32 v6, v3;
	v6 =	vld [tilespmem:s29+$0x1BAB0]  }
0x136: {  	v9 =	vld [tilespmem:s29+$0x19AC0]  }
0x137: {  	[tilespmem:s29+$0x1CA80] =	vst v1;
	v1 =	vmul.f32 v7, v2;
	v7 =	vld [tilespmem:s29+$0x1BAC0]  }
0x138: {  	v3 =	vld [tilespmem:s29+$0x1BAD0]  }
0x139: {  	[tilespmem:s29+$0x1CA90] =	vst v1;
	v1 =	vmul.f32 v5, v4;
	v4 =	vld [tilespmem:s29+$0x19AD0]  }
0x13a: {  	v5 =	vld [tilespmem:s29+$0x19AE0];
	v6 =	vmul.f32 v8, v6  }
0x13b: {  	s31 =	simm.s32 $0x100;
	[tilespmem:s29+$0x1CAA0] =	vst v1;
	v1 =	vld [tilespmem:s29+$0x1BAE0]  }
0x13c: {  	s30 =	simm.s32 $0x800;
	v2 =	vld [tilespmem:s31+$0x1BAF0];
	[tilespmem:s29+$0x1CAB0] =	vst v6;
	v6 =	vmul.f32 v9, v7  }
.LBB2_7:
0x13d: {  	p1 =	sne.s32 s30, $0x3C00;
	v7 =	vld [tilespmem:s31+$0x19AF0]  }
0x13e: {  	v8 =	vld [tilespmem:s31+$0x1BA00];
	[tilespmem:s29+$0x1CAC0] =	vst v6;
	v3 =	vmul.f32 v4, v3  }
0x13f: {  	v4 =	vld [tilespmem:s31+$0x19A00]  }
0x140: {  	v6 =	vld [tilespmem:s31+$0x1BA10];
	[tilespmem:s29+$0x1CAD0] =	vst v3;
	v1 =	vmul.f32 v5, v1  }
0x141: {  	v3 =	vld [tilespmem:s31+$0x19A10]  }
0x142: {  	v5 =	vld [tilespmem:s31+$0x1BA20];
	v2 =	vmul.f32 v7, v2;
	[tilespmem:s29+$0x1CAE0] =	vst v1;
	s29 =	smov.u32 s31  }
0x143: {  	v1 =	vld [tilespmem:s29+$0x19A20]  }
0x144: {  	v4 =	vmul.f32 v4, v8;
	v7 =	vld [tilespmem:s29+$0x1BA30];
	[tilespmem:s29+$0x1CAF0] =	vst v2  }
0x145: {  	v2 =	vld [tilespmem:s29+$0x19A30]  }
0x146: {  	[tilespmem:s29+$0x1CA00] =	vst v4;
	v3 =	vmul.f32 v3, v6;
	v4 =	vld [tilespmem:s29+$0x1BA40]  }
0x147: {  	v6 =	vld [tilespmem:s29+$0x19A40]  }
0x148: {  	[tilespmem:s29+$0x1CA10] =	vst v3;
	v1 =	vmul.f32 v1, v5;
	v3 =	vld [tilespmem:s29+$0x1BA50]  }
0x149: {  	v5 =	vld [tilespmem:s29+$0x19A50]  }
0x14a: {  	[tilespmem:s29+$0x1CA20] =	vst v1;
	v1 =	vmul.f32 v2, v7;
	v2 =	vld [tilespmem:s29+$0x1BA60]  }
0x14b: {  	v7 =	vld [tilespmem:s29+$0x19A60]  }
0x14c: {  	[tilespmem:s29+$0x1CA30] =	vst v1;
	v1 =	vmul.f32 v6, v4;
	v4 =	vld [tilespmem:s29+$0x1BA70]  }
0x14d: {  	v6 =	vld [tilespmem:s29+$0x19A70]  }
0x14e: {  	[tilespmem:s29+$0x1CA40] =	vst v1;
	v1 =	vmul.f32 v5, v3;
	v3 =	vld [tilespmem:s29+$0x1BA80]  }
0x14f: {  	v5 =	vld [tilespmem:s29+$0x19A80]  }
0x150: {  	[tilespmem:s29+$0x1CA50] =	vst v1;
	v1 =	vmul.f32 v7, v2;
	v2 =	vld [tilespmem:s29+$0x1BA90]  }
0x151: {  	v7 =	vld [tilespmem:s29+$0x19A90]  }
0x152: {  	[tilespmem:s29+$0x1CA60] =	vst v1;
	v1 =	vmul.f32 v6, v4;
	v4 =	vld [tilespmem:s29+$0x1BAA0]  }
0x153: {  	v6 =	vld [tilespmem:s29+$0x19AA0]  }
0x154: {  	[tilespmem:s29+$0x1CA70] =	vst v1;
	v1 =	vmul.f32 v5, v3;
	v5 =	vld [tilespmem:s29+$0x1BAB0]  }
0x155: {  	v8 =	vld [tilespmem:s29+$0x19AB0]  }
0x156: {  	[tilespmem:s29+$0x1CA80] =	vst v1;
	v1 =	vmul.f32 v7, v2;
	v7 =	vld [tilespmem:s29+$0x1BAC0]  }
0x157: {  	v9 =	vld [tilespmem:s29+$0x19AC0]  }
.Ltmp4:
0x158: {  	[tilespmem:s29+$0x1CA90] =	vst v1;
	v1 =	vmul.f32 v6, v4;
	v3 =	vld [tilespmem:s29+$0x1BAD0];
	(pc) =	sbr.rel @p1 .LBB2_7-.Ltmp4, $4  }
0x159: {  	v4 =	vld [tilespmem:s29+$0x19AD0]  }
0x15a: {  	[tilespmem:s29+$0x1CAA0] =	vst v1;
	v6 =	vmul.f32 v8, v5;
	v1 =	vld [tilespmem:s29+$0x1BAE0]  }
0x15b: {  	s31 =	sshra.s32 s30, $0x2;
	v5 =	vld [tilespmem:s29+$0x19AE0]  }
0x15c: {  	s30 =	sadd.s32 $0x400, s30;
	v2 =	vld [tilespmem:s31+$0x1BAF0];
	[tilespmem:s29+$0x1CAB0] =	vst v6;
	v6 =	vmul.f32 v9, v7  }
0x15d: {  	v7 =	vld [tilespmem:s31+$0x19AF0]  }
0x15e: {  	v8 =	vld [tilespmem:s31+$0x1BA00];
	[tilespmem:s29+$0x1CAC0] =	vst v6;
	v3 =	vmul.f32 v4, v3  }
0x15f: {  	v46 =	vld [tilespmem:s31+$0x19A00]  }
0x160: {  	v6 =	vld [tilespmem:s31+$0x1BA10];
	[tilespmem:s29+$0x1CAD0] =	vst v3;
	v1 =	vmul.f32 v5, v1  }
0x161: {  	v3 =	vld [tilespmem:s31+$0x19A10]  }
0x162: {  	v47 =	vld [tilespmem:s31+$0x1BA20];
	[tilespmem:s29+$0x1CAE0] =	vst v1  }
0x163: {  	v1 =	vmul.f32 v7, v2;
	v2 =	vld [tilespmem:s31+$0x19A20]  }
0x164: {  	v48 =	vld [tilespmem:s31+$0x1BA30]  }
0x165: {  	v49 =	vld [tilespmem:s31+$0x1BA40]  }
0x166: {  	[tilespmem:s31+$0x1CAF0] =	vst v1;
	v1 =	vld [tilespmem:s31+$0x19A30]  }
0x167: {  	v50 =	vld [tilespmem:s31+$0x19A40]  }
0x168: {  	v51 =	vld [tilespmem:s31+$0x19A50];
	v3 =	vmul.f32 v3, v6  }
0x169: {  	v52 =	vld [tilespmem:s31+$0x19A60]  }
0x16a: {  	[tilespmem:s31+$0x1CA10] =	vst v3;
	v2 =	vmul.f32 v2, v47;
	v3 =	vld [tilespmem:s31+$0x1BA50]  }
0x16b: {  	v53 =	vld [tilespmem:s31+$0x1BA70];
	v1 =	vmul.f32 v1, v48  }
0x16c: {  	[tilespmem:s31+$0x1CA20] =	vst v2;
	v2 =	vld [tilespmem:s31+$0x1BA60]  }
0x16d: {  	v54 =	vld [tilespmem:s31+$0x19A70];
	[tilespmem:s31+$0x1CA30] =	vst v1;
	v1 =	vmul.f32 v50, v49  }
0x16e: {  	v55 =	vld [tilespmem:s31+$0x19A80]  }
0x16f: {  	v56 =	vld [tilespmem:s31+$0x19A90];
	[tilespmem:s31+$0x1CA40] =	vst v1;
	v1 =	vmul.f32 v51, v3  }
0x170: {  	v3 =	vld [tilespmem:s31+$0x1BA80]  }
0x171: {  	v57 =	vld [tilespmem:s31+$0x1BAA0];
	[tilespmem:s31+$0x1CA50] =	vst v1;
	v1 =	vmul.f32 v52, v2  }
0x172: {  	v2 =	vld [tilespmem:s31+$0x1BA90]  }
0x173: {  	v58 =	vld [tilespmem:s31+$0x19AA0];
	[tilespmem:s31+$0x1CA60] =	vst v1;
	v1 =	vmul.f32 v54, v53  }
0x174: {  	v59 =	vld [tilespmem:s31+$0x19AB0]  }
0x175: {  	v60 =	vld [tilespmem:s31+$0x19AC0];
	[tilespmem:s31+$0x1CA70] =	vst v1;
	v1 =	vmul.f32 v55, v3  }
0x176: {  	v61 =	vld [tilespmem:s31+$0x1BAD0]  }
0x177: {  	v62 =	vld [tilespmem:s31+$0x19AD0];
	[tilespmem:s31+$0x1CA80] =	vst v1;
	v1 =	vmul.f32 v56, v2  }
0x178: {  	v3 =	vld [tilespmem:s31+$0x1BAB0]  }
0x179: {  	v2 =	vld [tilespmem:s31+$0x1BAC0];
	[tilespmem:s31+$0x1CA90] =	vst v1;
	v1 =	vmul.f32 v58, v57  }
0x17a: {  	v63 =	vld [tilespmem:s31+$0x19AE0]  }
0x17b: {  	[tilespmem:s31+$0x1CAA0] =	vst v1;
	v1 =	vld [tilespmem:s31+$0x1BAE0]  }
0x17c: {  	v4 =	vmul.f32 v46, v8  }
0x17d: {  	v3 =	vmul.f32 v59, v3  }
0x17e: {  	[tilespmem:s31+$0x1CA00] =	vst v4;
	v2 =	vmul.f32 v60, v2  }
0x17f: {  	[tilespmem:s31+$0x1CAB0] =	vst v3;
	v3 =	vmul.f32 v62, v61  }
0x180: {  	[tilespmem:s31+$0x1CAC0] =	vst v2;
	v1 =	vmul.f32 v63, v1  }
0x181: {  	[tilespmem:s31+$0x1CAD0] =	vst v3  }
.Ltmp5:
0x182: {  	[tilespmem:s31+$0x1CAE0] =	vst v1;
	(pc) =	sbr.rel @p0 .LBB2_10-.Ltmp5, $4  }
0x183: {  	[spmem:s1] =	stream.indirect.scatter.add.f32 [tilespmem:s10], [sflag:$0x5], $0x20, s20, s18, $0xb8;
	[tilespmem:$0x1F280] =	vst v63  }
0x184: {  	_ =	swait.ge [sflag:s13], $0x1000  }
0x185: {  	[sflag:s13] =	ssyncset.done $0x0  }
0x186: {  	[sflag:s13] =	ssyncadd.s32 $0xFFFFF000  }
0x187: {  	s0 =	sadd.s32 s28, s15  }
0x188: {  	s3 =	sshll.u32 s0, $0x4  }
0x189: {  	s3 =	sand.u32 $0x1FFFFFF0, s3  }
0x18a: {  	s31 =	sadd.s32 s5, s3  }
0x18b: {  	[tilespmem:s19], [sflag:$0x2] =	stream.linear.gather [hbm4b:s31+s2], $0x80, $0x38;
	[tilespmem:$0x1F280] =	vst v63  }
.Ltmp6:
0x18c: {  	s0 =	sshll.u32 s0, $0x9;
	(pc) =	sbr.rel .LBB2_4-.Ltmp6, $4  }
0x18d: {  	s0 =	sand.u32 $0x1FFFFE00, s0;
	s3 =	sadd.s32 s6, s3  }
0x18e: {  	[tilespmem:s20], [sflag:$0x2] =	stream.linear.gather [hbm4b:s3+s2], $0x80, $0x38;
	[tilespmem:$0x1F280] =	vst v63  }
0x18f: {  	s26 =	sadd.s32 $0x1, s26;
	s0 =	sadd.s32 s7, s0  }
0x190: {  	[tilespmem:s21], [sflag:$0x2] =	stream.linear.gather [hbm4b:s0+s2], $0x1000, $0x38;
	[tilespmem:$0x1F280] =	vst v63  }
.LBB2_11:
0x191: {  	_ =	sfence.sel $0x180000  }
0x192: {  	[bflag:$0x0] =	sbarrier.arrive $0xFFFF  }
0x193: {  	_ =	strace $0x90000047  }
0x194: {  	s0 =	stileid.u32;
	[bflag:$0x2] =	sbarrier.arrive $0xFFFF  }
0x195: {  	p0 =	sne.s32 s0, $0x0;
	s0 =	rddreg [dreg:$0x2]  }
0x196: {  	s0 =	sadd.s32 @!p0 $0x100000, s0  }
0x197: {  	[sflag:s0] =	ssyncadd.tile.s32 @!p0 $0x1;
	_ =	shalt  }
.Lfunc_end2:
_tile_overlayer_lowered:
.L_overlay_start_2:
0x198: {  	(tag) =	ssettag $0x2  }
0x199: {  	s0 =	rddreg [dreg:$0x0];
	s2 =	stileid.u32  }
0x19a: {  	s1 =	rddreg [dreg:$0x1];
	p0 =	sne.s32 s2, $0x0  }
0x19b: {  	s3 =	rddreg [dreg:$0x2];
	[bflag:$0x3] =	sbarrier.arrive $0xFFFF;
	s2 =	simm.s32 @!p0 $0x1C05  }
0x19c: {  	[timem:s3], [sflag:s2] =	dma.local @!p0 [hbm:s0], s1  }
0x19d: {  	s0 =	simm.s32 @!p0 $0x5  }
0x19e: {  	_ =	swait.ge @!p0 [sflag:s0], s1  }
0x19f: {  	s1 =	ssub.s32 @!p0 $0x0, s1;
	[sflag:s0] =	ssyncset.done @!p0 $0x0  }
0x1a0: {  	[sflag:s0] =	ssyncadd.s32 @!p0 s1  }
0x1a1: {  	[bflag:$0x3] =	sbarrier.arrive $0xFFFF  }
0x1a2: {  	_ =	shalt  }

// kernel: kernel.14.cloned.1.call-start
scs
__scs_entry_jumppad:
0x0: {  	(pc) =	sbr.rel $0x88, $3  }
0x1: {  	(tag) =	ssettag $0x0;
	lr =	simm.s32 $0x1  }
0x2: {  	[smem:$0x3F88] =	sst lr;
	_ =	strace $0xD0000000  }
0x3: {  	_ = 	snop  }
0x4: {  	_ = 	snop  }
0x5: {  	_ = 	snop  }
0x6: {  	_ = 	snop  }
0x7: {  	_ = 	snop  }
__scs_overlays_trampoline_lowered:
0x8: {  	[smem:$0x3F97] =	sst s0  }
0x9: {  	[smem:$0x3F98] =	sst s1  }
0xa: {  	[smem:$0x3F99] =	sst s2  }
0xb: {  	[smem:$0x3F9A] =	sst s3  }
0xc: {  	[smem:$0x3F9B] =	sst s4  }
0xd: {  	[smem:$0x3F9C] =	sst s5  }
0xe: {  	[smem:$0x3F9D] =	sst s6  }
0xf: {  	[smem:$0x3F9E] =	sst s7  }
0x10: {  	[smem:$0x3F9F] =	sst s8  }
0x11: {  	[smem:$0x3FA0] =	sst s9;
	s0 =	simm.s32 @!p0 $0x0  }
0x12: {  	s1 =	sld [smem:$0x3F86];
	s0 =	simm.s32 @p0 $0x1  }
0x13: {  	[smem:$0x3FA1] =	sst s0;
	s0 =	simm.s32 @!p1 $0x0  }
0x14: {  	s2 =	sld [smem:$0x3F85];
	s0 =	simm.s32 @p1 $0x1  }
0x15: {  	[smem:$0x3FA2] =	sst s0;
	s0 =	simm.s32 @!p2 $0x0  }
0x16: {  	s3 =	sld [smem:$0x3FDB];
	s0 =	simm.s32 @p2 $0x1  }
0x17: {  	s4 =	simm.s32 $0x1BF5;
	[smem:$0x3FA4] =	sst s0  }
0x18: {  	s0 =	sld [smem:$0x3F87];
	_ =	swait.ge [sflag:s4], $0x0  }
0x19: {  	s7 =	sld [smem:$0x3F88]  }
0x1a: {  	s8 =	sadd.s32 $0xFFFFE003, lr  }
0x1b: {  	s9 =	sadd.s32 $0xFFFFFEF7, lr;
	s5 =	simm.s32 $0xFFFFFFFF;
	p2 =	slt.u32 s8, $0xFFFFF086  }
0x1c: {  	p1 =	slt.u32 s9, $0xF7A;
	s5 =	simm.s32 @!p2 $0x0  }
0x1d: {  	s5 =	simm.s32 @p1 $0x1;
	p0 =	seq.s32 s7, s2  }
0x1e: {  	s7 =	smul.u32 @!p0 $0xF7A, s2;
	p2 =	seq.s32 @!p0 s5, $0x0  }
0x1f: {  	s9 =	smul.u32 $0xF7A, s1;
	s8 =	simm.s32 @!p0 $0x1BF5;
	p2 =	por !p2, p0  }
0x20: {  	[sflag:s8] =	ssyncset.s32 @!p0 $0xFFFFF086;
	s6 =	sadd.s32 @!p0 s3, s7;
	s7 =	simm.s32 @!p0 $0x108  }
0x21: {  	s3 =	sadd.s32 s3, s9;
	s6 =	sadd.s32 @!p0 $0x88, s6;
	s7 =	simm.s32 @p2 $0x1082  }
0x22: {  	[simem:s7], [sflag:s8] =	dma.local @!p0 [hbm:s6], $0xF7A  }
0x23: {  	s9 =	sor.u32 $0xD0000000, s2;
	s6 =	simm.s32 $0x108;
	_ =	swait.ge @!p0 [sflag:s8], $0x0  }
0x24: {  	s3 =	sadd.s32 $0x88, s3;
	s6 =	simm.s32 @!p1 $0x1082;
	[sflag:s4] =	ssyncset.s32 $0xFFFFF086  }
0x25: {  	[simem:s6], [sflag:s4] =	dma.local [hbm:s3], $0xF7A  }
0x26: {  	[smem:$0x3F88] =	sst s1;
	(tag) =	ssettag s2;
	_ =	strace s9  }
0x27: {  	s1 =	sld [smem:$0x3F98]  }
0x28: {  	s2 =	sld [smem:$0x3F99]  }
0x29: {  	s4 =	sld [smem:$0x3F9B]  }
0x2a: {  	p0 =	seq.s32 s5, $0x0;
	s5 =	sld [smem:$0x3F9C]  }
0x2b: {  	s6 =	sld [smem:$0x3F9D]  }
0x2c: {  	s7 =	sld [smem:$0x3F9E]  }
0x2d: {  	s3 =	simm.s32 $0x108;
	s8 =	sld [smem:$0x3F9F]  }
0x2e: {  	s3 =	simm.s32 @!p0 $0x1082;
	s9 =	sld [smem:$0x3FA0]  }
0x2f: {  	lr =	sadd.s32 s0, s3;
	s0 =	sld [smem:$0x3F97]  }
0x30: {  	s3 =	sld [smem:$0x3F9A]  }
0x31: {  	[smem:$0x3FA3] =	sst s10  }
0x32: {  	s10 =	sld [smem:$0x3FA1];
	_ =	sdelay $0x3  }
0x33: {  	p0 =	seq.s32 s10, $0x1;
	s10 =	sld [smem:$0x3FA3];
	_ =	sdelay $0x3  }
0x34: {  	[smem:$0x3FA3] =	sst s10  }
0x35: {  	s10 =	sld [smem:$0x3FA2];
	_ =	sdelay $0x3  }
0x36: {  	p1 =	seq.s32 s10, $0x1;
	s10 =	sld [smem:$0x3FA3];
	_ =	sdelay $0x3  }
0x37: {  	[smem:$0x3FA3] =	sst s10  }
0x38: {  	s10 =	sld [smem:$0x3FA4]  }
0x39: {  	_ = 	snop;
	(pc) =	sbr.ind lr, $3  }
0x3a: {  	_ = 	snop  }
0x3b: {  	_ = 	snop  }
0x3c: {  	p2 =	seq.s32 s10, $0x1;
	s10 =	sld [smem:$0x3FA3]  }
0x3d: {  	_ =	shalt  }
0x3e: {  	_ =	shalt  }
0x3f: {  	_ =	shalt  }
0x40: {  	_ =	shalt  }
0x41: {  	_ =	shalt  }
0x42: {  	_ =	shalt  }
0x43: {  	_ =	shalt  }
0x44: {  	_ =	shalt  }
0x45: {  	_ =	shalt  }
0x46: {  	_ =	shalt  }
0x47: {  	_ =	shalt  }
0x48: {  	_ =	shalt  }
0x49: {  	_ =	shalt  }
0x4a: {  	_ =	shalt  }
0x4b: {  	_ =	shalt  }
0x4c: {  	_ =	shalt  }
0x4d: {  	_ =	shalt  }
0x4e: {  	_ =	shalt  }
0x4f: {  	_ =	shalt  }
0x50: {  	_ =	shalt  }
0x51: {  	_ =	shalt  }
0x52: {  	_ =	shalt  }
0x53: {  	_ =	shalt  }
0x54: {  	_ =	shalt  }
0x55: {  	_ =	shalt  }
0x56: {  	_ =	shalt  }
0x57: {  	_ =	shalt  }
0x58: {  	_ =	shalt  }
0x59: {  	_ =	shalt  }
0x5a: {  	_ =	shalt  }
0x5b: {  	_ =	shalt  }
0x5c: {  	_ =	shalt  }
0x5d: {  	_ =	shalt  }
0x5e: {  	_ =	shalt  }
0x5f: {  	_ =	shalt  }
0x60: {  	_ =	shalt  }
0x61: {  	_ =	shalt  }
0x62: {  	_ =	shalt  }
0x63: {  	_ =	shalt  }
0x64: {  	_ =	shalt  }
0x65: {  	_ =	shalt  }
0x66: {  	_ =	shalt  }
0x67: {  	_ =	shalt  }
0x68: {  	_ =	shalt  }
0x69: {  	_ =	shalt  }
0x6a: {  	_ =	shalt  }
0x6b: {  	_ =	shalt  }
0x6c: {  	_ =	shalt  }
0x6d: {  	_ =	shalt  }
0x6e: {  	_ =	shalt  }
0x6f: {  	_ =	shalt  }
0x70: {  	_ =	shalt  }
0x71: {  	_ =	shalt  }
0x72: {  	_ =	shalt  }
0x73: {  	_ =	shalt  }
0x74: {  	_ =	shalt  }
0x75: {  	_ =	shalt  }
0x76: {  	_ =	shalt  }
0x77: {  	_ =	shalt  }
0x78: {  	_ =	shalt  }
0x79: {  	_ =	shalt  }
0x7a: {  	_ =	shalt  }
0x7b: {  	_ =	shalt  }
0x7c: {  	_ =	shalt  }
0x7d: {  	_ =	shalt  }
0x7e: {  	_ =	shalt  }
0x7f: {  	_ =	shalt  }
0x80: {  	_ =	shalt  }
0x81: {  	_ =	shalt  }
0x82: {  	_ =	shalt  }
0x83: {  	_ =	shalt  }
0x84: {  	_ =	shalt  }
0x85: {  	_ =	shalt  }
0x86: {  	_ =	shalt  }
0x87: {  	_ =	shalt  }
.Lfunc_end0:
.L_simem_size_0:
called_computation.1_lowered:
.L_overlay_start_0:
0x88: {  	s2 =	sld [smem:$0x3FD9]  }
0x89: {  	s3 =	sld [smem:$0x3FFE];
	_ =	sdelay $0x1  }
0x8a: {  	s1 =	srdreg.scid  }
0x8b: {  	s0 =	sand.u32 $0x1, s1  }
0x8c: {  	s16 =	sshll.u32 s0, $0xA;
	s2 =	sadd.s32 s3, s2  }
0x8d: {  	s2 =	sadd.s32 s2, s16  }
0x8e: {  	[smem:$0x3FAF] =	sst s2  }
0x8f: {  	_ = 	snop  }
0x90: {  	(tm) =	ssettm $0x1  }
0x91: {  	s17 =	sld [smem:$0x3FFB];
	_ =	sdelay $0x3  }
0x92: {  	_ =	strace s17  }
0x93: {  	s2 =	sld [smem:$0x3FFC];
	_ =	sdelay $0x3  }
0x94: {  	_ =	strace s2  }
0x95: {  	s2 =	sld [smem:$0x3FFD];
	_ =	sdelay $0x3  }
0x96: {  	_ =	strace s2  }
0x97: {  	_ =	strace $0x8FFFFFFF  }
0x98: {  	s18 =	sld [smem:$0x3FDB];
	_ =	sdelay $0x1  }
0x99: {  	s19 =	simm.s32 $_scs_section_size  }
0x9a: {  	s4 =	simm.s32 $_size__tile_overlayer_lowered;
	s5 =	simm.s32 $_tile_overlayer_lowered  }
0x9b: {  	s22 =	simm.s32 $0x1BFF;
	s21 =	sshll.u32 s5, $0x1;
	s2 =	sadd.s32 s19, s18  }
0x9c: {  	s6 =	simm.s32 $0x0;
	s20 =	sshll.u32 s4, $0x1;
	s4 =	sadd.s32 s21, s2  }
0x9d: {  	[timem:s6], [sflag:s22] =	dma.local [hbm:s4], s20  }
0x9e: {  	_ =	swait.ge [sflag:s22], s20  }
0x9f: {  	s3 =	ssub.s32 $0x0, s20;
	[sflag:s22] =	ssyncset.done $0x0  }
0xa0: {  	[sflag:s22] =	ssyncadd.s32 s3;
	_ =	sdelay $0x1  }
0xa1: {  	s23 =	simm.s32 $0x1B8B  }
0xa2: {  	_ =	swait.ge [sflag:s23], $0x1  }
0xa3: {  	[sflag:s23] =	ssyncset.done $0x0  }
0xa4: {  	s25 =	simm.s32 $0x1B8E;
	s24 =	sld [smem:$0x3FFE];
	[sflag:s23] =	ssyncadd.s32 $0xFFFFFFFF  }
0xa5: {  	s26 =	simm.s32 $execute0_lowered;
	[smem:$0x3FD2] =	sst s25  }
0xa6: {  	s4 =	sshll.u32 s26, $0x1;
	_ =	strace $0x80000049;
	[dreg:$0x1] =	wrdreg $0xFFFFFFFF  }
0xa7: {  	s28 =	simm.s32 $_size_execute0_lowered;
	s2 =	sadd.s32 s2, s4;
	[dreg:$0x0] =	wrdreg $0x0  }
0xa8: {  	s4 =	sshll.u32 s28, $0x1;
	[dreg:$0x2] =	wrdreg s2  }
0xa9: {  	[dreg:$0x3] =	wrdreg s4  }
0xaa: {  	[dreg:$0x4] =	wrdreg $0xC0  }
0xab: {  	_ =	task [dreg:s6], $0x5FFFF  }
0xac: {  	[dreg:$0x1] =	wrdreg $0xFFFFFFFF  }
0xad: {  	[dreg:$0x0] =	wrdreg $0x60  }
0xae: {  	[dreg:$0x2] =	wrdreg s24  }
0xaf: {  	[dreg:$0x3] =	wrdreg $0x0  }
0xb0: {  	[dreg:$0x4] =	wrdreg $0x9  }
0xb1: {  	_ =	task.clear_ibuf [dreg:s6], $0x5FFFF;
	_ =	strace $0x90000049  }
0xb2: {  	s29 =	simm.s32 $0x9;
	_ =	strace $0x8000004B  }
0xb3: {  	_ =	swait.ge [sflag:s29], $0x1  }
0xb4: {  	[sflag:s29] =	ssyncadd.s32 $0xFFFFFFFF  }
0xb5: {  	_ =	strace $0x9000004B  }
0xb6: {  	_ =	sfence  }
0xb7: {  	s30 =	sld [smem:$0x0];
	_ =	sdelay $0x2  }
0xb8: {  	s31 =	sshll.u32 s1, $0xD;
	s1 =	sshrl.u32 s1, $0x2  }
0xb9: {  	s3 =	sand.u32 $0x4000, s31;
	s1 =	sadd.s32 s1, s30  }
0xba: {  	s0 =	sor.u32 s3, s0;
	s1 =	sshll.u32 s1, $0x11  }
0xbb: {  	s0 =	sor.u32 s1, s0  }
0xbc: {  	s0 =	sadd.s32 $0x8F2B, s0  }
0xbd: {  	[sflag:s0] =	ssyncadd.remote.s32 $0x1  }
0xbe: {  	_ =	sfence.sel $0xFFFF  }
0xbf: {  	[dreg:$0x0] =	wrdreg $0xFFFFFFFF;
	(pc) =	sbr.abs _section_cstart, $3  }
0xc0: {  	[dreg:$0x1] =	wrdreg $0xFFFFFFFF  }
0xc1: {  	_ =	task.clear_ibuf [dreg:s6], $0x2FFFF;
	_ =	strace $0x9FFFFFFF  }
0xc2: {  	(tm) =	ssettm $0x7FFFFFFF  }
0xc3: {  	_ =	shalt  }
tec
execute0_lowered:
.L_overlay_start_1:
0x0: {  	(tag) =	ssettag $0x1  }
0x1: {  	s0 =	rddreg [dreg:$0x0]  }
0x2: {  	s1 =	rddreg [dreg:$0x1];
	s2 =	simm.s32 $0x0  }
0x3: {  	s3 =	srdreg.scid;
	s13 =	stileid.u32;
	s4 =	sadd.s32 $0x1880E00, s0  }
0x4: {  	[smem:$0x7FF] =	sst s2;
	s5 =	sadd.s32 $0x18CA600, s0;
	s30 =	smul.u32 $0x18800, s13  }
0x5: {  	s3 =	sand.u32 $0x1, s3;
	s7 =	sadd.s32 $0x566600, s0;
	s31 =	smul.u32 $0x62000, s13  }
0x6: {  	_ =	strace $0x8000004A;
	s6 =	sshll.u32 s3, $0x4;
	s9 =	ssub.s32 $0x2, s3  }
0x7: {  	p0 =	seq.s32 s3, $0x1;
	s3 =	simm.s32 $0x18800;
	s11 =	sshrl.u32 s9, $0x1  }
0x8: {  	s8 =	sor.u32 s13, s6;
	s16 =	sshrl.u32 s31, $0x2;
	s9 =	ssub.s32 s9, s11  }
0x9: {  	s6 =	sadd.s32 $0x18B1E00, s0;
	s16 =	sadd.s32 s16, s1;
	s9 =	smax.u32 s9, $0x1  }
0xa: {  	s13 =	sshrl.u32 s30, $0x3;
	s17 =	sadd.s32 $0x1880, s16;
	[dreg:$0x9] =	wrdreg s9  }
0xb: {  	s10 =	smul.u32 $0xC4, s8;
	s18 =	sadd.s32 $0x3100, s16;
	[dreg:$0xa] =	wrdreg s17  }
0xc: {  	s12 =	smul.u32 $0xC40, s8;
	s19 =	sadd.s32 $0x4980, s16;
	[dreg:$0xb] =	wrdreg s18  }
0xd: {  	s8 =	smul.u32 $0x18800, s8;
	s20 =	sadd.s32 $0x6200, s16;
	[dreg:$0xc] =	wrdreg s19  }
0xe: {  	s21 =	sadd.s32 $0x7A80, s16;
	s22 =	sadd.s32 $0x9300, s16;
	[dreg:$0xd] =	wrdreg s20  }
0xf: {  	s24 =	sadd.s32 $0xAB80, s16;
	s25 =	sadd.s32 $0xC400, s16;
	[dreg:$0xe] =	wrdreg s21  }
0x10: {  	s31 =	sadd.s32 $0x13E80, s16;
	s26 =	sor.u32 $0x1, s10;
	[dreg:$0x10] =	wrdreg s22  }
0x11: {  	s14 =	sadd.s32 s5, s12;
	s12 =	sadd.s32 s6, s12;
	[dreg:$0x12] =	wrdreg s24  }
0x12: {  	s8 =	sadd.s32 s7, s8;
	s15 =	sor.u32 $0x3, s10;
	[dreg:$0x13] =	wrdreg s25  }
0x13: {  	[dreg:$0x18] =	wrdreg s31;
	s9 =	sadd.s32 $0x16F80, s16;
	s17 =	simm.s32 $0x1  }
0x14: {  	s18 =	simm.s32 $0x80;
	s19 =	simm.s32 $0x18880;
	s20 =	simm.s32 $0x18980  }
0x15: {  	s21 =	simm.s32 $0x19A00;
	s22 =	simm.s32 $0x3;
	[dreg:$0x3] =	wrdreg s14  }
0x16: {  	s24 =	simm.s32 $0x1BA00;
	[dreg:$0x4] =	wrdreg s12;
	s28 =	sshll.u32 s26, $0x4  }
0x17: {  	[dreg:$0x5] =	wrdreg s8;
	s11 =	sshll.u32 s26, $0x9;
	s26 =	sadd.s32 $0xDC80, s16  }
0x18: {  	s8 =	sadd.s32 s30, s1;
	s30 =	sadd.s32 $0x12600, s16;
	[dreg:$0x14] =	wrdreg s26  }
0x19: {  	s25 =	simm.s32 $0x0;
	s29 =	sadd.s32 s5, s28;
	[dreg:$0x17] =	wrdreg s30  }
0x1a: {  	s14 =	sor.u32 $0x2, s10;
	s12 =	sadd.s32 s6, s28;
	[dreg:$0x6] =	wrdreg s29  }
0x1b: {  	s10 =	simm.s32 $0x4A2600;
	s11 =	sadd.s32 s7, s11;
	[dreg:$0x7] =	wrdreg s12  }
0x1c: {  	s10 =	simm.s32 @!p0 $0x4D3600;
	s23 =	sshrl.u32 s8, $0x3;
	[dreg:$0x8] =	wrdreg s11  }
.Ltmp0:
0x1d: {  	s28 =	sadd.s32 $0xF500, s16;
	[dreg:$0x11] =	wrdreg s23;
	(pc) =	sbr.rel .LBB2_1-.Ltmp0, $4  }
0x1e: {  	s8 =	sadd.s32 $0x15700, s16;
	s0 =	sadd.s32 s10, s0;
	[dreg:$0x15] =	wrdreg s28  }
0x1f: {  	s29 =	sadd.s32 $0x10D80, s16;
	s11 =	simm.s32 $0x18900;
	s12 =	simm.s32 $0x1DA00  }
0x20: {  	s23 =	simm.s32 $0x2;
	s0 =	sadd.s32 s0, s13;
	[dreg:$0x16] =	wrdreg s29  }
0x21: {  	v0 =	vimm.f32 $0.0e+00;
	s10 =	simm.s32 $0x1CA00;
	s13 =	simm.s32 $0x5;
	[dreg:$0xf] =	wrdreg s0  }
.LBB2_10:
0x22: {  	s0 =	stileid.u32;
	[bflag:$0x0] =	sbarrier.arrive $0xFFFF  }
0x23: {  	s0 =	sshll.u32 s0, $0x6;
	s3 =	rddreg [dreg:$0xf]  }
0x24: {  	s26 =	rddreg [dreg:$0x11];
	s0 =	sor.u32 $0x1C05, s0  }
0x25: {  	[hbm:s3], [sflag:s0] =	dma.local [spmem:s26], $0x3100  }
0x26: {  	_ =	swait.ge [sflag:s13], $0x3100  }
0x27: {  	s25 =	sadd.s32 $0x1, s25;
	s31 =	rddreg [dreg:$0x9]  }
0x28: {  	p0 =	sne.s32 s25, s31  }
.Ltmp1:
0x29: {  	_ = 	snop;
	(pc) =	sbr.rel @!p0 .LBB2_11-.Ltmp1, $3  }
0x2a: {  	_ =	sdelay $0x1  }
0x2b: {  	[sflag:s13] =	ssyncset.done $0x0  }
0x2c: {  	s3 =	simm.s32 $0x18800;
	[sflag:s13] =	ssyncadd.s32 $0xFFFFCF00  }
.LBB2_1:
0x2d: {  	s0 =	rddreg [dreg:$0x3]  }
0x2e: {  	[tilespmem:s3], [sflag:$0x1] =	stream.linear.gather [hbm4b:s0+s2], $0x80, $0x38;
	[tilespmem:$0x1F280] =	vst v63  }
0x2f: {  	s30 =	rddreg [dreg:$0x4]  }
0x30: {  	[tilespmem:s11], [sflag:$0x1] =	stream.linear.gather [hbm4b:s30+s2], $0x80, $0x38;
	[tilespmem:$0x1F280] =	vst v63  }
0x31: {  	s31 =	rddreg [dreg:$0x5];
	s26 =	simm.s32 $0x18A00  }
0x32: {  	[tilespmem:s26], [sflag:$0x1] =	stream.linear.gather [hbm4b:s31+s2], $0x1000, $0x38;
	[tilespmem:$0x1F280] =	vst v63  }
0x33: {  	s28 =	simm.s32 $0x0;
	s26 =	simm.s32 $0x80  }
.LBB2_2:
0x34: {  	p0 =	sne.s32 s26, $0x6180;
	[tilespmem:s28+$0x1DA00] =	vst v0;
	s29 =	smov.u32 s26;
	s26 =	sadd.s32 $0x80, s26  }
.Ltmp2:
0x35: {  	[tilespmem:s28+$0x1DA10] =	vst v0;
	(pc) =	sbr.rel @p0 .LBB2_2-.Ltmp2, $2  }
0x36: {  	_ =	sdelay $0x2  }
0x37: {  	s28 =	sshra.s32 s29, $0x2  }
0x38: {  	[tilespmem:s28+$0x1DA00] =	vst v0  }
0x39: {  	[tilespmem:s28+$0x1DA10] =	vst v0  }
0x3a: {  	[spmem:s16] =	stream.linear.scatter [tilespmem:s12], [sflag:$0x5], $0x1880, $0x38;
	[tilespmem:$0x1F280] =	vst v63  }
0x3b: {  	_ =	swait.ge [sflag:s13], $0x1880  }
0x3c: {  	[sflag:s13] =	ssyncset.done $0x0  }
0x3d: {  	s0 =	rddreg [dreg:$0xa];
	[sflag:s13] =	ssyncadd.s32 $0xFFFFE780  }
0x3e: {  	[spmem:s0] =	stream.linear.scatter [tilespmem:s12], [sflag:$0x5], $0x1880, $0x38;
	[tilespmem:$0x1F280] =	vst v63  }
0x3f: {  	_ =	swait.ge [sflag:s13], $0x1880  }
0x40: {  	[sflag:s13] =	ssyncset.done $0x0  }
0x41: {  	s31 =	rddreg [dreg:$0xb];
	[sflag:s13] =	ssyncadd.s32 $0xFFFFE780  }
0x42: {  	[spmem:s31] =	stream.linear.scatter [tilespmem:s12], [sflag:$0x5], $0x1880, $0x38;
	[tilespmem:$0x1F280] =	vst v63  }
0x43: {  	_ =	swait.ge [sflag:s13], $0x1880  }
0x44: {  	[sflag:s13] =	ssyncset.done $0x0  }
0x45: {  	s26 =	rddreg [dreg:$0xc];
	[sflag:s13] =	ssyncadd.s32 $0xFFFFE780  }
0x46: {  	[spmem:s26] =	stream.linear.scatter [tilespmem:s12], [sflag:$0x5], $0x1880, $0x38;
	[tilespmem:$0x1F280] =	vst v63  }
0x47: {  	_ =	swait.ge [sflag:s13], $0x1880  }
0x48: {  	[sflag:s13] =	ssyncset.done $0x0  }
0x49: {  	s28 =	rddreg [dreg:$0xd];
	[sflag:s13] =	ssyncadd.s32 $0xFFFFE780  }
0x4a: {  	[spmem:s28] =	stream.linear.scatter [tilespmem:s12], [sflag:$0x5], $0x1880, $0x38;
	[tilespmem:$0x1F280] =	vst v63  }
0x4b: {  	_ =	swait.ge [sflag:s13], $0x1880  }
0x4c: {  	[sflag:s13] =	ssyncset.done $0x0  }
0x4d: {  	s29 =	rddreg [dreg:$0xe];
	[sflag:s13] =	ssyncadd.s32 $0xFFFFE780  }
0x4e: {  	[spmem:s29] =	stream.linear.scatter [tilespmem:s12], [sflag:$0x5], $0x1880, $0x38;
	[tilespmem:$0x1F280] =	vst v63  }
0x4f: {  	_ =	swait.ge [sflag:s13], $0x1880  }
0x50: {  	[sflag:s13] =	ssyncset.done $0x0  }
0x51: {  	s30 =	rddreg [dreg:$0x10];
	[sflag:s13] =	ssyncadd.s32 $0xFFFFE780  }
0x52: {  	[spmem:s30] =	stream.linear.scatter [tilespmem:s12], [sflag:$0x5], $0x1880, $0x38;
	[tilespmem:$0x1F280] =	vst v63  }
0x53: {  	_ =	swait.ge [sflag:s13], $0x1880  }
0x54: {  	[sflag:s13] =	ssyncset.done $0x0  }
0x55: {  	s31 =	rddreg [dreg:$0x12];
	[sflag:s13] =	ssyncadd.s32 $0xFFFFE780  }
0x56: {  	[spmem:s31] =	stream.linear.scatter [tilespmem:s12], [sflag:$0x5], $0x1880, $0x38;
	[tilespmem:$0x1F280] =	vst v63  }
0x57: {  	_ =	swait.ge [sflag:s13], $0x1880  }
0x58: {  	[sflag:s13] =	ssyncset.done $0x0  }
0x59: {  	s26 =	rddreg [dreg:$0x13];
	[sflag:s13] =	ssyncadd.s32 $0xFFFFE780  }
0x5a: {  	[spmem:s26] =	stream.linear.scatter [tilespmem:s12], [sflag:$0x5], $0x1880, $0x38;
	[tilespmem:$0x1F280] =	vst v63  }
0x5b: {  	_ =	swait.ge [sflag:s13], $0x1880  }
0x5c: {  	[sflag:s13] =	ssyncset.done $0x0  }
0x5d: {  	s28 =	rddreg [dreg:$0x14];
	[sflag:s13] =	ssyncadd.s32 $0xFFFFE780  }
0x5e: {  	[spmem:s28] =	stream.linear.scatter [tilespmem:s12], [sflag:$0x5], $0x1880, $0x38;
	[tilespmem:$0x1F280] =	vst v63  }
0x5f: {  	_ =	swait.ge [sflag:s13], $0x1880  }
0x60: {  	[sflag:s13] =	ssyncset.done $0x0  }
0x61: {  	s29 =	rddreg [dreg:$0x15];
	[sflag:s13] =	ssyncadd.s32 $0xFFFFE780  }
0x62: {  	[spmem:s29] =	stream.linear.scatter [tilespmem:s12], [sflag:$0x5], $0x1880, $0x38;
	[tilespmem:$0x1F280] =	vst v63  }
0x63: {  	_ =	swait.ge [sflag:s13], $0x1880  }
0x64: {  	[sflag:s13] =	ssyncset.done $0x0  }
0x65: {  	s30 =	rddreg [dreg:$0x16];
	[sflag:s13] =	ssyncadd.s32 $0xFFFFE780  }
0x66: {  	[spmem:s30] =	stream.linear.scatter [tilespmem:s12], [sflag:$0x5], $0x1880, $0x38;
	[tilespmem:$0x1F280] =	vst v63  }
0x67: {  	_ =	swait.ge [sflag:s13], $0x1880  }
0x68: {  	[sflag:s13] =	ssyncset.done $0x0  }
0x69: {  	s31 =	rddreg [dreg:$0x17];
	[sflag:s13] =	ssyncadd.s32 $0xFFFFE780  }
0x6a: {  	[spmem:s31] =	stream.linear.scatter [tilespmem:s12], [sflag:$0x5], $0x1880, $0x38;
	[tilespmem:$0x1F280] =	vst v63  }
0x6b: {  	_ =	swait.ge [sflag:s13], $0x1880  }
0x6c: {  	[sflag:s13] =	ssyncset.done $0x0  }
0x6d: {  	s26 =	rddreg [dreg:$0x18];
	[sflag:s13] =	ssyncadd.s32 $0xFFFFE780  }
0x6e: {  	[spmem:s26] =	stream.linear.scatter [tilespmem:s12], [sflag:$0x5], $0x1880, $0x38;
	[tilespmem:$0x1F280] =	vst v63  }
0x6f: {  	_ =	swait.ge [sflag:s13], $0x1880  }
0x70: {  	[sflag:s13] =	ssyncset.done $0x0  }
0x71: {  	[sflag:s13] =	ssyncadd.s32 $0xFFFFE780  }
0x72: {  	[spmem:s8] =	stream.linear.scatter [tilespmem:s12], [sflag:$0x5], $0x1880, $0x38;
	[tilespmem:$0x1F280] =	vst v63  }
0x73: {  	_ =	swait.ge [sflag:s13], $0x1880  }
0x74: {  	[sflag:s13] =	ssyncset.done $0x0  }
0x75: {  	[sflag:s13] =	ssyncadd.s32 $0xFFFFE780  }
0x76: {  	[spmem:s9] =	stream.linear.scatter [tilespmem:s12], [sflag:$0x5], $0x1880, $0x38;
	[tilespmem:$0x1F280] =	vst v63  }
0x77: {  	_ =	swait.ge [sflag:s13], $0x1880  }
0x78: {  	[sflag:s13] =	ssyncset.done $0x0  }
0x79: {  	[sflag:s13] =	ssyncadd.s32 $0xFFFFE780  }
0x7a: {  	_ =	swait.ge [sflag:s17], $0x80  }
0x7b: {  	[sflag:s17] =	ssyncset.done $0x0  }
0x7c: {  	[sflag:s17] =	ssyncadd.s32 $0xFFFFFF80  }
0x7d: {  	_ =	swait.ge [sflag:s17], $0x80  }
0x7e: {  	[sflag:s17] =	ssyncset.done $0x0  }
0x7f: {  	[sflag:s17] =	ssyncadd.s32 $0xFFFFFF80  }
0x80: {  	_ =	swait.ge [sflag:s17], $0x1000  }
0x81: {  	[sflag:s17] =	ssyncset.done $0x0  }
0x82: {  	s28 =	simm.s32 $0x1AA00;
	[sflag:s17] =	ssyncadd.s32 $0xFFFFF000  }
0x83: {  	[tilespmem:s28], [sflag:$0x3] =	stream.indirect.gather [hbm4b:s4+s18], $0x20, s3, s18, $0xb8;
	[tilespmem:$0x1F280] =	vst v63  }
0x84: {  	s26 =	simm.s32 $0x0;
	s29 =	rddreg [dreg:$0x6]  }
0x85: {  	[tilespmem:s19], [sflag:$0x2] =	stream.linear.gather [hbm4b:s29+s26], $0x80, $0x38;
	[tilespmem:$0x1F280] =	vst v63  }
0x86: {  	s30 =	rddreg [dreg:$0x7]  }
0x87: {  	[tilespmem:s20], [sflag:$0x2] =	stream.linear.gather [hbm4b:s30+s26], $0x80, $0x38;
	[tilespmem:$0x1F280] =	vst v63  }
0x88: {  	s31 =	rddreg [dreg:$0x8]  }
0x89: {  	[tilespmem:s21], [sflag:$0x2] =	stream.linear.gather [hbm4b:s31+s26], $0x1000, $0x38;
	[tilespmem:$0x1F280] =	vst v63  }
0x8a: {  	[bflag:$0x0] =	sbarrier.arrive $0xFFFF  }
.LBB2_4:
0x8b: {  	_ =	swait.ge [sflag:s22], $0x1000  }
0x8c: {  	[sflag:s22] =	ssyncset.done $0x0  }
0x8d: {  	[sflag:s22] =	ssyncadd.s32 $0xFFFFF000  }
0x8e: {  	_ =	swait.ge [sflag:s23], $0x80  }
0x8f: {  	[sflag:s23] =	ssyncset.done $0x0  }
0x90: {  	[sflag:s23] =	ssyncadd.s32 $0xFFFFFF80  }
0x91: {  	_ =	swait.ge [sflag:s23], $0x80  }
0x92: {  	[sflag:s23] =	ssyncset.done $0x0  }
0x93: {  	[sflag:s23] =	ssyncadd.s32 $0xFFFFFF80  }
0x94: {  	_ =	swait.ge [sflag:s23], $0x1000  }
0x95: {  	[sflag:s23] =	ssyncset.done $0x0  }
0x96: {  	s28 =	simm.s32 $0x0;
	[sflag:s23] =	ssyncadd.s32 $0xFFFFF000  }
0x97: {  	[tilespmem:s24], [sflag:$0x4] =	stream.indirect.gather [hbm4b:s4+s18], $0x20, s19, s18, $0xb8;
	[tilespmem:$0x1F280] =	vst v63  }
0x98: {  	v1 =	vld [tilespmem:s28+$0x1AAF0]  }
0x99: {  	v2 =	vld [tilespmem:s28+$0x18AF0]  }
0x9a: {  	v3 =	vld [tilespmem:s28+$0x1AA00]  }
0x9b: {  	v4 =	vld [tilespmem:s28+$0x18A00]  }
0x9c: {  	v5 =	vld [tilespmem:s28+$0x1AA10]  }
0x9d: {  	v6 =	vld [tilespmem:s28+$0x18A10]  }
0x9e: {  	v7 =	vld [tilespmem:s28+$0x1AA20]  }
0x9f: {  	v8 =	vld [tilespmem:s28+$0x1AA30]  }
0xa0: {  	v1 =	vmul.f32 v2, v1;
	v2 =	vld [tilespmem:s28+$0x18A20]  }
0xa1: {  	v3 =	vmul.f32 v4, v3;
	v4 =	vld [tilespmem:s28+$0x1AA40]  }
0xa2: {  	[tilespmem:s28+$0x1CAF0] =	vst v1;
	v1 =	vld [tilespmem:s28+$0x18A30]  }
0xa3: {  	[tilespmem:s28+$0x1CA00] =	vst v3;
	v3 =	vmul.f32 v6, v5;
	v5 =	vld [tilespmem:s28+$0x18A40]  }
0xa4: {  	v6 =	vld [tilespmem:s28+$0x18A50]  }
0xa5: {  	[tilespmem:s28+$0x1CA10] =	vst v3;
	v3 =	vld [tilespmem:s28+$0x1AA50];
	v2 =	vmul.f32 v2, v7  }
0xa6: {  	v7 =	vld [tilespmem:s28+$0x18A60]  }
0xa7: {  	[tilespmem:s28+$0x1CA20] =	vst v2;
	v1 =	vmul.f32 v1, v8;
	v2 =	vld [tilespmem:s28+$0x1AA60]  }
0xa8: {  	v8 =	vld [tilespmem:s28+$0x18AB0]  }
0xa9: {  	[tilespmem:s28+$0x1CA30] =	vst v1;
	v1 =	vmul.f32 v5, v4;
	v4 =	vld [tilespmem:s28+$0x1AA70]  }
0xaa: {  	v5 =	vld [tilespmem:s28+$0x18A70]  }
0xab: {  	[tilespmem:s28+$0x1CA40] =	vst v1;
	v1 =	vmul.f32 v6, v3;
	v3 =	vld [tilespmem:s28+$0x1AA80]  }
0xac: {  	v6 =	vld [tilespmem:s28+$0x18A80]  }
0xad: {  	[tilespmem:s28+$0x1CA50] =	vst v1;
	v1 =	vmul.f32 v7, v2;
	v2 =	vld [tilespmem:s28+$0x1AA90]  }
0xae: {  	v7 =	vld [tilespmem:s28+$0x18A90]  }
0xaf: {  	[tilespmem:s28+$0x1CA60] =	vst v1;
	v1 =	vmul.f32 v5, v4;
	v4 =	vld [tilespmem:s28+$0x1AAA0]  }
0xb0: {  	v5 =	vld [tilespmem:s28+$0x18AA0]  }
0xb1: {  	[tilespmem:s28+$0x1CA70] =	vst v1;
	v1 =	vmul.f32 v6, v3;
	v6 =	vld [tilespmem:s28+$0x1AAB0]  }
0xb2: {  	v9 =	vld [tilespmem:s28+$0x18AC0]  }
0xb3: {  	[tilespmem:s28+$0x1CA80] =	vst v1;
	v1 =	vmul.f32 v7, v2;
	v7 =	vld [tilespmem:s28+$0x1AAC0]  }
0xb4: {  	v3 =	vld [tilespmem:s28+$0x1AAD0]  }
0xb5: {  	[tilespmem:s28+$0x1CA90] =	vst v1;
	v1 =	vmul.f32 v5, v4;
	v4 =	vld [tilespmem:s28+$0x18AD0]  }
0xb6: {  	v5 =	vld [tilespmem:s28+$0x18AE0];
	v6 =	vmul.f32 v8, v6  }
0xb7: {  	s30 =	simm.s32 $0x100;
	[tilespmem:s28+$0x1CAA0] =	vst v1;
	v1 =	vld [tilespmem:s28+$0x1AAE0]  }
0xb8: {  	s29 =	simm.s32 $0x800;
	v2 =	vld [tilespmem:s30+$0x1AAF0];
	[tilespmem:s28+$0x1CAB0] =	vst v6;
	v6 =	vmul.f32 v9, v7  }
.LBB2_5:
0xb9: {  	p0 =	sne.s32 s29, $0x3C00;
	v7 =	vld [tilespmem:s30+$0x18AF0]  }
0xba: {  	v8 =	vld [tilespmem:s30+$0x1AA00];
	[tilespmem:s28+$0x1CAC0] =	vst v6;
	v3 =	vmul.f32 v4, v3  }
0xbb: {  	v4 =	vld [tilespmem:s30+$0x18A00]  }
0xbc: {  	v6 =	vld [tilespmem:s30+$0x1AA10];
	[tilespmem:s28+$0x1CAD0] =	vst v3;
	v1 =	vmul.f32 v5, v1  }
0xbd: {  	v3 =	vld [tilespmem:s30+$0x18A10]  }
0xbe: {  	v5 =	vld [tilespmem:s30+$0x1AA20];
	v2 =	vmul.f32 v7, v2;
	[tilespmem:s28+$0x1CAE0] =	vst v1;
	s28 =	smov.u32 s30  }
0xbf: {  	v1 =	vld [tilespmem:s28+$0x18A20]  }
0xc0: {  	v4 =	vmul.f32 v4, v8;
	v7 =	vld [tilespmem:s28+$0x1AA30];
	[tilespmem:s28+$0x1CAF0] =	vst v2  }
0xc1: {  	v2 =	vld [tilespmem:s28+$0x18A30]  }
0xc2: {  	[tilespmem:s28+$0x1CA00] =	vst v4;
	v3 =	vmul.f32 v3, v6;
	v4 =	vld [tilespmem:s28+$0x1AA40]  }
0xc3: {  	v6 =	vld [tilespmem:s28+$0x18A40]  }
0xc4: {  	[tilespmem:s28+$0x1CA10] =	vst v3;
	v1 =	vmul.f32 v1, v5;
	v3 =	vld [tilespmem:s28+$0x1AA50]  }
0xc5: {  	v5 =	vld [tilespmem:s28+$0x18A50]  }
0xc6: {  	[tilespmem:s28+$0x1CA20] =	vst v1;
	v1 =	vmul.f32 v2, v7;
	v2 =	vld [tilespmem:s28+$0x1AA60]  }
0xc7: {  	v7 =	vld [tilespmem:s28+$0x18A60]  }
0xc8: {  	[tilespmem:s28+$0x1CA30] =	vst v1;
	v1 =	vmul.f32 v6, v4;
	v4 =	vld [tilespmem:s28+$0x1AA70]  }
0xc9: {  	v6 =	vld [tilespmem:s28+$0x18A70]  }
0xca: {  	[tilespmem:s28+$0x1CA40] =	vst v1;
	v1 =	vmul.f32 v5, v3;
	v3 =	vld [tilespmem:s28+$0x1AA80]  }
0xcb: {  	v5 =	vld [tilespmem:s28+$0x18A80]  }
0xcc: {  	[tilespmem:s28+$0x1CA50] =	vst v1;
	v1 =	vmul.f32 v7, v2;
	v2 =	vld [tilespmem:s28+$0x1AA90]  }
0xcd: {  	v7 =	vld [tilespmem:s28+$0x18A90]  }
0xce: {  	[tilespmem:s28+$0x1CA60] =	vst v1;
	v1 =	vmul.f32 v6, v4;
	v4 =	vld [tilespmem:s28+$0x1AAA0]  }
0xcf: {  	v6 =	vld [tilespmem:s28+$0x18AA0]  }
0xd0: {  	[tilespmem:s28+$0x1CA70] =	vst v1;
	v1 =	vmul.f32 v5, v3;
	v5 =	vld [tilespmem:s28+$0x1AAB0]  }
0xd1: {  	v8 =	vld [tilespmem:s28+$0x18AB0]  }
0xd2: {  	[tilespmem:s28+$0x1CA80] =	vst v1;
	v1 =	vmul.f32 v7, v2;
	v7 =	vld [tilespmem:s28+$0x1AAC0]  }
0xd3: {  	v9 =	vld [tilespmem:s28+$0x18AC0]  }
.Ltmp3:
0xd4: {  	[tilespmem:s28+$0x1CA90] =	vst v1;
	v1 =	vmul.f32 v6, v4;
	v3 =	vld [tilespmem:s28+$0x1AAD0];
	(pc) =	sbr.rel @p0 .LBB2_5-.Ltmp3, $4  }
0xd5: {  	v4 =	vld [tilespmem:s28+$0x18AD0]  }
0xd6: {  	[tilespmem:s28+$0x1CAA0] =	vst v1;
	v6 =	vmul.f32 v8, v5;
	v1 =	vld [tilespmem:s28+$0x1AAE0]  }
0xd7: {  	s30 =	sshra.s32 s29, $0x2;
	v5 =	vld [tilespmem:s28+$0x18AE0]  }
0xd8: {  	s29 =	sadd.s32 $0x400, s29;
	v2 =	vld [tilespmem:s30+$0x1AAF0];
	[tilespmem:s28+$0x1CAB0] =	vst v6;
	v6 =	vmul.f32 v9, v7  }
0xd9: {  	v7 =	vld [tilespmem:s30+$0x18AF0]  }
0xda: {  	v8 =	vld [tilespmem:s30+$0x1AA00];
	[tilespmem:s28+$0x1CAC0] =	vst v6;
	v3 =	vmul.f32 v4, v3  }
0xdb: {  	v4 =	vld [tilespmem:s30+$0x18A00]  }
0xdc: {  	v6 =	vld [tilespmem:s30+$0x1AA10];
	[tilespmem:s28+$0x1CAD0] =	vst v3;
	v1 =	vmul.f32 v5, v1  }
0xdd: {  	v3 =	vld [tilespmem:s30+$0x18A10]  }
0xde: {  	v5 =	vld [tilespmem:s30+$0x1AA20];
	[tilespmem:s28+$0x1CAE0] =	vst v1  }
0xdf: {  	v1 =	vmul.f32 v7, v2;
	v2 =	vld [tilespmem:s30+$0x18A20]  }
0xe0: {  	v7 =	vld [tilespmem:s30+$0x1AA30]  }
0xe1: {  	v4 =	vmul.f32 v4, v8;
	[tilespmem:s30+$0x1CAF0] =	vst v1;
	v1 =	vld [tilespmem:s30+$0x18A30]  }
0xe2: {  	v8 =	vld [tilespmem:s30+$0x18AE0]  }
0xe3: {  	[tilespmem:s30+$0x1CA00] =	vst v4;
	v3 =	vmul.f32 v3, v6;
	v4 =	vld [tilespmem:s30+$0x1AA40]  }
0xe4: {  	v6 =	vld [tilespmem:s30+$0x18A40]  }
0xe5: {  	[tilespmem:s30+$0x1CA10] =	vst v3;
	v3 =	vld [tilespmem:s30+$0x1AA50]  }
0xe6: {  	v2 =	vmul.f32 v2, v5;
	v5 =	vld [tilespmem:s30+$0x18A50]  }
0xe7: {  	v1 =	vmul.f32 v1, v7;
	v7 =	vld [tilespmem:s30+$0x18A60]  }
0xe8: {  	[tilespmem:s30+$0x1CA20] =	vst v2;
	v2 =	vld [tilespmem:s30+$0x1AA60]  }
0xe9: {  	[tilespmem:s30+$0x1CA30] =	vst v1;
	v1 =	vmul.f32 v6, v4;
	v4 =	vld [tilespmem:s30+$0x1AA70]  }
0xea: {  	v6 =	vld [tilespmem:s30+$0x18A70]  }
0xeb: {  	[tilespmem:s30+$0x1CA40] =	vst v1;
	v1 =	vmul.f32 v5, v3;
	v3 =	vld [tilespmem:s30+$0x1AA80]  }
0xec: {  	v5 =	vld [tilespmem:s30+$0x18A80]  }
0xed: {  	[tilespmem:s30+$0x1CA50] =	vst v1;
	v1 =	vmul.f32 v7, v2;
	v2 =	vld [tilespmem:s30+$0x1AA90]  }
0xee: {  	v7 =	vld [tilespmem:s30+$0x18A90]  }
0xef: {  	[tilespmem:s30+$0x1CA60] =	vst v1;
	v1 =	vmul.f32 v6, v4;
	v4 =	vld [tilespmem:s30+$0x1AAA0]  }
0xf0: {  	v6 =	vld [tilespmem:s30+$0x18AA0]  }
0xf1: {  	[tilespmem:s30+$0x1CA70] =	vst v1;
	v1 =	vmul.f32 v5, v3;
	v3 =	vld [tilespmem:s30+$0x1AAB0]  }
0xf2: {  	v5 =	vld [tilespmem:s30+$0x18AB0]  }
0xf3: {  	[tilespmem:s30+$0x1CA80] =	vst v1;
	v1 =	vmul.f32 v7, v2;
	v2 =	vld [tilespmem:s30+$0x1AAC0]  }
0xf4: {  	v7 =	vld [tilespmem:s30+$0x18AC0]  }
0xf5: {  	[tilespmem:s30+$0x1CA90] =	vst v1;
	v1 =	vmul.f32 v6, v4;
	v4 =	vld [tilespmem:s30+$0x1AAD0]  }
0xf6: {  	v6 =	vld [tilespmem:s30+$0x18AD0]  }
0xf7: {  	[tilespmem:s30+$0x1CAA0] =	vst v1;
	v1 =	vld [tilespmem:s30+$0x1AAE0];
	_ =	sdelay $0x1  }
0xf8: {  	v3 =	vmul.f32 v5, v3  }
0xf9: {  	v2 =	vmul.f32 v7, v2  }
0xfa: {  	[tilespmem:s30+$0x1CAB0] =	vst v3;
	v3 =	vmul.f32 v6, v4  }
0xfb: {  	[tilespmem:s30+$0x1CAC0] =	vst v2;
	v1 =	vmul.f32 v8, v1  }
0xfc: {  	[tilespmem:s30+$0x1CAD0] =	vst v3  }
0xfd: {  	[tilespmem:s30+$0x1CAE0] =	vst v1  }
0xfe: {  	[spmem:s1] =	stream.indirect.scatter.add.f32 [tilespmem:s10], [sflag:$0x5], $0x20, s11, s18, $0xb8;
	[tilespmem:$0x1F280] =	vst v63  }
0xff: {  	_ =	swait.ge [sflag:s13], $0x1000  }
0x100: {  	p0 =	seq.s32 s26, $0x61;
	[sflag:s13] =	ssyncset.done $0x0  }
0x101: {  	s29 =	simm.s32 @p0 $0x4;
	s28 =	sshll.u32 s26, $0x1;
	[sflag:s13] =	ssyncadd.s32 $0xFFFFF000  }
0x102: {  	s30 =	sadd.s32 @!p0 s28, s14;
	_ =	swait.ge @p0 [sflag:s29], $0x1000  }
0x103: {  	s31 =	sshll.u32 @!p0 s30, $0x4;
	[sflag:s29] =	ssyncset.done @p0 $0x0  }
0x104: {  	[sflag:s29] =	ssyncadd.s32 @p0 $0xFFFFF000;
	s29 =	sand.u32 @!p0 $0x1FFFFFE0, s31  }
0x105: {  	s0 =	simm.s32 @!p0 $0x0;
	s3 =	simm.s32 @!p0 $0x18800;
	s31 =	sadd.s32 @!p0 s5, s29  }
0x106: {  	[tilespmem:s3], [sflag:$0x1] =	stream.linear.gather @!p0 [hbm4b:s31+s0], $0x80, $0x38;
	[tilespmem:$0x1F280] =	vst v63  }
0x107: {  	s29 =	sadd.s32 @!p0 s6, s29;
	s31 =	simm.s32 @!p0 $0x18900  }
0x108: {  	[tilespmem:s31], [sflag:$0x1] =	stream.linear.gather @!p0 [hbm4b:s29+s0], $0x80, $0x38;
	[tilespmem:$0x1F280] =	vst v63  }
0x109: {  	s29 =	sshll.u32 @!p0 s30, $0x9  }
0x10a: {  	s29 =	sand.u32 @!p0 $0x1FFFFC00, s29  }
0x10b: {  	s30 =	simm.s32 @!p0 $0x18A00;
	s29 =	sadd.s32 @!p0 s7, s29  }
0x10c: {  	[tilespmem:s30], [sflag:$0x1] =	stream.linear.gather @!p0 [hbm4b:s29+s0], $0x1000, $0x38;
	[tilespmem:$0x1F280] =	vst v63  }
0x10d: {  	s0 =	simm.s32 @!p0 $0x4  }
0x10e: {  	_ =	swait.ge @!p0 [sflag:s0], $0x1000  }
0x10f: {  	[sflag:s0] =	ssyncset.done @!p0 $0x0  }
0x110: {  	[sflag:s0] =	ssyncadd.s32 @!p0 $0xFFFFF000;
	s0 =	simm.s32 @!p0 $0x1  }
0x111: {  	_ =	swait.ge @!p0 [sflag:s0], $0x80  }
0x112: {  	[sflag:s0] =	ssyncset.done @!p0 $0x0  }
0x113: {  	[sflag:s0] =	ssyncadd.s32 @!p0 $0xFFFFFF80  }
0x114: {  	_ =	swait.ge @!p0 [sflag:s0], $0x80  }
0x115: {  	[sflag:s0] =	ssyncset.done @!p0 $0x0  }
0x116: {  	[sflag:s0] =	ssyncadd.s32 @!p0 $0xFFFFFF80  }
0x117: {  	_ =	swait.ge @!p0 [sflag:s0], $0x1000  }
0x118: {  	[sflag:s0] =	ssyncset.done @!p0 $0x0  }
0x119: {  	s29 =	simm.s32 @!p0 $0x1AA00;
	[sflag:s0] =	ssyncadd.s32 @!p0 $0xFFFFF000;
	s0 =	simm.s32 @!p0 $0x80  }
0x11a: {  	[tilespmem:s29], [sflag:$0x3] =	stream.indirect.gather @!p0 [hbm4b:s4+s0], $0x20, s3, s0, $0xb8;
	[tilespmem:$0x1F280] =	vst v63  }
0x11b: {  	s29 =	simm.s32 $0x0  }
0x11c: {  	v1 =	vld [tilespmem:s29+$0x1BAF0]  }
0x11d: {  	v2 =	vld [tilespmem:s29+$0x19AF0]  }
0x11e: {  	v3 =	vld [tilespmem:s29+$0x1BA00]  }
0x11f: {  	v4 =	vld [tilespmem:s29+$0x19A00]  }
0x120: {  	v5 =	vld [tilespmem:s29+$0x1BA10]  }
0x121: {  	v6 =	vld [tilespmem:s29+$0x19A10]  }
0x122: {  	v7 =	vld [tilespmem:s29+$0x1BA20]  }
0x123: {  	v8 =	vld [tilespmem:s29+$0x1BA30]  }
0x124: {  	v1 =	vmul.f32 v2, v1;
	v2 =	vld [tilespmem:s29+$0x19A20]  }
0x125: {  	v3 =	vmul.f32 v4, v3;
	v4 =	vld [tilespmem:s29+$0x1BA40]  }
0x126: {  	[tilespmem:s29+$0x1CAF0] =	vst v1;
	v1 =	vld [tilespmem:s29+$0x19A30]  }
0x127: {  	[tilespmem:s29+$0x1CA00] =	vst v3;
	v3 =	vmul.f32 v6, v5;
	v5 =	vld [tilespmem:s29+$0x19A40]  }
0x128: {  	v6 =	vld [tilespmem:s29+$0x19A50]  }
0x129: {  	[tilespmem:s29+$0x1CA10] =	vst v3;
	v3 =	vld [tilespmem:s29+$0x1BA50];
	v2 =	vmul.f32 v2, v7  }
0x12a: {  	v7 =	vld [tilespmem:s29+$0x19A60]  }
0x12b: {  	[tilespmem:s29+$0x1CA20] =	vst v2;
	v1 =	vmul.f32 v1, v8;
	v2 =	vld [tilespmem:s29+$0x1BA60]  }
0x12c: {  	v8 =	vld [tilespmem:s29+$0x19AB0]  }
0x12d: {  	[tilespmem:s29+$0x1CA30] =	vst v1;
	v1 =	vmul.f32 v5, v4;
	v4 =	vld [tilespmem:s29+$0x1BA70]  }
0x12e: {  	v5 =	vld [tilespmem:s29+$0x19A70]  }
0x12f: {  	[tilespmem:s29+$0x1CA40] =	vst v1;
	v1 =	vmul.f32 v6, v3;
	v3 =	vld [tilespmem:s29+$0x1BA80]  }
0x130: {  	v6 =	vld [tilespmem:s29+$0x19A80]  }
0x131: {  	[tilespmem:s29+$0x1CA50] =	vst v1;
	v1 =	vmul.f32 v7, v2;
	v2 =	vld [tilespmem:s29+$0x1BA90]  }
0x132: {  	v7 =	vld [tilespmem:s29+$0x19A90]  }
0x133: {  	[tilespmem:s29+$0x1CA60] =	vst v1;
	v1 =	vmul.f32 v5, v4;
	v4 =	vld [tilespmem:s29+$0x1BAA0]  }
0x134: {  	v5 =	vld [tilespmem:s29+$0x19AA0]  }
0x135: {  	[tilespmem:s29+$0x1CA70] =	vst v1;
	v1 =	vmul.f32 v6, v3;
	v6 =	vld [tilespmem:s29+$0x1BAB0]  }
0x136: {  	v9 =	vld [tilespmem:s29+$0x19AC0]  }
0x137: {  	[tilespmem:s29+$0x1CA80] =	vst v1;
	v1 =	vmul.f32 v7, v2;
	v7 =	vld [tilespmem:s29+$0x1BAC0]  }
0x138: {  	v3 =	vld [tilespmem:s29+$0x1BAD0]  }
0x139: {  	[tilespmem:s29+$0x1CA90] =	vst v1;
	v1 =	vmul.f32 v5, v4;
	v4 =	vld [tilespmem:s29+$0x19AD0]  }
0x13a: {  	v5 =	vld [tilespmem:s29+$0x19AE0];
	v6 =	vmul.f32 v8, v6  }
0x13b: {  	s31 =	simm.s32 $0x100;
	[tilespmem:s29+$0x1CAA0] =	vst v1;
	v1 =	vld [tilespmem:s29+$0x1BAE0]  }
0x13c: {  	s30 =	simm.s32 $0x800;
	v2 =	vld [tilespmem:s31+$0x1BAF0];
	[tilespmem:s29+$0x1CAB0] =	vst v6;
	v6 =	vmul.f32 v9, v7  }
.LBB2_7:
0x13d: {  	p1 =	sne.s32 s30, $0x3C00;
	v7 =	vld [tilespmem:s31+$0x19AF0]  }
0x13e: {  	v8 =	vld [tilespmem:s31+$0x1BA00];
	[tilespmem:s29+$0x1CAC0] =	vst v6;
	v3 =	vmul.f32 v4, v3  }
0x13f: {  	v4 =	vld [tilespmem:s31+$0x19A00]  }
0x140: {  	v6 =	vld [tilespmem:s31+$0x1BA10];
	[tilespmem:s29+$0x1CAD0] =	vst v3;
	v1 =	vmul.f32 v5, v1  }
0x141: {  	v3 =	vld [tilespmem:s31+$0x19A10]  }
0x142: {  	v5 =	vld [tilespmem:s31+$0x1BA20];
	v2 =	vmul.f32 v7, v2;
	[tilespmem:s29+$0x1CAE0] =	vst v1;
	s29 =	smov.u32 s31  }
0x143: {  	v1 =	vld [tilespmem:s29+$0x19A20]  }
0x144: {  	v4 =	vmul.f32 v4, v8;
	v7 =	vld [tilespmem:s29+$0x1BA30];
	[tilespmem:s29+$0x1CAF0] =	vst v2  }
0x145: {  	v2 =	vld [tilespmem:s29+$0x19A30]  }
0x146: {  	[tilespmem:s29+$0x1CA00] =	vst v4;
	v3 =	vmul.f32 v3, v6;
	v4 =	vld [tilespmem:s29+$0x1BA40]  }
0x147: {  	v6 =	vld [tilespmem:s29+$0x19A40]  }
0x148: {  	[tilespmem:s29+$0x1CA10] =	vst v3;
	v1 =	vmul.f32 v1, v5;
	v3 =	vld [tilespmem:s29+$0x1BA50]  }
0x149: {  	v5 =	vld [tilespmem:s29+$0x19A50]  }
0x14a: {  	[tilespmem:s29+$0x1CA20] =	vst v1;
	v1 =	vmul.f32 v2, v7;
	v2 =	vld [tilespmem:s29+$0x1BA60]  }
0x14b: {  	v7 =	vld [tilespmem:s29+$0x19A60]  }
0x14c: {  	[tilespmem:s29+$0x1CA30] =	vst v1;
	v1 =	vmul.f32 v6, v4;
	v4 =	vld [tilespmem:s29+$0x1BA70]  }
0x14d: {  	v6 =	vld [tilespmem:s29+$0x19A70]  }
0x14e: {  	[tilespmem:s29+$0x1CA40] =	vst v1;
	v1 =	vmul.f32 v5, v3;
	v3 =	vld [tilespmem:s29+$0x1BA80]  }
0x14f: {  	v5 =	vld [tilespmem:s29+$0x19A80]  }
0x150: {  	[tilespmem:s29+$0x1CA50] =	vst v1;
	v1 =	vmul.f32 v7, v2;
	v2 =	vld [tilespmem:s29+$0x1BA90]  }
0x151: {  	v7 =	vld [tilespmem:s29+$0x19A90]  }
0x152: {  	[tilespmem:s29+$0x1CA60] =	vst v1;
	v1 =	vmul.f32 v6, v4;
	v4 =	vld [tilespmem:s29+$0x1BAA0]  }
0x153: {  	v6 =	vld [tilespmem:s29+$0x19AA0]  }
0x154: {  	[tilespmem:s29+$0x1CA70] =	vst v1;
	v1 =	vmul.f32 v5, v3;
	v5 =	vld [tilespmem:s29+$0x1BAB0]  }
0x155: {  	v8 =	vld [tilespmem:s29+$0x19AB0]  }
0x156: {  	[tilespmem:s29+$0x1CA80] =	vst v1;
	v1 =	vmul.f32 v7, v2;
	v7 =	vld [tilespmem:s29+$0x1BAC0]  }
0x157: {  	v9 =	vld [tilespmem:s29+$0x19AC0]  }
.Ltmp4:
0x158: {  	[tilespmem:s29+$0x1CA90] =	vst v1;
	v1 =	vmul.f32 v6, v4;
	v3 =	vld [tilespmem:s29+$0x1BAD0];
	(pc) =	sbr.rel @p1 .LBB2_7-.Ltmp4, $4  }
0x159: {  	v4 =	vld [tilespmem:s29+$0x19AD0]  }
0x15a: {  	[tilespmem:s29+$0x1CAA0] =	vst v1;
	v6 =	vmul.f32 v8, v5;
	v1 =	vld [tilespmem:s29+$0x1BAE0]  }
0x15b: {  	s31 =	sshra.s32 s30, $0x2;
	v5 =	vld [tilespmem:s29+$0x19AE0]  }
0x15c: {  	s30 =	sadd.s32 $0x400, s30;
	v2 =	vld [tilespmem:s31+$0x1BAF0];
	[tilespmem:s29+$0x1CAB0] =	vst v6;
	v6 =	vmul.f32 v9, v7  }
0x15d: {  	v7 =	vld [tilespmem:s31+$0x19AF0]  }
0x15e: {  	v8 =	vld [tilespmem:s31+$0x1BA00];
	[tilespmem:s29+$0x1CAC0] =	vst v6;
	v3 =	vmul.f32 v4, v3  }
0x15f: {  	v46 =	vld [tilespmem:s31+$0x19A00]  }
0x160: {  	v6 =	vld [tilespmem:s31+$0x1BA10];
	[tilespmem:s29+$0x1CAD0] =	vst v3;
	v1 =	vmul.f32 v5, v1  }
0x161: {  	v3 =	vld [tilespmem:s31+$0x19A10]  }
0x162: {  	v47 =	vld [tilespmem:s31+$0x1BA20];
	[tilespmem:s29+$0x1CAE0] =	vst v1  }
0x163: {  	v1 =	vmul.f32 v7, v2;
	v2 =	vld [tilespmem:s31+$0x19A20]  }
0x164: {  	v48 =	vld [tilespmem:s31+$0x1BA30]  }
0x165: {  	v49 =	vld [tilespmem:s31+$0x1BA40]  }
0x166: {  	[tilespmem:s31+$0x1CAF0] =	vst v1;
	v1 =	vld [tilespmem:s31+$0x19A30]  }
0x167: {  	v50 =	vld [tilespmem:s31+$0x19A40]  }
0x168: {  	v51 =	vld [tilespmem:s31+$0x19A50];
	v3 =	vmul.f32 v3, v6  }
0x169: {  	v52 =	vld [tilespmem:s31+$0x19A60]  }
0x16a: {  	[tilespmem:s31+$0x1CA10] =	vst v3;
	v2 =	vmul.f32 v2, v47;
	v3 =	vld [tilespmem:s31+$0x1BA50]  }
0x16b: {  	v53 =	vld [tilespmem:s31+$0x1BA70];
	v1 =	vmul.f32 v1, v48  }
0x16c: {  	[tilespmem:s31+$0x1CA20] =	vst v2;
	v2 =	vld [tilespmem:s31+$0x1BA60]  }
0x16d: {  	v54 =	vld [tilespmem:s31+$0x19A70];
	[tilespmem:s31+$0x1CA30] =	vst v1;
	v1 =	vmul.f32 v50, v49  }
0x16e: {  	v55 =	vld [tilespmem:s31+$0x19A80]  }
0x16f: {  	v56 =	vld [tilespmem:s31+$0x19A90];
	[tilespmem:s31+$0x1CA40] =	vst v1;
	v1 =	vmul.f32 v51, v3  }
0x170: {  	v3 =	vld [tilespmem:s31+$0x1BA80]  }
0x171: {  	v57 =	vld [tilespmem:s31+$0x1BAA0];
	[tilespmem:s31+$0x1CA50] =	vst v1;
	v1 =	vmul.f32 v52, v2  }
0x172: {  	v2 =	vld [tilespmem:s31+$0x1BA90]  }
0x173: {  	v58 =	vld [tilespmem:s31+$0x19AA0];
	[tilespmem:s31+$0x1CA60] =	vst v1;
	v1 =	vmul.f32 v54, v53  }
0x174: {  	v59 =	vld [tilespmem:s31+$0x19AB0]  }
0x175: {  	v60 =	vld [tilespmem:s31+$0x19AC0];
	[tilespmem:s31+$0x1CA70] =	vst v1;
	v1 =	vmul.f32 v55, v3  }
0x176: {  	v61 =	vld [tilespmem:s31+$0x1BAD0]  }
0x177: {  	v62 =	vld [tilespmem:s31+$0x19AD0];
	[tilespmem:s31+$0x1CA80] =	vst v1;
	v1 =	vmul.f32 v56, v2  }
0x178: {  	v3 =	vld [tilespmem:s31+$0x1BAB0]  }
0x179: {  	v2 =	vld [tilespmem:s31+$0x1BAC0];
	[tilespmem:s31+$0x1CA90] =	vst v1;
	v1 =	vmul.f32 v58, v57  }
0x17a: {  	v63 =	vld [tilespmem:s31+$0x19AE0]  }
0x17b: {  	[tilespmem:s31+$0x1CAA0] =	vst v1;
	v1 =	vld [tilespmem:s31+$0x1BAE0]  }
0x17c: {  	v4 =	vmul.f32 v46, v8  }
0x17d: {  	v3 =	vmul.f32 v59, v3  }
0x17e: {  	[tilespmem:s31+$0x1CA00] =	vst v4;
	v2 =	vmul.f32 v60, v2  }
0x17f: {  	[tilespmem:s31+$0x1CAB0] =	vst v3;
	v3 =	vmul.f32 v62, v61  }
0x180: {  	[tilespmem:s31+$0x1CAC0] =	vst v2;
	v1 =	vmul.f32 v63, v1  }
0x181: {  	[tilespmem:s31+$0x1CAD0] =	vst v3  }
.Ltmp5:
0x182: {  	[tilespmem:s31+$0x1CAE0] =	vst v1;
	(pc) =	sbr.rel @p0 .LBB2_10-.Ltmp5, $4  }
0x183: {  	[spmem:s1] =	stream.indirect.scatter.add.f32 [tilespmem:s10], [sflag:$0x5], $0x20, s20, s18, $0xb8;
	[tilespmem:$0x1F280] =	vst v63  }
0x184: {  	_ =	swait.ge [sflag:s13], $0x1000  }
0x185: {  	[sflag:s13] =	ssyncset.done $0x0  }
0x186: {  	[sflag:s13] =	ssyncadd.s32 $0xFFFFF000  }
0x187: {  	s0 =	sadd.s32 s28, s15  }
0x188: {  	s3 =	sshll.u32 s0, $0x4  }
0x189: {  	s3 =	sand.u32 $0x1FFFFFF0, s3  }
0x18a: {  	s31 =	sadd.s32 s5, s3  }
0x18b: {  	[tilespmem:s19], [sflag:$0x2] =	stream.linear.gather [hbm4b:s31+s2], $0x80, $0x38;
	[tilespmem:$0x1F280] =	vst v63  }
.Ltmp6:
0x18c: {  	s0 =	sshll.u32 s0, $0x9;
	(pc) =	sbr.rel .LBB2_4-.Ltmp6, $4  }
0x18d: {  	s0 =	sand.u32 $0x1FFFFE00, s0;
	s3 =	sadd.s32 s6, s3  }
0x18e: {  	[tilespmem:s20], [sflag:$0x2] =	stream.linear.gather [hbm4b:s3+s2], $0x80, $0x38;
	[tilespmem:$0x1F280] =	vst v63  }
0x18f: {  	s26 =	sadd.s32 $0x1, s26;
	s0 =	sadd.s32 s7, s0  }
0x190: {  	[tilespmem:s21], [sflag:$0x2] =	stream.linear.gather [hbm4b:s0+s2], $0x1000, $0x38;
	[tilespmem:$0x1F280] =	vst v63  }
.LBB2_11:
0x191: {  	_ =	sfence.sel $0x180000  }
0x192: {  	[bflag:$0x0] =	sbarrier.arrive $0xFFFF  }
0x193: {  	_ =	strace $0x9000004A  }
0x194: {  	s0 =	stileid.u32;
	[bflag:$0x2] =	sbarrier.arrive $0xFFFF  }
0x195: {  	p0 =	sne.s32 s0, $0x0;
	s0 =	rddreg [dreg:$0x2]  }
0x196: {  	s0 =	sadd.s32 @!p0 $0x100000, s0  }
0x197: {  	[sflag:s0] =	ssyncadd.tile.s32 @!p0 $0x1;
	_ =	shalt  }
.Lfunc_end2:
_tile_overlayer_lowered:
.L_overlay_start_2:
0x198: {  	(tag) =	ssettag $0x2  }
0x199: {  	s0 =	rddreg [dreg:$0x0];
	s2 =	stileid.u32  }
0x19a: {  	s1 =	rddreg [dreg:$0x1];
	p0 =	sne.s32 s2, $0x0  }
0x19b: {  	s3 =	rddreg [dreg:$0x2];
	[bflag:$0x3] =	sbarrier.arrive $0xFFFF;
	s2 =	simm.s32 @!p0 $0x1C05  }
0x19c: {  	[timem:s3], [sflag:s2] =	dma.local @!p0 [hbm:s0], s1  }
0x19d: {  	s0 =	simm.s32 @!p0 $0x5  }
0x19e: {  	_ =	swait.ge @!p0 [sflag:s0], s1  }
0x19f: {  	s1 =	ssub.s32 @!p0 $0x0, s1;
	[sflag:s0] =	ssyncset.done @!p0 $0x0  }
0x1a0: {  	[sflag:s0] =	ssyncadd.s32 @!p0 s1  }
0x1a1: {  	[bflag:$0x3] =	sbarrier.arrive $0xFFFF  }
0x1a2: {  	_ =	shalt  }

// kernel: kernel.17.cloned.1.call-start
scs
__scs_entry_jumppad:
0x0: {  	(pc) =	sbr.rel $0x88, $3  }
0x1: {  	(tag) =	ssettag $0x0;
	lr =	simm.s32 $0x1  }
0x2: {  	[smem:$0x3F88] =	sst lr;
	_ =	strace $0xD0000000  }
0x3: {  	_ = 	snop  }
0x4: {  	_ = 	snop  }
0x5: {  	_ = 	snop  }
0x6: {  	_ = 	snop  }
0x7: {  	_ = 	snop  }
__scs_overlays_trampoline_lowered:
0x8: {  	[smem:$0x3F97] =	sst s0  }
0x9: {  	[smem:$0x3F98] =	sst s1  }
0xa: {  	[smem:$0x3F99] =	sst s2  }
0xb: {  	[smem:$0x3F9A] =	sst s3  }
0xc: {  	[smem:$0x3F9B] =	sst s4  }
0xd: {  	[smem:$0x3F9C] =	sst s5  }
0xe: {  	[smem:$0x3F9D] =	sst s6  }
0xf: {  	[smem:$0x3F9E] =	sst s7  }
0x10: {  	[smem:$0x3F9F] =	sst s8  }
0x11: {  	[smem:$0x3FA0] =	sst s9;
	s0 =	simm.s32 @!p0 $0x0  }
0x12: {  	s1 =	sld [smem:$0x3F86];
	s0 =	simm.s32 @p0 $0x1  }
0x13: {  	[smem:$0x3FA1] =	sst s0;
	s0 =	simm.s32 @!p1 $0x0  }
0x14: {  	s2 =	sld [smem:$0x3F85];
	s0 =	simm.s32 @p1 $0x1  }
0x15: {  	[smem:$0x3FA2] =	sst s0;
	s0 =	simm.s32 @!p2 $0x0  }
0x16: {  	s3 =	sld [smem:$0x3FDB];
	s0 =	simm.s32 @p2 $0x1  }
0x17: {  	s4 =	simm.s32 $0x1BF5;
	[smem:$0x3FA4] =	sst s0  }
0x18: {  	s0 =	sld [smem:$0x3F87];
	_ =	swait.ge [sflag:s4], $0x0  }
0x19: {  	s7 =	sld [smem:$0x3F88]  }
0x1a: {  	s8 =	sadd.s32 $0xFFFFE003, lr  }
0x1b: {  	s9 =	sadd.s32 $0xFFFFFEF7, lr;
	s5 =	simm.s32 $0xFFFFFFFF;
	p2 =	slt.u32 s8, $0xFFFFF086  }
0x1c: {  	p1 =	slt.u32 s9, $0xF7A;
	s5 =	simm.s32 @!p2 $0x0  }
0x1d: {  	s5 =	simm.s32 @p1 $0x1;
	p0 =	seq.s32 s7, s2  }
0x1e: {  	s7 =	smul.u32 @!p0 $0xF7A, s2;
	p2 =	seq.s32 @!p0 s5, $0x0  }
0x1f: {  	s9 =	smul.u32 $0xF7A, s1;
	s8 =	simm.s32 @!p0 $0x1BF5;
	p2 =	por !p2, p0  }
0x20: {  	[sflag:s8] =	ssyncset.s32 @!p0 $0xFFFFF086;
	s6 =	sadd.s32 @!p0 s3, s7;
	s7 =	simm.s32 @!p0 $0x108  }
0x21: {  	s3 =	sadd.s32 s3, s9;
	s6 =	sadd.s32 @!p0 $0x88, s6;
	s7 =	simm.s32 @p2 $0x1082  }
0x22: {  	[simem:s7], [sflag:s8] =	dma.local @!p0 [hbm:s6], $0xF7A  }
0x23: {  	s9 =	sor.u32 $0xD0000000, s2;
	s6 =	simm.s32 $0x108;
	_ =	swait.ge @!p0 [sflag:s8], $0x0  }
0x24: {  	s3 =	sadd.s32 $0x88, s3;
	s6 =	simm.s32 @!p1 $0x1082;
	[sflag:s4] =	ssyncset.s32 $0xFFFFF086  }
0x25: {  	[simem:s6], [sflag:s4] =	dma.local [hbm:s3], $0xF7A  }
0x26: {  	[smem:$0x3F88] =	sst s1;
	(tag) =	ssettag s2;
	_ =	strace s9  }
0x27: {  	s1 =	sld [smem:$0x3F98]  }
0x28: {  	s2 =	sld [smem:$0x3F99]  }
0x29: {  	s4 =	sld [smem:$0x3F9B]  }
0x2a: {  	p0 =	seq.s32 s5, $0x0;
	s5 =	sld [smem:$0x3F9C]  }
0x2b: {  	s6 =	sld [smem:$0x3F9D]  }
0x2c: {  	s7 =	sld [smem:$0x3F9E]  }
0x2d: {  	s3 =	simm.s32 $0x108;
	s8 =	sld [smem:$0x3F9F]  }
0x2e: {  	s3 =	simm.s32 @!p0 $0x1082;
	s9 =	sld [smem:$0x3FA0]  }
0x2f: {  	lr =	sadd.s32 s0, s3;
	s0 =	sld [smem:$0x3F97]  }
0x30: {  	s3 =	sld [smem:$0x3F9A]  }
0x31: {  	[smem:$0x3FA3] =	sst s10  }
0x32: {  	s10 =	sld [smem:$0x3FA1];
	_ =	sdelay $0x3  }
0x33: {  	p0 =	seq.s32 s10, $0x1;
	s10 =	sld [smem:$0x3FA3];
	_ =	sdelay $0x3  }
0x34: {  	[smem:$0x3FA3] =	sst s10  }
0x35: {  	s10 =	sld [smem:$0x3FA2];
	_ =	sdelay $0x3  }
0x36: {  	p1 =	seq.s32 s10, $0x1;
	s10 =	sld [smem:$0x3FA3];
	_ =	sdelay $0x3  }
0x37: {  	[smem:$0x3FA3] =	sst s10  }
0x38: {  	s10 =	sld [smem:$0x3FA4]  }
0x39: {  	_ = 	snop;
	(pc) =	sbr.ind lr, $3  }
0x3a: {  	_ = 	snop  }
0x3b: {  	_ = 	snop  }
0x3c: {  	p2 =	seq.s32 s10, $0x1;
	s10 =	sld [smem:$0x3FA3]  }
0x3d: {  	_ =	shalt  }
0x3e: {  	_ =	shalt  }
0x3f: {  	_ =	shalt  }
0x40: {  	_ =	shalt  }
0x41: {  	_ =	shalt  }
0x42: {  	_ =	shalt  }
0x43: {  	_ =	shalt  }
0x44: {  	_ =	shalt  }
0x45: {  	_ =	shalt  }
0x46: {  	_ =	shalt  }
0x47: {  	_ =	shalt  }
0x48: {  	_ =	shalt  }
0x49: {  	_ =	shalt  }
0x4a: {  	_ =	shalt  }
0x4b: {  	_ =	shalt  }
0x4c: {  	_ =	shalt  }
0x4d: {  	_ =	shalt  }
0x4e: {  	_ =	shalt  }
0x4f: {  	_ =	shalt  }
0x50: {  	_ =	shalt  }
0x51: {  	_ =	shalt  }
0x52: {  	_ =	shalt  }
0x53: {  	_ =	shalt  }
0x54: {  	_ =	shalt  }
0x55: {  	_ =	shalt  }
0x56: {  	_ =	shalt  }
0x57: {  	_ =	shalt  }
0x58: {  	_ =	shalt  }
0x59: {  	_ =	shalt  }
0x5a: {  	_ =	shalt  }
0x5b: {  	_ =	shalt  }
0x5c: {  	_ =	shalt  }
0x5d: {  	_ =	shalt  }
0x5e: {  	_ =	shalt  }
0x5f: {  	_ =	shalt  }
0x60: {  	_ =	shalt  }
0x61: {  	_ =	shalt  }
0x62: {  	_ =	shalt  }
0x63: {  	_ =	shalt  }
0x64: {  	_ =	shalt  }
0x65: {  	_ =	shalt  }
0x66: {  	_ =	shalt  }
0x67: {  	_ =	shalt  }
0x68: {  	_ =	shalt  }
0x69: {  	_ =	shalt  }
0x6a: {  	_ =	shalt  }
0x6b: {  	_ =	shalt  }
0x6c: {  	_ =	shalt  }
0x6d: {  	_ =	shalt  }
0x6e: {  	_ =	shalt  }
0x6f: {  	_ =	shalt  }
0x70: {  	_ =	shalt  }
0x71: {  	_ =	shalt  }
0x72: {  	_ =	shalt  }
0x73: {  	_ =	shalt  }
0x74: {  	_ =	shalt  }
0x75: {  	_ =	shalt  }
0x76: {  	_ =	shalt  }
0x77: {  	_ =	shalt  }
0x78: {  	_ =	shalt  }
0x79: {  	_ =	shalt  }
0x7a: {  	_ =	shalt  }
0x7b: {  	_ =	shalt  }
0x7c: {  	_ =	shalt  }
0x7d: {  	_ =	shalt  }
0x7e: {  	_ =	shalt  }
0x7f: {  	_ =	shalt  }
0x80: {  	_ =	shalt  }
0x81: {  	_ =	shalt  }
0x82: {  	_ =	shalt  }
0x83: {  	_ =	shalt  }
0x84: {  	_ =	shalt  }
0x85: {  	_ =	shalt  }
0x86: {  	_ =	shalt  }
0x87: {  	_ =	shalt  }
.Lfunc_end0:
.L_simem_size_0:
called_computation.2_lowered:
.L_overlay_start_0:
0x88: {  	s2 =	sld [smem:$0x3FD9]  }
0x89: {  	s3 =	sld [smem:$0x3FFE];
	_ =	sdelay $0x1  }
0x8a: {  	s1 =	srdreg.scid  }
0x8b: {  	s0 =	sand.u32 $0x1, s1  }
0x8c: {  	s16 =	sshll.u32 s0, $0xA;
	s2 =	sadd.s32 s3, s2  }
0x8d: {  	s2 =	sadd.s32 s2, s16  }
0x8e: {  	[smem:$0x3FAF] =	sst s2  }
0x8f: {  	_ = 	snop  }
0x90: {  	(tm) =	ssettm $0x1  }
0x91: {  	s17 =	sld [smem:$0x3FFB];
	_ =	sdelay $0x3  }
0x92: {  	_ =	strace s17  }
0x93: {  	s2 =	sld [smem:$0x3FFC];
	_ =	sdelay $0x3  }
0x94: {  	_ =	strace s2  }
0x95: {  	s2 =	sld [smem:$0x3FFD];
	_ =	sdelay $0x3  }
0x96: {  	_ =	strace s2  }
0x97: {  	_ =	strace $0x8FFFFFFF  }
0x98: {  	s18 =	sld [smem:$0x3FDB];
	_ =	sdelay $0x1  }
0x99: {  	s19 =	simm.s32 $_scs_section_size  }
0x9a: {  	s4 =	simm.s32 $_size__tile_overlayer_lowered;
	s5 =	simm.s32 $_tile_overlayer_lowered  }
0x9b: {  	s22 =	simm.s32 $0x1BFF;
	s21 =	sshll.u32 s5, $0x1;
	s2 =	sadd.s32 s19, s18  }
0x9c: {  	s6 =	simm.s32 $0x0;
	s20 =	sshll.u32 s4, $0x1;
	s4 =	sadd.s32 s21, s2  }
0x9d: {  	[timem:s6], [sflag:s22] =	dma.local [hbm:s4], s20  }
0x9e: {  	_ =	swait.ge [sflag:s22], s20  }
0x9f: {  	s3 =	ssub.s32 $0x0, s20;
	[sflag:s22] =	ssyncset.done $0x0  }
0xa0: {  	[sflag:s22] =	ssyncadd.s32 s3;
	_ =	sdelay $0x1  }
0xa1: {  	s23 =	simm.s32 $0x1B8B  }
0xa2: {  	_ =	swait.ge [sflag:s23], $0x1  }
0xa3: {  	[sflag:s23] =	ssyncset.done $0x0  }
0xa4: {  	s25 =	simm.s32 $0x1B8E;
	s24 =	sld [smem:$0x3FFE];
	[sflag:s23] =	ssyncadd.s32 $0xFFFFFFFF  }
0xa5: {  	s26 =	simm.s32 $execute0_lowered;
	[smem:$0x3FD2] =	sst s25  }
0xa6: {  	s4 =	sshll.u32 s26, $0x1;
	_ =	strace $0x8000004C;
	[dreg:$0x1] =	wrdreg $0xFFFFFFFF  }
0xa7: {  	s28 =	simm.s32 $_size_execute0_lowered;
	s2 =	sadd.s32 s2, s4;
	[dreg:$0x0] =	wrdreg $0x0  }
0xa8: {  	s4 =	sshll.u32 s28, $0x1;
	[dreg:$0x2] =	wrdreg s2  }
0xa9: {  	[dreg:$0x3] =	wrdreg s4  }
0xaa: {  	[dreg:$0x4] =	wrdreg $0xC0  }
0xab: {  	_ =	task [dreg:s6], $0x5FFFF  }
0xac: {  	[dreg:$0x1] =	wrdreg $0xFFFFFFFF  }
0xad: {  	[dreg:$0x0] =	wrdreg $0x60  }
0xae: {  	[dreg:$0x2] =	wrdreg s24  }
0xaf: {  	[dreg:$0x3] =	wrdreg $0x0  }
0xb0: {  	[dreg:$0x4] =	wrdreg $0x9  }
0xb1: {  	_ =	task.clear_ibuf [dreg:s6], $0x5FFFF;
	_ =	strace $0x9000004C  }
0xb2: {  	s29 =	simm.s32 $0x9;
	_ =	strace $0x8000004E  }
0xb3: {  	_ =	swait.ge [sflag:s29], $0x1  }
0xb4: {  	[sflag:s29] =	ssyncadd.s32 $0xFFFFFFFF  }
0xb5: {  	_ =	strace $0x9000004E  }
0xb6: {  	_ =	sfence  }
0xb7: {  	s30 =	sld [smem:$0x0];
	_ =	sdelay $0x2  }
0xb8: {  	s31 =	sshll.u32 s1, $0xD;
	s1 =	sshrl.u32 s1, $0x2  }
0xb9: {  	s3 =	sand.u32 $0x4000, s31;
	s1 =	sadd.s32 s1, s30  }
0xba: {  	s0 =	sor.u32 s3, s0;
	s1 =	sshll.u32 s1, $0x11  }
0xbb: {  	s0 =	sor.u32 s1, s0  }
0xbc: {  	s0 =	sadd.s32 $0x8F2B, s0  }
0xbd: {  	[sflag:s0] =	ssyncadd.remote.s32 $0x1  }
0xbe: {  	_ =	sfence.sel $0xFFFF  }
0xbf: {  	[dreg:$0x0] =	wrdreg $0xFFFFFFFF;
	(pc) =	sbr.abs _section_cstart, $3  }
0xc0: {  	[dreg:$0x1] =	wrdreg $0xFFFFFFFF  }
0xc1: {  	_ =	task.clear_ibuf [dreg:s6], $0x2FFFF;
	_ =	strace $0x9FFFFFFF  }
0xc2: {  	(tm) =	ssettm $0x7FFFFFFF  }
0xc3: {  	_ =	shalt  }
tec
execute0_lowered:
.L_overlay_start_1:
0x0: {  	(tag) =	ssettag $0x1  }
0x1: {  	s0 =	rddreg [dreg:$0x0]  }
0x2: {  	s1 =	rddreg [dreg:$0x1];
	s2 =	simm.s32 $0x0  }
0x3: {  	s3 =	srdreg.scid;
	s13 =	stileid.u32;
	s4 =	sadd.s32 $0x1880600, s0  }
0x4: {  	[smem:$0x7FF] =	sst s2;
	s5 =	sadd.s32 $0x18CA600, s0;
	s30 =	smul.u32 $0x18800, s13  }
0x5: {  	s3 =	sand.u32 $0x1, s3;
	s7 =	sadd.s32 $0x876600, s0;
	s31 =	smul.u32 $0x62000, s13  }
0x6: {  	_ =	strace $0x8000004D;
	s6 =	sshll.u32 s3, $0x4;
	s9 =	ssub.s32 $0x2, s3  }
0x7: {  	p0 =	seq.s32 s3, $0x1;
	s3 =	simm.s32 $0x18800;
	s11 =	sshrl.u32 s9, $0x1  }
0x8: {  	s8 =	sor.u32 s13, s6;
	s16 =	sshrl.u32 s31, $0x2;
	s9 =	ssub.s32 s9, s11  }
0x9: {  	s6 =	sadd.s32 $0x18B1E00, s0;
	s16 =	sadd.s32 s16, s1;
	s9 =	smax.u32 s9, $0x1  }
0xa: {  	s13 =	sshrl.u32 s30, $0x3;
	s17 =	sadd.s32 $0x1880, s16;
	[dreg:$0x9] =	wrdreg s9  }
0xb: {  	s10 =	smul.u32 $0xC4, s8;
	s18 =	sadd.s32 $0x3100, s16;
	[dreg:$0xa] =	wrdreg s17  }
0xc: {  	s12 =	smul.u32 $0xC40, s8;
	s19 =	sadd.s32 $0x4980, s16;
	[dreg:$0xb] =	wrdreg s18  }
0xd: {  	s8 =	smul.u32 $0x18800, s8;
	s20 =	sadd.s32 $0x6200, s16;
	[dreg:$0xc] =	wrdreg s19  }
0xe: {  	s21 =	sadd.s32 $0x7A80, s16;
	s22 =	sadd.s32 $0x9300, s16;
	[dreg:$0xd] =	wrdreg s20  }
0xf: {  	s24 =	sadd.s32 $0xAB80, s16;
	s25 =	sadd.s32 $0xC400, s16;
	[dreg:$0xe] =	wrdreg s21  }
0x10: {  	s31 =	sadd.s32 $0x13E80, s16;
	s26 =	sor.u32 $0x1, s10;
	[dreg:$0x10] =	wrdreg s22  }
0x11: {  	s14 =	sadd.s32 s5, s12;
	s12 =	sadd.s32 s6, s12;
	[dreg:$0x12] =	wrdreg s24  }
0x12: {  	s8 =	sadd.s32 s7, s8;
	s15 =	sor.u32 $0x3, s10;
	[dreg:$0x13] =	wrdreg s25  }
0x13: {  	[dreg:$0x18] =	wrdreg s31;
	s9 =	sadd.s32 $0x16F80, s16;
	s17 =	simm.s32 $0x1  }
0x14: {  	s18 =	simm.s32 $0x80;
	s19 =	simm.s32 $0x18880;
	s20 =	simm.s32 $0x18980  }
0x15: {  	s21 =	simm.s32 $0x19A00;
	s22 =	simm.s32 $0x3;
	[dreg:$0x3] =	wrdreg s14  }
0x16: {  	s24 =	simm.s32 $0x1BA00;
	[dreg:$0x4] =	wrdreg s12;
	s28 =	sshll.u32 s26, $0x4  }
0x17: {  	[dreg:$0x5] =	wrdreg s8;
	s11 =	sshll.u32 s26, $0x9;
	s26 =	sadd.s32 $0xDC80, s16  }
0x18: {  	s8 =	sadd.s32 s30, s1;
	s30 =	sadd.s32 $0x12600, s16;
	[dreg:$0x14] =	wrdreg s26  }
0x19: {  	s25 =	simm.s32 $0x0;
	s29 =	sadd.s32 s5, s28;
	[dreg:$0x17] =	wrdreg s30  }
0x1a: {  	s14 =	sor.u32 $0x2, s10;
	s12 =	sadd.s32 s6, s28;
	[dreg:$0x6] =	wrdreg s29  }
0x1b: {  	s10 =	simm.s32 $0x814600;
	s11 =	sadd.s32 s7, s11;
	[dreg:$0x7] =	wrdreg s12  }
0x1c: {  	s10 =	simm.s32 @!p0 $0x845600;
	s23 =	sshrl.u32 s8, $0x3;
	[dreg:$0x8] =	wrdreg s11  }
.Ltmp0:
0x1d: {  	s28 =	sadd.s32 $0xF500, s16;
	[dreg:$0x11] =	wrdreg s23;
	(pc) =	sbr.rel .LBB2_1-.Ltmp0, $4  }
0x1e: {  	s8 =	sadd.s32 $0x15700, s16;
	s0 =	sadd.s32 s10, s0;
	[dreg:$0x15] =	wrdreg s28  }
0x1f: {  	s29 =	sadd.s32 $0x10D80, s16;
	s11 =	simm.s32 $0x18900;
	s12 =	simm.s32 $0x1DA00  }
0x20: {  	s23 =	simm.s32 $0x2;
	s0 =	sadd.s32 s0, s13;
	[dreg:$0x16] =	wrdreg s29  }
0x21: {  	v0 =	vimm.f32 $0.0e+00;
	s10 =	simm.s32 $0x1CA00;
	s13 =	simm.s32 $0x5;
	[dreg:$0xf] =	wrdreg s0  }
.LBB2_10:
0x22: {  	s0 =	stileid.u32;
	[bflag:$0x0] =	sbarrier.arrive $0xFFFF  }
0x23: {  	s0 =	sshll.u32 s0, $0x6;
	s3 =	rddreg [dreg:$0xf]  }
0x24: {  	s26 =	rddreg [dreg:$0x11];
	s0 =	sor.u32 $0x1C05, s0  }
0x25: {  	[hbm:s3], [sflag:s0] =	dma.local [spmem:s26], $0x3100  }
0x26: {  	_ =	swait.ge [sflag:s13], $0x3100  }
0x27: {  	s25 =	sadd.s32 $0x1, s25;
	s31 =	rddreg [dreg:$0x9]  }
0x28: {  	p0 =	sne.s32 s25, s31  }
.Ltmp1:
0x29: {  	_ = 	snop;
	(pc) =	sbr.rel @!p0 .LBB2_11-.Ltmp1, $3  }
0x2a: {  	_ =	sdelay $0x1  }
0x2b: {  	[sflag:s13] =	ssyncset.done $0x0  }
0x2c: {  	s3 =	simm.s32 $0x18800;
	[sflag:s13] =	ssyncadd.s32 $0xFFFFCF00  }
.LBB2_1:
0x2d: {  	s0 =	rddreg [dreg:$0x3]  }
0x2e: {  	[tilespmem:s3], [sflag:$0x1] =	stream.linear.gather [hbm4b:s0+s2], $0x80, $0x38;
	[tilespmem:$0x1F280] =	vst v63  }
0x2f: {  	s30 =	rddreg [dreg:$0x4]  }
0x30: {  	[tilespmem:s11], [sflag:$0x1] =	stream.linear.gather [hbm4b:s30+s2], $0x80, $0x38;
	[tilespmem:$0x1F280] =	vst v63  }
0x31: {  	s31 =	rddreg [dreg:$0x5];
	s26 =	simm.s32 $0x18A00  }
0x32: {  	[tilespmem:s26], [sflag:$0x1] =	stream.linear.gather [hbm4b:s31+s2], $0x1000, $0x38;
	[tilespmem:$0x1F280] =	vst v63  }
0x33: {  	s28 =	simm.s32 $0x0;
	s26 =	simm.s32 $0x80  }
.LBB2_2:
0x34: {  	p0 =	sne.s32 s26, $0x6180;
	[tilespmem:s28+$0x1DA00] =	vst v0;
	s29 =	smov.u32 s26;
	s26 =	sadd.s32 $0x80, s26  }
.Ltmp2:
0x35: {  	[tilespmem:s28+$0x1DA10] =	vst v0;
	(pc) =	sbr.rel @p0 .LBB2_2-.Ltmp2, $2  }
0x36: {  	_ =	sdelay $0x2  }
0x37: {  	s28 =	sshra.s32 s29, $0x2  }
0x38: {  	[tilespmem:s28+$0x1DA00] =	vst v0  }
0x39: {  	[tilespmem:s28+$0x1DA10] =	vst v0  }
0x3a: {  	[spmem:s16] =	stream.linear.scatter [tilespmem:s12], [sflag:$0x5], $0x1880, $0x38;
	[tilespmem:$0x1F280] =	vst v63  }
0x3b: {  	_ =	swait.ge [sflag:s13], $0x1880  }
0x3c: {  	[sflag:s13] =	ssyncset.done $0x0  }
0x3d: {  	s0 =	rddreg [dreg:$0xa];
	[sflag:s13] =	ssyncadd.s32 $0xFFFFE780  }
0x3e: {  	[spmem:s0] =	stream.linear.scatter [tilespmem:s12], [sflag:$0x5], $0x1880, $0x38;
	[tilespmem:$0x1F280] =	vst v63  }
0x3f: {  	_ =	swait.ge [sflag:s13], $0x1880  }
0x40: {  	[sflag:s13] =	ssyncset.done $0x0  }
0x41: {  	s31 =	rddreg [dreg:$0xb];
	[sflag:s13] =	ssyncadd.s32 $0xFFFFE780  }
0x42: {  	[spmem:s31] =	stream.linear.scatter [tilespmem:s12], [sflag:$0x5], $0x1880, $0x38;
	[tilespmem:$0x1F280] =	vst v63  }
0x43: {  	_ =	swait.ge [sflag:s13], $0x1880  }
0x44: {  	[sflag:s13] =	ssyncset.done $0x0  }
0x45: {  	s26 =	rddreg [dreg:$0xc];
	[sflag:s13] =	ssyncadd.s32 $0xFFFFE780  }
0x46: {  	[spmem:s26] =	stream.linear.scatter [tilespmem:s12], [sflag:$0x5], $0x1880, $0x38;
	[tilespmem:$0x1F280] =	vst v63  }
0x47: {  	_ =	swait.ge [sflag:s13], $0x1880  }
0x48: {  	[sflag:s13] =	ssyncset.done $0x0  }
0x49: {  	s28 =	rddreg [dreg:$0xd];
	[sflag:s13] =	ssyncadd.s32 $0xFFFFE780  }
0x4a: {  	[spmem:s28] =	stream.linear.scatter [tilespmem:s12], [sflag:$0x5], $0x1880, $0x38;
	[tilespmem:$0x1F280] =	vst v63  }
0x4b: {  	_ =	swait.ge [sflag:s13], $0x1880  }
0x4c: {  	[sflag:s13] =	ssyncset.done $0x0  }
0x4d: {  	s29 =	rddreg [dreg:$0xe];
	[sflag:s13] =	ssyncadd.s32 $0xFFFFE780  }
0x4e: {  	[spmem:s29] =	stream.linear.scatter [tilespmem:s12], [sflag:$0x5], $0x1880, $0x38;
	[tilespmem:$0x1F280] =	vst v63  }
0x4f: {  	_ =	swait.ge [sflag:s13], $0x1880  }
0x50: {  	[sflag:s13] =	ssyncset.done $0x0  }
0x51: {  	s30 =	rddreg [dreg:$0x10];
	[sflag:s13] =	ssyncadd.s32 $0xFFFFE780  }
0x52: {  	[spmem:s30] =	stream.linear.scatter [tilespmem:s12], [sflag:$0x5], $0x1880, $0x38;
	[tilespmem:$0x1F280] =	vst v63  }
0x53: {  	_ =	swait.ge [sflag:s13], $0x1880  }
0x54: {  	[sflag:s13] =	ssyncset.done $0x0  }
0x55: {  	s31 =	rddreg [dreg:$0x12];
	[sflag:s13] =	ssyncadd.s32 $0xFFFFE780  }
0x56: {  	[spmem:s31] =	stream.linear.scatter [tilespmem:s12], [sflag:$0x5], $0x1880, $0x38;
	[tilespmem:$0x1F280] =	vst v63  }
0x57: {  	_ =	swait.ge [sflag:s13], $0x1880  }
0x58: {  	[sflag:s13] =	ssyncset.done $0x0  }
0x59: {  	s26 =	rddreg [dreg:$0x13];
	[sflag:s13] =	ssyncadd.s32 $0xFFFFE780  }
0x5a: {  	[spmem:s26] =	stream.linear.scatter [tilespmem:s12], [sflag:$0x5], $0x1880, $0x38;
	[tilespmem:$0x1F280] =	vst v63  }
0x5b: {  	_ =	swait.ge [sflag:s13], $0x1880  }
0x5c: {  	[sflag:s13] =	ssyncset.done $0x0  }
0x5d: {  	s28 =	rddreg [dreg:$0x14];
	[sflag:s13] =	ssyncadd.s32 $0xFFFFE780  }
0x5e: {  	[spmem:s28] =	stream.linear.scatter [tilespmem:s12], [sflag:$0x5], $0x1880, $0x38;
	[tilespmem:$0x1F280] =	vst v63  }
0x5f: {  	_ =	swait.ge [sflag:s13], $0x1880  }
0x60: {  	[sflag:s13] =	ssyncset.done $0x0  }
0x61: {  	s29 =	rddreg [dreg:$0x15];
	[sflag:s13] =	ssyncadd.s32 $0xFFFFE780  }
0x62: {  	[spmem:s29] =	stream.linear.scatter [tilespmem:s12], [sflag:$0x5], $0x1880, $0x38;
	[tilespmem:$0x1F280] =	vst v63  }
0x63: {  	_ =	swait.ge [sflag:s13], $0x1880  }
0x64: {  	[sflag:s13] =	ssyncset.done $0x0  }
0x65: {  	s30 =	rddreg [dreg:$0x16];
	[sflag:s13] =	ssyncadd.s32 $0xFFFFE780  }
0x66: {  	[spmem:s30] =	stream.linear.scatter [tilespmem:s12], [sflag:$0x5], $0x1880, $0x38;
	[tilespmem:$0x1F280] =	vst v63  }
0x67: {  	_ =	swait.ge [sflag:s13], $0x1880  }
0x68: {  	[sflag:s13] =	ssyncset.done $0x0  }
0x69: {  	s31 =	rddreg [dreg:$0x17];
	[sflag:s13] =	ssyncadd.s32 $0xFFFFE780  }
0x6a: {  	[spmem:s31] =	stream.linear.scatter [tilespmem:s12], [sflag:$0x5], $0x1880, $0x38;
	[tilespmem:$0x1F280] =	vst v63  }
0x6b: {  	_ =	swait.ge [sflag:s13], $0x1880  }
0x6c: {  	[sflag:s13] =	ssyncset.done $0x0  }
0x6d: {  	s26 =	rddreg [dreg:$0x18];
	[sflag:s13] =	ssyncadd.s32 $0xFFFFE780  }
0x6e: {  	[spmem:s26] =	stream.linear.scatter [tilespmem:s12], [sflag:$0x5], $0x1880, $0x38;
	[tilespmem:$0x1F280] =	vst v63  }
0x6f: {  	_ =	swait.ge [sflag:s13], $0x1880  }
0x70: {  	[sflag:s13] =	ssyncset.done $0x0  }
0x71: {  	[sflag:s13] =	ssyncadd.s32 $0xFFFFE780  }
0x72: {  	[spmem:s8] =	stream.linear.scatter [tilespmem:s12], [sflag:$0x5], $0x1880, $0x38;
	[tilespmem:$0x1F280] =	vst v63  }
0x73: {  	_ =	swait.ge [sflag:s13], $0x1880  }
0x74: {  	[sflag:s13] =	ssyncset.done $0x0  }
0x75: {  	[sflag:s13] =	ssyncadd.s32 $0xFFFFE780  }
0x76: {  	[spmem:s9] =	stream.linear.scatter [tilespmem:s12], [sflag:$0x5], $0x1880, $0x38;
	[tilespmem:$0x1F280] =	vst v63  }
0x77: {  	_ =	swait.ge [sflag:s13], $0x1880  }
0x78: {  	[sflag:s13] =	ssyncset.done $0x0  }
0x79: {  	[sflag:s13] =	ssyncadd.s32 $0xFFFFE780  }
0x7a: {  	_ =	swait.ge [sflag:s17], $0x80  }
0x7b: {  	[sflag:s17] =	ssyncset.done $0x0  }
0x7c: {  	[sflag:s17] =	ssyncadd.s32 $0xFFFFFF80  }
0x7d: {  	_ =	swait.ge [sflag:s17], $0x80  }
0x7e: {  	[sflag:s17] =	ssyncset.done $0x0  }
0x7f: {  	[sflag:s17] =	ssyncadd.s32 $0xFFFFFF80  }
0x80: {  	_ =	swait.ge [sflag:s17], $0x1000  }
0x81: {  	[sflag:s17] =	ssyncset.done $0x0  }
0x82: {  	s28 =	simm.s32 $0x1AA00;
	[sflag:s17] =	ssyncadd.s32 $0xFFFFF000  }
0x83: {  	[tilespmem:s28], [sflag:$0x3] =	stream.indirect.gather [hbm4b:s4+s18], $0x20, s3, s18, $0xb8;
	[tilespmem:$0x1F280] =	vst v63  }
0x84: {  	s26 =	simm.s32 $0x0;
	s29 =	rddreg [dreg:$0x6]  }
0x85: {  	[tilespmem:s19], [sflag:$0x2] =	stream.linear.gather [hbm4b:s29+s26], $0x80, $0x38;
	[tilespmem:$0x1F280] =	vst v63  }
0x86: {  	s30 =	rddreg [dreg:$0x7]  }
0x87: {  	[tilespmem:s20], [sflag:$0x2] =	stream.linear.gather [hbm4b:s30+s26], $0x80, $0x38;
	[tilespmem:$0x1F280] =	vst v63  }
0x88: {  	s31 =	rddreg [dreg:$0x8]  }
0x89: {  	[tilespmem:s21], [sflag:$0x2] =	stream.linear.gather [hbm4b:s31+s26], $0x1000, $0x38;
	[tilespmem:$0x1F280] =	vst v63  }
0x8a: {  	[bflag:$0x0] =	sbarrier.arrive $0xFFFF  }
.LBB2_4:
0x8b: {  	_ =	swait.ge [sflag:s22], $0x1000  }
0x8c: {  	[sflag:s22] =	ssyncset.done $0x0  }
0x8d: {  	[sflag:s22] =	ssyncadd.s32 $0xFFFFF000  }
0x8e: {  	_ =	swait.ge [sflag:s23], $0x80  }
0x8f: {  	[sflag:s23] =	ssyncset.done $0x0  }
0x90: {  	[sflag:s23] =	ssyncadd.s32 $0xFFFFFF80  }
0x91: {  	_ =	swait.ge [sflag:s23], $0x80  }
0x92: {  	[sflag:s23] =	ssyncset.done $0x0  }
0x93: {  	[sflag:s23] =	ssyncadd.s32 $0xFFFFFF80  }
0x94: {  	_ =	swait.ge [sflag:s23], $0x1000  }
0x95: {  	[sflag:s23] =	ssyncset.done $0x0  }
0x96: {  	s28 =	simm.s32 $0x0;
	[sflag:s23] =	ssyncadd.s32 $0xFFFFF000  }
0x97: {  	[tilespmem:s24], [sflag:$0x4] =	stream.indirect.gather [hbm4b:s4+s18], $0x20, s19, s18, $0xb8;
	[tilespmem:$0x1F280] =	vst v63  }
0x98: {  	v1 =	vld [tilespmem:s28+$0x1AAF0]  }
0x99: {  	v2 =	vld [tilespmem:s28+$0x18AF0]  }
0x9a: {  	v3 =	vld [tilespmem:s28+$0x1AA00]  }
0x9b: {  	v4 =	vld [tilespmem:s28+$0x18A00]  }
0x9c: {  	v5 =	vld [tilespmem:s28+$0x1AA10]  }
0x9d: {  	v6 =	vld [tilespmem:s28+$0x18A10]  }
0x9e: {  	v7 =	vld [tilespmem:s28+$0x1AA20]  }
0x9f: {  	v8 =	vld [tilespmem:s28+$0x1AA30]  }
0xa0: {  	v1 =	vmul.f32 v2, v1;
	v2 =	vld [tilespmem:s28+$0x18A20]  }
0xa1: {  	v3 =	vmul.f32 v4, v3;
	v4 =	vld [tilespmem:s28+$0x1AA40]  }
0xa2: {  	[tilespmem:s28+$0x1CAF0] =	vst v1;
	v1 =	vld [tilespmem:s28+$0x18A30]  }
0xa3: {  	[tilespmem:s28+$0x1CA00] =	vst v3;
	v3 =	vmul.f32 v6, v5;
	v5 =	vld [tilespmem:s28+$0x18A40]  }
0xa4: {  	v6 =	vld [tilespmem:s28+$0x18A50]  }
0xa5: {  	[tilespmem:s28+$0x1CA10] =	vst v3;
	v3 =	vld [tilespmem:s28+$0x1AA50];
	v2 =	vmul.f32 v2, v7  }
0xa6: {  	v7 =	vld [tilespmem:s28+$0x18A60]  }
0xa7: {  	[tilespmem:s28+$0x1CA20] =	vst v2;
	v1 =	vmul.f32 v1, v8;
	v2 =	vld [tilespmem:s28+$0x1AA60]  }
0xa8: {  	v8 =	vld [tilespmem:s28+$0x18AB0]  }
0xa9: {  	[tilespmem:s28+$0x1CA30] =	vst v1;
	v1 =	vmul.f32 v5, v4;
	v4 =	vld [tilespmem:s28+$0x1AA70]  }
0xaa: {  	v5 =	vld [tilespmem:s28+$0x18A70]  }
0xab: {  	[tilespmem:s28+$0x1CA40] =	vst v1;
	v1 =	vmul.f32 v6, v3;
	v3 =	vld [tilespmem:s28+$0x1AA80]  }
0xac: {  	v6 =	vld [tilespmem:s28+$0x18A80]  }
0xad: {  	[tilespmem:s28+$0x1CA50] =	vst v1;
	v1 =	vmul.f32 v7, v2;
	v2 =	vld [tilespmem:s28+$0x1AA90]  }
0xae: {  	v7 =	vld [tilespmem:s28+$0x18A90]  }
0xaf: {  	[tilespmem:s28+$0x1CA60] =	vst v1;
	v1 =	vmul.f32 v5, v4;
	v4 =	vld [tilespmem:s28+$0x1AAA0]  }
0xb0: {  	v5 =	vld [tilespmem:s28+$0x18AA0]  }
0xb1: {  	[tilespmem:s28+$0x1CA70] =	vst v1;
	v1 =	vmul.f32 v6, v3;
	v6 =	vld [tilespmem:s28+$0x1AAB0]  }
0xb2: {  	v9 =	vld [tilespmem:s28+$0x18AC0]  }
0xb3: {  	[tilespmem:s28+$0x1CA80] =	vst v1;
	v1 =	vmul.f32 v7, v2;
	v7 =	vld [tilespmem:s28+$0x1AAC0]  }
0xb4: {  	v3 =	vld [tilespmem:s28+$0x1AAD0]  }
0xb5: {  	[tilespmem:s28+$0x1CA90] =	vst v1;
	v1 =	vmul.f32 v5, v4;
	v4 =	vld [tilespmem:s28+$0x18AD0]  }
0xb6: {  	v5 =	vld [tilespmem:s28+$0x18AE0];
	v6 =	vmul.f32 v8, v6  }
0xb7: {  	s30 =	simm.s32 $0x100;
	[tilespmem:s28+$0x1CAA0] =	vst v1;
	v1 =	vld [tilespmem:s28+$0x1AAE0]  }
0xb8: {  	s29 =	simm.s32 $0x800;
	v2 =	vld [tilespmem:s30+$0x1AAF0];
	[tilespmem:s28+$0x1CAB0] =	vst v6;
	v6 =	vmul.f32 v9, v7  }
.LBB2_5:
0xb9: {  	p0 =	sne.s32 s29, $0x3C00;
	v7 =	vld [tilespmem:s30+$0x18AF0]  }
0xba: {  	v8 =	vld [tilespmem:s30+$0x1AA00];
	[tilespmem:s28+$0x1CAC0] =	vst v6;
	v3 =	vmul.f32 v4, v3  }
0xbb: {  	v4 =	vld [tilespmem:s30+$0x18A00]  }
0xbc: {  	v6 =	vld [tilespmem:s30+$0x1AA10];
	[tilespmem:s28+$0x1CAD0] =	vst v3;
	v1 =	vmul.f32 v5, v1  }
0xbd: {  	v3 =	vld [tilespmem:s30+$0x18A10]  }
0xbe: {  	v5 =	vld [tilespmem:s30+$0x1AA20];
	v2 =	vmul.f32 v7, v2;
	[tilespmem:s28+$0x1CAE0] =	vst v1;
	s28 =	smov.u32 s30  }
0xbf: {  	v1 =	vld [tilespmem:s28+$0x18A20]  }
0xc0: {  	v4 =	vmul.f32 v4, v8;
	v7 =	vld [tilespmem:s28+$0x1AA30];
	[tilespmem:s28+$0x1CAF0] =	vst v2  }
0xc1: {  	v2 =	vld [tilespmem:s28+$0x18A30]  }
0xc2: {  	[tilespmem:s28+$0x1CA00] =	vst v4;
	v3 =	vmul.f32 v3, v6;
	v4 =	vld [tilespmem:s28+$0x1AA40]  }
0xc3: {  	v6 =	vld [tilespmem:s28+$0x18A40]  }
0xc4: {  	[tilespmem:s28+$0x1CA10] =	vst v3;
	v1 =	vmul.f32 v1, v5;
	v3 =	vld [tilespmem:s28+$0x1AA50]  }
0xc5: {  	v5 =	vld [tilespmem:s28+$0x18A50]  }
0xc6: {  	[tilespmem:s28+$0x1CA20] =	vst v1;
	v1 =	vmul.f32 v2, v7;
	v2 =	vld [tilespmem:s28+$0x1AA60]  }
0xc7: {  	v7 =	vld [tilespmem:s28+$0x18A60]  }
0xc8: {  	[tilespmem:s28+$0x1CA30] =	vst v1;
	v1 =	vmul.f32 v6, v4;
	v4 =	vld [tilespmem:s28+$0x1AA70]  }
0xc9: {  	v6 =	vld [tilespmem:s28+$0x18A70]  }
0xca: {  	[tilespmem:s28+$0x1CA40] =	vst v1;
	v1 =	vmul.f32 v5, v3;
	v3 =	vld [tilespmem:s28+$0x1AA80]  }
0xcb: {  	v5 =	vld [tilespmem:s28+$0x18A80]  }
0xcc: {  	[tilespmem:s28+$0x1CA50] =	vst v1;
	v1 =	vmul.f32 v7, v2;
	v2 =	vld [tilespmem:s28+$0x1AA90]  }
0xcd: {  	v7 =	vld [tilespmem:s28+$0x18A90]  }
0xce: {  	[tilespmem:s28+$0x1CA60] =	vst v1;
	v1 =	vmul.f32 v6, v4;
	v4 =	vld [tilespmem:s28+$0x1AAA0]  }
0xcf: {  	v6 =	vld [tilespmem:s28+$0x18AA0]  }
0xd0: {  	[tilespmem:s28+$0x1CA70] =	vst v1;
	v1 =	vmul.f32 v5, v3;
	v5 =	vld [tilespmem:s28+$0x1AAB0]  }
0xd1: {  	v8 =	vld [tilespmem:s28+$0x18AB0]  }
0xd2: {  	[tilespmem:s28+$0x1CA80] =	vst v1;
	v1 =	vmul.f32 v7, v2;
	v7 =	vld [tilespmem:s28+$0x1AAC0]  }
0xd3: {  	v9 =	vld [tilespmem:s28+$0x18AC0]  }
.Ltmp3:
0xd4: {  	[tilespmem:s28+$0x1CA90] =	vst v1;
	v1 =	vmul.f32 v6, v4;
	v3 =	vld [tilespmem:s28+$0x1AAD0];
	(pc) =	sbr.rel @p0 .LBB2_5-.Ltmp3, $4  }
0xd5: {  	v4 =	vld [tilespmem:s28+$0x18AD0]  }
0xd6: {  	[tilespmem:s28+$0x1CAA0] =	vst v1;
	v6 =	vmul.f32 v8, v5;
	v1 =	vld [tilespmem:s28+$0x1AAE0]  }
0xd7: {  	s30 =	sshra.s32 s29, $0x2;
	v5 =	vld [tilespmem:s28+$0x18AE0]  }
0xd8: {  	s29 =	sadd.s32 $0x400, s29;
	v2 =	vld [tilespmem:s30+$0x1AAF0];
	[tilespmem:s28+$0x1CAB0] =	vst v6;
	v6 =	vmul.f32 v9, v7  }
0xd9: {  	v7 =	vld [tilespmem:s30+$0x18AF0]  }
0xda: {  	v8 =	vld [tilespmem:s30+$0x1AA00];
	[tilespmem:s28+$0x1CAC0] =	vst v6;
	v3 =	vmul.f32 v4, v3  }
0xdb: {  	v4 =	vld [tilespmem:s30+$0x18A00]  }
0xdc: {  	v6 =	vld [tilespmem:s30+$0x1AA10];
	[tilespmem:s28+$0x1CAD0] =	vst v3;
	v1 =	vmul.f32 v5, v1  }
0xdd: {  	v3 =	vld [tilespmem:s30+$0x18A10]  }
0xde: {  	v5 =	vld [tilespmem:s30+$0x1AA20];
	[tilespmem:s28+$0x1CAE0] =	vst v1  }
0xdf: {  	v1 =	vmul.f32 v7, v2;
	v2 =	vld [tilespmem:s30+$0x18A20]  }
0xe0: {  	v7 =	vld [tilespmem:s30+$0x1AA30]  }
0xe1: {  	v4 =	vmul.f32 v4, v8;
	[tilespmem:s30+$0x1CAF0] =	vst v1;
	v1 =	vld [tilespmem:s30+$0x18A30]  }
0xe2: {  	v8 =	vld [tilespmem:s30+$0x18AE0]  }
0xe3: {  	[tilespmem:s30+$0x1CA00] =	vst v4;
	v3 =	vmul.f32 v3, v6;
	v4 =	vld [tilespmem:s30+$0x1AA40]  }
0xe4: {  	v6 =	vld [tilespmem:s30+$0x18A40]  }
0xe5: {  	[tilespmem:s30+$0x1CA10] =	vst v3;
	v3 =	vld [tilespmem:s30+$0x1AA50]  }
0xe6: {  	v2 =	vmul.f32 v2, v5;
	v5 =	vld [tilespmem:s30+$0x18A50]  }
0xe7: {  	v1 =	vmul.f32 v1, v7;
	v7 =	vld [tilespmem:s30+$0x18A60]  }
0xe8: {  	[tilespmem:s30+$0x1CA20] =	vst v2;
	v2 =	vld [tilespmem:s30+$0x1AA60]  }
0xe9: {  	[tilespmem:s30+$0x1CA30] =	vst v1;
	v1 =	vmul.f32 v6, v4;
	v4 =	vld [tilespmem:s30+$0x1AA70]  }
0xea: {  	v6 =	vld [tilespmem:s30+$0x18A70]  }
0xeb: {  	[tilespmem:s30+$0x1CA40] =	vst v1;
	v1 =	vmul.f32 v5, v3;
	v3 =	vld [tilespmem:s30+$0x1AA80]  }
0xec: {  	v5 =	vld [tilespmem:s30+$0x18A80]  }
0xed: {  	[tilespmem:s30+$0x1CA50] =	vst v1;
	v1 =	vmul.f32 v7, v2;
	v2 =	vld [tilespmem:s30+$0x1AA90]  }
0xee: {  	v7 =	vld [tilespmem:s30+$0x18A90]  }
0xef: {  	[tilespmem:s30+$0x1CA60] =	vst v1;
	v1 =	vmul.f32 v6, v4;
	v4 =	vld [tilespmem:s30+$0x1AAA0]  }
0xf0: {  	v6 =	vld [tilespmem:s30+$0x18AA0]  }
0xf1: {  	[tilespmem:s30+$0x1CA70] =	vst v1;
	v1 =	vmul.f32 v5, v3;
	v3 =	vld [tilespmem:s30+$0x1AAB0]  }
0xf2: {  	v5 =	vld [tilespmem:s30+$0x18AB0]  }
0xf3: {  	[tilespmem:s30+$0x1CA80] =	vst v1;
	v1 =	vmul.f32 v7, v2;
	v2 =	vld [tilespmem:s30+$0x1AAC0]  }
0xf4: {  	v7 =	vld [tilespmem:s30+$0x18AC0]  }
0xf5: {  	[tilespmem:s30+$0x1CA90] =	vst v1;
	v1 =	vmul.f32 v6, v4;
	v4 =	vld [tilespmem:s30+$0x1AAD0]  }
0xf6: {  	v6 =	vld [tilespmem:s30+$0x18AD0]  }
0xf7: {  	[tilespmem:s30+$0x1CAA0] =	vst v1;
	v1 =	vld [tilespmem:s30+$0x1AAE0];
	_ =	sdelay $0x1  }
0xf8: {  	v3 =	vmul.f32 v5, v3  }
0xf9: {  	v2 =	vmul.f32 v7, v2  }
0xfa: {  	[tilespmem:s30+$0x1CAB0] =	vst v3;
	v3 =	vmul.f32 v6, v4  }
0xfb: {  	[tilespmem:s30+$0x1CAC0] =	vst v2;
	v1 =	vmul.f32 v8, v1  }
0xfc: {  	[tilespmem:s30+$0x1CAD0] =	vst v3  }
0xfd: {  	[tilespmem:s30+$0x1CAE0] =	vst v1  }
0xfe: {  	[spmem:s1] =	stream.indirect.scatter.add.f32 [tilespmem:s10], [sflag:$0x5], $0x20, s11, s18, $0xb8;
	[tilespmem:$0x1F280] =	vst v63  }
0xff: {  	_ =	swait.ge [sflag:s13], $0x1000  }
0x100: {  	p0 =	seq.s32 s26, $0x61;
	[sflag:s13] =	ssyncset.done $0x0  }
0x101: {  	s29 =	simm.s32 @p0 $0x4;
	s28 =	sshll.u32 s26, $0x1;
	[sflag:s13] =	ssyncadd.s32 $0xFFFFF000  }
0x102: {  	s30 =	sadd.s32 @!p0 s28, s14;
	_ =	swait.ge @p0 [sflag:s29], $0x1000  }
0x103: {  	s31 =	sshll.u32 @!p0 s30, $0x4;
	[sflag:s29] =	ssyncset.done @p0 $0x0  }
0x104: {  	[sflag:s29] =	ssyncadd.s32 @p0 $0xFFFFF000;
	s29 =	sand.u32 @!p0 $0x1FFFFFE0, s31  }
0x105: {  	s0 =	simm.s32 @!p0 $0x0;
	s3 =	simm.s32 @!p0 $0x18800;
	s31 =	sadd.s32 @!p0 s5, s29  }
0x106: {  	[tilespmem:s3], [sflag:$0x1] =	stream.linear.gather @!p0 [hbm4b:s31+s0], $0x80, $0x38;
	[tilespmem:$0x1F280] =	vst v63  }
0x107: {  	s29 =	sadd.s32 @!p0 s6, s29;
	s31 =	simm.s32 @!p0 $0x18900  }
0x108: {  	[tilespmem:s31], [sflag:$0x1] =	stream.linear.gather @!p0 [hbm4b:s29+s0], $0x80, $0x38;
	[tilespmem:$0x1F280] =	vst v63  }
0x109: {  	s29 =	sshll.u32 @!p0 s30, $0x9  }
0x10a: {  	s29 =	sand.u32 @!p0 $0x1FFFFC00, s29  }
0x10b: {  	s30 =	simm.s32 @!p0 $0x18A00;
	s29 =	sadd.s32 @!p0 s7, s29  }
0x10c: {  	[tilespmem:s30], [sflag:$0x1] =	stream.linear.gather @!p0 [hbm4b:s29+s0], $0x1000, $0x38;
	[tilespmem:$0x1F280] =	vst v63  }
0x10d: {  	s0 =	simm.s32 @!p0 $0x4  }
0x10e: {  	_ =	swait.ge @!p0 [sflag:s0], $0x1000  }
0x10f: {  	[sflag:s0] =	ssyncset.done @!p0 $0x0  }
0x110: {  	[sflag:s0] =	ssyncadd.s32 @!p0 $0xFFFFF000;
	s0 =	simm.s32 @!p0 $0x1  }
0x111: {  	_ =	swait.ge @!p0 [sflag:s0], $0x80  }
0x112: {  	[sflag:s0] =	ssyncset.done @!p0 $0x0  }
0x113: {  	[sflag:s0] =	ssyncadd.s32 @!p0 $0xFFFFFF80  }
0x114: {  	_ =	swait.ge @!p0 [sflag:s0], $0x80  }
0x115: {  	[sflag:s0] =	ssyncset.done @!p0 $0x0  }
0x116: {  	[sflag:s0] =	ssyncadd.s32 @!p0 $0xFFFFFF80  }
0x117: {  	_ =	swait.ge @!p0 [sflag:s0], $0x1000  }
0x118: {  	[sflag:s0] =	ssyncset.done @!p0 $0x0  }
0x119: {  	s29 =	simm.s32 @!p0 $0x1AA00;
	[sflag:s0] =	ssyncadd.s32 @!p0 $0xFFFFF000;
	s0 =	simm.s32 @!p0 $0x80  }
0x11a: {  	[tilespmem:s29], [sflag:$0x3] =	stream.indirect.gather @!p0 [hbm4b:s4+s0], $0x20, s3, s0, $0xb8;
	[tilespmem:$0x1F280] =	vst v63  }
0x11b: {  	s29 =	simm.s32 $0x0  }
0x11c: {  	v1 =	vld [tilespmem:s29+$0x1BAF0]  }
0x11d: {  	v2 =	vld [tilespmem:s29+$0x19AF0]  }
0x11e: {  	v3 =	vld [tilespmem:s29+$0x1BA00]  }
0x11f: {  	v4 =	vld [tilespmem:s29+$0x19A00]  }
0x120: {  	v5 =	vld [tilespmem:s29+$0x1BA10]  }
0x121: {  	v6 =	vld [tilespmem:s29+$0x19A10]  }
0x122: {  	v7 =	vld [tilespmem:s29+$0x1BA20]  }
0x123: {  	v8 =	vld [tilespmem:s29+$0x1BA30]  }
0x124: {  	v1 =	vmul.f32 v2, v1;
	v2 =	vld [tilespmem:s29+$0x19A20]  }
0x125: {  	v3 =	vmul.f32 v4, v3;
	v4 =	vld [tilespmem:s29+$0x1BA40]  }
0x126: {  	[tilespmem:s29+$0x1CAF0] =	vst v1;
	v1 =	vld [tilespmem:s29+$0x19A30]  }
0x127: {  	[tilespmem:s29+$0x1CA00] =	vst v3;
	v3 =	vmul.f32 v6, v5;
	v5 =	vld [tilespmem:s29+$0x19A40]  }
0x128: {  	v6 =	vld [tilespmem:s29+$0x19A50]  }
0x129: {  	[tilespmem:s29+$0x1CA10] =	vst v3;
	v3 =	vld [tilespmem:s29+$0x1BA50];
	v2 =	vmul.f32 v2, v7  }
0x12a: {  	v7 =	vld [tilespmem:s29+$0x19A60]  }
0x12b: {  	[tilespmem:s29+$0x1CA20] =	vst v2;
	v1 =	vmul.f32 v1, v8;
	v2 =	vld [tilespmem:s29+$0x1BA60]  }
0x12c: {  	v8 =	vld [tilespmem:s29+$0x19AB0]  }
0x12d: {  	[tilespmem:s29+$0x1CA30] =	vst v1;
	v1 =	vmul.f32 v5, v4;
	v4 =	vld [tilespmem:s29+$0x1BA70]  }
0x12e: {  	v5 =	vld [tilespmem:s29+$0x19A70]  }
0x12f: {  	[tilespmem:s29+$0x1CA40] =	vst v1;
	v1 =	vmul.f32 v6, v3;
	v3 =	vld [tilespmem:s29+$0x1BA80]  }
0x130: {  	v6 =	vld [tilespmem:s29+$0x19A80]  }
0x131: {  	[tilespmem:s29+$0x1CA50] =	vst v1;
	v1 =	vmul.f32 v7, v2;
	v2 =	vld [tilespmem:s29+$0x1BA90]  }
0x132: {  	v7 =	vld [tilespmem:s29+$0x19A90]  }
0x133: {  	[tilespmem:s29+$0x1CA60] =	vst v1;
	v1 =	vmul.f32 v5, v4;
	v4 =	vld [tilespmem:s29+$0x1BAA0]  }
0x134: {  	v5 =	vld [tilespmem:s29+$0x19AA0]  }
0x135: {  	[tilespmem:s29+$0x1CA70] =	vst v1;
	v1 =	vmul.f32 v6, v3;
	v6 =	vld [tilespmem:s29+$0x1BAB0]  }
0x136: {  	v9 =	vld [tilespmem:s29+$0x19AC0]  }
0x137: {  	[tilespmem:s29+$0x1CA80] =	vst v1;
	v1 =	vmul.f32 v7, v2;
	v7 =	vld [tilespmem:s29+$0x1BAC0]  }
0x138: {  	v3 =	vld [tilespmem:s29+$0x1BAD0]  }
0x139: {  	[tilespmem:s29+$0x1CA90] =	vst v1;
	v1 =	vmul.f32 v5, v4;
	v4 =	vld [tilespmem:s29+$0x19AD0]  }
0x13a: {  	v5 =	vld [tilespmem:s29+$0x19AE0];
	v6 =	vmul.f32 v8, v6  }
0x13b: {  	s31 =	simm.s32 $0x100;
	[tilespmem:s29+$0x1CAA0] =	vst v1;
	v1 =	vld [tilespmem:s29+$0x1BAE0]  }
0x13c: {  	s30 =	simm.s32 $0x800;
	v2 =	vld [tilespmem:s31+$0x1BAF0];
	[tilespmem:s29+$0x1CAB0] =	vst v6;
	v6 =	vmul.f32 v9, v7  }
.LBB2_7:
0x13d: {  	p1 =	sne.s32 s30, $0x3C00;
	v7 =	vld [tilespmem:s31+$0x19AF0]  }
0x13e: {  	v8 =	vld [tilespmem:s31+$0x1BA00];
	[tilespmem:s29+$0x1CAC0] =	vst v6;
	v3 =	vmul.f32 v4, v3  }
0x13f: {  	v4 =	vld [tilespmem:s31+$0x19A00]  }
0x140: {  	v6 =	vld [tilespmem:s31+$0x1BA10];
	[tilespmem:s29+$0x1CAD0] =	vst v3;
	v1 =	vmul.f32 v5, v1  }
0x141: {  	v3 =	vld [tilespmem:s31+$0x19A10]  }
0x142: {  	v5 =	vld [tilespmem:s31+$0x1BA20];
	v2 =	vmul.f32 v7, v2;
	[tilespmem:s29+$0x1CAE0] =	vst v1;
	s29 =	smov.u32 s31  }
0x143: {  	v1 =	vld [tilespmem:s29+$0x19A20]  }
0x144: {  	v4 =	vmul.f32 v4, v8;
	v7 =	vld [tilespmem:s29+$0x1BA30];
	[tilespmem:s29+$0x1CAF0] =	vst v2  }
0x145: {  	v2 =	vld [tilespmem:s29+$0x19A30]  }
0x146: {  	[tilespmem:s29+$0x1CA00] =	vst v4;
	v3 =	vmul.f32 v3, v6;
	v4 =	vld [tilespmem:s29+$0x1BA40]  }
0x147: {  	v6 =	vld [tilespmem:s29+$0x19A40]  }
0x148: {  	[tilespmem:s29+$0x1CA10] =	vst v3;
	v1 =	vmul.f32 v1, v5;
	v3 =	vld [tilespmem:s29+$0x1BA50]  }
0x149: {  	v5 =	vld [tilespmem:s29+$0x19A50]  }
0x14a: {  	[tilespmem:s29+$0x1CA20] =	vst v1;
	v1 =	vmul.f32 v2, v7;
	v2 =	vld [tilespmem:s29+$0x1BA60]  }
0x14b: {  	v7 =	vld [tilespmem:s29+$0x19A60]  }
0x14c: {  	[tilespmem:s29+$0x1CA30] =	vst v1;
	v1 =	vmul.f32 v6, v4;
	v4 =	vld [tilespmem:s29+$0x1BA70]  }
0x14d: {  	v6 =	vld [tilespmem:s29+$0x19A70]  }
0x14e: {  	[tilespmem:s29+$0x1CA40] =	vst v1;
	v1 =	vmul.f32 v5, v3;
	v3 =	vld [tilespmem:s29+$0x1BA80]  }
0x14f: {  	v5 =	vld [tilespmem:s29+$0x19A80]  }
0x150: {  	[tilespmem:s29+$0x1CA50] =	vst v1;
	v1 =	vmul.f32 v7, v2;
	v2 =	vld [tilespmem:s29+$0x1BA90]  }
0x151: {  	v7 =	vld [tilespmem:s29+$0x19A90]  }
0x152: {  	[tilespmem:s29+$0x1CA60] =	vst v1;
	v1 =	vmul.f32 v6, v4;
	v4 =	vld [tilespmem:s29+$0x1BAA0]  }
0x153: {  	v6 =	vld [tilespmem:s29+$0x19AA0]  }
0x154: {  	[tilespmem:s29+$0x1CA70] =	vst v1;
	v1 =	vmul.f32 v5, v3;
	v5 =	vld [tilespmem:s29+$0x1BAB0]  }
0x155: {  	v8 =	vld [tilespmem:s29+$0x19AB0]  }
0x156: {  	[tilespmem:s29+$0x1CA80] =	vst v1;
	v1 =	vmul.f32 v7, v2;
	v7 =	vld [tilespmem:s29+$0x1BAC0]  }
0x157: {  	v9 =	vld [tilespmem:s29+$0x19AC0]  }
.Ltmp4:
0x158: {  	[tilespmem:s29+$0x1CA90] =	vst v1;
	v1 =	vmul.f32 v6, v4;
	v3 =	vld [tilespmem:s29+$0x1BAD0];
	(pc) =	sbr.rel @p1 .LBB2_7-.Ltmp4, $4  }
0x159: {  	v4 =	vld [tilespmem:s29+$0x19AD0]  }
0x15a: {  	[tilespmem:s29+$0x1CAA0] =	vst v1;
	v6 =	vmul.f32 v8, v5;
	v1 =	vld [tilespmem:s29+$0x1BAE0]  }
0x15b: {  	s31 =	sshra.s32 s30, $0x2;
	v5 =	vld [tilespmem:s29+$0x19AE0]  }
0x15c: {  	s30 =	sadd.s32 $0x400, s30;
	v2 =	vld [tilespmem:s31+$0x1BAF0];
	[tilespmem:s29+$0x1CAB0] =	vst v6;
	v6 =	vmul.f32 v9, v7  }
0x15d: {  	v7 =	vld [tilespmem:s31+$0x19AF0]  }
0x15e: {  	v8 =	vld [tilespmem:s31+$0x1BA00];
	[tilespmem:s29+$0x1CAC0] =	vst v6;
	v3 =	vmul.f32 v4, v3  }
0x15f: {  	v46 =	vld [tilespmem:s31+$0x19A00]  }
0x160: {  	v6 =	vld [tilespmem:s31+$0x1BA10];
	[tilespmem:s29+$0x1CAD0] =	vst v3;
	v1 =	vmul.f32 v5, v1  }
0x161: {  	v3 =	vld [tilespmem:s31+$0x19A10]  }
0x162: {  	v47 =	vld [tilespmem:s31+$0x1BA20];
	[tilespmem:s29+$0x1CAE0] =	vst v1  }
0x163: {  	v1 =	vmul.f32 v7, v2;
	v2 =	vld [tilespmem:s31+$0x19A20]  }
0x164: {  	v48 =	vld [tilespmem:s31+$0x1BA30]  }
0x165: {  	v49 =	vld [tilespmem:s31+$0x1BA40]  }
0x166: {  	[tilespmem:s31+$0x1CAF0] =	vst v1;
	v1 =	vld [tilespmem:s31+$0x19A30]  }
0x167: {  	v50 =	vld [tilespmem:s31+$0x19A40]  }
0x168: {  	v51 =	vld [tilespmem:s31+$0x19A50];
	v3 =	vmul.f32 v3, v6  }
0x169: {  	v52 =	vld [tilespmem:s31+$0x19A60]  }
0x16a: {  	[tilespmem:s31+$0x1CA10] =	vst v3;
	v2 =	vmul.f32 v2, v47;
	v3 =	vld [tilespmem:s31+$0x1BA50]  }
0x16b: {  	v53 =	vld [tilespmem:s31+$0x1BA70];
	v1 =	vmul.f32 v1, v48  }
0x16c: {  	[tilespmem:s31+$0x1CA20] =	vst v2;
	v2 =	vld [tilespmem:s31+$0x1BA60]  }
0x16d: {  	v54 =	vld [tilespmem:s31+$0x19A70];
	[tilespmem:s31+$0x1CA30] =	vst v1;
	v1 =	vmul.f32 v50, v49  }
0x16e: {  	v55 =	vld [tilespmem:s31+$0x19A80]  }
0x16f: {  	v56 =	vld [tilespmem:s31+$0x19A90];
	[tilespmem:s31+$0x1CA40] =	vst v1;
	v1 =	vmul.f32 v51, v3  }
0x170: {  	v3 =	vld [tilespmem:s31+$0x1BA80]  }
0x171: {  	v57 =	vld [tilespmem:s31+$0x1BAA0];
	[tilespmem:s31+$0x1CA50] =	vst v1;
	v1 =	vmul.f32 v52, v2  }
0x172: {  	v2 =	vld [tilespmem:s31+$0x1BA90]  }
0x173: {  	v58 =	vld [tilespmem:s31+$0x19AA0];
	[tilespmem:s31+$0x1CA60] =	vst v1;
	v1 =	vmul.f32 v54, v53  }
0x174: {  	v59 =	vld [tilespmem:s31+$0x19AB0]  }
0x175: {  	v60 =	vld [tilespmem:s31+$0x19AC0];
	[tilespmem:s31+$0x1CA70] =	vst v1;
	v1 =	vmul.f32 v55, v3  }
0x176: {  	v61 =	vld [tilespmem:s31+$0x1BAD0]  }
0x177: {  	v62 =	vld [tilespmem:s31+$0x19AD0];
	[tilespmem:s31+$0x1CA80] =	vst v1;
	v1 =	vmul.f32 v56, v2  }
0x178: {  	v3 =	vld [tilespmem:s31+$0x1BAB0]  }
0x179: {  	v2 =	vld [tilespmem:s31+$0x1BAC0];
	[tilespmem:s31+$0x1CA90] =	vst v1;
	v1 =	vmul.f32 v58, v57  }
0x17a: {  	v63 =	vld [tilespmem:s31+$0x19AE0]  }
0x17b: {  	[tilespmem:s31+$0x1CAA0] =	vst v1;
	v1 =	vld [tilespmem:s31+$0x1BAE0]  }
0x17c: {  	v4 =	vmul.f32 v46, v8  }
0x17d: {  	v3 =	vmul.f32 v59, v3  }
0x17e: {  	[tilespmem:s31+$0x1CA00] =	vst v4;
	v2 =	vmul.f32 v60, v2  }
0x17f: {  	[tilespmem:s31+$0x1CAB0] =	vst v3;
	v3 =	vmul.f32 v62, v61  }
0x180: {  	[tilespmem:s31+$0x1CAC0] =	vst v2;
	v1 =	vmul.f32 v63, v1  }
0x181: {  	[tilespmem:s31+$0x1CAD0] =	vst v3  }
.Ltmp5:
0x182: {  	[tilespmem:s31+$0x1CAE0] =	vst v1;
	(pc) =	sbr.rel @p0 .LBB2_10-.Ltmp5, $4  }
0x183: {  	[spmem:s1] =	stream.indirect.scatter.add.f32 [tilespmem:s10], [sflag:$0x5], $0x20, s20, s18, $0xb8;
	[tilespmem:$0x1F280] =	vst v63  }
0x184: {  	_ =	swait.ge [sflag:s13], $0x1000  }
0x185: {  	[sflag:s13] =	ssyncset.done $0x0  }
0x186: {  	[sflag:s13] =	ssyncadd.s32 $0xFFFFF000  }
0x187: {  	s0 =	sadd.s32 s28, s15  }
0x188: {  	s3 =	sshll.u32 s0, $0x4  }
0x189: {  	s3 =	sand.u32 $0x1FFFFFF0, s3  }
0x18a: {  	s31 =	sadd.s32 s5, s3  }
0x18b: {  	[tilespmem:s19], [sflag:$0x2] =	stream.linear.gather [hbm4b:s31+s2], $0x80, $0x38;
	[tilespmem:$0x1F280] =	vst v63  }
.Ltmp6:
0x18c: {  	s0 =	sshll.u32 s0, $0x9;
	(pc) =	sbr.rel .LBB2_4-.Ltmp6, $4  }
0x18d: {  	s0 =	sand.u32 $0x1FFFFE00, s0;
	s3 =	sadd.s32 s6, s3  }
0x18e: {  	[tilespmem:s20], [sflag:$0x2] =	stream.linear.gather [hbm4b:s3+s2], $0x80, $0x38;
	[tilespmem:$0x1F280] =	vst v63  }
0x18f: {  	s26 =	sadd.s32 $0x1, s26;
	s0 =	sadd.s32 s7, s0  }
0x190: {  	[tilespmem:s21], [sflag:$0x2] =	stream.linear.gather [hbm4b:s0+s2], $0x1000, $0x38;
	[tilespmem:$0x1F280] =	vst v63  }
.LBB2_11:
0x191: {  	_ =	sfence.sel $0x180000  }
0x192: {  	[bflag:$0x0] =	sbarrier.arrive $0xFFFF  }
0x193: {  	_ =	strace $0x9000004D  }
0x194: {  	s0 =	stileid.u32;
	[bflag:$0x2] =	sbarrier.arrive $0xFFFF  }
0x195: {  	p0 =	sne.s32 s0, $0x0;
	s0 =	rddreg [dreg:$0x2]  }
0x196: {  	s0 =	sadd.s32 @!p0 $0x100000, s0  }
0x197: {  	[sflag:s0] =	ssyncadd.tile.s32 @!p0 $0x1;
	_ =	shalt  }
.Lfunc_end2:
_tile_overlayer_lowered:
.L_overlay_start_2:
0x198: {  	(tag) =	ssettag $0x2  }
0x199: {  	s0 =	rddreg [dreg:$0x0];
	s2 =	stileid.u32  }
0x19a: {  	s1 =	rddreg [dreg:$0x1];
	p0 =	sne.s32 s2, $0x0  }
0x19b: {  	s3 =	rddreg [dreg:$0x2];
	[bflag:$0x3] =	sbarrier.arrive $0xFFFF;
	s2 =	simm.s32 @!p0 $0x1C05  }
0x19c: {  	[timem:s3], [sflag:s2] =	dma.local @!p0 [hbm:s0], s1  }
0x19d: {  	s0 =	simm.s32 @!p0 $0x5  }
0x19e: {  	_ =	swait.ge @!p0 [sflag:s0], s1  }
0x19f: {  	s1 =	ssub.s32 @!p0 $0x0, s1;
	[sflag:s0] =	ssyncset.done @!p0 $0x0  }
0x1a0: {  	[sflag:s0] =	ssyncadd.s32 @!p0 s1  }
0x1a1: {  	[bflag:$0x3] =	sbarrier.arrive $0xFFFF  }
0x1a2: {  	_ =	shalt  }

</sc_bundles>
